<compile_context>
chip_gen: v7x
topology: tpu7x:2x2x1
jax: 0.10.2.dev20260603
libtpu: 0.0.44.dev20260713+nightly
codegen_flags: <defaults>
</compile_context>

<pallas_src>
import functools

import jax
import jax.numpy as jnp
from jax import lax
from jax.experimental import pallas as pl
from jax.experimental.pallas import tpu as pltpu
from jax.experimental.pallas import tpu_sc as plsc

_B = 16384
_V = 100000
_D0, _D1, _D2 = 32, 64, 128
_AGG = 128
_S0, _S1 = 32768, 57344
_NC, _NS, _L = 2, 16, 16
_NW = _NC * _NS
_BPW = _B // _NW
_CH = 128
_NCH = _BPW // _CH
_NSET = 2

_PBLK = 8192
_LAST_PBLK = (_V - 1) // _PBLK


def _make_pack(d, pack, stride):

    def body(*refs):
        ins, out_ref = refs[:-1], refs[-1]
        stacked = jnp.concatenate([r[...] for r in ins], axis=0)
        out_ref[...] = jnp.transpose(stacked)

    def spec(j):
        return pl.BlockSpec(
            (d, _PBLK),
            lambda i, _j=j: (0, jnp.minimum(_j * (stride // _PBLK) + i, _LAST_PBLK)),
        )

    return pl.pallas_call(
        body,
        grid=(stride // _PBLK,),
        in_specs=[spec(j) for j in range(pack)],
        out_specs=pl.BlockSpec((_PBLK, d * pack), lambda i: (i, 0)),
        out_shape=jax.ShapeDtypeStruct((stride, d * pack), jnp.float32),
    )


def _sc_mean_reduction(indexes2d, q0, q1, t2):
    mesh = plsc.VectorSubcoreMesh(core_axis_name="c", subcore_axis_name="s")

    bufs = []
    for _ in range(_NSET):
        bufs.extend([
            pltpu.VMEM((_CH, _D0), jnp.float32),
            pltpu.VMEM((_CH, _D1), jnp.float32),
            pltpu.VMEM((_CH, _D2), jnp.float32),
        ])

    @functools.partial(
        pl.kernel,
        mesh=mesh,
        out_type=jax.ShapeDtypeStruct((_B, _AGG), jnp.float32),
        compiler_params=pltpu.CompilerParams(use_tc_tiling_on_sc=False),
        scratch_types=[
            pltpu.VMEM((_NCH, _CH), jnp.int32),
            pltpu.VMEM((_NCH, _CH), jnp.int32),
            pltpu.VMEM((_NCH, _CH), jnp.int32),
        ]
        + bufs
        + [pltpu.SemaphoreType.DMA] * _NSET
        + [pltpu.SemaphoreType.DMA],
    )
    def run(idx_hbm, q0_hbm, q1_hbm, t2_hbm, out_hbm, idx_v, idx0_v, idx1_v,
            *scratch):
        gbufs = [scratch[s * 3:s * 3 + 3] for s in range(_NSET)]
        sems_in = scratch[_NSET * 3:_NSET * 3 + _NSET]
        sem_out = scratch[_NSET * 3 + _NSET]

        wid = lax.axis_index("s") * _NC + lax.axis_index("c")
        base = wid * _BPW

        pltpu.sync_copy(idx_hbm.at[pl.ds(wid * _NCH, _NCH)], idx_v)

        ones = jnp.full((_L,), 1, jnp.int32)
        zeros = jnp.full((_L,), 0, jnp.int32)
        for c in range(_NCH):
            for jj in range(_CH // _L):
                cols = pl.ds(jj * _L, _L)
                iv = idx_v[c, cols]
                j0 = (jnp.where(iv >= _S0, ones, zeros)
                      + jnp.where(iv >= 2 * _S0, ones, zeros)
                      + jnp.where(iv >= 3 * _S0, ones, zeros))
                j1 = jnp.where(iv >= _S1, ones, zeros)
                idx0_v[c, cols] = (iv - j0 * _S0) * 4 + j0
                idx1_v[c, cols] = (iv - j1 * _S1) * 2 + j1

        srcs = ((q0_hbm, idx0_v), (q1_hbm, idx1_v), (t2_hbm, idx_v))
        in_handles = [None] * _NCH
        out_handles = [None] * _NCH

        def fire_in(c):
            s = c % _NSET
            in_handles[c] = [
                pltpu.async_copy(tab.at[ivs.at[c]], gbufs[s][t], sems_in[s])
                for t, (tab, ivs) in enumerate(srcs)
            ]

        third = jnp.float32(1.0 / 3.0)

        def combine(c):
            s = c % _NSET
            g0, g1, g2 = gbufs[s]

            def body(h, carry):
                for u in range(4):
                    r = h * 4 + u
                    for j in range(_AGG // _L):
                        cols = pl.ds(j * _L, _L)
                        v = g2[r, cols]
                        if j * _L < _D0:
                            v = v + g0[r, cols]
                        if j * _L < _D1:
                            v = v + g1[r, cols]
                        g2[r, cols] = v * third
                return carry

            lax.fori_loop(0, _CH // 4, body, 0)

        fire_in(0)
        for c in range(_NCH):
            for h in in_handles[c]:
                h.wait()
            if c >= 1:
                out_handles[c - 1].wait()
            if c + 1 < _NCH:
                fire_in(c + 1)
            combine(c)
            out_handles[c] = pltpu.async_copy(
                gbufs[c % _NSET][2],
                out_hbm.at[pl.ds(base + c * _CH, _CH)],
                sem_out,
            )
        out_handles[_NCH - 1].wait()

    return run(indexes2d, q0, q1, t2)


def kernel(indexes, table0, table1, table2):
    idx2d = indexes.reshape(_NW * _NCH, _CH)
    q0 = _make_pack(_D0, _AGG // _D0, _S0)(*([table0.T] * (_AGG // _D0)))
    q1 = _make_pack(_D1, _AGG // _D1, _S1)(*([table1.T] * (_AGG // _D1)))
    v0 = q0.reshape(_S0 * (_AGG // _D0), _D0)
    v1 = q1.reshape(_S1 * (_AGG // _D1), _D1)
    return _sc_mean_reduction(idx2d, v0, v1, table2)

# --- scband reference (transcript-rebuilt; emitter-appended) ---
"""Pipeline reference for scband-mean-reduction-14920716386961 (READ-ONLY COPY).

The authoritative reference and input builder live on the scoring server;
editing this copy changes nothing except your own understanding.
"""

import jax, jax.numpy as jnp
import numpy as np

VOCAB = 100000
MODEL_DIMS = [32, 64, 128]
AGG_DIM = 128
BATCH = 16384


def setup_inputs(seed: int = 0) -> dict:
    key = jax.random.key(seed)
    ks = jax.random.split(key, 1 + len(MODEL_DIMS))
    indexes = jax.random.randint(ks[0], (BATCH,), 0, VOCAB, dtype=jnp.int32)
    inp = {"indexes": indexes}
    for i, d in enumerate(MODEL_DIMS):
        inp[f"table{i}"] = jax.random.normal(ks[i + 1], (VOCAB, d), dtype=jnp.float32) * 0.02
    return inp


def reference(indexes, table0, table1, table2):
    # MeanReduction.aggregate: fetch each model's embeddings for the given
    # indexes, zero-pad each to entity_agg_dim, then take the mean across models.
    tables = [table0, table1, table2]
    embed_list = []
    for tab, d in zip(tables, MODEL_DIMS):
        e = jnp.take(tab, indexes, axis=0)               # fetch_model_embeddings (gather)
        e = jnp.pad(e, ((0, 0), (0, AGG_DIM - d)))        # pad_embed with zeros to agg dim
        n = e.shape[0]
        embed_list.append(e.reshape(n, 1, -1))            # view(n, 1, -1)
    out = jnp.concatenate(embed_list, axis=1)             # cat along model axis
    out = jnp.mean(out, axis=1)                           # mean over models
    return out

if __name__ == "__main__":
    import jax
    _d = setup_inputs()
    print(jax.jit(kernel)(*tuple(_d.values())))

</pallas_src>

<mosaic_0001>
#map = affine_map<(d0, d1) -> (0, 0)>
module attributes {stable_mosaic.version = 14 : i64} {
  func.func @run(%arg0: i32, %arg1: i32, %arg2: memref<128x128xi32, #tpu.memory_space<hbm>>, %arg3: memref<131072x32xf32, #tpu.memory_space<hbm>>, %arg4: memref<114688x64xf32, #tpu.memory_space<hbm>>, %arg5: memref<100000x128xf32, #tpu.memory_space<hbm>>, %arg6: memref<16384x128xf32, #tpu.memory_space<hbm>>, %arg7: memref<4x128xi32, #tpu.memory_space<vmem>>, %arg8: memref<4x128xi32, #tpu.memory_space<vmem>>, %arg9: memref<4x128xi32, #tpu.memory_space<vmem>>, %arg10: memref<128x32xf32, #tpu.memory_space<vmem>>, %arg11: memref<128x64xf32, #tpu.memory_space<vmem>>, %arg12: memref<128x128xf32, #tpu.memory_space<vmem>>, %arg13: memref<128x32xf32, #tpu.memory_space<vmem>>, %arg14: memref<128x64xf32, #tpu.memory_space<vmem>>, %arg15: memref<128x128xf32, #tpu.memory_space<vmem>>, %arg16: memref<!tpu.dma_semaphore, #tpu.memory_space<semaphore_mem>>, %arg17: memref<!tpu.dma_semaphore, #tpu.memory_space<semaphore_mem>>, %arg18: memref<!tpu.dma_semaphore, #tpu.memory_space<semaphore_mem>>) attributes {dimension_semantics = [#tpu.dimension_semantics<core_parallel>, #tpu.dimension_semantics<subcore_parallel>], iteration_bounds = array<i64: 2, 16>, scalar_prefetch = 0 : i64, scratch_operands = 12 : i64, tpu.core_type = #tpu.core_type<sc_vector_subcore>, window_params = [{transform_indices = #map}, {transform_indices = #map}, {transform_indices = #map}, {transform_indices = #map}, {transform_indices = #map}]} {
    %mul3A = arith.constant 2 : i32
    %mul3A_0 = arith.muli %arg1, %mul3A : i32
    %add3A = arith.addi %mul3A_0, %arg0 : i32
    %mul3A_1 = arith.constant 512 : i32
    %mul3A_2 = arith.muli %add3A, %mul3A_1 : i32
    %mul3A_3 = arith.constant 4 : i32
    %mul3A_4 = arith.muli %add3A, %mul3A_3 : i32
    "tpu.region"() ({
      %run_scoped3A = tpu.sem_alloc : memref<!tpu.dma_semaphore, #tpu.memory_space<semaphore_mem>>
      %dma_start3A_1868 = arith.constant 0 : i32
      %dma_start3A_1869 = tpu.memref_slice %arg2[%mul3A_4, %dma_start3A_1868] : memref<128x128xi32, #tpu.memory_space<hbm>> -> memref<4x128xi32, #tpu.memory_space<hbm>>
      %dma_start3A_1870 = arith.constant 0 : i32
      %dma_start3A_1871 = tpu.memref_slice %arg2[%mul3A_4, %dma_start3A_1870] : memref<128x128xi32, #tpu.memory_space<hbm>> -> memref<4x128xi32, #tpu.memory_space<hbm>>
      tpu.enqueue_dma source(%dma_start3A_1871 : memref<4x128xi32, #tpu.memory_space<hbm>>) target(%arg7 : memref<4x128xi32, #tpu.memory_space<vmem>>) target_semaphore(%run_scoped3A : memref<!tpu.dma_semaphore, #tpu.memory_space<semaphore_mem>>)
      %dma_wait3A_1872 = arith.constant 0 : i32
      %dma_wait3A_1873 = tpu.memref_slice %arg2[%mul3A_4, %dma_wait3A_1872] : memref<128x128xi32, #tpu.memory_space<hbm>> -> memref<4x128xi32, #tpu.memory_space<hbm>>
      %dma_wait3A_1874 = arith.constant 0 : i32
      %dma_wait3A_1875 = tpu.memref_slice %arg2[%mul3A_4, %dma_wait3A_1874] : memref<128x128xi32, #tpu.memory_space<hbm>> -> memref<4x128xi32, #tpu.memory_space<hbm>>
      tpu.wait_dma2 semaphore(%run_scoped3A : memref<!tpu.dma_semaphore, #tpu.memory_space<semaphore_mem>>) src(%dma_wait3A_1875 : memref<4x128xi32, #tpu.memory_space<hbm>>) dst(%arg7 : memref<4x128xi32, #tpu.memory_space<vmem>>)
      tpu.yield
    }) : () -> ()
    %broadcast_in_dim3A = arith.constant 1 : i32
    %broadcast_in_dim3A_5 = vector.broadcast %broadcast_in_dim3A : i32 to vector<16xi32>
    %broadcast_in_dim3A_6 = arith.constant 0 : i32
    %broadcast_in_dim3A_7 = vector.broadcast %broadcast_in_dim3A_6 : i32 to vector<16xi32>
    %get3A = arith.constant 0 : i32
    %get3A_8 = arith.index_cast %get3A : i32 to index
    %get3A_9 = arith.constant 0 : index
    %get3A_10 = tpu.vector_load %arg7[%get3A_8, %get3A_9] {strides = array<i32>} : memref<4x128xi32, #tpu.memory_space<vmem>>, vector<1x16xi32>,
    %get3A_11 = vector.shape_cast %get3A_10 : vector<1x16xi32> to vector<16xi32>
    %ge3A = arith.constant 32768 : i32
    %ge3A_12 = vector.broadcast %ge3A : i32 to vector<16xi32>
    %ge3A_13 = arith.cmpi sge, %get3A_11, %ge3A_12 : vector<16xi32>
    %select_n3A = arith.select %ge3A_13, %broadcast_in_dim3A_5, %broadcast_in_dim3A_7 : vector<16xi1>, vector<16xi32>
    %ge3A_14 = arith.constant 65536 : i32
    %ge3A_15 = vector.broadcast %ge3A_14 : i32 to vector<16xi32>
    %ge3A_16 = arith.cmpi sge, %get3A_11, %ge3A_15 : vector<16xi32>
    %select_n3A_17 = arith.select %ge3A_16, %broadcast_in_dim3A_5, %broadcast_in_dim3A_7 : vector<16xi1>, vector<16xi32>
    %add3A_18 = arith.addi %select_n3A, %select_n3A_17 : vector<16xi32>
    %ge3A_19 = arith.constant 98304 : i32
    %ge3A_20 = vector.broadcast %ge3A_19 : i32 to vector<16xi32>
    %ge3A_21 = arith.cmpi sge, %get3A_11, %ge3A_20 : vector<16xi32>
    %select_n3A_22 = arith.select %ge3A_21, %broadcast_in_dim3A_5, %broadcast_in_dim3A_7 : vector<16xi1>, vector<16xi32>
    %add3A_23 = arith.addi %add3A_18, %select_n3A_22 : vector<16xi32>
    %ge3A_24 = arith.constant 57344 : i32
    %ge3A_25 = vector.broadcast %ge3A_24 : i32 to vector<16xi32>
    %ge3A_26 = arith.cmpi sge, %get3A_11, %ge3A_25 : vector<16xi32>
    %select_n3A_27 = arith.select %ge3A_26, %broadcast_in_dim3A_5, %broadcast_in_dim3A_7 : vector<16xi1>, vector<16xi32>
    %mul3A_28 = arith.constant 32768 : i32
    %mul3A_29 = vector.broadcast %mul3A_28 : i32 to vector<16xi32>
    %mul3A_30 = arith.muli %add3A_23, %mul3A_29 : vector<16xi32>
    %sub3A = arith.subi %get3A_11, %mul3A_30 : vector<16xi32>
    %mul3A_31 = arith.constant 4 : i32
    %mul3A_32 = vector.broadcast %mul3A_31 : i32 to vector<16xi32>
    %mul3A_33 = arith.muli %sub3A, %mul3A_32 : vector<16xi32>
    %add3A_34 = arith.addi %mul3A_33, %add3A_23 : vector<16xi32>
    %swap3A = arith.constant 0 : i32
    %swap3A_35 = arith.index_cast %swap3A : i32 to index
    %swap3A_36 = arith.constant 0 : index
    %swap3A_37 = tpu.vector_load %arg8[%swap3A_35, %swap3A_36] {strides = array<i32>} : memref<4x128xi32, #tpu.memory_space<vmem>>, vector<1x16xi32>,
    %swap3A_38 = vector.shape_cast %swap3A_37 : vector<1x16xi32> to vector<16xi32>
    %swap3A_39 = vector.shape_cast %add3A_34 : vector<16xi32> to vector<1x16xi32>
    tpu.vector_store %arg8[%swap3A_35, %swap3A_36], %swap3A_39 {strides = array<i32>} : memref<4x128xi32, #tpu.memory_space<vmem>>, vector<1x16xi32>,
    %mul3A_40 = arith.constant 57344 : i32
    %mul3A_41 = vector.broadcast %mul3A_40 : i32 to vector<16xi32>
    %mul3A_42 = arith.muli %select_n3A_27, %mul3A_41 : vector<16xi32>
    %sub3A_43 = arith.subi %get3A_11, %mul3A_42 : vector<16xi32>
    %mul3A_44 = arith.constant 2 : i32
    %mul3A_45 = vector.broadcast %mul3A_44 : i32 to vector<16xi32>
    %mul3A_46 = arith.muli %sub3A_43, %mul3A_45 : vector<16xi32>
    %add3A_47 = arith.addi %mul3A_46, %select_n3A_27 : vector<16xi32>
    %swap3A_48 = arith.constant 0 : i32
    %swap3A_49 = arith.index_cast %swap3A_48 : i32 to index
    %swap3A_50 = arith.constant 0 : index
    %swap3A_51 = tpu.vector_load %arg9[%swap3A_49, %swap3A_50] {strides = array<i32>} : memref<4x128xi32, #tpu.memory_space<vmem>>, vector<1x16xi32>,
    %swap3A_52 = vector.shape_cast %swap3A_51 : vector<1x16xi32> to vector<16xi32>
    %swap3A_53 = vector.shape_cast %add3A_47 : vector<16xi32> to vector<1x16xi32>
    tpu.vector_store %arg9[%swap3A_49, %swap3A_50], %swap3A_53 {strides = array<i32>} : memref<4x128xi32, #tpu.memory_space<vmem>>, vector<1x16xi32>,
    %get3A_54 = arith.constant 0 : i32
    %get3A_55 = arith.index_cast %get3A_54 : i32 to index
    %get3A_56 = arith.constant 16 : index
    %get3A_57 = tpu.vector_load %arg7[%get3A_55, %get3A_56] {strides = array<i32>} : memref<4x128xi32, #tpu.memory_space<vmem>>, vector<1x16xi32>,
    %get3A_58 = vector.shape_cast %get3A_57 : vector<1x16xi32> to vector<16xi32>
    %ge3A_59 = arith.constant 32768 : i32
    %ge3A_60 = vector.broadcast %ge3A_59 : i32 to vector<16xi32>
    %ge3A_61 = arith.cmpi sge, %get3A_58, %ge3A_60 : vector<16xi32>
    %select_n3A_62 = arith.select %ge3A_61, %broadcast_in_dim3A_5, %broadcast_in_dim3A_7 : vector<16xi1>, vector<16xi32>
    %ge3A_63 = arith.constant 65536 : i32
    %ge3A_64 = vector.broadcast %ge3A_63 : i32 to vector<16xi32>
    %ge3A_65 = arith.cmpi sge, %get3A_58, %ge3A_64 : vector<16xi32>
    %select_n3A_66 = arith.select %ge3A_65, %broadcast_in_dim3A_5, %broadcast_in_dim3A_7 : vector<16xi1>, vector<16xi32>
    %add3A_67 = arith.addi %select_n3A_62, %select_n3A_66 : vector<16xi32>
    %ge3A_68 = arith.constant 98304 : i32
    %ge3A_69 = vector.broadcast %ge3A_68 : i32 to vector<16xi32>
    %ge3A_70 = arith.cmpi sge, %get3A_58, %ge3A_69 : vector<16xi32>
    %select_n3A_71 = arith.select %ge3A_70, %broadcast_in_dim3A_5, %broadcast_in_dim3A_7 : vector<16xi1>, vector<16xi32>
    %add3A_72 = arith.addi %add3A_67, %select_n3A_71 : vector<16xi32>
    %ge3A_73 = arith.constant 57344 : i32
    %ge3A_74 = vector.broadcast %ge3A_73 : i32 to vector<16xi32>
    %ge3A_75 = arith.cmpi sge, %get3A_58, %ge3A_74 : vector<16xi32>
    %select_n3A_76 = arith.select %ge3A_75, %broadcast_in_dim3A_5, %broadcast_in_dim3A_7 : vector<16xi1>, vector<16xi32>
    %mul3A_77 = arith.constant 32768 : i32
    %mul3A_78 = vector.broadcast %mul3A_77 : i32 to vector<16xi32>
    %mul3A_79 = arith.muli %add3A_72, %mul3A_78 : vector<16xi32>
    %sub3A_80 = arith.subi %get3A_58, %mul3A_79 : vector<16xi32>
    %mul3A_81 = arith.constant 4 : i32
    %mul3A_82 = vector.broadcast %mul3A_81 : i32 to vector<16xi32>
    %mul3A_83 = arith.muli %sub3A_80, %mul3A_82 : vector<16xi32>
    %add3A_84 = arith.addi %mul3A_83, %add3A_72 : vector<16xi32>
    %swap3A_85 = arith.constant 0 : i32
    %swap3A_86 = arith.index_cast %swap3A_85 : i32 to index
    %swap3A_87 = arith.constant 16 : index
    %swap3A_88 = tpu.vector_load %arg8[%swap3A_86, %swap3A_87] {strides = array<i32>} : memref<4x128xi32, #tpu.memory_space<vmem>>, vector<1x16xi32>,
    %swap3A_89 = vector.shape_cast %swap3A_88 : vector<1x16xi32> to vector<16xi32>
    %swap3A_90 = vector.shape_cast %add3A_84 : vector<16xi32> to vector<1x16xi32>
    tpu.vector_store %arg8[%swap3A_86, %swap3A_87], %swap3A_90 {strides = array<i32>} : memref<4x128xi32, #tpu.memory_space<vmem>>, vector<1x16xi32>,
    %mul3A_91 = arith.constant 57344 : i32
    %mul3A_92 = vector.broadcast %mul3A_91 : i32 to vector<16xi32>
    %mul3A_93 = arith.muli %select_n3A_76, %mul3A_92 : vector<16xi32>
    %sub3A_94 = arith.subi %get3A_58, %mul3A_93 : vector<16xi32>
    %mul3A_95 = arith.constant 2 : i32
    %mul3A_96 = vector.broadcast %mul3A_95 : i32 to vector<16xi32>
    %mul3A_97 = arith.muli %sub3A_94, %mul3A_96 : vector<16xi32>
    %add3A_98 = arith.addi %mul3A_97, %select_n3A_76 : vector<16xi32>
    %swap3A_99 = arith.constant 0 : i32
    %swap3A_100 = arith.index_cast %swap3A_99 : i32 to index
    %swap3A_101 = arith.constant 16 : index
    %swap3A_102 = tpu.vector_load %arg9[%swap3A_100, %swap3A_101] {strides = array<i32>} : memref<4x128xi32, #tpu.memory_space<vmem>>, vector<1x16xi32>,
    %swap3A_103 = vector.shape_cast %swap3A_102 : vector<1x16xi32> to vector<16xi32>
    %swap3A_104 = vector.shape_cast %add3A_98 : vector<16xi32> to vector<1x16xi32>
    tpu.vector_store %arg9[%swap3A_100, %swap3A_101], %swap3A_104 {strides = array<i32>} : memref<4x128xi32, #tpu.memory_space<vmem>>, vector<1x16xi32>,
    %get3A_105 = arith.constant 0 : i32
    %get3A_106 = arith.index_cast %get3A_105 : i32 to index
    %get3A_107 = arith.constant 32 : index
    %get3A_108 = tpu.vector_load %arg7[%get3A_106, %get3A_107] {strides = array<i32>} : memref<4x128xi32, #tpu.memory_space<vmem>>, vector<1x16xi32>,
    %get3A_109 = vector.shape_cast %get3A_108 : vector<1x16xi32> to vector<16xi32>
    %ge3A_110 = arith.constant 32768 : i32
    %ge3A_111 = vector.broadcast %ge3A_110 : i32 to vector<16xi32>
    %ge3A_112 = arith.cmpi sge, %get3A_109, %ge3A_111 : vector<16xi32>
    %select_n3A_113 = arith.select %ge3A_112, %broadcast_in_dim3A_5, %broadcast_in_dim3A_7 : vector<16xi1>, vector<16xi32>
    %ge3A_114 = arith.constant 65536 : i32
    %ge3A_115 = vector.broadcast %ge3A_114 : i32 to vector<16xi32>
    %ge3A_116 = arith.cmpi sge, %get3A_109, %ge3A_115 : vector<16xi32>
    %select_n3A_117 = arith.select %ge3A_116, %broadcast_in_dim3A_5, %broadcast_in_dim3A_7 : vector<16xi1>, vector<16xi32>
    %add3A_118 = arith.addi %select_n3A_113, %select_n3A_117 : vector<16xi32>
    %ge3A_119 = arith.constant 98304 : i32
    %ge3A_120 = vector.broadcast %ge3A_119 : i32 to vector<16xi32>
    %ge3A_121 = arith.cmpi sge, %get3A_109, %ge3A_120 : vector<16xi32>
    %select_n3A_122 = arith.select %ge3A_121, %broadcast_in_dim3A_5, %broadcast_in_dim3A_7 : vector<16xi1>, vector<16xi32>
    %add3A_123 = arith.addi %add3A_118, %select_n3A_122 : vector<16xi32>
    %ge3A_124 = arith.constant 57344 : i32
    %ge3A_125 = vector.broadcast %ge3A_124 : i32 to vector<16xi32>
    %ge3A_126 = arith.cmpi sge, %get3A_109, %ge3A_125 : vector<16xi32>
    %select_n3A_127 = arith.select %ge3A_126, %broadcast_in_dim3A_5, %broadcast_in_dim3A_7 : vector<16xi1>, vector<16xi32>
    %mul3A_128 = arith.constant 32768 : i32
    %mul3A_129 = vector.broadcast %mul3A_128 : i32 to vector<16xi32>
    %mul3A_130 = arith.muli %add3A_123, %mul3A_129 : vector<16xi32>
    %sub3A_131 = arith.subi %get3A_109, %mul3A_130 : vector<16xi32>
    %mul3A_132 = arith.constant 4 : i32
    %mul3A_133 = vector.broadcast %mul3A_132 : i32 to vector<16xi32>
    %mul3A_134 = arith.muli %sub3A_131, %mul3A_133 : vector<16xi32>
    %add3A_135 = arith.addi %mul3A_134, %add3A_123 : vector<16xi32>
    %swap3A_136 = arith.constant 0 : i32
    %swap3A_137 = arith.index_cast %swap3A_136 : i32 to index
    %swap3A_138 = arith.constant 32 : index
    %swap3A_139 = tpu.vector_load %arg8[%swap3A_137, %swap3A_138] {strides = array<i32>} : memref<4x128xi32, #tpu.memory_space<vmem>>, vector<1x16xi32>,
    %swap3A_140 = vector.shape_cast %swap3A_139 : vector<1x16xi32> to vector<16xi32>
    %swap3A_141 = vector.shape_cast %add3A_135 : vector<16xi32> to vector<1x16xi32>
    tpu.vector_store %arg8[%swap3A_137, %swap3A_138], %swap3A_141 {strides = array<i32>} : memref<4x128xi32, #tpu.memory_space<vmem>>, vector<1x16xi32>,
    %mul3A_142 = arith.constant 57344 : i32
    %mul3A_143 = vector.broadcast %mul3A_142 : i32 to vector<16xi32>
    %mul3A_144 = arith.muli %select_n3A_127, %mul3A_143 : vector<16xi32>
    %sub3A_145 = arith.subi %get3A_109, %mul3A_144 : vector<16xi32>
    %mul3A_146 = arith.constant 2 : i32
    %mul3A_147 = vector.broadcast %mul3A_146 : i32 to vector<16xi32>
    %mul3A_148 = arith.muli %sub3A_145, %mul3A_147 : vector<16xi32>
    %add3A_149 = arith.addi %mul3A_148, %select_n3A_127 : vector<16xi32>
    %swap3A_150 = arith.constant 0 : i32
    %swap3A_151 = arith.index_cast %swap3A_150 : i32 to index
    %swap3A_152 = arith.constant 32 : index
    %swap3A_153 = tpu.vector_load %arg9[%swap3A_151, %swap3A_152] {strides = array<i32>} : memref<4x128xi32, #tpu.memory_space<vmem>>, vector<1x16xi32>,
    %swap3A_154 = vector.shape_cast %swap3A_153 : vector<1x16xi32> to vector<16xi32>
    %swap3A_155 = vector.shape_cast %add3A_149 : vector<16xi32> to vector<1x16xi32>
    tpu.vector_store %arg9[%swap3A_151, %swap3A_152], %swap3A_155 {strides = array<i32>} : memref<4x128xi32, #tpu.memory_space<vmem>>, vector<1x16xi32>,
    %get3A_156 = arith.constant 0 : i32
    %get3A_157 = arith.index_cast %get3A_156 : i32 to index
    %get3A_158 = arith.constant 48 : index
    %get3A_159 = tpu.vector_load %arg7[%get3A_157, %get3A_158] {strides = array<i32>} : memref<4x128xi32, #tpu.memory_space<vmem>>, vector<1x16xi32>,
    %get3A_160 = vector.shape_cast %get3A_159 : vector<1x16xi32> to vector<16xi32>
    %ge3A_161 = arith.constant 32768 : i32
    %ge3A_162 = vector.broadcast %ge3A_161 : i32 to vector<16xi32>
    %ge3A_163 = arith.cmpi sge, %get3A_160, %ge3A_162 : vector<16xi32>
    %select_n3A_164 = arith.select %ge3A_163, %broadcast_in_dim3A_5, %broadcast_in_dim3A_7 : vector<16xi1>, vector<16xi32>
    %ge3A_165 = arith.constant 65536 : i32
    %ge3A_166 = vector.broadcast %ge3A_165 : i32 to vector<16xi32>
    %ge3A_167 = arith.cmpi sge, %get3A_160, %ge3A_166 : vector<16xi32>
    %select_n3A_168 = arith.select %ge3A_167, %broadcast_in_dim3A_5, %broadcast_in_dim3A_7 : vector<16xi1>, vector<16xi32>
    %add3A_169 = arith.addi %select_n3A_164, %select_n3A_168 : vector<16xi32>
    %ge3A_170 = arith.constant 98304 : i32
    %ge3A_171 = vector.broadcast %ge3A_170 : i32 to vector<16xi32>
    %ge3A_172 = arith.cmpi sge, %get3A_160, %ge3A_171 : vector<16xi32>
    %select_n3A_173 = arith.select %ge3A_172, %broadcast_in_dim3A_5, %broadcast_in_dim3A_7 : vector<16xi1>, vector<16xi32>
    %add3A_174 = arith.addi %add3A_169, %select_n3A_173 : vector<16xi32>
    %ge3A_175 = arith.constant 57344 : i32
    %ge3A_176 = vector.broadcast %ge3A_175 : i32 to vector<16xi32>
    %ge3A_177 = arith.cmpi sge, %get3A_160, %ge3A_176 : vector<16xi32>
    %select_n3A_178 = arith.select %ge3A_177, %broadcast_in_dim3A_5, %broadcast_in_dim3A_7 : vector<16xi1>, vector<16xi32>
    %mul3A_179 = arith.constant 32768 : i32
    %mul3A_180 = vector.broadcast %mul3A_179 : i32 to vector<16xi32>
    %mul3A_181 = arith.muli %add3A_174, %mul3A_180 : vector<16xi32>
    %sub3A_182 = arith.subi %get3A_160, %mul3A_181 : vector<16xi32>
    %mul3A_183 = arith.constant 4 : i32
    %mul3A_184 = vector.broadcast %mul3A_183 : i32 to vector<16xi32>
    %mul3A_185 = arith.muli %sub3A_182, %mul3A_184 : vector<16xi32>
    %add3A_186 = arith.addi %mul3A_185, %add3A_174 : vector<16xi32>
    %swap3A_187 = arith.constant 0 : i32
    %swap3A_188 = arith.index_cast %swap3A_187 : i32 to index
    %swap3A_189 = arith.constant 48 : index
    %swap3A_190 = tpu.vector_load %arg8[%swap3A_188, %swap3A_189] {strides = array<i32>} : memref<4x128xi32, #tpu.memory_space<vmem>>, vector<1x16xi32>,
    %swap3A_191 = vector.shape_cast %swap3A_190 : vector<1x16xi32> to vector<16xi32>
    %swap3A_192 = vector.shape_cast %add3A_186 : vector<16xi32> to vector<1x16xi32>
    tpu.vector_store %arg8[%swap3A_188, %swap3A_189], %swap3A_192 {strides = array<i32>} : memref<4x128xi32, #tpu.memory_space<vmem>>, vector<1x16xi32>,
    %mul3A_193 = arith.constant 57344 : i32
    %mul3A_194 = vector.broadcast %mul3A_193 : i32 to vector<16xi32>
    %mul3A_195 = arith.muli %select_n3A_178, %mul3A_194 : vector<16xi32>
    %sub3A_196 = arith.subi %get3A_160, %mul3A_195 : vector<16xi32>
    %mul3A_197 = arith.constant 2 : i32
    %mul3A_198 = vector.broadcast %mul3A_197 : i32 to vector<16xi32>
    %mul3A_199 = arith.muli %sub3A_196, %mul3A_198 : vector<16xi32>
    %add3A_200 = arith.addi %mul3A_199, %select_n3A_178 : vector<16xi32>
    %swap3A_201 = arith.constant 0 : i32
    %swap3A_202 = arith.index_cast %swap3A_201 : i32 to index
    %swap3A_203 = arith.constant 48 : index
    %swap3A_204 = tpu.vector_load %arg9[%swap3A_202, %swap3A_203] {strides = array<i32>} : memref<4x128xi32, #tpu.memory_space<vmem>>, vector<1x16xi32>,
    %swap3A_205 = vector.shape_cast %swap3A_204 : vector<1x16xi32> to vector<16xi32>
    %swap3A_206 = vector.shape_cast %add3A_200 : vector<16xi32> to vector<1x16xi32>
    tpu.vector_store %arg9[%swap3A_202, %swap3A_203], %swap3A_206 {strides = array<i32>} : memref<4x128xi32, #tpu.memory_space<vmem>>, vector<1x16xi32>,
    %get3A_207 = arith.constant 0 : i32
    %get3A_208 = arith.index_cast %get3A_207 : i32 to index
    %get3A_209 = arith.constant 64 : index
    %get3A_210 = tpu.vector_load %arg7[%get3A_208, %get3A_209] {strides = array<i32>} : memref<4x128xi32, #tpu.memory_space<vmem>>, vector<1x16xi32>,
    %get3A_211 = vector.shape_cast %get3A_210 : vector<1x16xi32> to vector<16xi32>
    %ge3A_212 = arith.constant 32768 : i32
    %ge3A_213 = vector.broadcast %ge3A_212 : i32 to vector<16xi32>
    %ge3A_214 = arith.cmpi sge, %get3A_211, %ge3A_213 : vector<16xi32>
    %select_n3A_215 = arith.select %ge3A_214, %broadcast_in_dim3A_5, %broadcast_in_dim3A_7 : vector<16xi1>, vector<16xi32>
    %ge3A_216 = arith.constant 65536 : i32
    %ge3A_217 = vector.broadcast %ge3A_216 : i32 to vector<16xi32>
    %ge3A_218 = arith.cmpi sge, %get3A_211, %ge3A_217 : vector<16xi32>
    %select_n3A_219 = arith.select %ge3A_218, %broadcast_in_dim3A_5, %broadcast_in_dim3A_7 : vector<16xi1>, vector<16xi32>
    %add3A_220 = arith.addi %select_n3A_215, %select_n3A_219 : vector<16xi32>
    %ge3A_221 = arith.constant 98304 : i32
    %ge3A_222 = vector.broadcast %ge3A_221 : i32 to vector<16xi32>
    %ge3A_223 = arith.cmpi sge, %get3A_211, %ge3A_222 : vector<16xi32>
    %select_n3A_224 = arith.select %ge3A_223, %broadcast_in_dim3A_5, %broadcast_in_dim3A_7 : vector<16xi1>, vector<16xi32>
    %add3A_225 = arith.addi %add3A_220, %select_n3A_224 : vector<16xi32>
    %ge3A_226 = arith.constant 57344 : i32
    %ge3A_227 = vector.broadcast %ge3A_226 : i32 to vector<16xi32>
    %ge3A_228 = arith.cmpi sge, %get3A_211, %ge3A_227 : vector<16xi32>
    %select_n3A_229 = arith.select %ge3A_228, %broadcast_in_dim3A_5, %broadcast_in_dim3A_7 : vector<16xi1>, vector<16xi32>
    %mul3A_230 = arith.constant 32768 : i32
    %mul3A_231 = vector.broadcast %mul3A_230 : i32 to vector<16xi32>
    %mul3A_232 = arith.muli %add3A_225, %mul3A_231 : vector<16xi32>
    %sub3A_233 = arith.subi %get3A_211, %mul3A_232 : vector<16xi32>
    %mul3A_234 = arith.constant 4 : i32
    %mul3A_235 = vector.broadcast %mul3A_234 : i32 to vector<16xi32>
    %mul3A_236 = arith.muli %sub3A_233, %mul3A_235 : vector<16xi32>
    %add3A_237 = arith.addi %mul3A_236, %add3A_225 : vector<16xi32>
    %swap3A_238 = arith.constant 0 : i32
    %swap3A_239 = arith.index_cast %swap3A_238 : i32 to index
    %swap3A_240 = arith.constant 64 : index
    %swap3A_241 = tpu.vector_load %arg8[%swap3A_239, %swap3A_240] {strides = array<i32>} : memref<4x128xi32, #tpu.memory_space<vmem>>, vector<1x16xi32>,
    %swap3A_242 = vector.shape_cast %swap3A_241 : vector<1x16xi32> to vector<16xi32>
    %swap3A_243 = vector.shape_cast %add3A_237 : vector<16xi32> to vector<1x16xi32>
    tpu.vector_store %arg8[%swap3A_239, %swap3A_240], %swap3A_243 {strides = array<i32>} : memref<4x128xi32, #tpu.memory_space<vmem>>, vector<1x16xi32>,
    %mul3A_244 = arith.constant 57344 : i32
    %mul3A_245 = vector.broadcast %mul3A_244 : i32 to vector<16xi32>
    %mul3A_246 = arith.muli %select_n3A_229, %mul3A_245 : vector<16xi32>
    %sub3A_247 = arith.subi %get3A_211, %mul3A_246 : vector<16xi32>
    %mul3A_248 = arith.constant 2 : i32
    %mul3A_249 = vector.broadcast %mul3A_248 : i32 to vector<16xi32>
    %mul3A_250 = arith.muli %sub3A_247, %mul3A_249 : vector<16xi32>
    %add3A_251 = arith.addi %mul3A_250, %select_n3A_229 : vector<16xi32>
    %swap3A_252 = arith.constant 0 : i32
    %swap3A_253 = arith.index_cast %swap3A_252 : i32 to index
    %swap3A_254 = arith.constant 64 : index
    %swap3A_255 = tpu.vector_load %arg9[%swap3A_253, %swap3A_254] {strides = array<i32>} : memref<4x128xi32, #tpu.memory_space<vmem>>, vector<1x16xi32>,
    %swap3A_256 = vector.shape_cast %swap3A_255 : vector<1x16xi32> to vector<16xi32>
    %swap3A_257 = vector.shape_cast %add3A_251 : vector<16xi32> to vector<1x16xi32>
    tpu.vector_store %arg9[%swap3A_253, %swap3A_254], %swap3A_257 {strides = array<i32>} : memref<4x128xi32, #tpu.memory_space<vmem>>, vector<1x16xi32>,
    %get3A_258 = arith.constant 0 : i32
    %get3A_259 = arith.index_cast %get3A_258 : i32 to index
    %get3A_260 = arith.constant 80 : index
    %get3A_261 = tpu.vector_load %arg7[%get3A_259, %get3A_260] {strides = array<i32>} : memref<4x128xi32, #tpu.memory_space<vmem>>, vector<1x16xi32>,
    %get3A_262 = vector.shape_cast %get3A_261 : vector<1x16xi32> to vector<16xi32>
    %ge3A_263 = arith.constant 32768 : i32
    %ge3A_264 = vector.broadcast %ge3A_263 : i32 to vector<16xi32>
    %ge3A_265 = arith.cmpi sge, %get3A_262, %ge3A_264 : vector<16xi32>
    %select_n3A_266 = arith.select %ge3A_265, %broadcast_in_dim3A_5, %broadcast_in_dim3A_7 : vector<16xi1>, vector<16xi32>
    %ge3A_267 = arith.constant 65536 : i32
    %ge3A_268 = vector.broadcast %ge3A_267 : i32 to vector<16xi32>
    %ge3A_269 = arith.cmpi sge, %get3A_262, %ge3A_268 : vector<16xi32>
    %select_n3A_270 = arith.select %ge3A_269, %broadcast_in_dim3A_5, %broadcast_in_dim3A_7 : vector<16xi1>, vector<16xi32>
    %add3A_271 = arith.addi %select_n3A_266, %select_n3A_270 : vector<16xi32>
    %ge3A_272 = arith.constant 98304 : i32
    %ge3A_273 = vector.broadcast %ge3A_272 : i32 to vector<16xi32>
    %ge3A_274 = arith.cmpi sge, %get3A_262, %ge3A_273 : vector<16xi32>
    %select_n3A_275 = arith.select %ge3A_274, %broadcast_in_dim3A_5, %broadcast_in_dim3A_7 : vector<16xi1>, vector<16xi32>
    %add3A_276 = arith.addi %add3A_271, %select_n3A_275 : vector<16xi32>
    %ge3A_277 = arith.constant 57344 : i32
    %ge3A_278 = vector.broadcast %ge3A_277 : i32 to vector<16xi32>
    %ge3A_279 = arith.cmpi sge, %get3A_262, %ge3A_278 : vector<16xi32>
    %select_n3A_280 = arith.select %ge3A_279, %broadcast_in_dim3A_5, %broadcast_in_dim3A_7 : vector<16xi1>, vector<16xi32>
    %mul3A_281 = arith.constant 32768 : i32
    %mul3A_282 = vector.broadcast %mul3A_281 : i32 to vector<16xi32>
    %mul3A_283 = arith.muli %add3A_276, %mul3A_282 : vector<16xi32>
    %sub3A_284 = arith.subi %get3A_262, %mul3A_283 : vector<16xi32>
    %mul3A_285 = arith.constant 4 : i32
    %mul3A_286 = vector.broadcast %mul3A_285 : i32 to vector<16xi32>
    %mul3A_287 = arith.muli %sub3A_284, %mul3A_286 : vector<16xi32>
    %add3A_288 = arith.addi %mul3A_287, %add3A_276 : vector<16xi32>
    %swap3A_289 = arith.constant 0 : i32
    %swap3A_290 = arith.index_cast %swap3A_289 : i32 to index
    %swap3A_291 = arith.constant 80 : index
    %swap3A_292 = tpu.vector_load %arg8[%swap3A_290, %swap3A_291] {strides = array<i32>} : memref<4x128xi32, #tpu.memory_space<vmem>>, vector<1x16xi32>,
    %swap3A_293 = vector.shape_cast %swap3A_292 : vector<1x16xi32> to vector<16xi32>
    %swap3A_294 = vector.shape_cast %add3A_288 : vector<16xi32> to vector<1x16xi32>
    tpu.vector_store %arg8[%swap3A_290, %swap3A_291], %swap3A_294 {strides = array<i32>} : memref<4x128xi32, #tpu.memory_space<vmem>>, vector<1x16xi32>,
    %mul3A_295 = arith.constant 57344 : i32
    %mul3A_296 = vector.broadcast %mul3A_295 : i32 to vector<16xi32>
    %mul3A_297 = arith.muli %select_n3A_280, %mul3A_296 : vector<16xi32>
    %sub3A_298 = arith.subi %get3A_262, %mul3A_297 : vector<16xi32>
    %mul3A_299 = arith.constant 2 : i32
    %mul3A_300 = vector.broadcast %mul3A_299 : i32 to vector<16xi32>
    %mul3A_301 = arith.muli %sub3A_298, %mul3A_300 : vector<16xi32>
    %add3A_302 = arith.addi %mul3A_301, %select_n3A_280 : vector<16xi32>
    %swap3A_303 = arith.constant 0 : i32
    %swap3A_304 = arith.index_cast %swap3A_303 : i32 to index
    %swap3A_305 = arith.constant 80 : index
    %swap3A_306 = tpu.vector_load %arg9[%swap3A_304, %swap3A_305] {strides = array<i32>} : memref<4x128xi32, #tpu.memory_space<vmem>>, vector<1x16xi32>,
    %swap3A_307 = vector.shape_cast %swap3A_306 : vector<1x16xi32> to vector<16xi32>
    %swap3A_308 = vector.shape_cast %add3A_302 : vector<16xi32> to vector<1x16xi32>
    tpu.vector_store %arg9[%swap3A_304, %swap3A_305], %swap3A_308 {strides = array<i32>} : memref<4x128xi32, #tpu.memory_space<vmem>>, vector<1x16xi32>,
    %get3A_309 = arith.constant 0 : i32
    %get3A_310 = arith.index_cast %get3A_309 : i32 to index
    %get3A_311 = arith.constant 96 : index
    %get3A_312 = tpu.vector_load %arg7[%get3A_310, %get3A_311] {strides = array<i32>} : memref<4x128xi32, #tpu.memory_space<vmem>>, vector<1x16xi32>,
    %get3A_313 = vector.shape_cast %get3A_312 : vector<1x16xi32> to vector<16xi32>
    %ge3A_314 = arith.constant 32768 : i32
    %ge3A_315 = vector.broadcast %ge3A_314 : i32 to vector<16xi32>
    %ge3A_316 = arith.cmpi sge, %get3A_313, %ge3A_315 : vector<16xi32>
    %select_n3A_317 = arith.select %ge3A_316, %broadcast_in_dim3A_5, %broadcast_in_dim3A_7 : vector<16xi1>, vector<16xi32>
    %ge3A_318 = arith.constant 65536 : i32
    %ge3A_319 = vector.broadcast %ge3A_318 : i32 to vector<16xi32>
    %ge3A_320 = arith.cmpi sge, %get3A_313, %ge3A_319 : vector<16xi32>
    %select_n3A_321 = arith.select %ge3A_320, %broadcast_in_dim3A_5, %broadcast_in_dim3A_7 : vector<16xi1>, vector<16xi32>
    %add3A_322 = arith.addi %select_n3A_317, %select_n3A_321 : vector<16xi32>
    %ge3A_323 = arith.constant 98304 : i32
    %ge3A_324 = vector.broadcast %ge3A_323 : i32 to vector<16xi32>
    %ge3A_325 = arith.cmpi sge, %get3A_313, %ge3A_324 : vector<16xi32>
    %select_n3A_326 = arith.select %ge3A_325, %broadcast_in_dim3A_5, %broadcast_in_dim3A_7 : vector<16xi1>, vector<16xi32>
    %add3A_327 = arith.addi %add3A_322, %select_n3A_326 : vector<16xi32>
    %ge3A_328 = arith.constant 57344 : i32
    %ge3A_329 = vector.broadcast %ge3A_328 : i32 to vector<16xi32>
    %ge3A_330 = arith.cmpi sge, %get3A_313, %ge3A_329 : vector<16xi32>
    %select_n3A_331 = arith.select %ge3A_330, %broadcast_in_dim3A_5, %broadcast_in_dim3A_7 : vector<16xi1>, vector<16xi32>
    %mul3A_332 = arith.constant 32768 : i32
    %mul3A_333 = vector.broadcast %mul3A_332 : i32 to vector<16xi32>
    %mul3A_334 = arith.muli %add3A_327, %mul3A_333 : vector<16xi32>
    %sub3A_335 = arith.subi %get3A_313, %mul3A_334 : vector<16xi32>
    %mul3A_336 = arith.constant 4 : i32
    %mul3A_337 = vector.broadcast %mul3A_336 : i32 to vector<16xi32>
    %mul3A_338 = arith.muli %sub3A_335, %mul3A_337 : vector<16xi32>
    %add3A_339 = arith.addi %mul3A_338, %add3A_327 : vector<16xi32>
    %swap3A_340 = arith.constant 0 : i32
    %swap3A_341 = arith.index_cast %swap3A_340 : i32 to index
    %swap3A_342 = arith.constant 96 : index
    %swap3A_343 = tpu.vector_load %arg8[%swap3A_341, %swap3A_342] {strides = array<i32>} : memref<4x128xi32, #tpu.memory_space<vmem>>, vector<1x16xi32>,
    %swap3A_344 = vector.shape_cast %swap3A_343 : vector<1x16xi32> to vector<16xi32>
    %swap3A_345 = vector.shape_cast %add3A_339 : vector<16xi32> to vector<1x16xi32>
    tpu.vector_store %arg8[%swap3A_341, %swap3A_342], %swap3A_345 {strides = array<i32>} : memref<4x128xi32, #tpu.memory_space<vmem>>, vector<1x16xi32>,
    %mul3A_346 = arith.constant 57344 : i32
    %mul3A_347 = vector.broadcast %mul3A_346 : i32 to vector<16xi32>
    %mul3A_348 = arith.muli %select_n3A_331, %mul3A_347 : vector<16xi32>
    %sub3A_349 = arith.subi %get3A_313, %mul3A_348 : vector<16xi32>
    %mul3A_350 = arith.constant 2 : i32
    %mul3A_351 = vector.broadcast %mul3A_350 : i32 to vector<16xi32>
    %mul3A_352 = arith.muli %sub3A_349, %mul3A_351 : vector<16xi32>
    %add3A_353 = arith.addi %mul3A_352, %select_n3A_331 : vector<16xi32>
    %swap3A_354 = arith.constant 0 : i32
    %swap3A_355 = arith.index_cast %swap3A_354 : i32 to index
    %swap3A_356 = arith.constant 96 : index
    %swap3A_357 = tpu.vector_load %arg9[%swap3A_355, %swap3A_356] {strides = array<i32>} : memref<4x128xi32, #tpu.memory_space<vmem>>, vector<1x16xi32>,
    %swap3A_358 = vector.shape_cast %swap3A_357 : vector<1x16xi32> to vector<16xi32>
    %swap3A_359 = vector.shape_cast %add3A_353 : vector<16xi32> to vector<1x16xi32>
    tpu.vector_store %arg9[%swap3A_355, %swap3A_356], %swap3A_359 {strides = array<i32>} : memref<4x128xi32, #tpu.memory_space<vmem>>, vector<1x16xi32>,
    %get3A_360 = arith.constant 0 : i32
    %get3A_361 = arith.index_cast %get3A_360 : i32 to index
    %get3A_362 = arith.constant 112 : index
    %get3A_363 = tpu.vector_load %arg7[%get3A_361, %get3A_362] {strides = array<i32>} : memref<4x128xi32, #tpu.memory_space<vmem>>, vector<1x16xi32>,
    %get3A_364 = vector.shape_cast %get3A_363 : vector<1x16xi32> to vector<16xi32>
    %ge3A_365 = arith.constant 32768 : i32
    %ge3A_366 = vector.broadcast %ge3A_365 : i32 to vector<16xi32>
    %ge3A_367 = arith.cmpi sge, %get3A_364, %ge3A_366 : vector<16xi32>
    %select_n3A_368 = arith.select %ge3A_367, %broadcast_in_dim3A_5, %broadcast_in_dim3A_7 : vector<16xi1>, vector<16xi32>
    %ge3A_369 = arith.constant 65536 : i32
    %ge3A_370 = vector.broadcast %ge3A_369 : i32 to vector<16xi32>
    %ge3A_371 = arith.cmpi sge, %get3A_364, %ge3A_370 : vector<16xi32>
    %select_n3A_372 = arith.select %ge3A_371, %broadcast_in_dim3A_5, %broadcast_in_dim3A_7 : vector<16xi1>, vector<16xi32>
    %add3A_373 = arith.addi %select_n3A_368, %select_n3A_372 : vector<16xi32>
    %ge3A_374 = arith.constant 98304 : i32
    %ge3A_375 = vector.broadcast %ge3A_374 : i32 to vector<16xi32>
    %ge3A_376 = arith.cmpi sge, %get3A_364, %ge3A_375 : vector<16xi32>
    %select_n3A_377 = arith.select %ge3A_376, %broadcast_in_dim3A_5, %broadcast_in_dim3A_7 : vector<16xi1>, vector<16xi32>
    %add3A_378 = arith.addi %add3A_373, %select_n3A_377 : vector<16xi32>
    %ge3A_379 = arith.constant 57344 : i32
    %ge3A_380 = vector.broadcast %ge3A_379 : i32 to vector<16xi32>
    %ge3A_381 = arith.cmpi sge, %get3A_364, %ge3A_380 : vector<16xi32>
    %select_n3A_382 = arith.select %ge3A_381, %broadcast_in_dim3A_5, %broadcast_in_dim3A_7 : vector<16xi1>, vector<16xi32>
    %mul3A_383 = arith.constant 32768 : i32
    %mul3A_384 = vector.broadcast %mul3A_383 : i32 to vector<16xi32>
    %mul3A_385 = arith.muli %add3A_378, %mul3A_384 : vector<16xi32>
    %sub3A_386 = arith.subi %get3A_364, %mul3A_385 : vector<16xi32>
    %mul3A_387 = arith.constant 4 : i32
    %mul3A_388 = vector.broadcast %mul3A_387 : i32 to vector<16xi32>
    %mul3A_389 = arith.muli %sub3A_386, %mul3A_388 : vector<16xi32>
    %add3A_390 = arith.addi %mul3A_389, %add3A_378 : vector<16xi32>
    %swap3A_391 = arith.constant 0 : i32
    %swap3A_392 = arith.index_cast %swap3A_391 : i32 to index
    %swap3A_393 = arith.constant 112 : index
    %swap3A_394 = tpu.vector_load %arg8[%swap3A_392, %swap3A_393] {strides = array<i32>} : memref<4x128xi32, #tpu.memory_space<vmem>>, vector<1x16xi32>,
    %swap3A_395 = vector.shape_cast %swap3A_394 : vector<1x16xi32> to vector<16xi32>
    %swap3A_396 = vector.shape_cast %add3A_390 : vector<16xi32> to vector<1x16xi32>
    tpu.vector_store %arg8[%swap3A_392, %swap3A_393], %swap3A_396 {strides = array<i32>} : memref<4x128xi32, #tpu.memory_space<vmem>>, vector<1x16xi32>,
    %mul3A_397 = arith.constant 57344 : i32
    %mul3A_398 = vector.broadcast %mul3A_397 : i32 to vector<16xi32>
    %mul3A_399 = arith.muli %select_n3A_382, %mul3A_398 : vector<16xi32>
    %sub3A_400 = arith.subi %get3A_364, %mul3A_399 : vector<16xi32>
    %mul3A_401 = arith.constant 2 : i32
    %mul3A_402 = vector.broadcast %mul3A_401 : i32 to vector<16xi32>
    %mul3A_403 = arith.muli %sub3A_400, %mul3A_402 : vector<16xi32>
    %add3A_404 = arith.addi %mul3A_403, %select_n3A_382 : vector<16xi32>
    %swap3A_405 = arith.constant 0 : i32
    %swap3A_406 = arith.index_cast %swap3A_405 : i32 to index
    %swap3A_407 = arith.constant 112 : index
    %swap3A_408 = tpu.vector_load %arg9[%swap3A_406, %swap3A_407] {strides = array<i32>} : memref<4x128xi32, #tpu.memory_space<vmem>>, vector<1x16xi32>,
    %swap3A_409 = vector.shape_cast %swap3A_408 : vector<1x16xi32> to vector<16xi32>
    %swap3A_410 = vector.shape_cast %add3A_404 : vector<16xi32> to vector<1x16xi32>
    tpu.vector_store %arg9[%swap3A_406, %swap3A_407], %swap3A_410 {strides = array<i32>} : memref<4x128xi32, #tpu.memory_space<vmem>>, vector<1x16xi32>,
    %get3A_411 = arith.constant 1 : i32
    %get3A_412 = arith.index_cast %get3A_411 : i32 to index
    %get3A_413 = arith.constant 0 : index
    %get3A_414 = tpu.vector_load %arg7[%get3A_412, %get3A_413] {strides = array<i32>} : memref<4x128xi32, #tpu.memory_space<vmem>>, vector<1x16xi32>,
    %get3A_415 = vector.shape_cast %get3A_414 : vector<1x16xi32> to vector<16xi32>
    %ge3A_416 = arith.constant 32768 : i32
    %ge3A_417 = vector.broadcast %ge3A_416 : i32 to vector<16xi32>
    %ge3A_418 = arith.cmpi sge, %get3A_415, %ge3A_417 : vector<16xi32>
    %select_n3A_419 = arith.select %ge3A_418, %broadcast_in_dim3A_5, %broadcast_in_dim3A_7 : vector<16xi1>, vector<16xi32>
    %ge3A_420 = arith.constant 65536 : i32
    %ge3A_421 = vector.broadcast %ge3A_420 : i32 to vector<16xi32>
    %ge3A_422 = arith.cmpi sge, %get3A_415, %ge3A_421 : vector<16xi32>
    %select_n3A_423 = arith.select %ge3A_422, %broadcast_in_dim3A_5, %broadcast_in_dim3A_7 : vector<16xi1>, vector<16xi32>
    %add3A_424 = arith.addi %select_n3A_419, %select_n3A_423 : vector<16xi32>
    %ge3A_425 = arith.constant 98304 : i32
    %ge3A_426 = vector.broadcast %ge3A_425 : i32 to vector<16xi32>
    %ge3A_427 = arith.cmpi sge, %get3A_415, %ge3A_426 : vector<16xi32>
    %select_n3A_428 = arith.select %ge3A_427, %broadcast_in_dim3A_5, %broadcast_in_dim3A_7 : vector<16xi1>, vector<16xi32>
    %add3A_429 = arith.addi %add3A_424, %select_n3A_428 : vector<16xi32>
    %ge3A_430 = arith.constant 57344 : i32
    %ge3A_431 = vector.broadcast %ge3A_430 : i32 to vector<16xi32>
    %ge3A_432 = arith.cmpi sge, %get3A_415, %ge3A_431 : vector<16xi32>
    %select_n3A_433 = arith.select %ge3A_432, %broadcast_in_dim3A_5, %broadcast_in_dim3A_7 : vector<16xi1>, vector<16xi32>
    %mul3A_434 = arith.constant 32768 : i32
    %mul3A_435 = vector.broadcast %mul3A_434 : i32 to vector<16xi32>
    %mul3A_436 = arith.muli %add3A_429, %mul3A_435 : vector<16xi32>
    %sub3A_437 = arith.subi %get3A_415, %mul3A_436 : vector<16xi32>
    %mul3A_438 = arith.constant 4 : i32
    %mul3A_439 = vector.broadcast %mul3A_438 : i32 to vector<16xi32>
    %mul3A_440 = arith.muli %sub3A_437, %mul3A_439 : vector<16xi32>
    %add3A_441 = arith.addi %mul3A_440, %add3A_429 : vector<16xi32>
    %swap3A_442 = arith.constant 1 : i32
    %swap3A_443 = arith.index_cast %swap3A_442 : i32 to index
    %swap3A_444 = arith.constant 0 : index
    %swap3A_445 = tpu.vector_load %arg8[%swap3A_443, %swap3A_444] {strides = array<i32>} : memref<4x128xi32, #tpu.memory_space<vmem>>, vector<1x16xi32>,
    %swap3A_446 = vector.shape_cast %swap3A_445 : vector<1x16xi32> to vector<16xi32>
    %swap3A_447 = vector.shape_cast %add3A_441 : vector<16xi32> to vector<1x16xi32>
    tpu.vector_store %arg8[%swap3A_443, %swap3A_444], %swap3A_447 {strides = array<i32>} : memref<4x128xi32, #tpu.memory_space<vmem>>, vector<1x16xi32>,
    %mul3A_448 = arith.constant 57344 : i32
    %mul3A_449 = vector.broadcast %mul3A_448 : i32 to vector<16xi32>
    %mul3A_450 = arith.muli %select_n3A_433, %mul3A_449 : vector<16xi32>
    %sub3A_451 = arith.subi %get3A_415, %mul3A_450 : vector<16xi32>
    %mul3A_452 = arith.constant 2 : i32
    %mul3A_453 = vector.broadcast %mul3A_452 : i32 to vector<16xi32>
    %mul3A_454 = arith.muli %sub3A_451, %mul3A_453 : vector<16xi32>
    %add3A_455 = arith.addi %mul3A_454, %select_n3A_433 : vector<16xi32>
    %swap3A_456 = arith.constant 1 : i32
    %swap3A_457 = arith.index_cast %swap3A_456 : i32 to index
    %swap3A_458 = arith.constant 0 : index
    %swap3A_459 = tpu.vector_load %arg9[%swap3A_457, %swap3A_458] {strides = array<i32>} : memref<4x128xi32, #tpu.memory_space<vmem>>, vector<1x16xi32>,
    %swap3A_460 = vector.shape_cast %swap3A_459 : vector<1x16xi32> to vector<16xi32>
    %swap3A_461 = vector.shape_cast %add3A_455 : vector<16xi32> to vector<1x16xi32>
    tpu.vector_store %arg9[%swap3A_457, %swap3A_458], %swap3A_461 {strides = array<i32>} : memref<4x128xi32, #tpu.memory_space<vmem>>, vector<1x16xi32>,
    %get3A_462 = arith.constant 1 : i32
    %get3A_463 = arith.index_cast %get3A_462 : i32 to index
    %get3A_464 = arith.constant 16 : index
    %get3A_465 = tpu.vector_load %arg7[%get3A_463, %get3A_464] {strides = array<i32>} : memref<4x128xi32, #tpu.memory_space<vmem>>, vector<1x16xi32>,
    %get3A_466 = vector.shape_cast %get3A_465 : vector<1x16xi32> to vector<16xi32>
    %ge3A_467 = arith.constant 32768 : i32
    %ge3A_468 = vector.broadcast %ge3A_467 : i32 to vector<16xi32>
    %ge3A_469 = arith.cmpi sge, %get3A_466, %ge3A_468 : vector<16xi32>
    %select_n3A_470 = arith.select %ge3A_469, %broadcast_in_dim3A_5, %broadcast_in_dim3A_7 : vector<16xi1>, vector<16xi32>
    %ge3A_471 = arith.constant 65536 : i32
    %ge3A_472 = vector.broadcast %ge3A_471 : i32 to vector<16xi32>
    %ge3A_473 = arith.cmpi sge, %get3A_466, %ge3A_472 : vector<16xi32>
    %select_n3A_474 = arith.select %ge3A_473, %broadcast_in_dim3A_5, %broadcast_in_dim3A_7 : vector<16xi1>, vector<16xi32>
    %add3A_475 = arith.addi %select_n3A_470, %select_n3A_474 : vector<16xi32>
    %ge3A_476 = arith.constant 98304 : i32
    %ge3A_477 = vector.broadcast %ge3A_476 : i32 to vector<16xi32>
    %ge3A_478 = arith.cmpi sge, %get3A_466, %ge3A_477 : vector<16xi32>
    %select_n3A_479 = arith.select %ge3A_478, %broadcast_in_dim3A_5, %broadcast_in_dim3A_7 : vector<16xi1>, vector<16xi32>
    %add3A_480 = arith.addi %add3A_475, %select_n3A_479 : vector<16xi32>
    %ge3A_481 = arith.constant 57344 : i32
    %ge3A_482 = vector.broadcast %ge3A_481 : i32 to vector<16xi32>
    %ge3A_483 = arith.cmpi sge, %get3A_466, %ge3A_482 : vector<16xi32>
    %select_n3A_484 = arith.select %ge3A_483, %broadcast_in_dim3A_5, %broadcast_in_dim3A_7 : vector<16xi1>, vector<16xi32>
    %mul3A_485 = arith.constant 32768 : i32
    %mul3A_486 = vector.broadcast %mul3A_485 : i32 to vector<16xi32>
    %mul3A_487 = arith.muli %add3A_480, %mul3A_486 : vector<16xi32>
    %sub3A_488 = arith.subi %get3A_466, %mul3A_487 : vector<16xi32>
    %mul3A_489 = arith.constant 4 : i32
    %mul3A_490 = vector.broadcast %mul3A_489 : i32 to vector<16xi32>
    %mul3A_491 = arith.muli %sub3A_488, %mul3A_490 : vector<16xi32>
    %add3A_492 = arith.addi %mul3A_491, %add3A_480 : vector<16xi32>
    %swap3A_493 = arith.constant 1 : i32
    %swap3A_494 = arith.index_cast %swap3A_493 : i32 to index
    %swap3A_495 = arith.constant 16 : index
    %swap3A_496 = tpu.vector_load %arg8[%swap3A_494, %swap3A_495] {strides = array<i32>} : memref<4x128xi32, #tpu.memory_space<vmem>>, vector<1x16xi32>,
    %swap3A_497 = vector.shape_cast %swap3A_496 : vector<1x16xi32> to vector<16xi32>
    %swap3A_498 = vector.shape_cast %add3A_492 : vector<16xi32> to vector<1x16xi32>
    tpu.vector_store %arg8[%swap3A_494, %swap3A_495], %swap3A_498 {strides = array<i32>} : memref<4x128xi32, #tpu.memory_space<vmem>>, vector<1x16xi32>,
    %mul3A_499 = arith.constant 57344 : i32
    %mul3A_500 = vector.broadcast %mul3A_499 : i32 to vector<16xi32>
    %mul3A_501 = arith.muli %select_n3A_484, %mul3A_500 : vector<16xi32>
    %sub3A_502 = arith.subi %get3A_466, %mul3A_501 : vector<16xi32>
    %mul3A_503 = arith.constant 2 : i32
    %mul3A_504 = vector.broadcast %mul3A_503 : i32 to vector<16xi32>
    %mul3A_505 = arith.muli %sub3A_502, %mul3A_504 : vector<16xi32>
    %add3A_506 = arith.addi %mul3A_505, %select_n3A_484 : vector<16xi32>
    %swap3A_507 = arith.constant 1 : i32
    %swap3A_508 = arith.index_cast %swap3A_507 : i32 to index
    %swap3A_509 = arith.constant 16 : index
    %swap3A_510 = tpu.vector_load %arg9[%swap3A_508, %swap3A_509] {strides = array<i32>} : memref<4x128xi32, #tpu.memory_space<vmem>>, vector<1x16xi32>,
    %swap3A_511 = vector.shape_cast %swap3A_510 : vector<1x16xi32> to vector<16xi32>
    %swap3A_512 = vector.shape_cast %add3A_506 : vector<16xi32> to vector<1x16xi32>
    tpu.vector_store %arg9[%swap3A_508, %swap3A_509], %swap3A_512 {strides = array<i32>} : memref<4x128xi32, #tpu.memory_space<vmem>>, vector<1x16xi32>,
    %get3A_513 = arith.constant 1 : i32
    %get3A_514 = arith.index_cast %get3A_513 : i32 to index
    %get3A_515 = arith.constant 32 : index
    %get3A_516 = tpu.vector_load %arg7[%get3A_514, %get3A_515] {strides = array<i32>} : memref<4x128xi32, #tpu.memory_space<vmem>>, vector<1x16xi32>,
    %get3A_517 = vector.shape_cast %get3A_516 : vector<1x16xi32> to vector<16xi32>
    %ge3A_518 = arith.constant 32768 : i32
    %ge3A_519 = vector.broadcast %ge3A_518 : i32 to vector<16xi32>
    %ge3A_520 = arith.cmpi sge, %get3A_517, %ge3A_519 : vector<16xi32>
    %select_n3A_521 = arith.select %ge3A_520, %broadcast_in_dim3A_5, %broadcast_in_dim3A_7 : vector<16xi1>, vector<16xi32>
    %ge3A_522 = arith.constant 65536 : i32
    %ge3A_523 = vector.broadcast %ge3A_522 : i32 to vector<16xi32>
    %ge3A_524 = arith.cmpi sge, %get3A_517, %ge3A_523 : vector<16xi32>
    %select_n3A_525 = arith.select %ge3A_524, %broadcast_in_dim3A_5, %broadcast_in_dim3A_7 : vector<16xi1>, vector<16xi32>
    %add3A_526 = arith.addi %select_n3A_521, %select_n3A_525 : vector<16xi32>
    %ge3A_527 = arith.constant 98304 : i32
    %ge3A_528 = vector.broadcast %ge3A_527 : i32 to vector<16xi32>
    %ge3A_529 = arith.cmpi sge, %get3A_517, %ge3A_528 : vector<16xi32>
    %select_n3A_530 = arith.select %ge3A_529, %broadcast_in_dim3A_5, %broadcast_in_dim3A_7 : vector<16xi1>, vector<16xi32>
    %add3A_531 = arith.addi %add3A_526, %select_n3A_530 : vector<16xi32>
    %ge3A_532 = arith.constant 57344 : i32
    %ge3A_533 = vector.broadcast %ge3A_532 : i32 to vector<16xi32>
    %ge3A_534 = arith.cmpi sge, %get3A_517, %ge3A_533 : vector<16xi32>
    %select_n3A_535 = arith.select %ge3A_534, %broadcast_in_dim3A_5, %broadcast_in_dim3A_7 : vector<16xi1>, vector<16xi32>
    %mul3A_536 = arith.constant 32768 : i32
    %mul3A_537 = vector.broadcast %mul3A_536 : i32 to vector<16xi32>
    %mul3A_538 = arith.muli %add3A_531, %mul3A_537 : vector<16xi32>
    %sub3A_539 = arith.subi %get3A_517, %mul3A_538 : vector<16xi32>
    %mul3A_540 = arith.constant 4 : i32
    %mul3A_541 = vector.broadcast %mul3A_540 : i32 to vector<16xi32>
    %mul3A_542 = arith.muli %sub3A_539, %mul3A_541 : vector<16xi32>
    %add3A_543 = arith.addi %mul3A_542, %add3A_531 : vector<16xi32>
    %swap3A_544 = arith.constant 1 : i32
    %swap3A_545 = arith.index_cast %swap3A_544 : i32 to index
    %swap3A_546 = arith.constant 32 : index
    %swap3A_547 = tpu.vector_load %arg8[%swap3A_545, %swap3A_546] {strides = array<i32>} : memref<4x128xi32, #tpu.memory_space<vmem>>, vector<1x16xi32>,
    %swap3A_548 = vector.shape_cast %swap3A_547 : vector<1x16xi32> to vector<16xi32>
    %swap3A_549 = vector.shape_cast %add3A_543 : vector<16xi32> to vector<1x16xi32>
    tpu.vector_store %arg8[%swap3A_545, %swap3A_546], %swap3A_549 {strides = array<i32>} : memref<4x128xi32, #tpu.memory_space<vmem>>, vector<1x16xi32>,
    %mul3A_550 = arith.constant 57344 : i32
    %mul3A_551 = vector.broadcast %mul3A_550 : i32 to vector<16xi32>
    %mul3A_552 = arith.muli %select_n3A_535, %mul3A_551 : vector<16xi32>
    %sub3A_553 = arith.subi %get3A_517, %mul3A_552 : vector<16xi32>
    %mul3A_554 = arith.constant 2 : i32
    %mul3A_555 = vector.broadcast %mul3A_554 : i32 to vector<16xi32>
    %mul3A_556 = arith.muli %sub3A_553, %mul3A_555 : vector<16xi32>
    %add3A_557 = arith.addi %mul3A_556, %select_n3A_535 : vector<16xi32>
    %swap3A_558 = arith.constant 1 : i32
    %swap3A_559 = arith.index_cast %swap3A_558 : i32 to index
    %swap3A_560 = arith.constant 32 : index
    %swap3A_561 = tpu.vector_load %arg9[%swap3A_559, %swap3A_560] {strides = array<i32>} : memref<4x128xi32, #tpu.memory_space<vmem>>, vector<1x16xi32>,
    %swap3A_562 = vector.shape_cast %swap3A_561 : vector<1x16xi32> to vector<16xi32>
    %swap3A_563 = vector.shape_cast %add3A_557 : vector<16xi32> to vector<1x16xi32>
    tpu.vector_store %arg9[%swap3A_559, %swap3A_560], %swap3A_563 {strides = array<i32>} : memref<4x128xi32, #tpu.memory_space<vmem>>, vector<1x16xi32>,
    %get3A_564 = arith.constant 1 : i32
    %get3A_565 = arith.index_cast %get3A_564 : i32 to index
    %get3A_566 = arith.constant 48 : index
    %get3A_567 = tpu.vector_load %arg7[%get3A_565, %get3A_566] {strides = array<i32>} : memref<4x128xi32, #tpu.memory_space<vmem>>, vector<1x16xi32>,
    %get3A_568 = vector.shape_cast %get3A_567 : vector<1x16xi32> to vector<16xi32>
    %ge3A_569 = arith.constant 32768 : i32
    %ge3A_570 = vector.broadcast %ge3A_569 : i32 to vector<16xi32>
    %ge3A_571 = arith.cmpi sge, %get3A_568, %ge3A_570 : vector<16xi32>
    %select_n3A_572 = arith.select %ge3A_571, %broadcast_in_dim3A_5, %broadcast_in_dim3A_7 : vector<16xi1>, vector<16xi32>
    %ge3A_573 = arith.constant 65536 : i32
    %ge3A_574 = vector.broadcast %ge3A_573 : i32 to vector<16xi32>
    %ge3A_575 = arith.cmpi sge, %get3A_568, %ge3A_574 : vector<16xi32>
    %select_n3A_576 = arith.select %ge3A_575, %broadcast_in_dim3A_5, %broadcast_in_dim3A_7 : vector<16xi1>, vector<16xi32>
    %add3A_577 = arith.addi %select_n3A_572, %select_n3A_576 : vector<16xi32>
    %ge3A_578 = arith.constant 98304 : i32
    %ge3A_579 = vector.broadcast %ge3A_578 : i32 to vector<16xi32>
    %ge3A_580 = arith.cmpi sge, %get3A_568, %ge3A_579 : vector<16xi32>
    %select_n3A_581 = arith.select %ge3A_580, %broadcast_in_dim3A_5, %broadcast_in_dim3A_7 : vector<16xi1>, vector<16xi32>
    %add3A_582 = arith.addi %add3A_577, %select_n3A_581 : vector<16xi32>
    %ge3A_583 = arith.constant 57344 : i32
    %ge3A_584 = vector.broadcast %ge3A_583 : i32 to vector<16xi32>
    %ge3A_585 = arith.cmpi sge, %get3A_568, %ge3A_584 : vector<16xi32>
    %select_n3A_586 = arith.select %ge3A_585, %broadcast_in_dim3A_5, %broadcast_in_dim3A_7 : vector<16xi1>, vector<16xi32>
    %mul3A_587 = arith.constant 32768 : i32
    %mul3A_588 = vector.broadcast %mul3A_587 : i32 to vector<16xi32>
    %mul3A_589 = arith.muli %add3A_582, %mul3A_588 : vector<16xi32>
    %sub3A_590 = arith.subi %get3A_568, %mul3A_589 : vector<16xi32>
    %mul3A_591 = arith.constant 4 : i32
    %mul3A_592 = vector.broadcast %mul3A_591 : i32 to vector<16xi32>
    %mul3A_593 = arith.muli %sub3A_590, %mul3A_592 : vector<16xi32>
    %add3A_594 = arith.addi %mul3A_593, %add3A_582 : vector<16xi32>
    %swap3A_595 = arith.constant 1 : i32
    %swap3A_596 = arith.index_cast %swap3A_595 : i32 to index
    %swap3A_597 = arith.constant 48 : index
    %swap3A_598 = tpu.vector_load %arg8[%swap3A_596, %swap3A_597] {strides = array<i32>} : memref<4x128xi32, #tpu.memory_space<vmem>>, vector<1x16xi32>,
    %swap3A_599 = vector.shape_cast %swap3A_598 : vector<1x16xi32> to vector<16xi32>
    %swap3A_600 = vector.shape_cast %add3A_594 : vector<16xi32> to vector<1x16xi32>
    tpu.vector_store %arg8[%swap3A_596, %swap3A_597], %swap3A_600 {strides = array<i32>} : memref<4x128xi32, #tpu.memory_space<vmem>>, vector<1x16xi32>,
    %mul3A_601 = arith.constant 57344 : i32
    %mul3A_602 = vector.broadcast %mul3A_601 : i32 to vector<16xi32>
    %mul3A_603 = arith.muli %select_n3A_586, %mul3A_602 : vector<16xi32>
    %sub3A_604 = arith.subi %get3A_568, %mul3A_603 : vector<16xi32>
    %mul3A_605 = arith.constant 2 : i32
    %mul3A_606 = vector.broadcast %mul3A_605 : i32 to vector<16xi32>
    %mul3A_607 = arith.muli %sub3A_604, %mul3A_606 : vector<16xi32>
    %add3A_608 = arith.addi %mul3A_607, %select_n3A_586 : vector<16xi32>
    %swap3A_609 = arith.constant 1 : i32
    %swap3A_610 = arith.index_cast %swap3A_609 : i32 to index
    %swap3A_611 = arith.constant 48 : index
    %swap3A_612 = tpu.vector_load %arg9[%swap3A_610, %swap3A_611] {strides = array<i32>} : memref<4x128xi32, #tpu.memory_space<vmem>>, vector<1x16xi32>,
    %swap3A_613 = vector.shape_cast %swap3A_612 : vector<1x16xi32> to vector<16xi32>
    %swap3A_614 = vector.shape_cast %add3A_608 : vector<16xi32> to vector<1x16xi32>
    tpu.vector_store %arg9[%swap3A_610, %swap3A_611], %swap3A_614 {strides = array<i32>} : memref<4x128xi32, #tpu.memory_space<vmem>>, vector<1x16xi32>,
    %get3A_615 = arith.constant 1 : i32
    %get3A_616 = arith.index_cast %get3A_615 : i32 to index
    %get3A_617 = arith.constant 64 : index
    %get3A_618 = tpu.vector_load %arg7[%get3A_616, %get3A_617] {strides = array<i32>} : memref<4x128xi32, #tpu.memory_space<vmem>>, vector<1x16xi32>,
    %get3A_619 = vector.shape_cast %get3A_618 : vector<1x16xi32> to vector<16xi32>
    %ge3A_620 = arith.constant 32768 : i32
    %ge3A_621 = vector.broadcast %ge3A_620 : i32 to vector<16xi32>
    %ge3A_622 = arith.cmpi sge, %get3A_619, %ge3A_621 : vector<16xi32>
    %select_n3A_623 = arith.select %ge3A_622, %broadcast_in_dim3A_5, %broadcast_in_dim3A_7 : vector<16xi1>, vector<16xi32>
    %ge3A_624 = arith.constant 65536 : i32
    %ge3A_625 = vector.broadcast %ge3A_624 : i32 to vector<16xi32>
    %ge3A_626 = arith.cmpi sge, %get3A_619, %ge3A_625 : vector<16xi32>
    %select_n3A_627 = arith.select %ge3A_626, %broadcast_in_dim3A_5, %broadcast_in_dim3A_7 : vector<16xi1>, vector<16xi32>
    %add3A_628 = arith.addi %select_n3A_623, %select_n3A_627 : vector<16xi32>
    %ge3A_629 = arith.constant 98304 : i32
    %ge3A_630 = vector.broadcast %ge3A_629 : i32 to vector<16xi32>
    %ge3A_631 = arith.cmpi sge, %get3A_619, %ge3A_630 : vector<16xi32>
    %select_n3A_632 = arith.select %ge3A_631, %broadcast_in_dim3A_5, %broadcast_in_dim3A_7 : vector<16xi1>, vector<16xi32>
    %add3A_633 = arith.addi %add3A_628, %select_n3A_632 : vector<16xi32>
    %ge3A_634 = arith.constant 57344 : i32
    %ge3A_635 = vector.broadcast %ge3A_634 : i32 to vector<16xi32>
    %ge3A_636 = arith.cmpi sge, %get3A_619, %ge3A_635 : vector<16xi32>
    %select_n3A_637 = arith.select %ge3A_636, %broadcast_in_dim3A_5, %broadcast_in_dim3A_7 : vector<16xi1>, vector<16xi32>
    %mul3A_638 = arith.constant 32768 : i32
    %mul3A_639 = vector.broadcast %mul3A_638 : i32 to vector<16xi32>
    %mul3A_640 = arith.muli %add3A_633, %mul3A_639 : vector<16xi32>
    %sub3A_641 = arith.subi %get3A_619, %mul3A_640 : vector<16xi32>
    %mul3A_642 = arith.constant 4 : i32
    %mul3A_643 = vector.broadcast %mul3A_642 : i32 to vector<16xi32>
    %mul3A_644 = arith.muli %sub3A_641, %mul3A_643 : vector<16xi32>
    %add3A_645 = arith.addi %mul3A_644, %add3A_633 : vector<16xi32>
    %swap3A_646 = arith.constant 1 : i32
    %swap3A_647 = arith.index_cast %swap3A_646 : i32 to index
    %swap3A_648 = arith.constant 64 : index
    %swap3A_649 = tpu.vector_load %arg8[%swap3A_647, %swap3A_648] {strides = array<i32>} : memref<4x128xi32, #tpu.memory_space<vmem>>, vector<1x16xi32>,
    %swap3A_650 = vector.shape_cast %swap3A_649 : vector<1x16xi32> to vector<16xi32>
    %swap3A_651 = vector.shape_cast %add3A_645 : vector<16xi32> to vector<1x16xi32>
    tpu.vector_store %arg8[%swap3A_647, %swap3A_648], %swap3A_651 {strides = array<i32>} : memref<4x128xi32, #tpu.memory_space<vmem>>, vector<1x16xi32>,
    %mul3A_652 = arith.constant 57344 : i32
    %mul3A_653 = vector.broadcast %mul3A_652 : i32 to vector<16xi32>
    %mul3A_654 = arith.muli %select_n3A_637, %mul3A_653 : vector<16xi32>
    %sub3A_655 = arith.subi %get3A_619, %mul3A_654 : vector<16xi32>
    %mul3A_656 = arith.constant 2 : i32
    %mul3A_657 = vector.broadcast %mul3A_656 : i32 to vector<16xi32>
    %mul3A_658 = arith.muli %sub3A_655, %mul3A_657 : vector<16xi32>
    %add3A_659 = arith.addi %mul3A_658, %select_n3A_637 : vector<16xi32>
    %swap3A_660 = arith.constant 1 : i32
    %swap3A_661 = arith.index_cast %swap3A_660 : i32 to index
    %swap3A_662 = arith.constant 64 : index
    %swap3A_663 = tpu.vector_load %arg9[%swap3A_661, %swap3A_662] {strides = array<i32>} : memref<4x128xi32, #tpu.memory_space<vmem>>, vector<1x16xi32>,
    %swap3A_664 = vector.shape_cast %swap3A_663 : vector<1x16xi32> to vector<16xi32>
    %swap3A_665 = vector.shape_cast %add3A_659 : vector<16xi32> to vector<1x16xi32>
    tpu.vector_store %arg9[%swap3A_661, %swap3A_662], %swap3A_665 {strides = array<i32>} : memref<4x128xi32, #tpu.memory_space<vmem>>, vector<1x16xi32>,
    %get3A_666 = arith.constant 1 : i32
    %get3A_667 = arith.index_cast %get3A_666 : i32 to index
    %get3A_668 = arith.constant 80 : index
    %get3A_669 = tpu.vector_load %arg7[%get3A_667, %get3A_668] {strides = array<i32>} : memref<4x128xi32, #tpu.memory_space<vmem>>, vector<1x16xi32>,
    %get3A_670 = vector.shape_cast %get3A_669 : vector<1x16xi32> to vector<16xi32>
    %ge3A_671 = arith.constant 32768 : i32
    %ge3A_672 = vector.broadcast %ge3A_671 : i32 to vector<16xi32>
    %ge3A_673 = arith.cmpi sge, %get3A_670, %ge3A_672 : vector<16xi32>
    %select_n3A_674 = arith.select %ge3A_673, %broadcast_in_dim3A_5, %broadcast_in_dim3A_7 : vector<16xi1>, vector<16xi32>
    %ge3A_675 = arith.constant 65536 : i32
    %ge3A_676 = vector.broadcast %ge3A_675 : i32 to vector<16xi32>
    %ge3A_677 = arith.cmpi sge, %get3A_670, %ge3A_676 : vector<16xi32>
    %select_n3A_678 = arith.select %ge3A_677, %broadcast_in_dim3A_5, %broadcast_in_dim3A_7 : vector<16xi1>, vector<16xi32>
    %add3A_679 = arith.addi %select_n3A_674, %select_n3A_678 : vector<16xi32>
    %ge3A_680 = arith.constant 98304 : i32
    %ge3A_681 = vector.broadcast %ge3A_680 : i32 to vector<16xi32>
    %ge3A_682 = arith.cmpi sge, %get3A_670, %ge3A_681 : vector<16xi32>
    %select_n3A_683 = arith.select %ge3A_682, %broadcast_in_dim3A_5, %broadcast_in_dim3A_7 : vector<16xi1>, vector<16xi32>
    %add3A_684 = arith.addi %add3A_679, %select_n3A_683 : vector<16xi32>
    %ge3A_685 = arith.constant 57344 : i32
    %ge3A_686 = vector.broadcast %ge3A_685 : i32 to vector<16xi32>
    %ge3A_687 = arith.cmpi sge, %get3A_670, %ge3A_686 : vector<16xi32>
    %select_n3A_688 = arith.select %ge3A_687, %broadcast_in_dim3A_5, %broadcast_in_dim3A_7 : vector<16xi1>, vector<16xi32>
    %mul3A_689 = arith.constant 32768 : i32
    %mul3A_690 = vector.broadcast %mul3A_689 : i32 to vector<16xi32>
    %mul3A_691 = arith.muli %add3A_684, %mul3A_690 : vector<16xi32>
    %sub3A_692 = arith.subi %get3A_670, %mul3A_691 : vector<16xi32>
    %mul3A_693 = arith.constant 4 : i32
    %mul3A_694 = vector.broadcast %mul3A_693 : i32 to vector<16xi32>
    %mul3A_695 = arith.muli %sub3A_692, %mul3A_694 : vector<16xi32>
    %add3A_696 = arith.addi %mul3A_695, %add3A_684 : vector<16xi32>
    %swap3A_697 = arith.constant 1 : i32
    %swap3A_698 = arith.index_cast %swap3A_697 : i32 to index
    %swap3A_699 = arith.constant 80 : index
    %swap3A_700 = tpu.vector_load %arg8[%swap3A_698, %swap3A_699] {strides = array<i32>} : memref<4x128xi32, #tpu.memory_space<vmem>>, vector<1x16xi32>,
    %swap3A_701 = vector.shape_cast %swap3A_700 : vector<1x16xi32> to vector<16xi32>
    %swap3A_702 = vector.shape_cast %add3A_696 : vector<16xi32> to vector<1x16xi32>
    tpu.vector_store %arg8[%swap3A_698, %swap3A_699], %swap3A_702 {strides = array<i32>} : memref<4x128xi32, #tpu.memory_space<vmem>>, vector<1x16xi32>,
    %mul3A_703 = arith.constant 57344 : i32
    %mul3A_704 = vector.broadcast %mul3A_703 : i32 to vector<16xi32>
    %mul3A_705 = arith.muli %select_n3A_688, %mul3A_704 : vector<16xi32>
    %sub3A_706 = arith.subi %get3A_670, %mul3A_705 : vector<16xi32>
    %mul3A_707 = arith.constant 2 : i32
    %mul3A_708 = vector.broadcast %mul3A_707 : i32 to vector<16xi32>
    %mul3A_709 = arith.muli %sub3A_706, %mul3A_708 : vector<16xi32>
    %add3A_710 = arith.addi %mul3A_709, %select_n3A_688 : vector<16xi32>
    %swap3A_711 = arith.constant 1 : i32
    %swap3A_712 = arith.index_cast %swap3A_711 : i32 to index
    %swap3A_713 = arith.constant 80 : index
    %swap3A_714 = tpu.vector_load %arg9[%swap3A_712, %swap3A_713] {strides = array<i32>} : memref<4x128xi32, #tpu.memory_space<vmem>>, vector<1x16xi32>,
    %swap3A_715 = vector.shape_cast %swap3A_714 : vector<1x16xi32> to vector<16xi32>
    %swap3A_716 = vector.shape_cast %add3A_710 : vector<16xi32> to vector<1x16xi32>
    tpu.vector_store %arg9[%swap3A_712, %swap3A_713], %swap3A_716 {strides = array<i32>} : memref<4x128xi32, #tpu.memory_space<vmem>>, vector<1x16xi32>,
    %get3A_717 = arith.constant 1 : i32
    %get3A_718 = arith.index_cast %get3A_717 : i32 to index
    %get3A_719 = arith.constant 96 : index
    %get3A_720 = tpu.vector_load %arg7[%get3A_718, %get3A_719] {strides = array<i32>} : memref<4x128xi32, #tpu.memory_space<vmem>>, vector<1x16xi32>,
    %get3A_721 = vector.shape_cast %get3A_720 : vector<1x16xi32> to vector<16xi32>
    %ge3A_722 = arith.constant 32768 : i32
    %ge3A_723 = vector.broadcast %ge3A_722 : i32 to vector<16xi32>
    %ge3A_724 = arith.cmpi sge, %get3A_721, %ge3A_723 : vector<16xi32>
    %select_n3A_725 = arith.select %ge3A_724, %broadcast_in_dim3A_5, %broadcast_in_dim3A_7 : vector<16xi1>, vector<16xi32>
    %ge3A_726 = arith.constant 65536 : i32
    %ge3A_727 = vector.broadcast %ge3A_726 : i32 to vector<16xi32>
    %ge3A_728 = arith.cmpi sge, %get3A_721, %ge3A_727 : vector<16xi32>
    %select_n3A_729 = arith.select %ge3A_728, %broadcast_in_dim3A_5, %broadcast_in_dim3A_7 : vector<16xi1>, vector<16xi32>
    %add3A_730 = arith.addi %select_n3A_725, %select_n3A_729 : vector<16xi32>
    %ge3A_731 = arith.constant 98304 : i32
    %ge3A_732 = vector.broadcast %ge3A_731 : i32 to vector<16xi32>
    %ge3A_733 = arith.cmpi sge, %get3A_721, %ge3A_732 : vector<16xi32>
    %select_n3A_734 = arith.select %ge3A_733, %broadcast_in_dim3A_5, %broadcast_in_dim3A_7 : vector<16xi1>, vector<16xi32>
    %add3A_735 = arith.addi %add3A_730, %select_n3A_734 : vector<16xi32>
    %ge3A_736 = arith.constant 57344 : i32
    %ge3A_737 = vector.broadcast %ge3A_736 : i32 to vector<16xi32>
    %ge3A_738 = arith.cmpi sge, %get3A_721, %ge3A_737 : vector<16xi32>
    %select_n3A_739 = arith.select %ge3A_738, %broadcast_in_dim3A_5, %broadcast_in_dim3A_7 : vector<16xi1>, vector<16xi32>
    %mul3A_740 = arith.constant 32768 : i32
    %mul3A_741 = vector.broadcast %mul3A_740 : i32 to vector<16xi32>
    %mul3A_742 = arith.muli %add3A_735, %mul3A_741 : vector<16xi32>
    %sub3A_743 = arith.subi %get3A_721, %mul3A_742 : vector<16xi32>
    %mul3A_744 = arith.constant 4 : i32
    %mul3A_745 = vector.broadcast %mul3A_744 : i32 to vector<16xi32>
    %mul3A_746 = arith.muli %sub3A_743, %mul3A_745 : vector<16xi32>
    %add3A_747 = arith.addi %mul3A_746, %add3A_735 : vector<16xi32>
    %swap3A_748 = arith.constant 1 : i32
    %swap3A_749 = arith.index_cast %swap3A_748 : i32 to index
    %swap3A_750 = arith.constant 96 : index
    %swap3A_751 = tpu.vector_load %arg8[%swap3A_749, %swap3A_750] {strides = array<i32>} : memref<4x128xi32, #tpu.memory_space<vmem>>, vector<1x16xi32>,
    %swap3A_752 = vector.shape_cast %swap3A_751 : vector<1x16xi32> to vector<16xi32>
    %swap3A_753 = vector.shape_cast %add3A_747 : vector<16xi32> to vector<1x16xi32>
    tpu.vector_store %arg8[%swap3A_749, %swap3A_750], %swap3A_753 {strides = array<i32>} : memref<4x128xi32, #tpu.memory_space<vmem>>, vector<1x16xi32>,
    %mul3A_754 = arith.constant 57344 : i32
    %mul3A_755 = vector.broadcast %mul3A_754 : i32 to vector<16xi32>
    %mul3A_756 = arith.muli %select_n3A_739, %mul3A_755 : vector<16xi32>
    %sub3A_757 = arith.subi %get3A_721, %mul3A_756 : vector<16xi32>
    %mul3A_758 = arith.constant 2 : i32
    %mul3A_759 = vector.broadcast %mul3A_758 : i32 to vector<16xi32>
    %mul3A_760 = arith.muli %sub3A_757, %mul3A_759 : vector<16xi32>
    %add3A_761 = arith.addi %mul3A_760, %select_n3A_739 : vector<16xi32>
    %swap3A_762 = arith.constant 1 : i32
    %swap3A_763 = arith.index_cast %swap3A_762 : i32 to index
    %swap3A_764 = arith.constant 96 : index
    %swap3A_765 = tpu.vector_load %arg9[%swap3A_763, %swap3A_764] {strides = array<i32>} : memref<4x128xi32, #tpu.memory_space<vmem>>, vector<1x16xi32>,
    %swap3A_766 = vector.shape_cast %swap3A_765 : vector<1x16xi32> to vector<16xi32>
    %swap3A_767 = vector.shape_cast %add3A_761 : vector<16xi32> to vector<1x16xi32>
    tpu.vector_store %arg9[%swap3A_763, %swap3A_764], %swap3A_767 {strides = array<i32>} : memref<4x128xi32, #tpu.memory_space<vmem>>, vector<1x16xi32>,
    %get3A_768 = arith.constant 1 : i32
    %get3A_769 = arith.index_cast %get3A_768 : i32 to index
    %get3A_770 = arith.constant 112 : index
    %get3A_771 = tpu.vector_load %arg7[%get3A_769, %get3A_770] {strides = array<i32>} : memref<4x128xi32, #tpu.memory_space<vmem>>, vector<1x16xi32>,
    %get3A_772 = vector.shape_cast %get3A_771 : vector<1x16xi32> to vector<16xi32>
    %ge3A_773 = arith.constant 32768 : i32
    %ge3A_774 = vector.broadcast %ge3A_773 : i32 to vector<16xi32>
    %ge3A_775 = arith.cmpi sge, %get3A_772, %ge3A_774 : vector<16xi32>
    %select_n3A_776 = arith.select %ge3A_775, %broadcast_in_dim3A_5, %broadcast_in_dim3A_7 : vector<16xi1>, vector<16xi32>
    %ge3A_777 = arith.constant 65536 : i32
    %ge3A_778 = vector.broadcast %ge3A_777 : i32 to vector<16xi32>
    %ge3A_779 = arith.cmpi sge, %get3A_772, %ge3A_778 : vector<16xi32>
    %select_n3A_780 = arith.select %ge3A_779, %broadcast_in_dim3A_5, %broadcast_in_dim3A_7 : vector<16xi1>, vector<16xi32>
    %add3A_781 = arith.addi %select_n3A_776, %select_n3A_780 : vector<16xi32>
    %ge3A_782 = arith.constant 98304 : i32
    %ge3A_783 = vector.broadcast %ge3A_782 : i32 to vector<16xi32>
    %ge3A_784 = arith.cmpi sge, %get3A_772, %ge3A_783 : vector<16xi32>
    %select_n3A_785 = arith.select %ge3A_784, %broadcast_in_dim3A_5, %broadcast_in_dim3A_7 : vector<16xi1>, vector<16xi32>
    %add3A_786 = arith.addi %add3A_781, %select_n3A_785 : vector<16xi32>
    %ge3A_787 = arith.constant 57344 : i32
    %ge3A_788 = vector.broadcast %ge3A_787 : i32 to vector<16xi32>
    %ge3A_789 = arith.cmpi sge, %get3A_772, %ge3A_788 : vector<16xi32>
    %select_n3A_790 = arith.select %ge3A_789, %broadcast_in_dim3A_5, %broadcast_in_dim3A_7 : vector<16xi1>, vector<16xi32>
    %mul3A_791 = arith.constant 32768 : i32
    %mul3A_792 = vector.broadcast %mul3A_791 : i32 to vector<16xi32>
    %mul3A_793 = arith.muli %add3A_786, %mul3A_792 : vector<16xi32>
    %sub3A_794 = arith.subi %get3A_772, %mul3A_793 : vector<16xi32>
    %mul3A_795 = arith.constant 4 : i32
    %mul3A_796 = vector.broadcast %mul3A_795 : i32 to vector<16xi32>
    %mul3A_797 = arith.muli %sub3A_794, %mul3A_796 : vector<16xi32>
    %add3A_798 = arith.addi %mul3A_797, %add3A_786 : vector<16xi32>
    %swap3A_799 = arith.constant 1 : i32
    %swap3A_800 = arith.index_cast %swap3A_799 : i32 to index
    %swap3A_801 = arith.constant 112 : index
    %swap3A_802 = tpu.vector_load %arg8[%swap3A_800, %swap3A_801] {strides = array<i32>} : memref<4x128xi32, #tpu.memory_space<vmem>>, vector<1x16xi32>,
    %swap3A_803 = vector.shape_cast %swap3A_802 : vector<1x16xi32> to vector<16xi32>
    %swap3A_804 = vector.shape_cast %add3A_798 : vector<16xi32> to vector<1x16xi32>
    tpu.vector_store %arg8[%swap3A_800, %swap3A_801], %swap3A_804 {strides = array<i32>} : memref<4x128xi32, #tpu.memory_space<vmem>>, vector<1x16xi32>,
    %mul3A_805 = arith.constant 57344 : i32
    %mul3A_806 = vector.broadcast %mul3A_805 : i32 to vector<16xi32>
    %mul3A_807 = arith.muli %select_n3A_790, %mul3A_806 : vector<16xi32>
    %sub3A_808 = arith.subi %get3A_772, %mul3A_807 : vector<16xi32>
    %mul3A_809 = arith.constant 2 : i32
    %mul3A_810 = vector.broadcast %mul3A_809 : i32 to vector<16xi32>
    %mul3A_811 = arith.muli %sub3A_808, %mul3A_810 : vector<16xi32>
    %add3A_812 = arith.addi %mul3A_811, %select_n3A_790 : vector<16xi32>
    %swap3A_813 = arith.constant 1 : i32
    %swap3A_814 = arith.index_cast %swap3A_813 : i32 to index
    %swap3A_815 = arith.constant 112 : index
    %swap3A_816 = tpu.vector_load %arg9[%swap3A_814, %swap3A_815] {strides = array<i32>} : memref<4x128xi32, #tpu.memory_space<vmem>>, vector<1x16xi32>,
    %swap3A_817 = vector.shape_cast %swap3A_816 : vector<1x16xi32> to vector<16xi32>
    %swap3A_818 = vector.shape_cast %add3A_812 : vector<16xi32> to vector<1x16xi32>
    tpu.vector_store %arg9[%swap3A_814, %swap3A_815], %swap3A_818 {strides = array<i32>} : memref<4x128xi32, #tpu.memory_space<vmem>>, vector<1x16xi32>,
    %get3A_819 = arith.constant 2 : i32
    %get3A_820 = arith.index_cast %get3A_819 : i32 to index
    %get3A_821 = arith.constant 0 : index
    %get3A_822 = tpu.vector_load %arg7[%get3A_820, %get3A_821] {strides = array<i32>} : memref<4x128xi32, #tpu.memory_space<vmem>>, vector<1x16xi32>,
    %get3A_823 = vector.shape_cast %get3A_822 : vector<1x16xi32> to vector<16xi32>
    %ge3A_824 = arith.constant 32768 : i32
    %ge3A_825 = vector.broadcast %ge3A_824 : i32 to vector<16xi32>
    %ge3A_826 = arith.cmpi sge, %get3A_823, %ge3A_825 : vector<16xi32>
    %select_n3A_827 = arith.select %ge3A_826, %broadcast_in_dim3A_5, %broadcast_in_dim3A_7 : vector<16xi1>, vector<16xi32>
    %ge3A_828 = arith.constant 65536 : i32
    %ge3A_829 = vector.broadcast %ge3A_828 : i32 to vector<16xi32>
    %ge3A_830 = arith.cmpi sge, %get3A_823, %ge3A_829 : vector<16xi32>
    %select_n3A_831 = arith.select %ge3A_830, %broadcast_in_dim3A_5, %broadcast_in_dim3A_7 : vector<16xi1>, vector<16xi32>
    %add3A_832 = arith.addi %select_n3A_827, %select_n3A_831 : vector<16xi32>
    %ge3A_833 = arith.constant 98304 : i32
    %ge3A_834 = vector.broadcast %ge3A_833 : i32 to vector<16xi32>
    %ge3A_835 = arith.cmpi sge, %get3A_823, %ge3A_834 : vector<16xi32>
    %select_n3A_836 = arith.select %ge3A_835, %broadcast_in_dim3A_5, %broadcast_in_dim3A_7 : vector<16xi1>, vector<16xi32>
    %add3A_837 = arith.addi %add3A_832, %select_n3A_836 : vector<16xi32>
    %ge3A_838 = arith.constant 57344 : i32
    %ge3A_839 = vector.broadcast %ge3A_838 : i32 to vector<16xi32>
    %ge3A_840 = arith.cmpi sge, %get3A_823, %ge3A_839 : vector<16xi32>
    %select_n3A_841 = arith.select %ge3A_840, %broadcast_in_dim3A_5, %broadcast_in_dim3A_7 : vector<16xi1>, vector<16xi32>
    %mul3A_842 = arith.constant 32768 : i32
    %mul3A_843 = vector.broadcast %mul3A_842 : i32 to vector<16xi32>
    %mul3A_844 = arith.muli %add3A_837, %mul3A_843 : vector<16xi32>
    %sub3A_845 = arith.subi %get3A_823, %mul3A_844 : vector<16xi32>
    %mul3A_846 = arith.constant 4 : i32
    %mul3A_847 = vector.broadcast %mul3A_846 : i32 to vector<16xi32>
    %mul3A_848 = arith.muli %sub3A_845, %mul3A_847 : vector<16xi32>
    %add3A_849 = arith.addi %mul3A_848, %add3A_837 : vector<16xi32>
    %swap3A_850 = arith.constant 2 : i32
    %swap3A_851 = arith.index_cast %swap3A_850 : i32 to index
    %swap3A_852 = arith.constant 0 : index
    %swap3A_853 = tpu.vector_load %arg8[%swap3A_851, %swap3A_852] {strides = array<i32>} : memref<4x128xi32, #tpu.memory_space<vmem>>, vector<1x16xi32>,
    %swap3A_854 = vector.shape_cast %swap3A_853 : vector<1x16xi32> to vector<16xi32>
    %swap3A_855 = vector.shape_cast %add3A_849 : vector<16xi32> to vector<1x16xi32>
    tpu.vector_store %arg8[%swap3A_851, %swap3A_852], %swap3A_855 {strides = array<i32>} : memref<4x128xi32, #tpu.memory_space<vmem>>, vector<1x16xi32>,
    %mul3A_856 = arith.constant 57344 : i32
    %mul3A_857 = vector.broadcast %mul3A_856 : i32 to vector<16xi32>
    %mul3A_858 = arith.muli %select_n3A_841, %mul3A_857 : vector<16xi32>
    %sub3A_859 = arith.subi %get3A_823, %mul3A_858 : vector<16xi32>
    %mul3A_860 = arith.constant 2 : i32
    %mul3A_861 = vector.broadcast %mul3A_860 : i32 to vector<16xi32>
    %mul3A_862 = arith.muli %sub3A_859, %mul3A_861 : vector<16xi32>
    %add3A_863 = arith.addi %mul3A_862, %select_n3A_841 : vector<16xi32>
    %swap3A_864 = arith.constant 2 : i32
    %swap3A_865 = arith.index_cast %swap3A_864 : i32 to index
    %swap3A_866 = arith.constant 0 : index
    %swap3A_867 = tpu.vector_load %arg9[%swap3A_865, %swap3A_866] {strides = array<i32>} : memref<4x128xi32, #tpu.memory_space<vmem>>, vector<1x16xi32>,
    %swap3A_868 = vector.shape_cast %swap3A_867 : vector<1x16xi32> to vector<16xi32>
    %swap3A_869 = vector.shape_cast %add3A_863 : vector<16xi32> to vector<1x16xi32>
    tpu.vector_store %arg9[%swap3A_865, %swap3A_866], %swap3A_869 {strides = array<i32>} : memref<4x128xi32, #tpu.memory_space<vmem>>, vector<1x16xi32>,
    %get3A_870 = arith.constant 2 : i32
    %get3A_871 = arith.index_cast %get3A_870 : i32 to index
    %get3A_872 = arith.constant 16 : index
    %get3A_873 = tpu.vector_load %arg7[%get3A_871, %get3A_872] {strides = array<i32>} : memref<4x128xi32, #tpu.memory_space<vmem>>, vector<1x16xi32>,
    %get3A_874 = vector.shape_cast %get3A_873 : vector<1x16xi32> to vector<16xi32>
    %ge3A_875 = arith.constant 32768 : i32
    %ge3A_876 = vector.broadcast %ge3A_875 : i32 to vector<16xi32>
    %ge3A_877 = arith.cmpi sge, %get3A_874, %ge3A_876 : vector<16xi32>
    %select_n3A_878 = arith.select %ge3A_877, %broadcast_in_dim3A_5, %broadcast_in_dim3A_7 : vector<16xi1>, vector<16xi32>
    %ge3A_879 = arith.constant 65536 : i32
    %ge3A_880 = vector.broadcast %ge3A_879 : i32 to vector<16xi32>
    %ge3A_881 = arith.cmpi sge, %get3A_874, %ge3A_880 : vector<16xi32>
    %select_n3A_882 = arith.select %ge3A_881, %broadcast_in_dim3A_5, %broadcast_in_dim3A_7 : vector<16xi1>, vector<16xi32>
    %add3A_883 = arith.addi %select_n3A_878, %select_n3A_882 : vector<16xi32>
    %ge3A_884 = arith.constant 98304 : i32
    %ge3A_885 = vector.broadcast %ge3A_884 : i32 to vector<16xi32>
    %ge3A_886 = arith.cmpi sge, %get3A_874, %ge3A_885 : vector<16xi32>
    %select_n3A_887 = arith.select %ge3A_886, %broadcast_in_dim3A_5, %broadcast_in_dim3A_7 : vector<16xi1>, vector<16xi32>
    %add3A_888 = arith.addi %add3A_883, %select_n3A_887 : vector<16xi32>
    %ge3A_889 = arith.constant 57344 : i32
    %ge3A_890 = vector.broadcast %ge3A_889 : i32 to vector<16xi32>
    %ge3A_891 = arith.cmpi sge, %get3A_874, %ge3A_890 : vector<16xi32>
    %select_n3A_892 = arith.select %ge3A_891, %broadcast_in_dim3A_5, %broadcast_in_dim3A_7 : vector<16xi1>, vector<16xi32>
    %mul3A_893 = arith.constant 32768 : i32
    %mul3A_894 = vector.broadcast %mul3A_893 : i32 to vector<16xi32>
    %mul3A_895 = arith.muli %add3A_888, %mul3A_894 : vector<16xi32>
    %sub3A_896 = arith.subi %get3A_874, %mul3A_895 : vector<16xi32>
    %mul3A_897 = arith.constant 4 : i32
    %mul3A_898 = vector.broadcast %mul3A_897 : i32 to vector<16xi32>
    %mul3A_899 = arith.muli %sub3A_896, %mul3A_898 : vector<16xi32>
    %add3A_900 = arith.addi %mul3A_899, %add3A_888 : vector<16xi32>
    %swap3A_901 = arith.constant 2 : i32
    %swap3A_902 = arith.index_cast %swap3A_901 : i32 to index
    %swap3A_903 = arith.constant 16 : index
    %swap3A_904 = tpu.vector_load %arg8[%swap3A_902, %swap3A_903] {strides = array<i32>} : memref<4x128xi32, #tpu.memory_space<vmem>>, vector<1x16xi32>,
    %swap3A_905 = vector.shape_cast %swap3A_904 : vector<1x16xi32> to vector<16xi32>
    %swap3A_906 = vector.shape_cast %add3A_900 : vector<16xi32> to vector<1x16xi32>
    tpu.vector_store %arg8[%swap3A_902, %swap3A_903], %swap3A_906 {strides = array<i32>} : memref<4x128xi32, #tpu.memory_space<vmem>>, vector<1x16xi32>,
    %mul3A_907 = arith.constant 57344 : i32
    %mul3A_908 = vector.broadcast %mul3A_907 : i32 to vector<16xi32>
    %mul3A_909 = arith.muli %select_n3A_892, %mul3A_908 : vector<16xi32>
    %sub3A_910 = arith.subi %get3A_874, %mul3A_909 : vector<16xi32>
    %mul3A_911 = arith.constant 2 : i32
    %mul3A_912 = vector.broadcast %mul3A_911 : i32 to vector<16xi32>
    %mul3A_913 = arith.muli %sub3A_910, %mul3A_912 : vector<16xi32>
    %add3A_914 = arith.addi %mul3A_913, %select_n3A_892 : vector<16xi32>
    %swap3A_915 = arith.constant 2 : i32
    %swap3A_916 = arith.index_cast %swap3A_915 : i32 to index
    %swap3A_917 = arith.constant 16 : index
    %swap3A_918 = tpu.vector_load %arg9[%swap3A_916, %swap3A_917] {strides = array<i32>} : memref<4x128xi32, #tpu.memory_space<vmem>>, vector<1x16xi32>,
    %swap3A_919 = vector.shape_cast %swap3A_918 : vector<1x16xi32> to vector<16xi32>
    %swap3A_920 = vector.shape_cast %add3A_914 : vector<16xi32> to vector<1x16xi32>
    tpu.vector_store %arg9[%swap3A_916, %swap3A_917], %swap3A_920 {strides = array<i32>} : memref<4x128xi32, #tpu.memory_space<vmem>>, vector<1x16xi32>,
    %get3A_921 = arith.constant 2 : i32
    %get3A_922 = arith.index_cast %get3A_921 : i32 to index
    %get3A_923 = arith.constant 32 : index
    %get3A_924 = tpu.vector_load %arg7[%get3A_922, %get3A_923] {strides = array<i32>} : memref<4x128xi32, #tpu.memory_space<vmem>>, vector<1x16xi32>,
    %get3A_925 = vector.shape_cast %get3A_924 : vector<1x16xi32> to vector<16xi32>
    %ge3A_926 = arith.constant 32768 : i32
    %ge3A_927 = vector.broadcast %ge3A_926 : i32 to vector<16xi32>
    %ge3A_928 = arith.cmpi sge, %get3A_925, %ge3A_927 : vector<16xi32>
    %select_n3A_929 = arith.select %ge3A_928, %broadcast_in_dim3A_5, %broadcast_in_dim3A_7 : vector<16xi1>, vector<16xi32>
    %ge3A_930 = arith.constant 65536 : i32
    %ge3A_931 = vector.broadcast %ge3A_930 : i32 to vector<16xi32>
    %ge3A_932 = arith.cmpi sge, %get3A_925, %ge3A_931 : vector<16xi32>
    %select_n3A_933 = arith.select %ge3A_932, %broadcast_in_dim3A_5, %broadcast_in_dim3A_7 : vector<16xi1>, vector<16xi32>
    %add3A_934 = arith.addi %select_n3A_929, %select_n3A_933 : vector<16xi32>
    %ge3A_935 = arith.constant 98304 : i32
    %ge3A_936 = vector.broadcast %ge3A_935 : i32 to vector<16xi32>
    %ge3A_937 = arith.cmpi sge, %get3A_925, %ge3A_936 : vector<16xi32>
    %select_n3A_938 = arith.select %ge3A_937, %broadcast_in_dim3A_5, %broadcast_in_dim3A_7 : vector<16xi1>, vector<16xi32>
    %add3A_939 = arith.addi %add3A_934, %select_n3A_938 : vector<16xi32>
    %ge3A_940 = arith.constant 57344 : i32
    %ge3A_941 = vector.broadcast %ge3A_940 : i32 to vector<16xi32>
    %ge3A_942 = arith.cmpi sge, %get3A_925, %ge3A_941 : vector<16xi32>
    %select_n3A_943 = arith.select %ge3A_942, %broadcast_in_dim3A_5, %broadcast_in_dim3A_7 : vector<16xi1>, vector<16xi32>
    %mul3A_944 = arith.constant 32768 : i32
    %mul3A_945 = vector.broadcast %mul3A_944 : i32 to vector<16xi32>
    %mul3A_946 = arith.muli %add3A_939, %mul3A_945 : vector<16xi32>
    %sub3A_947 = arith.subi %get3A_925, %mul3A_946 : vector<16xi32>
    %mul3A_948 = arith.constant 4 : i32
    %mul3A_949 = vector.broadcast %mul3A_948 : i32 to vector<16xi32>
    %mul3A_950 = arith.muli %sub3A_947, %mul3A_949 : vector<16xi32>
    %add3A_951 = arith.addi %mul3A_950, %add3A_939 : vector<16xi32>
    %swap3A_952 = arith.constant 2 : i32
    %swap3A_953 = arith.index_cast %swap3A_952 : i32 to index
    %swap3A_954 = arith.constant 32 : index
    %swap3A_955 = tpu.vector_load %arg8[%swap3A_953, %swap3A_954] {strides = array<i32>} : memref<4x128xi32, #tpu.memory_space<vmem>>, vector<1x16xi32>,
    %swap3A_956 = vector.shape_cast %swap3A_955 : vector<1x16xi32> to vector<16xi32>
    %swap3A_957 = vector.shape_cast %add3A_951 : vector<16xi32> to vector<1x16xi32>
    tpu.vector_store %arg8[%swap3A_953, %swap3A_954], %swap3A_957 {strides = array<i32>} : memref<4x128xi32, #tpu.memory_space<vmem>>, vector<1x16xi32>,
    %mul3A_958 = arith.constant 57344 : i32
    %mul3A_959 = vector.broadcast %mul3A_958 : i32 to vector<16xi32>
    %mul3A_960 = arith.muli %select_n3A_943, %mul3A_959 : vector<16xi32>
    %sub3A_961 = arith.subi %get3A_925, %mul3A_960 : vector<16xi32>
    %mul3A_962 = arith.constant 2 : i32
    %mul3A_963 = vector.broadcast %mul3A_962 : i32 to vector<16xi32>
    %mul3A_964 = arith.muli %sub3A_961, %mul3A_963 : vector<16xi32>
    %add3A_965 = arith.addi %mul3A_964, %select_n3A_943 : vector<16xi32>
    %swap3A_966 = arith.constant 2 : i32
    %swap3A_967 = arith.index_cast %swap3A_966 : i32 to index
    %swap3A_968 = arith.constant 32 : index
    %swap3A_969 = tpu.vector_load %arg9[%swap3A_967, %swap3A_968] {strides = array<i32>} : memref<4x128xi32, #tpu.memory_space<vmem>>, vector<1x16xi32>,
    %swap3A_970 = vector.shape_cast %swap3A_969 : vector<1x16xi32> to vector<16xi32>
    %swap3A_971 = vector.shape_cast %add3A_965 : vector<16xi32> to vector<1x16xi32>
    tpu.vector_store %arg9[%swap3A_967, %swap3A_968], %swap3A_971 {strides = array<i32>} : memref<4x128xi32, #tpu.memory_space<vmem>>, vector<1x16xi32>,
    %get3A_972 = arith.constant 2 : i32
    %get3A_973 = arith.index_cast %get3A_972 : i32 to index
    %get3A_974 = arith.constant 48 : index
    %get3A_975 = tpu.vector_load %arg7[%get3A_973, %get3A_974] {strides = array<i32>} : memref<4x128xi32, #tpu.memory_space<vmem>>, vector<1x16xi32>,
    %get3A_976 = vector.shape_cast %get3A_975 : vector<1x16xi32> to vector<16xi32>
    %ge3A_977 = arith.constant 32768 : i32
    %ge3A_978 = vector.broadcast %ge3A_977 : i32 to vector<16xi32>
    %ge3A_979 = arith.cmpi sge, %get3A_976, %ge3A_978 : vector<16xi32>
    %select_n3A_980 = arith.select %ge3A_979, %broadcast_in_dim3A_5, %broadcast_in_dim3A_7 : vector<16xi1>, vector<16xi32>
    %ge3A_981 = arith.constant 65536 : i32
    %ge3A_982 = vector.broadcast %ge3A_981 : i32 to vector<16xi32>
    %ge3A_983 = arith.cmpi sge, %get3A_976, %ge3A_982 : vector<16xi32>
    %select_n3A_984 = arith.select %ge3A_983, %broadcast_in_dim3A_5, %broadcast_in_dim3A_7 : vector<16xi1>, vector<16xi32>
    %add3A_985 = arith.addi %select_n3A_980, %select_n3A_984 : vector<16xi32>
    %ge3A_986 = arith.constant 98304 : i32
    %ge3A_987 = vector.broadcast %ge3A_986 : i32 to vector<16xi32>
    %ge3A_988 = arith.cmpi sge, %get3A_976, %ge3A_987 : vector<16xi32>
    %select_n3A_989 = arith.select %ge3A_988, %broadcast_in_dim3A_5, %broadcast_in_dim3A_7 : vector<16xi1>, vector<16xi32>
    %add3A_990 = arith.addi %add3A_985, %select_n3A_989 : vector<16xi32>
    %ge3A_991 = arith.constant 57344 : i32
    %ge3A_992 = vector.broadcast %ge3A_991 : i32 to vector<16xi32>
    %ge3A_993 = arith.cmpi sge, %get3A_976, %ge3A_992 : vector<16xi32>
    %select_n3A_994 = arith.select %ge3A_993, %broadcast_in_dim3A_5, %broadcast_in_dim3A_7 : vector<16xi1>, vector<16xi32>
    %mul3A_995 = arith.constant 32768 : i32
    %mul3A_996 = vector.broadcast %mul3A_995 : i32 to vector<16xi32>
    %mul3A_997 = arith.muli %add3A_990, %mul3A_996 : vector<16xi32>
    %sub3A_998 = arith.subi %get3A_976, %mul3A_997 : vector<16xi32>
    %mul3A_999 = arith.constant 4 : i32
    %mul3A_1000 = vector.broadcast %mul3A_999 : i32 to vector<16xi32>
    %mul3A_1001 = arith.muli %sub3A_998, %mul3A_1000 : vector<16xi32>
    %add3A_1002 = arith.addi %mul3A_1001, %add3A_990 : vector<16xi32>
    %swap3A_1003 = arith.constant 2 : i32
    %swap3A_1004 = arith.index_cast %swap3A_1003 : i32 to index
    %swap3A_1005 = arith.constant 48 : index
    %swap3A_1006 = tpu.vector_load %arg8[%swap3A_1004, %swap3A_1005] {strides = array<i32>} : memref<4x128xi32, #tpu.memory_space<vmem>>, vector<1x16xi32>,
    %swap3A_1007 = vector.shape_cast %swap3A_1006 : vector<1x16xi32> to vector<16xi32>
    %swap3A_1008 = vector.shape_cast %add3A_1002 : vector<16xi32> to vector<1x16xi32>
    tpu.vector_store %arg8[%swap3A_1004, %swap3A_1005], %swap3A_1008 {strides = array<i32>} : memref<4x128xi32, #tpu.memory_space<vmem>>, vector<1x16xi32>,
    %mul3A_1009 = arith.constant 57344 : i32
    %mul3A_1010 = vector.broadcast %mul3A_1009 : i32 to vector<16xi32>
    %mul3A_1011 = arith.muli %select_n3A_994, %mul3A_1010 : vector<16xi32>
    %sub3A_1012 = arith.subi %get3A_976, %mul3A_1011 : vector<16xi32>
    %mul3A_1013 = arith.constant 2 : i32
    %mul3A_1014 = vector.broadcast %mul3A_1013 : i32 to vector<16xi32>
    %mul3A_1015 = arith.muli %sub3A_1012, %mul3A_1014 : vector<16xi32>
    %add3A_1016 = arith.addi %mul3A_1015, %select_n3A_994 : vector<16xi32>
    %swap3A_1017 = arith.constant 2 : i32
    %swap3A_1018 = arith.index_cast %swap3A_1017 : i32 to index
    %swap3A_1019 = arith.constant 48 : index
    %swap3A_1020 = tpu.vector_load %arg9[%swap3A_1018, %swap3A_1019] {strides = array<i32>} : memref<4x128xi32, #tpu.memory_space<vmem>>, vector<1x16xi32>,
    %swap3A_1021 = vector.shape_cast %swap3A_1020 : vector<1x16xi32> to vector<16xi32>
    %swap3A_1022 = vector.shape_cast %add3A_1016 : vector<16xi32> to vector<1x16xi32>
    tpu.vector_store %arg9[%swap3A_1018, %swap3A_1019], %swap3A_1022 {strides = array<i32>} : memref<4x128xi32, #tpu.memory_space<vmem>>, vector<1x16xi32>,
    %get3A_1023 = arith.constant 2 : i32
    %get3A_1024 = arith.index_cast %get3A_1023 : i32 to index
    %get3A_1025 = arith.constant 64 : index
    %get3A_1026 = tpu.vector_load %arg7[%get3A_1024, %get3A_1025] {strides = array<i32>} : memref<4x128xi32, #tpu.memory_space<vmem>>, vector<1x16xi32>,
    %get3A_1027 = vector.shape_cast %get3A_1026 : vector<1x16xi32> to vector<16xi32>
    %ge3A_1028 = arith.constant 32768 : i32
    %ge3A_1029 = vector.broadcast %ge3A_1028 : i32 to vector<16xi32>
    %ge3A_1030 = arith.cmpi sge, %get3A_1027, %ge3A_1029 : vector<16xi32>
    %select_n3A_1031 = arith.select %ge3A_1030, %broadcast_in_dim3A_5, %broadcast_in_dim3A_7 : vector<16xi1>, vector<16xi32>
    %ge3A_1032 = arith.constant 65536 : i32
    %ge3A_1033 = vector.broadcast %ge3A_1032 : i32 to vector<16xi32>
    %ge3A_1034 = arith.cmpi sge, %get3A_1027, %ge3A_1033 : vector<16xi32>
    %select_n3A_1035 = arith.select %ge3A_1034, %broadcast_in_dim3A_5, %broadcast_in_dim3A_7 : vector<16xi1>, vector<16xi32>
    %add3A_1036 = arith.addi %select_n3A_1031, %select_n3A_1035 : vector<16xi32>
    %ge3A_1037 = arith.constant 98304 : i32
    %ge3A_1038 = vector.broadcast %ge3A_1037 : i32 to vector<16xi32>
    %ge3A_1039 = arith.cmpi sge, %get3A_1027, %ge3A_1038 : vector<16xi32>
    %select_n3A_1040 = arith.select %ge3A_1039, %broadcast_in_dim3A_5, %broadcast_in_dim3A_7 : vector<16xi1>, vector<16xi32>
    %add3A_1041 = arith.addi %add3A_1036, %select_n3A_1040 : vector<16xi32>
    %ge3A_1042 = arith.constant 57344 : i32
    %ge3A_1043 = vector.broadcast %ge3A_1042 : i32 to vector<16xi32>
    %ge3A_1044 = arith.cmpi sge, %get3A_1027, %ge3A_1043 : vector<16xi32>
    %select_n3A_1045 = arith.select %ge3A_1044, %broadcast_in_dim3A_5, %broadcast_in_dim3A_7 : vector<16xi1>, vector<16xi32>
    %mul3A_1046 = arith.constant 32768 : i32
    %mul3A_1047 = vector.broadcast %mul3A_1046 : i32 to vector<16xi32>
    %mul3A_1048 = arith.muli %add3A_1041, %mul3A_1047 : vector<16xi32>
    %sub3A_1049 = arith.subi %get3A_1027, %mul3A_1048 : vector<16xi32>
    %mul3A_1050 = arith.constant 4 : i32
    %mul3A_1051 = vector.broadcast %mul3A_1050 : i32 to vector<16xi32>
    %mul3A_1052 = arith.muli %sub3A_1049, %mul3A_1051 : vector<16xi32>
    %add3A_1053 = arith.addi %mul3A_1052, %add3A_1041 : vector<16xi32>
    %swap3A_1054 = arith.constant 2 : i32
    %swap3A_1055 = arith.index_cast %swap3A_1054 : i32 to index
    %swap3A_1056 = arith.constant 64 : index
    %swap3A_1057 = tpu.vector_load %arg8[%swap3A_1055, %swap3A_1056] {strides = array<i32>} : memref<4x128xi32, #tpu.memory_space<vmem>>, vector<1x16xi32>,
    %swap3A_1058 = vector.shape_cast %swap3A_1057 : vector<1x16xi32> to vector<16xi32>
    %swap3A_1059 = vector.shape_cast %add3A_1053 : vector<16xi32> to vector<1x16xi32>
    tpu.vector_store %arg8[%swap3A_1055, %swap3A_1056], %swap3A_1059 {strides = array<i32>} : memref<4x128xi32, #tpu.memory_space<vmem>>, vector<1x16xi32>,
    %mul3A_1060 = arith.constant 57344 : i32
    %mul3A_1061 = vector.broadcast %mul3A_1060 : i32 to vector<16xi32>
    %mul3A_1062 = arith.muli %select_n3A_1045, %mul3A_1061 : vector<16xi32>
    %sub3A_1063 = arith.subi %get3A_1027, %mul3A_1062 : vector<16xi32>
    %mul3A_1064 = arith.constant 2 : i32
    %mul3A_1065 = vector.broadcast %mul3A_1064 : i32 to vector<16xi32>
    %mul3A_1066 = arith.muli %sub3A_1063, %mul3A_1065 : vector<16xi32>
    %add3A_1067 = arith.addi %mul3A_1066, %select_n3A_1045 : vector<16xi32>
    %swap3A_1068 = arith.constant 2 : i32
    %swap3A_1069 = arith.index_cast %swap3A_1068 : i32 to index
    %swap3A_1070 = arith.constant 64 : index
    %swap3A_1071 = tpu.vector_load %arg9[%swap3A_1069, %swap3A_1070] {strides = array<i32>} : memref<4x128xi32, #tpu.memory_space<vmem>>, vector<1x16xi32>,
    %swap3A_1072 = vector.shape_cast %swap3A_1071 : vector<1x16xi32> to vector<16xi32>
    %swap3A_1073 = vector.shape_cast %add3A_1067 : vector<16xi32> to vector<1x16xi32>
    tpu.vector_store %arg9[%swap3A_1069, %swap3A_1070], %swap3A_1073 {strides = array<i32>} : memref<4x128xi32, #tpu.memory_space<vmem>>, vector<1x16xi32>,
    %get3A_1074 = arith.constant 2 : i32
    %get3A_1075 = arith.index_cast %get3A_1074 : i32 to index
    %get3A_1076 = arith.constant 80 : index
    %get3A_1077 = tpu.vector_load %arg7[%get3A_1075, %get3A_1076] {strides = array<i32>} : memref<4x128xi32, #tpu.memory_space<vmem>>, vector<1x16xi32>,
    %get3A_1078 = vector.shape_cast %get3A_1077 : vector<1x16xi32> to vector<16xi32>
    %ge3A_1079 = arith.constant 32768 : i32
    %ge3A_1080 = vector.broadcast %ge3A_1079 : i32 to vector<16xi32>
    %ge3A_1081 = arith.cmpi sge, %get3A_1078, %ge3A_1080 : vector<16xi32>
    %select_n3A_1082 = arith.select %ge3A_1081, %broadcast_in_dim3A_5, %broadcast_in_dim3A_7 : vector<16xi1>, vector<16xi32>
    %ge3A_1083 = arith.constant 65536 : i32
    %ge3A_1084 = vector.broadcast %ge3A_1083 : i32 to vector<16xi32>
    %ge3A_1085 = arith.cmpi sge, %get3A_1078, %ge3A_1084 : vector<16xi32>
    %select_n3A_1086 = arith.select %ge3A_1085, %broadcast_in_dim3A_5, %broadcast_in_dim3A_7 : vector<16xi1>, vector<16xi32>
    %add3A_1087 = arith.addi %select_n3A_1082, %select_n3A_1086 : vector<16xi32>
    %ge3A_1088 = arith.constant 98304 : i32
    %ge3A_1089 = vector.broadcast %ge3A_1088 : i32 to vector<16xi32>
    %ge3A_1090 = arith.cmpi sge, %get3A_1078, %ge3A_1089 : vector<16xi32>
    %select_n3A_1091 = arith.select %ge3A_1090, %broadcast_in_dim3A_5, %broadcast_in_dim3A_7 : vector<16xi1>, vector<16xi32>
    %add3A_1092 = arith.addi %add3A_1087, %select_n3A_1091 : vector<16xi32>
    %ge3A_1093 = arith.constant 57344 : i32
    %ge3A_1094 = vector.broadcast %ge3A_1093 : i32 to vector<16xi32>
    %ge3A_1095 = arith.cmpi sge, %get3A_1078, %ge3A_1094 : vector<16xi32>
    %select_n3A_1096 = arith.select %ge3A_1095, %broadcast_in_dim3A_5, %broadcast_in_dim3A_7 : vector<16xi1>, vector<16xi32>
    %mul3A_1097 = arith.constant 32768 : i32
    %mul3A_1098 = vector.broadcast %mul3A_1097 : i32 to vector<16xi32>
    %mul3A_1099 = arith.muli %add3A_1092, %mul3A_1098 : vector<16xi32>
    %sub3A_1100 = arith.subi %get3A_1078, %mul3A_1099 : vector<16xi32>
    %mul3A_1101 = arith.constant 4 : i32
    %mul3A_1102 = vector.broadcast %mul3A_1101 : i32 to vector<16xi32>
    %mul3A_1103 = arith.muli %sub3A_1100, %mul3A_1102 : vector<16xi32>
    %add3A_1104 = arith.addi %mul3A_1103, %add3A_1092 : vector<16xi32>
    %swap3A_1105 = arith.constant 2 : i32
    %swap3A_1106 = arith.index_cast %swap3A_1105 : i32 to index
    %swap3A_1107 = arith.constant 80 : index
    %swap3A_1108 = tpu.vector_load %arg8[%swap3A_1106, %swap3A_1107] {strides = array<i32>} : memref<4x128xi32, #tpu.memory_space<vmem>>, vector<1x16xi32>,
    %swap3A_1109 = vector.shape_cast %swap3A_1108 : vector<1x16xi32> to vector<16xi32>
    %swap3A_1110 = vector.shape_cast %add3A_1104 : vector<16xi32> to vector<1x16xi32>
    tpu.vector_store %arg8[%swap3A_1106, %swap3A_1107], %swap3A_1110 {strides = array<i32>} : memref<4x128xi32, #tpu.memory_space<vmem>>, vector<1x16xi32>,
    %mul3A_1111 = arith.constant 57344 : i32
    %mul3A_1112 = vector.broadcast %mul3A_1111 : i32 to vector<16xi32>
    %mul3A_1113 = arith.muli %select_n3A_1096, %mul3A_1112 : vector<16xi32>
    %sub3A_1114 = arith.subi %get3A_1078, %mul3A_1113 : vector<16xi32>
    %mul3A_1115 = arith.constant 2 : i32
    %mul3A_1116 = vector.broadcast %mul3A_1115 : i32 to vector<16xi32>
    %mul3A_1117 = arith.muli %sub3A_1114, %mul3A_1116 : vector<16xi32>
    %add3A_1118 = arith.addi %mul3A_1117, %select_n3A_1096 : vector<16xi32>
    %swap3A_1119 = arith.constant 2 : i32
    %swap3A_1120 = arith.index_cast %swap3A_1119 : i32 to index
    %swap3A_1121 = arith.constant 80 : index
    %swap3A_1122 = tpu.vector_load %arg9[%swap3A_1120, %swap3A_1121] {strides = array<i32>} : memref<4x128xi32, #tpu.memory_space<vmem>>, vector<1x16xi32>,
    %swap3A_1123 = vector.shape_cast %swap3A_1122 : vector<1x16xi32> to vector<16xi32>
    %swap3A_1124 = vector.shape_cast %add3A_1118 : vector<16xi32> to vector<1x16xi32>
    tpu.vector_store %arg9[%swap3A_1120, %swap3A_1121], %swap3A_1124 {strides = array<i32>} : memref<4x128xi32, #tpu.memory_space<vmem>>, vector<1x16xi32>,
    %get3A_1125 = arith.constant 2 : i32
    %get3A_1126 = arith.index_cast %get3A_1125 : i32 to index
    %get3A_1127 = arith.constant 96 : index
    %get3A_1128 = tpu.vector_load %arg7[%get3A_1126, %get3A_1127] {strides = array<i32>} : memref<4x128xi32, #tpu.memory_space<vmem>>, vector<1x16xi32>,
    %get3A_1129 = vector.shape_cast %get3A_1128 : vector<1x16xi32> to vector<16xi32>
    %ge3A_1130 = arith.constant 32768 : i32
    %ge3A_1131 = vector.broadcast %ge3A_1130 : i32 to vector<16xi32>
    %ge3A_1132 = arith.cmpi sge, %get3A_1129, %ge3A_1131 : vector<16xi32>
    %select_n3A_1133 = arith.select %ge3A_1132, %broadcast_in_dim3A_5, %broadcast_in_dim3A_7 : vector<16xi1>, vector<16xi32>
    %ge3A_1134 = arith.constant 65536 : i32
    %ge3A_1135 = vector.broadcast %ge3A_1134 : i32 to vector<16xi32>
    %ge3A_1136 = arith.cmpi sge, %get3A_1129, %ge3A_1135 : vector<16xi32>
    %select_n3A_1137 = arith.select %ge3A_1136, %broadcast_in_dim3A_5, %broadcast_in_dim3A_7 : vector<16xi1>, vector<16xi32>
    %add3A_1138 = arith.addi %select_n3A_1133, %select_n3A_1137 : vector<16xi32>
    %ge3A_1139 = arith.constant 98304 : i32
    %ge3A_1140 = vector.broadcast %ge3A_1139 : i32 to vector<16xi32>
    %ge3A_1141 = arith.cmpi sge, %get3A_1129, %ge3A_1140 : vector<16xi32>
    %select_n3A_1142 = arith.select %ge3A_1141, %broadcast_in_dim3A_5, %broadcast_in_dim3A_7 : vector<16xi1>, vector<16xi32>
    %add3A_1143 = arith.addi %add3A_1138, %select_n3A_1142 : vector<16xi32>
    %ge3A_1144 = arith.constant 57344 : i32
    %ge3A_1145 = vector.broadcast %ge3A_1144 : i32 to vector<16xi32>
    %ge3A_1146 = arith.cmpi sge, %get3A_1129, %ge3A_1145 : vector<16xi32>
    %select_n3A_1147 = arith.select %ge3A_1146, %broadcast_in_dim3A_5, %broadcast_in_dim3A_7 : vector<16xi1>, vector<16xi32>
    %mul3A_1148 = arith.constant 32768 : i32
    %mul3A_1149 = vector.broadcast %mul3A_1148 : i32 to vector<16xi32>
    %mul3A_1150 = arith.muli %add3A_1143, %mul3A_1149 : vector<16xi32>
    %sub3A_1151 = arith.subi %get3A_1129, %mul3A_1150 : vector<16xi32>
    %mul3A_1152 = arith.constant 4 : i32
    %mul3A_1153 = vector.broadcast %mul3A_1152 : i32 to vector<16xi32>
    %mul3A_1154 = arith.muli %sub3A_1151, %mul3A_1153 : vector<16xi32>
    %add3A_1155 = arith.addi %mul3A_1154, %add3A_1143 : vector<16xi32>
    %swap3A_1156 = arith.constant 2 : i32
    %swap3A_1157 = arith.index_cast %swap3A_1156 : i32 to index
    %swap3A_1158 = arith.constant 96 : index
    %swap3A_1159 = tpu.vector_load %arg8[%swap3A_1157, %swap3A_1158] {strides = array<i32>} : memref<4x128xi32, #tpu.memory_space<vmem>>, vector<1x16xi32>,
    %swap3A_1160 = vector.shape_cast %swap3A_1159 : vector<1x16xi32> to vector<16xi32>
    %swap3A_1161 = vector.shape_cast %add3A_1155 : vector<16xi32> to vector<1x16xi32>
    tpu.vector_store %arg8[%swap3A_1157, %swap3A_1158], %swap3A_1161 {strides = array<i32>} : memref<4x128xi32, #tpu.memory_space<vmem>>, vector<1x16xi32>,
    %mul3A_1162 = arith.constant 57344 : i32
    %mul3A_1163 = vector.broadcast %mul3A_1162 : i32 to vector<16xi32>
    %mul3A_1164 = arith.muli %select_n3A_1147, %mul3A_1163 : vector<16xi32>
    %sub3A_1165 = arith.subi %get3A_1129, %mul3A_1164 : vector<16xi32>
    %mul3A_1166 = arith.constant 2 : i32
    %mul3A_1167 = vector.broadcast %mul3A_1166 : i32 to vector<16xi32>
    %mul3A_1168 = arith.muli %sub3A_1165, %mul3A_1167 : vector<16xi32>
    %add3A_1169 = arith.addi %mul3A_1168, %select_n3A_1147 : vector<16xi32>
    %swap3A_1170 = arith.constant 2 : i32
    %swap3A_1171 = arith.index_cast %swap3A_1170 : i32 to index
    %swap3A_1172 = arith.constant 96 : index
    %swap3A_1173 = tpu.vector_load %arg9[%swap3A_1171, %swap3A_1172] {strides = array<i32>} : memref<4x128xi32, #tpu.memory_space<vmem>>, vector<1x16xi32>,
    %swap3A_1174 = vector.shape_cast %swap3A_1173 : vector<1x16xi32> to vector<16xi32>
    %swap3A_1175 = vector.shape_cast %add3A_1169 : vector<16xi32> to vector<1x16xi32>
    tpu.vector_store %arg9[%swap3A_1171, %swap3A_1172], %swap3A_1175 {strides = array<i32>} : memref<4x128xi32, #tpu.memory_space<vmem>>, vector<1x16xi32>,
    %get3A_1176 = arith.constant 2 : i32
    %get3A_1177 = arith.index_cast %get3A_1176 : i32 to index
    %get3A_1178 = arith.constant 112 : index
    %get3A_1179 = tpu.vector_load %arg7[%get3A_1177, %get3A_1178] {strides = array<i32>} : memref<4x128xi32, #tpu.memory_space<vmem>>, vector<1x16xi32>,
    %get3A_1180 = vector.shape_cast %get3A_1179 : vector<1x16xi32> to vector<16xi32>
    %ge3A_1181 = arith.constant 32768 : i32
    %ge3A_1182 = vector.broadcast %ge3A_1181 : i32 to vector<16xi32>
    %ge3A_1183 = arith.cmpi sge, %get3A_1180, %ge3A_1182 : vector<16xi32>
    %select_n3A_1184 = arith.select %ge3A_1183, %broadcast_in_dim3A_5, %broadcast_in_dim3A_7 : vector<16xi1>, vector<16xi32>
    %ge3A_1185 = arith.constant 65536 : i32
    %ge3A_1186 = vector.broadcast %ge3A_1185 : i32 to vector<16xi32>
    %ge3A_1187 = arith.cmpi sge, %get3A_1180, %ge3A_1186 : vector<16xi32>
    %select_n3A_1188 = arith.select %ge3A_1187, %broadcast_in_dim3A_5, %broadcast_in_dim3A_7 : vector<16xi1>, vector<16xi32>
    %add3A_1189 = arith.addi %select_n3A_1184, %select_n3A_1188 : vector<16xi32>
    %ge3A_1190 = arith.constant 98304 : i32
    %ge3A_1191 = vector.broadcast %ge3A_1190 : i32 to vector<16xi32>
    %ge3A_1192 = arith.cmpi sge, %get3A_1180, %ge3A_1191 : vector<16xi32>
    %select_n3A_1193 = arith.select %ge3A_1192, %broadcast_in_dim3A_5, %broadcast_in_dim3A_7 : vector<16xi1>, vector<16xi32>
    %add3A_1194 = arith.addi %add3A_1189, %select_n3A_1193 : vector<16xi32>
    %ge3A_1195 = arith.constant 57344 : i32
    %ge3A_1196 = vector.broadcast %ge3A_1195 : i32 to vector<16xi32>
    %ge3A_1197 = arith.cmpi sge, %get3A_1180, %ge3A_1196 : vector<16xi32>
    %select_n3A_1198 = arith.select %ge3A_1197, %broadcast_in_dim3A_5, %broadcast_in_dim3A_7 : vector<16xi1>, vector<16xi32>
    %mul3A_1199 = arith.constant 32768 : i32
    %mul3A_1200 = vector.broadcast %mul3A_1199 : i32 to vector<16xi32>
    %mul3A_1201 = arith.muli %add3A_1194, %mul3A_1200 : vector<16xi32>
    %sub3A_1202 = arith.subi %get3A_1180, %mul3A_1201 : vector<16xi32>
    %mul3A_1203 = arith.constant 4 : i32
    %mul3A_1204 = vector.broadcast %mul3A_1203 : i32 to vector<16xi32>
    %mul3A_1205 = arith.muli %sub3A_1202, %mul3A_1204 : vector<16xi32>
    %add3A_1206 = arith.addi %mul3A_1205, %add3A_1194 : vector<16xi32>
    %swap3A_1207 = arith.constant 2 : i32
    %swap3A_1208 = arith.index_cast %swap3A_1207 : i32 to index
    %swap3A_1209 = arith.constant 112 : index
    %swap3A_1210 = tpu.vector_load %arg8[%swap3A_1208, %swap3A_1209] {strides = array<i32>} : memref<4x128xi32, #tpu.memory_space<vmem>>, vector<1x16xi32>,
    %swap3A_1211 = vector.shape_cast %swap3A_1210 : vector<1x16xi32> to vector<16xi32>
    %swap3A_1212 = vector.shape_cast %add3A_1206 : vector<16xi32> to vector<1x16xi32>
    tpu.vector_store %arg8[%swap3A_1208, %swap3A_1209], %swap3A_1212 {strides = array<i32>} : memref<4x128xi32, #tpu.memory_space<vmem>>, vector<1x16xi32>,
    %mul3A_1213 = arith.constant 57344 : i32
    %mul3A_1214 = vector.broadcast %mul3A_1213 : i32 to vector<16xi32>
    %mul3A_1215 = arith.muli %select_n3A_1198, %mul3A_1214 : vector<16xi32>
    %sub3A_1216 = arith.subi %get3A_1180, %mul3A_1215 : vector<16xi32>
    %mul3A_1217 = arith.constant 2 : i32
    %mul3A_1218 = vector.broadcast %mul3A_1217 : i32 to vector<16xi32>
    %mul3A_1219 = arith.muli %sub3A_1216, %mul3A_1218 : vector<16xi32>
    %add3A_1220 = arith.addi %mul3A_1219, %select_n3A_1198 : vector<16xi32>
    %swap3A_1221 = arith.constant 2 : i32
    %swap3A_1222 = arith.index_cast %swap3A_1221 : i32 to index
    %swap3A_1223 = arith.constant 112 : index
    %swap3A_1224 = tpu.vector_load %arg9[%swap3A_1222, %swap3A_1223] {strides = array<i32>} : memref<4x128xi32, #tpu.memory_space<vmem>>, vector<1x16xi32>,
    %swap3A_1225 = vector.shape_cast %swap3A_1224 : vector<1x16xi32> to vector<16xi32>
    %swap3A_1226 = vector.shape_cast %add3A_1220 : vector<16xi32> to vector<1x16xi32>
    tpu.vector_store %arg9[%swap3A_1222, %swap3A_1223], %swap3A_1226 {strides = array<i32>} : memref<4x128xi32, #tpu.memory_space<vmem>>, vector<1x16xi32>,
    %get3A_1227 = arith.constant 3 : i32
    %get3A_1228 = arith.index_cast %get3A_1227 : i32 to index
    %get3A_1229 = arith.constant 0 : index
    %get3A_1230 = tpu.vector_load %arg7[%get3A_1228, %get3A_1229] {strides = array<i32>} : memref<4x128xi32, #tpu.memory_space<vmem>>, vector<1x16xi32>,
    %get3A_1231 = vector.shape_cast %get3A_1230 : vector<1x16xi32> to vector<16xi32>
    %ge3A_1232 = arith.constant 32768 : i32
    %ge3A_1233 = vector.broadcast %ge3A_1232 : i32 to vector<16xi32>
    %ge3A_1234 = arith.cmpi sge, %get3A_1231, %ge3A_1233 : vector<16xi32>
    %select_n3A_1235 = arith.select %ge3A_1234, %broadcast_in_dim3A_5, %broadcast_in_dim3A_7 : vector<16xi1>, vector<16xi32>
    %ge3A_1236 = arith.constant 65536 : i32
    %ge3A_1237 = vector.broadcast %ge3A_1236 : i32 to vector<16xi32>
    %ge3A_1238 = arith.cmpi sge, %get3A_1231, %ge3A_1237 : vector<16xi32>
    %select_n3A_1239 = arith.select %ge3A_1238, %broadcast_in_dim3A_5, %broadcast_in_dim3A_7 : vector<16xi1>, vector<16xi32>
    %add3A_1240 = arith.addi %select_n3A_1235, %select_n3A_1239 : vector<16xi32>
    %ge3A_1241 = arith.constant 98304 : i32
    %ge3A_1242 = vector.broadcast %ge3A_1241 : i32 to vector<16xi32>
    %ge3A_1243 = arith.cmpi sge, %get3A_1231, %ge3A_1242 : vector<16xi32>
    %select_n3A_1244 = arith.select %ge3A_1243, %broadcast_in_dim3A_5, %broadcast_in_dim3A_7 : vector<16xi1>, vector<16xi32>
    %add3A_1245 = arith.addi %add3A_1240, %select_n3A_1244 : vector<16xi32>
    %ge3A_1246 = arith.constant 57344 : i32
    %ge3A_1247 = vector.broadcast %ge3A_1246 : i32 to vector<16xi32>
    %ge3A_1248 = arith.cmpi sge, %get3A_1231, %ge3A_1247 : vector<16xi32>
    %select_n3A_1249 = arith.select %ge3A_1248, %broadcast_in_dim3A_5, %broadcast_in_dim3A_7 : vector<16xi1>, vector<16xi32>
    %mul3A_1250 = arith.constant 32768 : i32
    %mul3A_1251 = vector.broadcast %mul3A_1250 : i32 to vector<16xi32>
    %mul3A_1252 = arith.muli %add3A_1245, %mul3A_1251 : vector<16xi32>
    %sub3A_1253 = arith.subi %get3A_1231, %mul3A_1252 : vector<16xi32>
    %mul3A_1254 = arith.constant 4 : i32
    %mul3A_1255 = vector.broadcast %mul3A_1254 : i32 to vector<16xi32>
    %mul3A_1256 = arith.muli %sub3A_1253, %mul3A_1255 : vector<16xi32>
    %add3A_1257 = arith.addi %mul3A_1256, %add3A_1245 : vector<16xi32>
    %swap3A_1258 = arith.constant 3 : i32
    %swap3A_1259 = arith.index_cast %swap3A_1258 : i32 to index
    %swap3A_1260 = arith.constant 0 : index
    %swap3A_1261 = tpu.vector_load %arg8[%swap3A_1259, %swap3A_1260] {strides = array<i32>} : memref<4x128xi32, #tpu.memory_space<vmem>>, vector<1x16xi32>,
    %swap3A_1262 = vector.shape_cast %swap3A_1261 : vector<1x16xi32> to vector<16xi32>
    %swap3A_1263 = vector.shape_cast %add3A_1257 : vector<16xi32> to vector<1x16xi32>
    tpu.vector_store %arg8[%swap3A_1259, %swap3A_1260], %swap3A_1263 {strides = array<i32>} : memref<4x128xi32, #tpu.memory_space<vmem>>, vector<1x16xi32>,
    %mul3A_1264 = arith.constant 57344 : i32
    %mul3A_1265 = vector.broadcast %mul3A_1264 : i32 to vector<16xi32>
    %mul3A_1266 = arith.muli %select_n3A_1249, %mul3A_1265 : vector<16xi32>
    %sub3A_1267 = arith.subi %get3A_1231, %mul3A_1266 : vector<16xi32>
    %mul3A_1268 = arith.constant 2 : i32
    %mul3A_1269 = vector.broadcast %mul3A_1268 : i32 to vector<16xi32>
    %mul3A_1270 = arith.muli %sub3A_1267, %mul3A_1269 : vector<16xi32>
    %add3A_1271 = arith.addi %mul3A_1270, %select_n3A_1249 : vector<16xi32>
    %swap3A_1272 = arith.constant 3 : i32
    %swap3A_1273 = arith.index_cast %swap3A_1272 : i32 to index
    %swap3A_1274 = arith.constant 0 : index
    %swap3A_1275 = tpu.vector_load %arg9[%swap3A_1273, %swap3A_1274] {strides = array<i32>} : memref<4x128xi32, #tpu.memory_space<vmem>>, vector<1x16xi32>,
    %swap3A_1276 = vector.shape_cast %swap3A_1275 : vector<1x16xi32> to vector<16xi32>
    %swap3A_1277 = vector.shape_cast %add3A_1271 : vector<16xi32> to vector<1x16xi32>
    tpu.vector_store %arg9[%swap3A_1273, %swap3A_1274], %swap3A_1277 {strides = array<i32>} : memref<4x128xi32, #tpu.memory_space<vmem>>, vector<1x16xi32>,
    %get3A_1278 = arith.constant 3 : i32
    %get3A_1279 = arith.index_cast %get3A_1278 : i32 to index
    %get3A_1280 = arith.constant 16 : index
    %get3A_1281 = tpu.vector_load %arg7[%get3A_1279, %get3A_1280] {strides = array<i32>} : memref<4x128xi32, #tpu.memory_space<vmem>>, vector<1x16xi32>,
    %get3A_1282 = vector.shape_cast %get3A_1281 : vector<1x16xi32> to vector<16xi32>
    %ge3A_1283 = arith.constant 32768 : i32
    %ge3A_1284 = vector.broadcast %ge3A_1283 : i32 to vector<16xi32>
    %ge3A_1285 = arith.cmpi sge, %get3A_1282, %ge3A_1284 : vector<16xi32>
    %select_n3A_1286 = arith.select %ge3A_1285, %broadcast_in_dim3A_5, %broadcast_in_dim3A_7 : vector<16xi1>, vector<16xi32>
    %ge3A_1287 = arith.constant 65536 : i32
    %ge3A_1288 = vector.broadcast %ge3A_1287 : i32 to vector<16xi32>
    %ge3A_1289 = arith.cmpi sge, %get3A_1282, %ge3A_1288 : vector<16xi32>
    %select_n3A_1290 = arith.select %ge3A_1289, %broadcast_in_dim3A_5, %broadcast_in_dim3A_7 : vector<16xi1>, vector<16xi32>
    %add3A_1291 = arith.addi %select_n3A_1286, %select_n3A_1290 : vector<16xi32>
    %ge3A_1292 = arith.constant 98304 : i32
    %ge3A_1293 = vector.broadcast %ge3A_1292 : i32 to vector<16xi32>
    %ge3A_1294 = arith.cmpi sge, %get3A_1282, %ge3A_1293 : vector<16xi32>
    %select_n3A_1295 = arith.select %ge3A_1294, %broadcast_in_dim3A_5, %broadcast_in_dim3A_7 : vector<16xi1>, vector<16xi32>
    %add3A_1296 = arith.addi %add3A_1291, %select_n3A_1295 : vector<16xi32>
    %ge3A_1297 = arith.constant 57344 : i32
    %ge3A_1298 = vector.broadcast %ge3A_1297 : i32 to vector<16xi32>
    %ge3A_1299 = arith.cmpi sge, %get3A_1282, %ge3A_1298 : vector<16xi32>
    %select_n3A_1300 = arith.select %ge3A_1299, %broadcast_in_dim3A_5, %broadcast_in_dim3A_7 : vector<16xi1>, vector<16xi32>
    %mul3A_1301 = arith.constant 32768 : i32
    %mul3A_1302 = vector.broadcast %mul3A_1301 : i32 to vector<16xi32>
    %mul3A_1303 = arith.muli %add3A_1296, %mul3A_1302 : vector<16xi32>
    %sub3A_1304 = arith.subi %get3A_1282, %mul3A_1303 : vector<16xi32>
    %mul3A_1305 = arith.constant 4 : i32
    %mul3A_1306 = vector.broadcast %mul3A_1305 : i32 to vector<16xi32>
    %mul3A_1307 = arith.muli %sub3A_1304, %mul3A_1306 : vector<16xi32>
    %add3A_1308 = arith.addi %mul3A_1307, %add3A_1296 : vector<16xi32>
    %swap3A_1309 = arith.constant 3 : i32
    %swap3A_1310 = arith.index_cast %swap3A_1309 : i32 to index
    %swap3A_1311 = arith.constant 16 : index
    %swap3A_1312 = tpu.vector_load %arg8[%swap3A_1310, %swap3A_1311] {strides = array<i32>} : memref<4x128xi32, #tpu.memory_space<vmem>>, vector<1x16xi32>,
    %swap3A_1313 = vector.shape_cast %swap3A_1312 : vector<1x16xi32> to vector<16xi32>
    %swap3A_1314 = vector.shape_cast %add3A_1308 : vector<16xi32> to vector<1x16xi32>
    tpu.vector_store %arg8[%swap3A_1310, %swap3A_1311], %swap3A_1314 {strides = array<i32>} : memref<4x128xi32, #tpu.memory_space<vmem>>, vector<1x16xi32>,
    %mul3A_1315 = arith.constant 57344 : i32
    %mul3A_1316 = vector.broadcast %mul3A_1315 : i32 to vector<16xi32>
    %mul3A_1317 = arith.muli %select_n3A_1300, %mul3A_1316 : vector<16xi32>
    %sub3A_1318 = arith.subi %get3A_1282, %mul3A_1317 : vector<16xi32>
    %mul3A_1319 = arith.constant 2 : i32
    %mul3A_1320 = vector.broadcast %mul3A_1319 : i32 to vector<16xi32>
    %mul3A_1321 = arith.muli %sub3A_1318, %mul3A_1320 : vector<16xi32>
    %add3A_1322 = arith.addi %mul3A_1321, %select_n3A_1300 : vector<16xi32>
    %swap3A_1323 = arith.constant 3 : i32
    %swap3A_1324 = arith.index_cast %swap3A_1323 : i32 to index
    %swap3A_1325 = arith.constant 16 : index
    %swap3A_1326 = tpu.vector_load %arg9[%swap3A_1324, %swap3A_1325] {strides = array<i32>} : memref<4x128xi32, #tpu.memory_space<vmem>>, vector<1x16xi32>,
    %swap3A_1327 = vector.shape_cast %swap3A_1326 : vector<1x16xi32> to vector<16xi32>
    %swap3A_1328 = vector.shape_cast %add3A_1322 : vector<16xi32> to vector<1x16xi32>
    tpu.vector_store %arg9[%swap3A_1324, %swap3A_1325], %swap3A_1328 {strides = array<i32>} : memref<4x128xi32, #tpu.memory_space<vmem>>, vector<1x16xi32>,
    %get3A_1329 = arith.constant 3 : i32
    %get3A_1330 = arith.index_cast %get3A_1329 : i32 to index
    %get3A_1331 = arith.constant 32 : index
    %get3A_1332 = tpu.vector_load %arg7[%get3A_1330, %get3A_1331] {strides = array<i32>} : memref<4x128xi32, #tpu.memory_space<vmem>>, vector<1x16xi32>,
    %get3A_1333 = vector.shape_cast %get3A_1332 : vector<1x16xi32> to vector<16xi32>
    %ge3A_1334 = arith.constant 32768 : i32
    %ge3A_1335 = vector.broadcast %ge3A_1334 : i32 to vector<16xi32>
    %ge3A_1336 = arith.cmpi sge, %get3A_1333, %ge3A_1335 : vector<16xi32>
    %select_n3A_1337 = arith.select %ge3A_1336, %broadcast_in_dim3A_5, %broadcast_in_dim3A_7 : vector<16xi1>, vector<16xi32>
    %ge3A_1338 = arith.constant 65536 : i32
    %ge3A_1339 = vector.broadcast %ge3A_1338 : i32 to vector<16xi32>
    %ge3A_1340 = arith.cmpi sge, %get3A_1333, %ge3A_1339 : vector<16xi32>
    %select_n3A_1341 = arith.select %ge3A_1340, %broadcast_in_dim3A_5, %broadcast_in_dim3A_7 : vector<16xi1>, vector<16xi32>
    %add3A_1342 = arith.addi %select_n3A_1337, %select_n3A_1341 : vector<16xi32>
    %ge3A_1343 = arith.constant 98304 : i32
    %ge3A_1344 = vector.broadcast %ge3A_1343 : i32 to vector<16xi32>
    %ge3A_1345 = arith.cmpi sge, %get3A_1333, %ge3A_1344 : vector<16xi32>
    %select_n3A_1346 = arith.select %ge3A_1345, %broadcast_in_dim3A_5, %broadcast_in_dim3A_7 : vector<16xi1>, vector<16xi32>
    %add3A_1347 = arith.addi %add3A_1342, %select_n3A_1346 : vector<16xi32>
    %ge3A_1348 = arith.constant 57344 : i32
    %ge3A_1349 = vector.broadcast %ge3A_1348 : i32 to vector<16xi32>
    %ge3A_1350 = arith.cmpi sge, %get3A_1333, %ge3A_1349 : vector<16xi32>
    %select_n3A_1351 = arith.select %ge3A_1350, %broadcast_in_dim3A_5, %broadcast_in_dim3A_7 : vector<16xi1>, vector<16xi32>
    %mul3A_1352 = arith.constant 32768 : i32
    %mul3A_1353 = vector.broadcast %mul3A_1352 : i32 to vector<16xi32>
    %mul3A_1354 = arith.muli %add3A_1347, %mul3A_1353 : vector<16xi32>
    %sub3A_1355 = arith.subi %get3A_1333, %mul3A_1354 : vector<16xi32>
    %mul3A_1356 = arith.constant 4 : i32
    %mul3A_1357 = vector.broadcast %mul3A_1356 : i32 to vector<16xi32>
    %mul3A_1358 = arith.muli %sub3A_1355, %mul3A_1357 : vector<16xi32>
    %add3A_1359 = arith.addi %mul3A_1358, %add3A_1347 : vector<16xi32>
    %swap3A_1360 = arith.constant 3 : i32
    %swap3A_1361 = arith.index_cast %swap3A_1360 : i32 to index
    %swap3A_1362 = arith.constant 32 : index
    %swap3A_1363 = tpu.vector_load %arg8[%swap3A_1361, %swap3A_1362] {strides = array<i32>} : memref<4x128xi32, #tpu.memory_space<vmem>>, vector<1x16xi32>,
    %swap3A_1364 = vector.shape_cast %swap3A_1363 : vector<1x16xi32> to vector<16xi32>
    %swap3A_1365 = vector.shape_cast %add3A_1359 : vector<16xi32> to vector<1x16xi32>
    tpu.vector_store %arg8[%swap3A_1361, %swap3A_1362], %swap3A_1365 {strides = array<i32>} : memref<4x128xi32, #tpu.memory_space<vmem>>, vector<1x16xi32>,
    %mul3A_1366 = arith.constant 57344 : i32
    %mul3A_1367 = vector.broadcast %mul3A_1366 : i32 to vector<16xi32>
    %mul3A_1368 = arith.muli %select_n3A_1351, %mul3A_1367 : vector<16xi32>
    %sub3A_1369 = arith.subi %get3A_1333, %mul3A_1368 : vector<16xi32>
    %mul3A_1370 = arith.constant 2 : i32
    %mul3A_1371 = vector.broadcast %mul3A_1370 : i32 to vector<16xi32>
    %mul3A_1372 = arith.muli %sub3A_1369, %mul3A_1371 : vector<16xi32>
    %add3A_1373 = arith.addi %mul3A_1372, %select_n3A_1351 : vector<16xi32>
    %swap3A_1374 = arith.constant 3 : i32
    %swap3A_1375 = arith.index_cast %swap3A_1374 : i32 to index
    %swap3A_1376 = arith.constant 32 : index
    %swap3A_1377 = tpu.vector_load %arg9[%swap3A_1375, %swap3A_1376] {strides = array<i32>} : memref<4x128xi32, #tpu.memory_space<vmem>>, vector<1x16xi32>,
    %swap3A_1378 = vector.shape_cast %swap3A_1377 : vector<1x16xi32> to vector<16xi32>
    %swap3A_1379 = vector.shape_cast %add3A_1373 : vector<16xi32> to vector<1x16xi32>
    tpu.vector_store %arg9[%swap3A_1375, %swap3A_1376], %swap3A_1379 {strides = array<i32>} : memref<4x128xi32, #tpu.memory_space<vmem>>, vector<1x16xi32>,
    %get3A_1380 = arith.constant 3 : i32
    %get3A_1381 = arith.index_cast %get3A_1380 : i32 to index
    %get3A_1382 = arith.constant 48 : index
    %get3A_1383 = tpu.vector_load %arg7[%get3A_1381, %get3A_1382] {strides = array<i32>} : memref<4x128xi32, #tpu.memory_space<vmem>>, vector<1x16xi32>,
    %get3A_1384 = vector.shape_cast %get3A_1383 : vector<1x16xi32> to vector<16xi32>
    %ge3A_1385 = arith.constant 32768 : i32
    %ge3A_1386 = vector.broadcast %ge3A_1385 : i32 to vector<16xi32>
    %ge3A_1387 = arith.cmpi sge, %get3A_1384, %ge3A_1386 : vector<16xi32>
    %select_n3A_1388 = arith.select %ge3A_1387, %broadcast_in_dim3A_5, %broadcast_in_dim3A_7 : vector<16xi1>, vector<16xi32>
    %ge3A_1389 = arith.constant 65536 : i32
    %ge3A_1390 = vector.broadcast %ge3A_1389 : i32 to vector<16xi32>
    %ge3A_1391 = arith.cmpi sge, %get3A_1384, %ge3A_1390 : vector<16xi32>
    %select_n3A_1392 = arith.select %ge3A_1391, %broadcast_in_dim3A_5, %broadcast_in_dim3A_7 : vector<16xi1>, vector<16xi32>
    %add3A_1393 = arith.addi %select_n3A_1388, %select_n3A_1392 : vector<16xi32>
    %ge3A_1394 = arith.constant 98304 : i32
    %ge3A_1395 = vector.broadcast %ge3A_1394 : i32 to vector<16xi32>
    %ge3A_1396 = arith.cmpi sge, %get3A_1384, %ge3A_1395 : vector<16xi32>
    %select_n3A_1397 = arith.select %ge3A_1396, %broadcast_in_dim3A_5, %broadcast_in_dim3A_7 : vector<16xi1>, vector<16xi32>
    %add3A_1398 = arith.addi %add3A_1393, %select_n3A_1397 : vector<16xi32>
    %ge3A_1399 = arith.constant 57344 : i32
    %ge3A_1400 = vector.broadcast %ge3A_1399 : i32 to vector<16xi32>
    %ge3A_1401 = arith.cmpi sge, %get3A_1384, %ge3A_1400 : vector<16xi32>
    %select_n3A_1402 = arith.select %ge3A_1401, %broadcast_in_dim3A_5, %broadcast_in_dim3A_7 : vector<16xi1>, vector<16xi32>
    %mul3A_1403 = arith.constant 32768 : i32
    %mul3A_1404 = vector.broadcast %mul3A_1403 : i32 to vector<16xi32>
    %mul3A_1405 = arith.muli %add3A_1398, %mul3A_1404 : vector<16xi32>
    %sub3A_1406 = arith.subi %get3A_1384, %mul3A_1405 : vector<16xi32>
    %mul3A_1407 = arith.constant 4 : i32
    %mul3A_1408 = vector.broadcast %mul3A_1407 : i32 to vector<16xi32>
    %mul3A_1409 = arith.muli %sub3A_1406, %mul3A_1408 : vector<16xi32>
    %add3A_1410 = arith.addi %mul3A_1409, %add3A_1398 : vector<16xi32>
    %swap3A_1411 = arith.constant 3 : i32
    %swap3A_1412 = arith.index_cast %swap3A_1411 : i32 to index
    %swap3A_1413 = arith.constant 48 : index
    %swap3A_1414 = tpu.vector_load %arg8[%swap3A_1412, %swap3A_1413] {strides = array<i32>} : memref<4x128xi32, #tpu.memory_space<vmem>>, vector<1x16xi32>,
    %swap3A_1415 = vector.shape_cast %swap3A_1414 : vector<1x16xi32> to vector<16xi32>
    %swap3A_1416 = vector.shape_cast %add3A_1410 : vector<16xi32> to vector<1x16xi32>
    tpu.vector_store %arg8[%swap3A_1412, %swap3A_1413], %swap3A_1416 {strides = array<i32>} : memref<4x128xi32, #tpu.memory_space<vmem>>, vector<1x16xi32>,
    %mul3A_1417 = arith.constant 57344 : i32
    %mul3A_1418 = vector.broadcast %mul3A_1417 : i32 to vector<16xi32>
    %mul3A_1419 = arith.muli %select_n3A_1402, %mul3A_1418 : vector<16xi32>
    %sub3A_1420 = arith.subi %get3A_1384, %mul3A_1419 : vector<16xi32>
    %mul3A_1421 = arith.constant 2 : i32
    %mul3A_1422 = vector.broadcast %mul3A_1421 : i32 to vector<16xi32>
    %mul3A_1423 = arith.muli %sub3A_1420, %mul3A_1422 : vector<16xi32>
    %add3A_1424 = arith.addi %mul3A_1423, %select_n3A_1402 : vector<16xi32>
    %swap3A_1425 = arith.constant 3 : i32
    %swap3A_1426 = arith.index_cast %swap3A_1425 : i32 to index
    %swap3A_1427 = arith.constant 48 : index
    %swap3A_1428 = tpu.vector_load %arg9[%swap3A_1426, %swap3A_1427] {strides = array<i32>} : memref<4x128xi32, #tpu.memory_space<vmem>>, vector<1x16xi32>,
    %swap3A_1429 = vector.shape_cast %swap3A_1428 : vector<1x16xi32> to vector<16xi32>
    %swap3A_1430 = vector.shape_cast %add3A_1424 : vector<16xi32> to vector<1x16xi32>
    tpu.vector_store %arg9[%swap3A_1426, %swap3A_1427], %swap3A_1430 {strides = array<i32>} : memref<4x128xi32, #tpu.memory_space<vmem>>, vector<1x16xi32>,
    %get3A_1431 = arith.constant 3 : i32
    %get3A_1432 = arith.index_cast %get3A_1431 : i32 to index
    %get3A_1433 = arith.constant 64 : index
    %get3A_1434 = tpu.vector_load %arg7[%get3A_1432, %get3A_1433] {strides = array<i32>} : memref<4x128xi32, #tpu.memory_space<vmem>>, vector<1x16xi32>,
    %get3A_1435 = vector.shape_cast %get3A_1434 : vector<1x16xi32> to vector<16xi32>
    %ge3A_1436 = arith.constant 32768 : i32
    %ge3A_1437 = vector.broadcast %ge3A_1436 : i32 to vector<16xi32>
    %ge3A_1438 = arith.cmpi sge, %get3A_1435, %ge3A_1437 : vector<16xi32>
    %select_n3A_1439 = arith.select %ge3A_1438, %broadcast_in_dim3A_5, %broadcast_in_dim3A_7 : vector<16xi1>, vector<16xi32>
    %ge3A_1440 = arith.constant 65536 : i32
    %ge3A_1441 = vector.broadcast %ge3A_1440 : i32 to vector<16xi32>
    %ge3A_1442 = arith.cmpi sge, %get3A_1435, %ge3A_1441 : vector<16xi32>
    %select_n3A_1443 = arith.select %ge3A_1442, %broadcast_in_dim3A_5, %broadcast_in_dim3A_7 : vector<16xi1>, vector<16xi32>
    %add3A_1444 = arith.addi %select_n3A_1439, %select_n3A_1443 : vector<16xi32>
    %ge3A_1445 = arith.constant 98304 : i32
    %ge3A_1446 = vector.broadcast %ge3A_1445 : i32 to vector<16xi32>
    %ge3A_1447 = arith.cmpi sge, %get3A_1435, %ge3A_1446 : vector<16xi32>
    %select_n3A_1448 = arith.select %ge3A_1447, %broadcast_in_dim3A_5, %broadcast_in_dim3A_7 : vector<16xi1>, vector<16xi32>
    %add3A_1449 = arith.addi %add3A_1444, %select_n3A_1448 : vector<16xi32>
    %ge3A_1450 = arith.constant 57344 : i32
    %ge3A_1451 = vector.broadcast %ge3A_1450 : i32 to vector<16xi32>
    %ge3A_1452 = arith.cmpi sge, %get3A_1435, %ge3A_1451 : vector<16xi32>
    %select_n3A_1453 = arith.select %ge3A_1452, %broadcast_in_dim3A_5, %broadcast_in_dim3A_7 : vector<16xi1>, vector<16xi32>
    %mul3A_1454 = arith.constant 32768 : i32
    %mul3A_1455 = vector.broadcast %mul3A_1454 : i32 to vector<16xi32>
    %mul3A_1456 = arith.muli %add3A_1449, %mul3A_1455 : vector<16xi32>
    %sub3A_1457 = arith.subi %get3A_1435, %mul3A_1456 : vector<16xi32>
    %mul3A_1458 = arith.constant 4 : i32
    %mul3A_1459 = vector.broadcast %mul3A_1458 : i32 to vector<16xi32>
    %mul3A_1460 = arith.muli %sub3A_1457, %mul3A_1459 : vector<16xi32>
    %add3A_1461 = arith.addi %mul3A_1460, %add3A_1449 : vector<16xi32>
    %swap3A_1462 = arith.constant 3 : i32
    %swap3A_1463 = arith.index_cast %swap3A_1462 : i32 to index
    %swap3A_1464 = arith.constant 64 : index
    %swap3A_1465 = tpu.vector_load %arg8[%swap3A_1463, %swap3A_1464] {strides = array<i32>} : memref<4x128xi32, #tpu.memory_space<vmem>>, vector<1x16xi32>,
    %swap3A_1466 = vector.shape_cast %swap3A_1465 : vector<1x16xi32> to vector<16xi32>
    %swap3A_1467 = vector.shape_cast %add3A_1461 : vector<16xi32> to vector<1x16xi32>
    tpu.vector_store %arg8[%swap3A_1463, %swap3A_1464], %swap3A_1467 {strides = array<i32>} : memref<4x128xi32, #tpu.memory_space<vmem>>, vector<1x16xi32>,
    %mul3A_1468 = arith.constant 57344 : i32
    %mul3A_1469 = vector.broadcast %mul3A_1468 : i32 to vector<16xi32>
    %mul3A_1470 = arith.muli %select_n3A_1453, %mul3A_1469 : vector<16xi32>
    %sub3A_1471 = arith.subi %get3A_1435, %mul3A_1470 : vector<16xi32>
    %mul3A_1472 = arith.constant 2 : i32
    %mul3A_1473 = vector.broadcast %mul3A_1472 : i32 to vector<16xi32>
    %mul3A_1474 = arith.muli %sub3A_1471, %mul3A_1473 : vector<16xi32>
    %add3A_1475 = arith.addi %mul3A_1474, %select_n3A_1453 : vector<16xi32>
    %swap3A_1476 = arith.constant 3 : i32
    %swap3A_1477 = arith.index_cast %swap3A_1476 : i32 to index
    %swap3A_1478 = arith.constant 64 : index
    %swap3A_1479 = tpu.vector_load %arg9[%swap3A_1477, %swap3A_1478] {strides = array<i32>} : memref<4x128xi32, #tpu.memory_space<vmem>>, vector<1x16xi32>,
    %swap3A_1480 = vector.shape_cast %swap3A_1479 : vector<1x16xi32> to vector<16xi32>
    %swap3A_1481 = vector.shape_cast %add3A_1475 : vector<16xi32> to vector<1x16xi32>
    tpu.vector_store %arg9[%swap3A_1477, %swap3A_1478], %swap3A_1481 {strides = array<i32>} : memref<4x128xi32, #tpu.memory_space<vmem>>, vector<1x16xi32>,
    %get3A_1482 = arith.constant 3 : i32
    %get3A_1483 = arith.index_cast %get3A_1482 : i32 to index
    %get3A_1484 = arith.constant 80 : index
    %get3A_1485 = tpu.vector_load %arg7[%get3A_1483, %get3A_1484] {strides = array<i32>} : memref<4x128xi32, #tpu.memory_space<vmem>>, vector<1x16xi32>,
    %get3A_1486 = vector.shape_cast %get3A_1485 : vector<1x16xi32> to vector<16xi32>
    %ge3A_1487 = arith.constant 32768 : i32
    %ge3A_1488 = vector.broadcast %ge3A_1487 : i32 to vector<16xi32>
    %ge3A_1489 = arith.cmpi sge, %get3A_1486, %ge3A_1488 : vector<16xi32>
    %select_n3A_1490 = arith.select %ge3A_1489, %broadcast_in_dim3A_5, %broadcast_in_dim3A_7 : vector<16xi1>, vector<16xi32>
    %ge3A_1491 = arith.constant 65536 : i32
    %ge3A_1492 = vector.broadcast %ge3A_1491 : i32 to vector<16xi32>
    %ge3A_1493 = arith.cmpi sge, %get3A_1486, %ge3A_1492 : vector<16xi32>
    %select_n3A_1494 = arith.select %ge3A_1493, %broadcast_in_dim3A_5, %broadcast_in_dim3A_7 : vector<16xi1>, vector<16xi32>
    %add3A_1495 = arith.addi %select_n3A_1490, %select_n3A_1494 : vector<16xi32>
    %ge3A_1496 = arith.constant 98304 : i32
    %ge3A_1497 = vector.broadcast %ge3A_1496 : i32 to vector<16xi32>
    %ge3A_1498 = arith.cmpi sge, %get3A_1486, %ge3A_1497 : vector<16xi32>
    %select_n3A_1499 = arith.select %ge3A_1498, %broadcast_in_dim3A_5, %broadcast_in_dim3A_7 : vector<16xi1>, vector<16xi32>
    %add3A_1500 = arith.addi %add3A_1495, %select_n3A_1499 : vector<16xi32>
    %ge3A_1501 = arith.constant 57344 : i32
    %ge3A_1502 = vector.broadcast %ge3A_1501 : i32 to vector<16xi32>
    %ge3A_1503 = arith.cmpi sge, %get3A_1486, %ge3A_1502 : vector<16xi32>
    %select_n3A_1504 = arith.select %ge3A_1503, %broadcast_in_dim3A_5, %broadcast_in_dim3A_7 : vector<16xi1>, vector<16xi32>
    %mul3A_1505 = arith.constant 32768 : i32
    %mul3A_1506 = vector.broadcast %mul3A_1505 : i32 to vector<16xi32>
    %mul3A_1507 = arith.muli %add3A_1500, %mul3A_1506 : vector<16xi32>
    %sub3A_1508 = arith.subi %get3A_1486, %mul3A_1507 : vector<16xi32>
    %mul3A_1509 = arith.constant 4 : i32
    %mul3A_1510 = vector.broadcast %mul3A_1509 : i32 to vector<16xi32>
    %mul3A_1511 = arith.muli %sub3A_1508, %mul3A_1510 : vector<16xi32>
    %add3A_1512 = arith.addi %mul3A_1511, %add3A_1500 : vector<16xi32>
    %swap3A_1513 = arith.constant 3 : i32
    %swap3A_1514 = arith.index_cast %swap3A_1513 : i32 to index
    %swap3A_1515 = arith.constant 80 : index
    %swap3A_1516 = tpu.vector_load %arg8[%swap3A_1514, %swap3A_1515] {strides = array<i32>} : memref<4x128xi32, #tpu.memory_space<vmem>>, vector<1x16xi32>,
    %swap3A_1517 = vector.shape_cast %swap3A_1516 : vector<1x16xi32> to vector<16xi32>
    %swap3A_1518 = vector.shape_cast %add3A_1512 : vector<16xi32> to vector<1x16xi32>
    tpu.vector_store %arg8[%swap3A_1514, %swap3A_1515], %swap3A_1518 {strides = array<i32>} : memref<4x128xi32, #tpu.memory_space<vmem>>, vector<1x16xi32>,
    %mul3A_1519 = arith.constant 57344 : i32
    %mul3A_1520 = vector.broadcast %mul3A_1519 : i32 to vector<16xi32>
    %mul3A_1521 = arith.muli %select_n3A_1504, %mul3A_1520 : vector<16xi32>
    %sub3A_1522 = arith.subi %get3A_1486, %mul3A_1521 : vector<16xi32>
    %mul3A_1523 = arith.constant 2 : i32
    %mul3A_1524 = vector.broadcast %mul3A_1523 : i32 to vector<16xi32>
    %mul3A_1525 = arith.muli %sub3A_1522, %mul3A_1524 : vector<16xi32>
    %add3A_1526 = arith.addi %mul3A_1525, %select_n3A_1504 : vector<16xi32>
    %swap3A_1527 = arith.constant 3 : i32
    %swap3A_1528 = arith.index_cast %swap3A_1527 : i32 to index
    %swap3A_1529 = arith.constant 80 : index
    %swap3A_1530 = tpu.vector_load %arg9[%swap3A_1528, %swap3A_1529] {strides = array<i32>} : memref<4x128xi32, #tpu.memory_space<vmem>>, vector<1x16xi32>,
    %swap3A_1531 = vector.shape_cast %swap3A_1530 : vector<1x16xi32> to vector<16xi32>
    %swap3A_1532 = vector.shape_cast %add3A_1526 : vector<16xi32> to vector<1x16xi32>
    tpu.vector_store %arg9[%swap3A_1528, %swap3A_1529], %swap3A_1532 {strides = array<i32>} : memref<4x128xi32, #tpu.memory_space<vmem>>, vector<1x16xi32>,
    %get3A_1533 = arith.constant 3 : i32
    %get3A_1534 = arith.index_cast %get3A_1533 : i32 to index
    %get3A_1535 = arith.constant 96 : index
    %get3A_1536 = tpu.vector_load %arg7[%get3A_1534, %get3A_1535] {strides = array<i32>} : memref<4x128xi32, #tpu.memory_space<vmem>>, vector<1x16xi32>,
    %get3A_1537 = vector.shape_cast %get3A_1536 : vector<1x16xi32> to vector<16xi32>
    %ge3A_1538 = arith.constant 32768 : i32
    %ge3A_1539 = vector.broadcast %ge3A_1538 : i32 to vector<16xi32>
    %ge3A_1540 = arith.cmpi sge, %get3A_1537, %ge3A_1539 : vector<16xi32>
    %select_n3A_1541 = arith.select %ge3A_1540, %broadcast_in_dim3A_5, %broadcast_in_dim3A_7 : vector<16xi1>, vector<16xi32>
    %ge3A_1542 = arith.constant 65536 : i32
    %ge3A_1543 = vector.broadcast %ge3A_1542 : i32 to vector<16xi32>
    %ge3A_1544 = arith.cmpi sge, %get3A_1537, %ge3A_1543 : vector<16xi32>
    %select_n3A_1545 = arith.select %ge3A_1544, %broadcast_in_dim3A_5, %broadcast_in_dim3A_7 : vector<16xi1>, vector<16xi32>
    %add3A_1546 = arith.addi %select_n3A_1541, %select_n3A_1545 : vector<16xi32>
    %ge3A_1547 = arith.constant 98304 : i32
    %ge3A_1548 = vector.broadcast %ge3A_1547 : i32 to vector<16xi32>
    %ge3A_1549 = arith.cmpi sge, %get3A_1537, %ge3A_1548 : vector<16xi32>
    %select_n3A_1550 = arith.select %ge3A_1549, %broadcast_in_dim3A_5, %broadcast_in_dim3A_7 : vector<16xi1>, vector<16xi32>
    %add3A_1551 = arith.addi %add3A_1546, %select_n3A_1550 : vector<16xi32>
    %ge3A_1552 = arith.constant 57344 : i32
    %ge3A_1553 = vector.broadcast %ge3A_1552 : i32 to vector<16xi32>
    %ge3A_1554 = arith.cmpi sge, %get3A_1537, %ge3A_1553 : vector<16xi32>
    %select_n3A_1555 = arith.select %ge3A_1554, %broadcast_in_dim3A_5, %broadcast_in_dim3A_7 : vector<16xi1>, vector<16xi32>
    %mul3A_1556 = arith.constant 32768 : i32
    %mul3A_1557 = vector.broadcast %mul3A_1556 : i32 to vector<16xi32>
    %mul3A_1558 = arith.muli %add3A_1551, %mul3A_1557 : vector<16xi32>
    %sub3A_1559 = arith.subi %get3A_1537, %mul3A_1558 : vector<16xi32>
    %mul3A_1560 = arith.constant 4 : i32
    %mul3A_1561 = vector.broadcast %mul3A_1560 : i32 to vector<16xi32>
    %mul3A_1562 = arith.muli %sub3A_1559, %mul3A_1561 : vector<16xi32>
    %add3A_1563 = arith.addi %mul3A_1562, %add3A_1551 : vector<16xi32>
    %swap3A_1564 = arith.constant 3 : i32
    %swap3A_1565 = arith.index_cast %swap3A_1564 : i32 to index
    %swap3A_1566 = arith.constant 96 : index
    %swap3A_1567 = tpu.vector_load %arg8[%swap3A_1565, %swap3A_1566] {strides = array<i32>} : memref<4x128xi32, #tpu.memory_space<vmem>>, vector<1x16xi32>,
    %swap3A_1568 = vector.shape_cast %swap3A_1567 : vector<1x16xi32> to vector<16xi32>
    %swap3A_1569 = vector.shape_cast %add3A_1563 : vector<16xi32> to vector<1x16xi32>
    tpu.vector_store %arg8[%swap3A_1565, %swap3A_1566], %swap3A_1569 {strides = array<i32>} : memref<4x128xi32, #tpu.memory_space<vmem>>, vector<1x16xi32>,
    %mul3A_1570 = arith.constant 57344 : i32
    %mul3A_1571 = vector.broadcast %mul3A_1570 : i32 to vector<16xi32>
    %mul3A_1572 = arith.muli %select_n3A_1555, %mul3A_1571 : vector<16xi32>
    %sub3A_1573 = arith.subi %get3A_1537, %mul3A_1572 : vector<16xi32>
    %mul3A_1574 = arith.constant 2 : i32
    %mul3A_1575 = vector.broadcast %mul3A_1574 : i32 to vector<16xi32>
    %mul3A_1576 = arith.muli %sub3A_1573, %mul3A_1575 : vector<16xi32>
    %add3A_1577 = arith.addi %mul3A_1576, %select_n3A_1555 : vector<16xi32>
    %swap3A_1578 = arith.constant 3 : i32
    %swap3A_1579 = arith.index_cast %swap3A_1578 : i32 to index
    %swap3A_1580 = arith.constant 96 : index
    %swap3A_1581 = tpu.vector_load %arg9[%swap3A_1579, %swap3A_1580] {strides = array<i32>} : memref<4x128xi32, #tpu.memory_space<vmem>>, vector<1x16xi32>,
    %swap3A_1582 = vector.shape_cast %swap3A_1581 : vector<1x16xi32> to vector<16xi32>
    %swap3A_1583 = vector.shape_cast %add3A_1577 : vector<16xi32> to vector<1x16xi32>
    tpu.vector_store %arg9[%swap3A_1579, %swap3A_1580], %swap3A_1583 {strides = array<i32>} : memref<4x128xi32, #tpu.memory_space<vmem>>, vector<1x16xi32>,
    %get3A_1584 = arith.constant 3 : i32
    %get3A_1585 = arith.index_cast %get3A_1584 : i32 to index
    %get3A_1586 = arith.constant 112 : index
    %get3A_1587 = tpu.vector_load %arg7[%get3A_1585, %get3A_1586] {strides = array<i32>} : memref<4x128xi32, #tpu.memory_space<vmem>>, vector<1x16xi32>,
    %get3A_1588 = vector.shape_cast %get3A_1587 : vector<1x16xi32> to vector<16xi32>
    %ge3A_1589 = arith.constant 32768 : i32
    %ge3A_1590 = vector.broadcast %ge3A_1589 : i32 to vector<16xi32>
    %ge3A_1591 = arith.cmpi sge, %get3A_1588, %ge3A_1590 : vector<16xi32>
    %select_n3A_1592 = arith.select %ge3A_1591, %broadcast_in_dim3A_5, %broadcast_in_dim3A_7 : vector<16xi1>, vector<16xi32>
    %ge3A_1593 = arith.constant 65536 : i32
    %ge3A_1594 = vector.broadcast %ge3A_1593 : i32 to vector<16xi32>
    %ge3A_1595 = arith.cmpi sge, %get3A_1588, %ge3A_1594 : vector<16xi32>
    %select_n3A_1596 = arith.select %ge3A_1595, %broadcast_in_dim3A_5, %broadcast_in_dim3A_7 : vector<16xi1>, vector<16xi32>
    %add3A_1597 = arith.addi %select_n3A_1592, %select_n3A_1596 : vector<16xi32>
    %ge3A_1598 = arith.constant 98304 : i32
    %ge3A_1599 = vector.broadcast %ge3A_1598 : i32 to vector<16xi32>
    %ge3A_1600 = arith.cmpi sge, %get3A_1588, %ge3A_1599 : vector<16xi32>
    %select_n3A_1601 = arith.select %ge3A_1600, %broadcast_in_dim3A_5, %broadcast_in_dim3A_7 : vector<16xi1>, vector<16xi32>
    %add3A_1602 = arith.addi %add3A_1597, %select_n3A_1601 : vector<16xi32>
    %ge3A_1603 = arith.constant 57344 : i32
    %ge3A_1604 = vector.broadcast %ge3A_1603 : i32 to vector<16xi32>
    %ge3A_1605 = arith.cmpi sge, %get3A_1588, %ge3A_1604 : vector<16xi32>
    %select_n3A_1606 = arith.select %ge3A_1605, %broadcast_in_dim3A_5, %broadcast_in_dim3A_7 : vector<16xi1>, vector<16xi32>
    %mul3A_1607 = arith.constant 32768 : i32
    %mul3A_1608 = vector.broadcast %mul3A_1607 : i32 to vector<16xi32>
    %mul3A_1609 = arith.muli %add3A_1602, %mul3A_1608 : vector<16xi32>
    %sub3A_1610 = arith.subi %get3A_1588, %mul3A_1609 : vector<16xi32>
    %mul3A_1611 = arith.constant 4 : i32
    %mul3A_1612 = vector.broadcast %mul3A_1611 : i32 to vector<16xi32>
    %mul3A_1613 = arith.muli %sub3A_1610, %mul3A_1612 : vector<16xi32>
    %add3A_1614 = arith.addi %mul3A_1613, %add3A_1602 : vector<16xi32>
    %swap3A_1615 = arith.constant 3 : i32
    %swap3A_1616 = arith.index_cast %swap3A_1615 : i32 to index
    %swap3A_1617 = arith.constant 112 : index
    %swap3A_1618 = tpu.vector_load %arg8[%swap3A_1616, %swap3A_1617] {strides = array<i32>} : memref<4x128xi32, #tpu.memory_space<vmem>>, vector<1x16xi32>,
    %swap3A_1619 = vector.shape_cast %swap3A_1618 : vector<1x16xi32> to vector<16xi32>
    %swap3A_1620 = vector.shape_cast %add3A_1614 : vector<16xi32> to vector<1x16xi32>
    tpu.vector_store %arg8[%swap3A_1616, %swap3A_1617], %swap3A_1620 {strides = array<i32>} : memref<4x128xi32, #tpu.memory_space<vmem>>, vector<1x16xi32>,
    %mul3A_1621 = arith.constant 57344 : i32
    %mul3A_1622 = vector.broadcast %mul3A_1621 : i32 to vector<16xi32>
    %mul3A_1623 = arith.muli %select_n3A_1606, %mul3A_1622 : vector<16xi32>
    %sub3A_1624 = arith.subi %get3A_1588, %mul3A_1623 : vector<16xi32>
    %mul3A_1625 = arith.constant 2 : i32
    %mul3A_1626 = vector.broadcast %mul3A_1625 : i32 to vector<16xi32>
    %mul3A_1627 = arith.muli %sub3A_1624, %mul3A_1626 : vector<16xi32>
    %add3A_1628 = arith.addi %mul3A_1627, %select_n3A_1606 : vector<16xi32>
    %swap3A_1629 = arith.constant 3 : i32
    %swap3A_1630 = arith.index_cast %swap3A_1629 : i32 to index
    %swap3A_1631 = arith.constant 112 : index
    %swap3A_1632 = tpu.vector_load %arg9[%swap3A_1630, %swap3A_1631] {strides = array<i32>} : memref<4x128xi32, #tpu.memory_space<vmem>>, vector<1x16xi32>,
    %swap3A_1633 = vector.shape_cast %swap3A_1632 : vector<1x16xi32> to vector<16xi32>
    %swap3A_1634 = vector.shape_cast %add3A_1628 : vector<16xi32> to vector<1x16xi32>
    tpu.vector_store %arg9[%swap3A_1630, %swap3A_1631], %swap3A_1634 {strides = array<i32>} : memref<4x128xi32, #tpu.memory_space<vmem>>, vector<1x16xi32>,
    %dma_start3A = arith.constant 0 : i32
    %dma_start3A_1635 = arith.constant 0 : i32
    %dma_start3A_1636 = tpu.memref_slice %arg8[%dma_start3A, %dma_start3A_1635] : memref<4x128xi32, #tpu.memory_space<vmem>> -> memref<1x128xi32, #tpu.memory_space<vmem>>
    %dma_start3A_1637 = tpu.memref_squeeze %dma_start3A_1636 : memref<1x128xi32, #tpu.memory_space<vmem>> -> memref<128xi32, #tpu.memory_space<vmem>>
    %dma_start3A_1638 = arith.constant 0 : i32
    %dma_start3A_1639 = arith.constant 0 : i32
    %dma_start3A_1640 = tpu.memref_slice %arg3[%dma_start3A_1638, %dma_start3A_1639] : memref<131072x32xf32, #tpu.memory_space<hbm>> -> memref<131072x32xf32, #tpu.memory_space<hbm>>
    tpu.enqueue_indirect_dma source(%dma_start3A_1640 : memref<131072x32xf32, #tpu.memory_space<hbm>>) target(%arg10 : memref<128x32xf32, #tpu.memory_space<vmem>>) offsets(%dma_start3A_1637 : memref<128xi32, #tpu.memory_space<vmem>>) semaphore(%arg16 : memref<!tpu.dma_semaphore, #tpu.memory_space<semaphore_mem>>)
    %dma_start3A_1641 = arith.constant 0 : i32
    %dma_start3A_1642 = arith.constant 0 : i32
    %dma_start3A_1643 = tpu.memref_slice %arg9[%dma_start3A_1641, %dma_start3A_1642] : memref<4x128xi32, #tpu.memory_space<vmem>> -> memref<1x128xi32, #tpu.memory_space<vmem>>
    %dma_start3A_1644 = tpu.memref_squeeze %dma_start3A_1643 : memref<1x128xi32, #tpu.memory_space<vmem>> -> memref<128xi32, #tpu.memory_space<vmem>>
    %dma_start3A_1645 = arith.constant 0 : i32
    %dma_start3A_1646 = arith.constant 0 : i32
    %dma_start3A_1647 = tpu.memref_slice %arg4[%dma_start3A_1645, %dma_start3A_1646] : memref<114688x64xf32, #tpu.memory_space<hbm>> -> memref<114688x64xf32, #tpu.memory_space<hbm>>
    tpu.enqueue_indirect_dma source(%dma_start3A_1647 : memref<114688x64xf32, #tpu.memory_space<hbm>>) target(%arg11 : memref<128x64xf32, #tpu.memory_space<vmem>>) offsets(%dma_start3A_1644 : memref<128xi32, #tpu.memory_space<vmem>>) semaphore(%arg16 : memref<!tpu.dma_semaphore, #tpu.memory_space<semaphore_mem>>)
    %dma_start3A_1648 = arith.constant 0 : i32
    %dma_start3A_1649 = arith.constant 0 : i32
    %dma_start3A_1650 = tpu.memref_slice %arg7[%dma_start3A_1648, %dma_start3A_1649] : memref<4x128xi32, #tpu.memory_space<vmem>> -> memref<1x128xi32, #tpu.memory_space<vmem>>
    %dma_start3A_1651 = tpu.memref_squeeze %dma_start3A_1650 : memref<1x128xi32, #tpu.memory_space<vmem>> -> memref<128xi32, #tpu.memory_space<vmem>>
    %dma_start3A_1652 = arith.constant 0 : i32
    %dma_start3A_1653 = arith.constant 0 : i32
    %dma_start3A_1654 = tpu.memref_slice %arg5[%dma_start3A_1652, %dma_start3A_1653] : memref<100000x128xf32, #tpu.memory_space<hbm>> -> memref<100000x128xf32, #tpu.memory_space<hbm>>
    tpu.enqueue_indirect_dma source(%dma_start3A_1654 : memref<100000x128xf32, #tpu.memory_space<hbm>>) target(%arg12 : memref<128x128xf32, #tpu.memory_space<vmem>>) offsets(%dma_start3A_1651 : memref<128xi32, #tpu.memory_space<vmem>>) semaphore(%arg16 : memref<!tpu.dma_semaphore, #tpu.memory_space<semaphore_mem>>)
    %dma_wait3A = arith.constant 0 : i32
    %dma_wait3A_1655 = arith.constant 0 : i32
    %dma_wait3A_1656 = tpu.memref_slice %arg8[%dma_wait3A, %dma_wait3A_1655] : memref<4x128xi32, #tpu.memory_space<vmem>> -> memref<1x128xi32, #tpu.memory_space<vmem>>
    %dma_wait3A_1657 = tpu.memref_squeeze %dma_wait3A_1656 : memref<1x128xi32, #tpu.memory_space<vmem>> -> memref<128xi32, #tpu.memory_space<vmem>>
    %dma_wait3A_1658 = arith.constant 0 : i32
    %dma_wait3A_1659 = arith.constant 0 : i32
    %dma_wait3A_1660 = tpu.memref_slice %arg3[%dma_wait3A_1658, %dma_wait3A_1659] : memref<131072x32xf32, #tpu.memory_space<hbm>> -> memref<131072x32xf32, #tpu.memory_space<hbm>>
    tpu.wait_indirect_dma semaphore(%arg16 : memref<!tpu.dma_semaphore, #tpu.memory_space<semaphore_mem>>) src(%dma_wait3A_1660 : memref<131072x32xf32, #tpu.memory_space<hbm>>) dst(%arg10 : memref<128x32xf32, #tpu.memory_space<vmem>>)
    %dma_wait3A_1661 = arith.constant 0 : i32
    %dma_wait3A_1662 = arith.constant 0 : i32
    %dma_wait3A_1663 = tpu.memref_slice %arg9[%dma_wait3A_1661, %dma_wait3A_1662] : memref<4x128xi32, #tpu.memory_space<vmem>> -> memref<1x128xi32, #tpu.memory_space<vmem>>
    %dma_wait3A_1664 = tpu.memref_squeeze %dma_wait3A_1663 : memref<1x128xi32, #tpu.memory_space<vmem>> -> memref<128xi32, #tpu.memory_space<vmem>>
    %dma_wait3A_1665 = arith.constant 0 : i32
    %dma_wait3A_1666 = arith.constant 0 : i32
    %dma_wait3A_1667 = tpu.memref_slice %arg4[%dma_wait3A_1665, %dma_wait3A_1666] : memref<114688x64xf32, #tpu.memory_space<hbm>> -> memref<114688x64xf32, #tpu.memory_space<hbm>>
    tpu.wait_indirect_dma semaphore(%arg16 : memref<!tpu.dma_semaphore, #tpu.memory_space<semaphore_mem>>) src(%dma_wait3A_1667 : memref<114688x64xf32, #tpu.memory_space<hbm>>) dst(%arg11 : memref<128x64xf32, #tpu.memory_space<vmem>>)
    %dma_wait3A_1668 = arith.constant 0 : i32
    %dma_wait3A_1669 = arith.constant 0 : i32
    %dma_wait3A_1670 = tpu.memref_slice %arg7[%dma_wait3A_1668, %dma_wait3A_1669] : memref<4x128xi32, #tpu.memory_space<vmem>> -> memref<1x128xi32, #tpu.memory_space<vmem>>
    %dma_wait3A_1671 = tpu.memref_squeeze %dma_wait3A_1670 : memref<1x128xi32, #tpu.memory_space<vmem>> -> memref<128xi32, #tpu.memory_space<vmem>>
    %dma_wait3A_1672 = arith.constant 0 : i32
    %dma_wait3A_1673 = arith.constant 0 : i32
    %dma_wait3A_1674 = tpu.memref_slice %arg5[%dma_wait3A_1672, %dma_wait3A_1673] : memref<100000x128xf32, #tpu.memory_space<hbm>> -> memref<100000x128xf32, #tpu.memory_space<hbm>>
    tpu.wait_indirect_dma semaphore(%arg16 : memref<!tpu.dma_semaphore, #tpu.memory_space<semaphore_mem>>) src(%dma_wait3A_1674 : memref<100000x128xf32, #tpu.memory_space<hbm>>) dst(%arg12 : memref<128x128xf32, #tpu.memory_space<vmem>>)
    %dma_start3A_1675 = arith.constant 1 : i32
    %dma_start3A_1676 = arith.constant 0 : i32
    %dma_start3A_1677 = tpu.memref_slice %arg8[%dma_start3A_1675, %dma_start3A_1676] : memref<4x128xi32, #tpu.memory_space<vmem>> -> memref<1x128xi32, #tpu.memory_space<vmem>>
    %dma_start3A_1678 = tpu.memref_squeeze %dma_start3A_1677 : memref<1x128xi32, #tpu.memory_space<vmem>> -> memref<128xi32, #tpu.memory_space<vmem>>
    %dma_start3A_1679 = arith.constant 0 : i32
    %dma_start3A_1680 = arith.constant 0 : i32
    %dma_start3A_1681 = tpu.memref_slice %arg3[%dma_start3A_1679, %dma_start3A_1680] : memref<131072x32xf32, #tpu.memory_space<hbm>> -> memref<131072x32xf32, #tpu.memory_space<hbm>>
    tpu.enqueue_indirect_dma source(%dma_start3A_1681 : memref<131072x32xf32, #tpu.memory_space<hbm>>) target(%arg13 : memref<128x32xf32, #tpu.memory_space<vmem>>) offsets(%dma_start3A_1678 : memref<128xi32, #tpu.memory_space<vmem>>) semaphore(%arg17 : memref<!tpu.dma_semaphore, #tpu.memory_space<semaphore_mem>>)
    %dma_start3A_1682 = arith.constant 1 : i32
    %dma_start3A_1683 = arith.constant 0 : i32
    %dma_start3A_1684 = tpu.memref_slice %arg9[%dma_start3A_1682, %dma_start3A_1683] : memref<4x128xi32, #tpu.memory_space<vmem>> -> memref<1x128xi32, #tpu.memory_space<vmem>>
    %dma_start3A_1685 = tpu.memref_squeeze %dma_start3A_1684 : memref<1x128xi32, #tpu.memory_space<vmem>> -> memref<128xi32, #tpu.memory_space<vmem>>
    %dma_start3A_1686 = arith.constant 0 : i32
    %dma_start3A_1687 = arith.constant 0 : i32
    %dma_start3A_1688 = tpu.memref_slice %arg4[%dma_start3A_1686, %dma_start3A_1687] : memref<114688x64xf32, #tpu.memory_space<hbm>> -> memref<114688x64xf32, #tpu.memory_space<hbm>>
    tpu.enqueue_indirect_dma source(%dma_start3A_1688 : memref<114688x64xf32, #tpu.memory_space<hbm>>) target(%arg14 : memref<128x64xf32, #tpu.memory_space<vmem>>) offsets(%dma_start3A_1685 : memref<128xi32, #tpu.memory_space<vmem>>) semaphore(%arg17 : memref<!tpu.dma_semaphore, #tpu.memory_space<semaphore_mem>>)
    %dma_start3A_1689 = arith.constant 1 : i32
    %dma_start3A_1690 = arith.constant 0 : i32
    %dma_start3A_1691 = tpu.memref_slice %arg7[%dma_start3A_1689, %dma_start3A_1690] : memref<4x128xi32, #tpu.memory_space<vmem>> -> memref<1x128xi32, #tpu.memory_space<vmem>>
    %dma_start3A_1692 = tpu.memref_squeeze %dma_start3A_1691 : memref<1x128xi32, #tpu.memory_space<vmem>> -> memref<128xi32, #tpu.memory_space<vmem>>
    %dma_start3A_1693 = arith.constant 0 : i32
    %dma_start3A_1694 = arith.constant 0 : i32
    %dma_start3A_1695 = tpu.memref_slice %arg5[%dma_start3A_1693, %dma_start3A_1694] : memref<100000x128xf32, #tpu.memory_space<hbm>> -> memref<100000x128xf32, #tpu.memory_space<hbm>>
    tpu.enqueue_indirect_dma source(%dma_start3A_1695 : memref<100000x128xf32, #tpu.memory_space<hbm>>) target(%arg15 : memref<128x128xf32, #tpu.memory_space<vmem>>) offsets(%dma_start3A_1692 : memref<128xi32, #tpu.memory_space<vmem>>) semaphore(%arg17 : memref<!tpu.dma_semaphore, #tpu.memory_space<semaphore_mem>>)
    %scan3A = arith.constant 0 : i32
    %scan3A_1696 = arith.constant 0.333333343 : f32
    %scan3A_1697 = arith.constant 0 : i32
    %scan3A_1698 = arith.constant 32 : i32
    %scan3A_1699 = arith.addi %scan3A_1697, %scan3A_1698 : i32
    %scan3A_1700 = arith.constant 1 : i32
    scf.for %scan3A_1868 = %scan3A_1697 to %scan3A_1699 step %scan3A_1700  : i32 {
      %mul3A_1869 = arith.constant 4 : i32
      %mul3A_1870 = arith.muli %scan3A_1868, %mul3A_1869 : i32
      %add3A_1871 = arith.constant 0 : i32
      %add3A_1872 = arith.addi %mul3A_1870, %add3A_1871 : i32
      %get3A_1873 = arith.index_cast %add3A_1872 : i32 to index
      %get3A_1874 = arith.constant 0 : index
      %get3A_1875 = tpu.vector_load %arg12[%get3A_1873, %get3A_1874] {strides = array<i32>} : memref<128x128xf32, #tpu.memory_space<vmem>>, vector<1x16xf32>,
      %get3A_1876 = vector.shape_cast %get3A_1875 : vector<1x16xf32> to vector<16xf32>
      %get3A_1877 = arith.index_cast %add3A_1872 : i32 to index
      %get3A_1878 = arith.constant 0 : index
      %get3A_1879 = tpu.vector_load %arg10[%get3A_1877, %get3A_1878] {strides = array<i32>} : memref<128x32xf32, #tpu.memory_space<vmem>>, vector<1x16xf32>,
      %get3A_1880 = vector.shape_cast %get3A_1879 : vector<1x16xf32> to vector<16xf32>
      %add3A_1881 = arith.addf %get3A_1876, %get3A_1880 : vector<16xf32>
      %get3A_1882 = arith.index_cast %add3A_1872 : i32 to index
      %get3A_1883 = arith.constant 0 : index
      %get3A_1884 = tpu.vector_load %arg11[%get3A_1882, %get3A_1883] {strides = array<i32>} : memref<128x64xf32, #tpu.memory_space<vmem>>, vector<1x16xf32>,
      %get3A_1885 = vector.shape_cast %get3A_1884 : vector<1x16xf32> to vector<16xf32>
      %add3A_1886 = arith.addf %add3A_1881, %get3A_1885 : vector<16xf32>
      %mul3A_1887 = vector.broadcast %scan3A_1696 : f32 to vector<16xf32>
      %mul3A_1888 = arith.mulf %add3A_1886, %mul3A_1887 : vector<16xf32>
      %swap3A_1889 = arith.index_cast %add3A_1872 : i32 to index
      %swap3A_1890 = arith.constant 0 : index
      %swap3A_1891 = tpu.vector_load %arg12[%swap3A_1889, %swap3A_1890] {strides = array<i32>} : memref<128x128xf32, #tpu.memory_space<vmem>>, vector<1x16xf32>,
      %swap3A_1892 = vector.shape_cast %swap3A_1891 : vector<1x16xf32> to vector<16xf32>
      %swap3A_1893 = vector.shape_cast %mul3A_1888 : vector<16xf32> to vector<1x16xf32>
      tpu.vector_store %arg12[%swap3A_1889, %swap3A_1890], %swap3A_1893 {strides = array<i32>} : memref<128x128xf32, #tpu.memory_space<vmem>>, vector<1x16xf32>,
      %get3A_1894 = arith.index_cast %add3A_1872 : i32 to index
      %get3A_1895 = arith.constant 16 : index
      %get3A_1896 = tpu.vector_load %arg12[%get3A_1894, %get3A_1895] {strides = array<i32>} : memref<128x128xf32, #tpu.memory_space<vmem>>, vector<1x16xf32>,
      %get3A_1897 = vector.shape_cast %get3A_1896 : vector<1x16xf32> to vector<16xf32>
      %get3A_1898 = arith.index_cast %add3A_1872 : i32 to index
      %get3A_1899 = arith.constant 16 : index
      %get3A_1900 = tpu.vector_load %arg10[%get3A_1898, %get3A_1899] {strides = array<i32>} : memref<128x32xf32, #tpu.memory_space<vmem>>, vector<1x16xf32>,
      %get3A_1901 = vector.shape_cast %get3A_1900 : vector<1x16xf32> to vector<16xf32>
      %add3A_1902 = arith.addf %get3A_1897, %get3A_1901 : vector<16xf32>
      %get3A_1903 = arith.index_cast %add3A_1872 : i32 to index
      %get3A_1904 = arith.constant 16 : index
      %get3A_1905 = tpu.vector_load %arg11[%get3A_1903, %get3A_1904] {strides = array<i32>} : memref<128x64xf32, #tpu.memory_space<vmem>>, vector<1x16xf32>,
      %get3A_1906 = vector.shape_cast %get3A_1905 : vector<1x16xf32> to vector<16xf32>
      %add3A_1907 = arith.addf %add3A_1902, %get3A_1906 : vector<16xf32>
      %mul3A_1908 = vector.broadcast %scan3A_1696 : f32 to vector<16xf32>
      %mul3A_1909 = arith.mulf %add3A_1907, %mul3A_1908 : vector<16xf32>
      %swap3A_1910 = arith.index_cast %add3A_1872 : i32 to index
      %swap3A_1911 = arith.constant 16 : index
      %swap3A_1912 = tpu.vector_load %arg12[%swap3A_1910, %swap3A_1911] {strides = array<i32>} : memref<128x128xf32, #tpu.memory_space<vmem>>, vector<1x16xf32>,
      %swap3A_1913 = vector.shape_cast %swap3A_1912 : vector<1x16xf32> to vector<16xf32>
      %swap3A_1914 = vector.shape_cast %mul3A_1909 : vector<16xf32> to vector<1x16xf32>
      tpu.vector_store %arg12[%swap3A_1910, %swap3A_1911], %swap3A_1914 {strides = array<i32>} : memref<128x128xf32, #tpu.memory_space<vmem>>, vector<1x16xf32>,
      %get3A_1915 = arith.index_cast %add3A_1872 : i32 to index
      %get3A_1916 = arith.constant 32 : index
      %get3A_1917 = tpu.vector_load %arg12[%get3A_1915, %get3A_1916] {strides = array<i32>} : memref<128x128xf32, #tpu.memory_space<vmem>>, vector<1x16xf32>,
      %get3A_1918 = vector.shape_cast %get3A_1917 : vector<1x16xf32> to vector<16xf32>
      %get3A_1919 = arith.index_cast %add3A_1872 : i32 to index
      %get3A_1920 = arith.constant 32 : index
      %get3A_1921 = tpu.vector_load %arg11[%get3A_1919, %get3A_1920] {strides = array<i32>} : memref<128x64xf32, #tpu.memory_space<vmem>>, vector<1x16xf32>,
      %get3A_1922 = vector.shape_cast %get3A_1921 : vector<1x16xf32> to vector<16xf32>
      %add3A_1923 = arith.addf %get3A_1918, %get3A_1922 : vector<16xf32>
      %mul3A_1924 = vector.broadcast %scan3A_1696 : f32 to vector<16xf32>
      %mul3A_1925 = arith.mulf %add3A_1923, %mul3A_1924 : vector<16xf32>
      %swap3A_1926 = arith.index_cast %add3A_1872 : i32 to index
      %swap3A_1927 = arith.constant 32 : index
      %swap3A_1928 = tpu.vector_load %arg12[%swap3A_1926, %swap3A_1927] {strides = array<i32>} : memref<128x128xf32, #tpu.memory_space<vmem>>, vector<1x16xf32>,
      %swap3A_1929 = vector.shape_cast %swap3A_1928 : vector<1x16xf32> to vector<16xf32>
      %swap3A_1930 = vector.shape_cast %mul3A_1925 : vector<16xf32> to vector<1x16xf32>
      tpu.vector_store %arg12[%swap3A_1926, %swap3A_1927], %swap3A_1930 {strides = array<i32>} : memref<128x128xf32, #tpu.memory_space<vmem>>, vector<1x16xf32>,
      %get3A_1931 = arith.index_cast %add3A_1872 : i32 to index
      %get3A_1932 = arith.constant 48 : index
      %get3A_1933 = tpu.vector_load %arg12[%get3A_1931, %get3A_1932] {strides = array<i32>} : memref<128x128xf32, #tpu.memory_space<vmem>>, vector<1x16xf32>,
      %get3A_1934 = vector.shape_cast %get3A_1933 : vector<1x16xf32> to vector<16xf32>
      %get3A_1935 = arith.index_cast %add3A_1872 : i32 to index
      %get3A_1936 = arith.constant 48 : index
      %get3A_1937 = tpu.vector_load %arg11[%get3A_1935, %get3A_1936] {strides = array<i32>} : memref<128x64xf32, #tpu.memory_space<vmem>>, vector<1x16xf32>,
      %get3A_1938 = vector.shape_cast %get3A_1937 : vector<1x16xf32> to vector<16xf32>
      %add3A_1939 = arith.addf %get3A_1934, %get3A_1938 : vector<16xf32>
      %mul3A_1940 = vector.broadcast %scan3A_1696 : f32 to vector<16xf32>
      %mul3A_1941 = arith.mulf %add3A_1939, %mul3A_1940 : vector<16xf32>
      %swap3A_1942 = arith.index_cast %add3A_1872 : i32 to index
      %swap3A_1943 = arith.constant 48 : index
      %swap3A_1944 = tpu.vector_load %arg12[%swap3A_1942, %swap3A_1943] {strides = array<i32>} : memref<128x128xf32, #tpu.memory_space<vmem>>, vector<1x16xf32>,
      %swap3A_1945 = vector.shape_cast %swap3A_1944 : vector<1x16xf32> to vector<16xf32>
      %swap3A_1946 = vector.shape_cast %mul3A_1941 : vector<16xf32> to vector<1x16xf32>
      tpu.vector_store %arg12[%swap3A_1942, %swap3A_1943], %swap3A_1946 {strides = array<i32>} : memref<128x128xf32, #tpu.memory_space<vmem>>, vector<1x16xf32>,
      %get3A_1947 = arith.index_cast %add3A_1872 : i32 to index
      %get3A_1948 = arith.constant 64 : index
      %get3A_1949 = tpu.vector_load %arg12[%get3A_1947, %get3A_1948] {strides = array<i32>} : memref<128x128xf32, #tpu.memory_space<vmem>>, vector<1x16xf32>,
      %get3A_1950 = vector.shape_cast %get3A_1949 : vector<1x16xf32> to vector<16xf32>
      %mul3A_1951 = vector.broadcast %scan3A_1696 : f32 to vector<16xf32>
      %mul3A_1952 = arith.mulf %get3A_1950, %mul3A_1951 : vector<16xf32>
      %swap3A_1953 = arith.index_cast %add3A_1872 : i32 to index
      %swap3A_1954 = arith.constant 64 : index
      %swap3A_1955 = tpu.vector_load %arg12[%swap3A_1953, %swap3A_1954] {strides = array<i32>} : memref<128x128xf32, #tpu.memory_space<vmem>>, vector<1x16xf32>,
      %swap3A_1956 = vector.shape_cast %swap3A_1955 : vector<1x16xf32> to vector<16xf32>
      %swap3A_1957 = vector.shape_cast %mul3A_1952 : vector<16xf32> to vector<1x16xf32>
      tpu.vector_store %arg12[%swap3A_1953, %swap3A_1954], %swap3A_1957 {strides = array<i32>} : memref<128x128xf32, #tpu.memory_space<vmem>>, vector<1x16xf32>,
      %get3A_1958 = arith.index_cast %add3A_1872 : i32 to index
      %get3A_1959 = arith.constant 80 : index
      %get3A_1960 = tpu.vector_load %arg12[%get3A_1958, %get3A_1959] {strides = array<i32>} : memref<128x128xf32, #tpu.memory_space<vmem>>, vector<1x16xf32>,
      %get3A_1961 = vector.shape_cast %get3A_1960 : vector<1x16xf32> to vector<16xf32>
      %mul3A_1962 = vector.broadcast %scan3A_1696 : f32 to vector<16xf32>
      %mul3A_1963 = arith.mulf %get3A_1961, %mul3A_1962 : vector<16xf32>
      %swap3A_1964 = arith.index_cast %add3A_1872 : i32 to index
      %swap3A_1965 = arith.constant 80 : index
      %swap3A_1966 = tpu.vector_load %arg12[%swap3A_1964, %swap3A_1965] {strides = array<i32>} : memref<128x128xf32, #tpu.memory_space<vmem>>, vector<1x16xf32>,
      %swap3A_1967 = vector.shape_cast %swap3A_1966 : vector<1x16xf32> to vector<16xf32>
      %swap3A_1968 = vector.shape_cast %mul3A_1963 : vector<16xf32> to vector<1x16xf32>
      tpu.vector_store %arg12[%swap3A_1964, %swap3A_1965], %swap3A_1968 {strides = array<i32>} : memref<128x128xf32, #tpu.memory_space<vmem>>, vector<1x16xf32>,
      %get3A_1969 = arith.index_cast %add3A_1872 : i32 to index
      %get3A_1970 = arith.constant 96 : index
      %get3A_1971 = tpu.vector_load %arg12[%get3A_1969, %get3A_1970] {strides = array<i32>} : memref<128x128xf32, #tpu.memory_space<vmem>>, vector<1x16xf32>,
      %get3A_1972 = vector.shape_cast %get3A_1971 : vector<1x16xf32> to vector<16xf32>
      %mul3A_1973 = vector.broadcast %scan3A_1696 : f32 to vector<16xf32>
      %mul3A_1974 = arith.mulf %get3A_1972, %mul3A_1973 : vector<16xf32>
      %swap3A_1975 = arith.index_cast %add3A_1872 : i32 to index
      %swap3A_1976 = arith.constant 96 : index
      %swap3A_1977 = tpu.vector_load %arg12[%swap3A_1975, %swap3A_1976] {strides = array<i32>} : memref<128x128xf32, #tpu.memory_space<vmem>>, vector<1x16xf32>,
      %swap3A_1978 = vector.shape_cast %swap3A_1977 : vector<1x16xf32> to vector<16xf32>
      %swap3A_1979 = vector.shape_cast %mul3A_1974 : vector<16xf32> to vector<1x16xf32>
      tpu.vector_store %arg12[%swap3A_1975, %swap3A_1976], %swap3A_1979 {strides = array<i32>} : memref<128x128xf32, #tpu.memory_space<vmem>>, vector<1x16xf32>,
      %get3A_1980 = arith.index_cast %add3A_1872 : i32 to index
      %get3A_1981 = arith.constant 112 : index
      %get3A_1982 = tpu.vector_load %arg12[%get3A_1980, %get3A_1981] {strides = array<i32>} : memref<128x128xf32, #tpu.memory_space<vmem>>, vector<1x16xf32>,
      %get3A_1983 = vector.shape_cast %get3A_1982 : vector<1x16xf32> to vector<16xf32>
      %mul3A_1984 = vector.broadcast %scan3A_1696 : f32 to vector<16xf32>
      %mul3A_1985 = arith.mulf %get3A_1983, %mul3A_1984 : vector<16xf32>
      %swap3A_1986 = arith.index_cast %add3A_1872 : i32 to index
      %swap3A_1987 = arith.constant 112 : index
      %swap3A_1988 = tpu.vector_load %arg12[%swap3A_1986, %swap3A_1987] {strides = array<i32>} : memref<128x128xf32, #tpu.memory_space<vmem>>, vector<1x16xf32>,
      %swap3A_1989 = vector.shape_cast %swap3A_1988 : vector<1x16xf32> to vector<16xf32>
      %swap3A_1990 = vector.shape_cast %mul3A_1985 : vector<16xf32> to vector<1x16xf32>
      tpu.vector_store %arg12[%swap3A_1986, %swap3A_1987], %swap3A_1990 {strides = array<i32>} : memref<128x128xf32, #tpu.memory_space<vmem>>, vector<1x16xf32>,
      %mul3A_1991 = arith.constant 4 : i32
      %mul3A_1992 = arith.muli %scan3A_1868, %mul3A_1991 : i32
      %add3A_1993 = arith.constant 1 : i32
      %add3A_1994 = arith.addi %mul3A_1992, %add3A_1993 : i32
      %get3A_1995 = arith.index_cast %add3A_1994 : i32 to index
      %get3A_1996 = arith.constant 0 : index
      %get3A_1997 = tpu.vector_load %arg12[%get3A_1995, %get3A_1996] {strides = array<i32>} : memref<128x128xf32, #tpu.memory_space<vmem>>, vector<1x16xf32>,
      %get3A_1998 = vector.shape_cast %get3A_1997 : vector<1x16xf32> to vector<16xf32>
      %get3A_1999 = arith.index_cast %add3A_1994 : i32 to index
      %get3A_2000 = arith.constant 0 : index
      %get3A_2001 = tpu.vector_load %arg10[%get3A_1999, %get3A_2000] {strides = array<i32>} : memref<128x32xf32, #tpu.memory_space<vmem>>, vector<1x16xf32>,
      %get3A_2002 = vector.shape_cast %get3A_2001 : vector<1x16xf32> to vector<16xf32>
      %add3A_2003 = arith.addf %get3A_1998, %get3A_2002 : vector<16xf32>
      %get3A_2004 = arith.index_cast %add3A_1994 : i32 to index
      %get3A_2005 = arith.constant 0 : index
      %get3A_2006 = tpu.vector_load %arg11[%get3A_2004, %get3A_2005] {strides = array<i32>} : memref<128x64xf32, #tpu.memory_space<vmem>>, vector<1x16xf32>,
      %get3A_2007 = vector.shape_cast %get3A_2006 : vector<1x16xf32> to vector<16xf32>
      %add3A_2008 = arith.addf %add3A_2003, %get3A_2007 : vector<16xf32>
      %mul3A_2009 = vector.broadcast %scan3A_1696 : f32 to vector<16xf32>
      %mul3A_2010 = arith.mulf %add3A_2008, %mul3A_2009 : vector<16xf32>
      %swap3A_2011 = arith.index_cast %add3A_1994 : i32 to index
      %swap3A_2012 = arith.constant 0 : index
      %swap3A_2013 = tpu.vector_load %arg12[%swap3A_2011, %swap3A_2012] {strides = array<i32>} : memref<128x128xf32, #tpu.memory_space<vmem>>, vector<1x16xf32>,
      %swap3A_2014 = vector.shape_cast %swap3A_2013 : vector<1x16xf32> to vector<16xf32>
      %swap3A_2015 = vector.shape_cast %mul3A_2010 : vector<16xf32> to vector<1x16xf32>
      tpu.vector_store %arg12[%swap3A_2011, %swap3A_2012], %swap3A_2015 {strides = array<i32>} : memref<128x128xf32, #tpu.memory_space<vmem>>, vector<1x16xf32>,
      %get3A_2016 = arith.index_cast %add3A_1994 : i32 to index
      %get3A_2017 = arith.constant 16 : index
      %get3A_2018 = tpu.vector_load %arg12[%get3A_2016, %get3A_2017] {strides = array<i32>} : memref<128x128xf32, #tpu.memory_space<vmem>>, vector<1x16xf32>,
      %get3A_2019 = vector.shape_cast %get3A_2018 : vector<1x16xf32> to vector<16xf32>
      %get3A_2020 = arith.index_cast %add3A_1994 : i32 to index
      %get3A_2021 = arith.constant 16 : index
      %get3A_2022 = tpu.vector_load %arg10[%get3A_2020, %get3A_2021] {strides = array<i32>} : memref<128x32xf32, #tpu.memory_space<vmem>>, vector<1x16xf32>,
      %get3A_2023 = vector.shape_cast %get3A_2022 : vector<1x16xf32> to vector<16xf32>
      %add3A_2024 = arith.addf %get3A_2019, %get3A_2023 : vector<16xf32>
      %get3A_2025 = arith.index_cast %add3A_1994 : i32 to index
      %get3A_2026 = arith.constant 16 : index
      %get3A_2027 = tpu.vector_load %arg11[%get3A_2025, %get3A_2026] {strides = array<i32>} : memref<128x64xf32, #tpu.memory_space<vmem>>, vector<1x16xf32>,
      %get3A_2028 = vector.shape_cast %get3A_2027 : vector<1x16xf32> to vector<16xf32>
      %add3A_2029 = arith.addf %add3A_2024, %get3A_2028 : vector<16xf32>
      %mul3A_2030 = vector.broadcast %scan3A_1696 : f32 to vector<16xf32>
      %mul3A_2031 = arith.mulf %add3A_2029, %mul3A_2030 : vector<16xf32>
      %swap3A_2032 = arith.index_cast %add3A_1994 : i32 to index
      %swap3A_2033 = arith.constant 16 : index
      %swap3A_2034 = tpu.vector_load %arg12[%swap3A_2032, %swap3A_2033] {strides = array<i32>} : memref<128x128xf32, #tpu.memory_space<vmem>>, vector<1x16xf32>,
      %swap3A_2035 = vector.shape_cast %swap3A_2034 : vector<1x16xf32> to vector<16xf32>
      %swap3A_2036 = vector.shape_cast %mul3A_2031 : vector<16xf32> to vector<1x16xf32>
      tpu.vector_store %arg12[%swap3A_2032, %swap3A_2033], %swap3A_2036 {strides = array<i32>} : memref<128x128xf32, #tpu.memory_space<vmem>>, vector<1x16xf32>,
      %get3A_2037 = arith.index_cast %add3A_1994 : i32 to index
      %get3A_2038 = arith.constant 32 : index
      %get3A_2039 = tpu.vector_load %arg12[%get3A_2037, %get3A_2038] {strides = array<i32>} : memref<128x128xf32, #tpu.memory_space<vmem>>, vector<1x16xf32>,
      %get3A_2040 = vector.shape_cast %get3A_2039 : vector<1x16xf32> to vector<16xf32>
      %get3A_2041 = arith.index_cast %add3A_1994 : i32 to index
      %get3A_2042 = arith.constant 32 : index
      %get3A_2043 = tpu.vector_load %arg11[%get3A_2041, %get3A_2042] {strides = array<i32>} : memref<128x64xf32, #tpu.memory_space<vmem>>, vector<1x16xf32>,
      %get3A_2044 = vector.shape_cast %get3A_2043 : vector<1x16xf32> to vector<16xf32>
      %add3A_2045 = arith.addf %get3A_2040, %get3A_2044 : vector<16xf32>
      %mul3A_2046 = vector.broadcast %scan3A_1696 : f32 to vector<16xf32>
      %mul3A_2047 = arith.mulf %add3A_2045, %mul3A_2046 : vector<16xf32>
      %swap3A_2048 = arith.index_cast %add3A_1994 : i32 to index
      %swap3A_2049 = arith.constant 32 : index
      %swap3A_2050 = tpu.vector_load %arg12[%swap3A_2048, %swap3A_2049] {strides = array<i32>} : memref<128x128xf32, #tpu.memory_space<vmem>>, vector<1x16xf32>,
      %swap3A_2051 = vector.shape_cast %swap3A_2050 : vector<1x16xf32> to vector<16xf32>
      %swap3A_2052 = vector.shape_cast %mul3A_2047 : vector<16xf32> to vector<1x16xf32>
      tpu.vector_store %arg12[%swap3A_2048, %swap3A_2049], %swap3A_2052 {strides = array<i32>} : memref<128x128xf32, #tpu.memory_space<vmem>>, vector<1x16xf32>,
      %get3A_2053 = arith.index_cast %add3A_1994 : i32 to index
      %get3A_2054 = arith.constant 48 : index
      %get3A_2055 = tpu.vector_load %arg12[%get3A_2053, %get3A_2054] {strides = array<i32>} : memref<128x128xf32, #tpu.memory_space<vmem>>, vector<1x16xf32>,
      %get3A_2056 = vector.shape_cast %get3A_2055 : vector<1x16xf32> to vector<16xf32>
      %get3A_2057 = arith.index_cast %add3A_1994 : i32 to index
      %get3A_2058 = arith.constant 48 : index
      %get3A_2059 = tpu.vector_load %arg11[%get3A_2057, %get3A_2058] {strides = array<i32>} : memref<128x64xf32, #tpu.memory_space<vmem>>, vector<1x16xf32>,
      %get3A_2060 = vector.shape_cast %get3A_2059 : vector<1x16xf32> to vector<16xf32>
      %add3A_2061 = arith.addf %get3A_2056, %get3A_2060 : vector<16xf32>
      %mul3A_2062 = vector.broadcast %scan3A_1696 : f32 to vector<16xf32>
      %mul3A_2063 = arith.mulf %add3A_2061, %mul3A_2062 : vector<16xf32>
      %swap3A_2064 = arith.index_cast %add3A_1994 : i32 to index
      %swap3A_2065 = arith.constant 48 : index
      %swap3A_2066 = tpu.vector_load %arg12[%swap3A_2064, %swap3A_2065] {strides = array<i32>} : memref<128x128xf32, #tpu.memory_space<vmem>>, vector<1x16xf32>,
      %swap3A_2067 = vector.shape_cast %swap3A_2066 : vector<1x16xf32> to vector<16xf32>
      %swap3A_2068 = vector.shape_cast %mul3A_2063 : vector<16xf32> to vector<1x16xf32>
      tpu.vector_store %arg12[%swap3A_2064, %swap3A_2065], %swap3A_2068 {strides = array<i32>} : memref<128x128xf32, #tpu.memory_space<vmem>>, vector<1x16xf32>,
      %get3A_2069 = arith.index_cast %add3A_1994 : i32 to index
      %get3A_2070 = arith.constant 64 : index
      %get3A_2071 = tpu.vector_load %arg12[%get3A_2069, %get3A_2070] {strides = array<i32>} : memref<128x128xf32, #tpu.memory_space<vmem>>, vector<1x16xf32>,
      %get3A_2072 = vector.shape_cast %get3A_2071 : vector<1x16xf32> to vector<16xf32>
      %mul3A_2073 = vector.broadcast %scan3A_1696 : f32 to vector<16xf32>
      %mul3A_2074 = arith.mulf %get3A_2072, %mul3A_2073 : vector<16xf32>
      %swap3A_2075 = arith.index_cast %add3A_1994 : i32 to index
      %swap3A_2076 = arith.constant 64 : index
      %swap3A_2077 = tpu.vector_load %arg12[%swap3A_2075, %swap3A_2076] {strides = array<i32>} : memref<128x128xf32, #tpu.memory_space<vmem>>, vector<1x16xf32>,
      %swap3A_2078 = vector.shape_cast %swap3A_2077 : vector<1x16xf32> to vector<16xf32>
      %swap3A_2079 = vector.shape_cast %mul3A_2074 : vector<16xf32> to vector<1x16xf32>
      tpu.vector_store %arg12[%swap3A_2075, %swap3A_2076], %swap3A_2079 {strides = array<i32>} : memref<128x128xf32, #tpu.memory_space<vmem>>, vector<1x16xf32>,
      %get3A_2080 = arith.index_cast %add3A_1994 : i32 to index
      %get3A_2081 = arith.constant 80 : index
      %get3A_2082 = tpu.vector_load %arg12[%get3A_2080, %get3A_2081] {strides = array<i32>} : memref<128x128xf32, #tpu.memory_space<vmem>>, vector<1x16xf32>,
      %get3A_2083 = vector.shape_cast %get3A_2082 : vector<1x16xf32> to vector<16xf32>
      %mul3A_2084 = vector.broadcast %scan3A_1696 : f32 to vector<16xf32>
      %mul3A_2085 = arith.mulf %get3A_2083, %mul3A_2084 : vector<16xf32>
      %swap3A_2086 = arith.index_cast %add3A_1994 : i32 to index
      %swap3A_2087 = arith.constant 80 : index
      %swap3A_2088 = tpu.vector_load %arg12[%swap3A_2086, %swap3A_2087] {strides = array<i32>} : memref<128x128xf32, #tpu.memory_space<vmem>>, vector<1x16xf32>,
      %swap3A_2089 = vector.shape_cast %swap3A_2088 : vector<1x16xf32> to vector<16xf32>
      %swap3A_2090 = vector.shape_cast %mul3A_2085 : vector<16xf32> to vector<1x16xf32>
      tpu.vector_store %arg12[%swap3A_2086, %swap3A_2087], %swap3A_2090 {strides = array<i32>} : memref<128x128xf32, #tpu.memory_space<vmem>>, vector<1x16xf32>,
      %get3A_2091 = arith.index_cast %add3A_1994 : i32 to index
      %get3A_2092 = arith.constant 96 : index
      %get3A_2093 = tpu.vector_load %arg12[%get3A_2091, %get3A_2092] {strides = array<i32>} : memref<128x128xf32, #tpu.memory_space<vmem>>, vector<1x16xf32>,
      %get3A_2094 = vector.shape_cast %get3A_2093 : vector<1x16xf32> to vector<16xf32>
      %mul3A_2095 = vector.broadcast %scan3A_1696 : f32 to vector<16xf32>
      %mul3A_2096 = arith.mulf %get3A_2094, %mul3A_2095 : vector<16xf32>
      %swap3A_2097 = arith.index_cast %add3A_1994 : i32 to index
      %swap3A_2098 = arith.constant 96 : index
      %swap3A_2099 = tpu.vector_load %arg12[%swap3A_2097, %swap3A_2098] {strides = array<i32>} : memref<128x128xf32, #tpu.memory_space<vmem>>, vector<1x16xf32>,
      %swap3A_2100 = vector.shape_cast %swap3A_2099 : vector<1x16xf32> to vector<16xf32>
      %swap3A_2101 = vector.shape_cast %mul3A_2096 : vector<16xf32> to vector<1x16xf32>
      tpu.vector_store %arg12[%swap3A_2097, %swap3A_2098], %swap3A_2101 {strides = array<i32>} : memref<128x128xf32, #tpu.memory_space<vmem>>, vector<1x16xf32>,
      %get3A_2102 = arith.index_cast %add3A_1994 : i32 to index
      %get3A_2103 = arith.constant 112 : index
      %get3A_2104 = tpu.vector_load %arg12[%get3A_2102, %get3A_2103] {strides = array<i32>} : memref<128x128xf32, #tpu.memory_space<vmem>>, vector<1x16xf32>,
      %get3A_2105 = vector.shape_cast %get3A_2104 : vector<1x16xf32> to vector<16xf32>
      %mul3A_2106 = vector.broadcast %scan3A_1696 : f32 to vector<16xf32>
      %mul3A_2107 = arith.mulf %get3A_2105, %mul3A_2106 : vector<16xf32>
      %swap3A_2108 = arith.index_cast %add3A_1994 : i32 to index
      %swap3A_2109 = arith.constant 112 : index
      %swap3A_2110 = tpu.vector_load %arg12[%swap3A_2108, %swap3A_2109] {strides = array<i32>} : memref<128x128xf32, #tpu.memory_space<vmem>>, vector<1x16xf32>,
      %swap3A_2111 = vector.shape_cast %swap3A_2110 : vector<1x16xf32> to vector<16xf32>
      %swap3A_2112 = vector.shape_cast %mul3A_2107 : vector<16xf32> to vector<1x16xf32>
      tpu.vector_store %arg12[%swap3A_2108, %swap3A_2109], %swap3A_2112 {strides = array<i32>} : memref<128x128xf32, #tpu.memory_space<vmem>>, vector<1x16xf32>,
      %mul3A_2113 = arith.constant 4 : i32
      %mul3A_2114 = arith.muli %scan3A_1868, %mul3A_2113 : i32
      %add3A_2115 = arith.constant 2 : i32
      %add3A_2116 = arith.addi %mul3A_2114, %add3A_2115 : i32
      %get3A_2117 = arith.index_cast %add3A_2116 : i32 to index
      %get3A_2118 = arith.constant 0 : index
      %get3A_2119 = tpu.vector_load %arg12[%get3A_2117, %get3A_2118] {strides = array<i32>} : memref<128x128xf32, #tpu.memory_space<vmem>>, vector<1x16xf32>,
      %get3A_2120 = vector.shape_cast %get3A_2119 : vector<1x16xf32> to vector<16xf32>
      %get3A_2121 = arith.index_cast %add3A_2116 : i32 to index
      %get3A_2122 = arith.constant 0 : index
      %get3A_2123 = tpu.vector_load %arg10[%get3A_2121, %get3A_2122] {strides = array<i32>} : memref<128x32xf32, #tpu.memory_space<vmem>>, vector<1x16xf32>,
      %get3A_2124 = vector.shape_cast %get3A_2123 : vector<1x16xf32> to vector<16xf32>
      %add3A_2125 = arith.addf %get3A_2120, %get3A_2124 : vector<16xf32>
      %get3A_2126 = arith.index_cast %add3A_2116 : i32 to index
      %get3A_2127 = arith.constant 0 : index
      %get3A_2128 = tpu.vector_load %arg11[%get3A_2126, %get3A_2127] {strides = array<i32>} : memref<128x64xf32, #tpu.memory_space<vmem>>, vector<1x16xf32>,
      %get3A_2129 = vector.shape_cast %get3A_2128 : vector<1x16xf32> to vector<16xf32>
      %add3A_2130 = arith.addf %add3A_2125, %get3A_2129 : vector<16xf32>
      %mul3A_2131 = vector.broadcast %scan3A_1696 : f32 to vector<16xf32>
      %mul3A_2132 = arith.mulf %add3A_2130, %mul3A_2131 : vector<16xf32>
      %swap3A_2133 = arith.index_cast %add3A_2116 : i32 to index
      %swap3A_2134 = arith.constant 0 : index
      %swap3A_2135 = tpu.vector_load %arg12[%swap3A_2133, %swap3A_2134] {strides = array<i32>} : memref<128x128xf32, #tpu.memory_space<vmem>>, vector<1x16xf32>,
      %swap3A_2136 = vector.shape_cast %swap3A_2135 : vector<1x16xf32> to vector<16xf32>
      %swap3A_2137 = vector.shape_cast %mul3A_2132 : vector<16xf32> to vector<1x16xf32>
      tpu.vector_store %arg12[%swap3A_2133, %swap3A_2134], %swap3A_2137 {strides = array<i32>} : memref<128x128xf32, #tpu.memory_space<vmem>>, vector<1x16xf32>,
      %get3A_2138 = arith.index_cast %add3A_2116 : i32 to index
      %get3A_2139 = arith.constant 16 : index
      %get3A_2140 = tpu.vector_load %arg12[%get3A_2138, %get3A_2139] {strides = array<i32>} : memref<128x128xf32, #tpu.memory_space<vmem>>, vector<1x16xf32>,
      %get3A_2141 = vector.shape_cast %get3A_2140 : vector<1x16xf32> to vector<16xf32>
      %get3A_2142 = arith.index_cast %add3A_2116 : i32 to index
      %get3A_2143 = arith.constant 16 : index
      %get3A_2144 = tpu.vector_load %arg10[%get3A_2142, %get3A_2143] {strides = array<i32>} : memref<128x32xf32, #tpu.memory_space<vmem>>, vector<1x16xf32>,
      %get3A_2145 = vector.shape_cast %get3A_2144 : vector<1x16xf32> to vector<16xf32>
      %add3A_2146 = arith.addf %get3A_2141, %get3A_2145 : vector<16xf32>
      %get3A_2147 = arith.index_cast %add3A_2116 : i32 to index
      %get3A_2148 = arith.constant 16 : index
      %get3A_2149 = tpu.vector_load %arg11[%get3A_2147, %get3A_2148] {strides = array<i32>} : memref<128x64xf32, #tpu.memory_space<vmem>>, vector<1x16xf32>,
      %get3A_2150 = vector.shape_cast %get3A_2149 : vector<1x16xf32> to vector<16xf32>
      %add3A_2151 = arith.addf %add3A_2146, %get3A_2150 : vector<16xf32>
      %mul3A_2152 = vector.broadcast %scan3A_1696 : f32 to vector<16xf32>
      %mul3A_2153 = arith.mulf %add3A_2151, %mul3A_2152 : vector<16xf32>
      %swap3A_2154 = arith.index_cast %add3A_2116 : i32 to index
      %swap3A_2155 = arith.constant 16 : index
      %swap3A_2156 = tpu.vector_load %arg12[%swap3A_2154, %swap3A_2155] {strides = array<i32>} : memref<128x128xf32, #tpu.memory_space<vmem>>, vector<1x16xf32>,
      %swap3A_2157 = vector.shape_cast %swap3A_2156 : vector<1x16xf32> to vector<16xf32>
      %swap3A_2158 = vector.shape_cast %mul3A_2153 : vector<16xf32> to vector<1x16xf32>
      tpu.vector_store %arg12[%swap3A_2154, %swap3A_2155], %swap3A_2158 {strides = array<i32>} : memref<128x128xf32, #tpu.memory_space<vmem>>, vector<1x16xf32>,
      %get3A_2159 = arith.index_cast %add3A_2116 : i32 to index
      %get3A_2160 = arith.constant 32 : index
      %get3A_2161 = tpu.vector_load %arg12[%get3A_2159, %get3A_2160] {strides = array<i32>} : memref<128x128xf32, #tpu.memory_space<vmem>>, vector<1x16xf32>,
      %get3A_2162 = vector.shape_cast %get3A_2161 : vector<1x16xf32> to vector<16xf32>
      %get3A_2163 = arith.index_cast %add3A_2116 : i32 to index
      %get3A_2164 = arith.constant 32 : index
      %get3A_2165 = tpu.vector_load %arg11[%get3A_2163, %get3A_2164] {strides = array<i32>} : memref<128x64xf32, #tpu.memory_space<vmem>>, vector<1x16xf32>,
      %get3A_2166 = vector.shape_cast %get3A_2165 : vector<1x16xf32> to vector<16xf32>
      %add3A_2167 = arith.addf %get3A_2162, %get3A_2166 : vector<16xf32>
      %mul3A_2168 = vector.broadcast %scan3A_1696 : f32 to vector<16xf32>
      %mul3A_2169 = arith.mulf %add3A_2167, %mul3A_2168 : vector<16xf32>
      %swap3A_2170 = arith.index_cast %add3A_2116 : i32 to index
      %swap3A_2171 = arith.constant 32 : index
      %swap3A_2172 = tpu.vector_load %arg12[%swap3A_2170, %swap3A_2171] {strides = array<i32>} : memref<128x128xf32, #tpu.memory_space<vmem>>, vector<1x16xf32>,
      %swap3A_2173 = vector.shape_cast %swap3A_2172 : vector<1x16xf32> to vector<16xf32>
      %swap3A_2174 = vector.shape_cast %mul3A_2169 : vector<16xf32> to vector<1x16xf32>
      tpu.vector_store %arg12[%swap3A_2170, %swap3A_2171], %swap3A_2174 {strides = array<i32>} : memref<128x128xf32, #tpu.memory_space<vmem>>, vector<1x16xf32>,
      %get3A_2175 = arith.index_cast %add3A_2116 : i32 to index
      %get3A_2176 = arith.constant 48 : index
      %get3A_2177 = tpu.vector_load %arg12[%get3A_2175, %get3A_2176] {strides = array<i32>} : memref<128x128xf32, #tpu.memory_space<vmem>>, vector<1x16xf32>,
      %get3A_2178 = vector.shape_cast %get3A_2177 : vector<1x16xf32> to vector<16xf32>
      %get3A_2179 = arith.index_cast %add3A_2116 : i32 to index
      %get3A_2180 = arith.constant 48 : index
      %get3A_2181 = tpu.vector_load %arg11[%get3A_2179, %get3A_2180] {strides = array<i32>} : memref<128x64xf32, #tpu.memory_space<vmem>>, vector<1x16xf32>,
      %get3A_2182 = vector.shape_cast %get3A_2181 : vector<1x16xf32> to vector<16xf32>
      %add3A_2183 = arith.addf %get3A_2178, %get3A_2182 : vector<16xf32>
      %mul3A_2184 = vector.broadcast %scan3A_1696 : f32 to vector<16xf32>
      %mul3A_2185 = arith.mulf %add3A_2183, %mul3A_2184 : vector<16xf32>
      %swap3A_2186 = arith.index_cast %add3A_2116 : i32 to index
      %swap3A_2187 = arith.constant 48 : index
      %swap3A_2188 = tpu.vector_load %arg12[%swap3A_2186, %swap3A_2187] {strides = array<i32>} : memref<128x128xf32, #tpu.memory_space<vmem>>, vector<1x16xf32>,
      %swap3A_2189 = vector.shape_cast %swap3A_2188 : vector<1x16xf32> to vector<16xf32>
      %swap3A_2190 = vector.shape_cast %mul3A_2185 : vector<16xf32> to vector<1x16xf32>
      tpu.vector_store %arg12[%swap3A_2186, %swap3A_2187], %swap3A_2190 {strides = array<i32>} : memref<128x128xf32, #tpu.memory_space<vmem>>, vector<1x16xf32>,
      %get3A_2191 = arith.index_cast %add3A_2116 : i32 to index
      %get3A_2192 = arith.constant 64 : index
      %get3A_2193 = tpu.vector_load %arg12[%get3A_2191, %get3A_2192] {strides = array<i32>} : memref<128x128xf32, #tpu.memory_space<vmem>>, vector<1x16xf32>,
      %get3A_2194 = vector.shape_cast %get3A_2193 : vector<1x16xf32> to vector<16xf32>
      %mul3A_2195 = vector.broadcast %scan3A_1696 : f32 to vector<16xf32>
      %mul3A_2196 = arith.mulf %get3A_2194, %mul3A_2195 : vector<16xf32>
      %swap3A_2197 = arith.index_cast %add3A_2116 : i32 to index
      %swap3A_2198 = arith.constant 64 : index
      %swap3A_2199 = tpu.vector_load %arg12[%swap3A_2197, %swap3A_2198] {strides = array<i32>} : memref<128x128xf32, #tpu.memory_space<vmem>>, vector<1x16xf32>,
      %swap3A_2200 = vector.shape_cast %swap3A_2199 : vector<1x16xf32> to vector<16xf32>
      %swap3A_2201 = vector.shape_cast %mul3A_2196 : vector<16xf32> to vector<1x16xf32>
      tpu.vector_store %arg12[%swap3A_2197, %swap3A_2198], %swap3A_2201 {strides = array<i32>} : memref<128x128xf32, #tpu.memory_space<vmem>>, vector<1x16xf32>,
      %get3A_2202 = arith.index_cast %add3A_2116 : i32 to index
      %get3A_2203 = arith.constant 80 : index
      %get3A_2204 = tpu.vector_load %arg12[%get3A_2202, %get3A_2203] {strides = array<i32>} : memref<128x128xf32, #tpu.memory_space<vmem>>, vector<1x16xf32>,
      %get3A_2205 = vector.shape_cast %get3A_2204 : vector<1x16xf32> to vector<16xf32>
      %mul3A_2206 = vector.broadcast %scan3A_1696 : f32 to vector<16xf32>
      %mul3A_2207 = arith.mulf %get3A_2205, %mul3A_2206 : vector<16xf32>
      %swap3A_2208 = arith.index_cast %add3A_2116 : i32 to index
      %swap3A_2209 = arith.constant 80 : index
      %swap3A_2210 = tpu.vector_load %arg12[%swap3A_2208, %swap3A_2209] {strides = array<i32>} : memref<128x128xf32, #tpu.memory_space<vmem>>, vector<1x16xf32>,
      %swap3A_2211 = vector.shape_cast %swap3A_2210 : vector<1x16xf32> to vector<16xf32>
      %swap3A_2212 = vector.shape_cast %mul3A_2207 : vector<16xf32> to vector<1x16xf32>
      tpu.vector_store %arg12[%swap3A_2208, %swap3A_2209], %swap3A_2212 {strides = array<i32>} : memref<128x128xf32, #tpu.memory_space<vmem>>, vector<1x16xf32>,
      %get3A_2213 = arith.index_cast %add3A_2116 : i32 to index
      %get3A_2214 = arith.constant 96 : index
      %get3A_2215 = tpu.vector_load %arg12[%get3A_2213, %get3A_2214] {strides = array<i32>} : memref<128x128xf32, #tpu.memory_space<vmem>>, vector<1x16xf32>,
      %get3A_2216 = vector.shape_cast %get3A_2215 : vector<1x16xf32> to vector<16xf32>
      %mul3A_2217 = vector.broadcast %scan3A_1696 : f32 to vector<16xf32>
      %mul3A_2218 = arith.mulf %get3A_2216, %mul3A_2217 : vector<16xf32>
      %swap3A_2219 = arith.index_cast %add3A_2116 : i32 to index
      %swap3A_2220 = arith.constant 96 : index
      %swap3A_2221 = tpu.vector_load %arg12[%swap3A_2219, %swap3A_2220] {strides = array<i32>} : memref<128x128xf32, #tpu.memory_space<vmem>>, vector<1x16xf32>,
      %swap3A_2222 = vector.shape_cast %swap3A_2221 : vector<1x16xf32> to vector<16xf32>
      %swap3A_2223 = vector.shape_cast %mul3A_2218 : vector<16xf32> to vector<1x16xf32>
      tpu.vector_store %arg12[%swap3A_2219, %swap3A_2220], %swap3A_2223 {strides = array<i32>} : memref<128x128xf32, #tpu.memory_space<vmem>>, vector<1x16xf32>,
      %get3A_2224 = arith.index_cast %add3A_2116 : i32 to index
      %get3A_2225 = arith.constant 112 : index
      %get3A_2226 = tpu.vector_load %arg12[%get3A_2224, %get3A_2225] {strides = array<i32>} : memref<128x128xf32, #tpu.memory_space<vmem>>, vector<1x16xf32>,
      %get3A_2227 = vector.shape_cast %get3A_2226 : vector<1x16xf32> to vector<16xf32>
      %mul3A_2228 = vector.broadcast %scan3A_1696 : f32 to vector<16xf32>
      %mul3A_2229 = arith.mulf %get3A_2227, %mul3A_2228 : vector<16xf32>
      %swap3A_2230 = arith.index_cast %add3A_2116 : i32 to index
      %swap3A_2231 = arith.constant 112 : index
      %swap3A_2232 = tpu.vector_load %arg12[%swap3A_2230, %swap3A_2231] {strides = array<i32>} : memref<128x128xf32, #tpu.memory_space<vmem>>, vector<1x16xf32>,
      %swap3A_2233 = vector.shape_cast %swap3A_2232 : vector<1x16xf32> to vector<16xf32>
      %swap3A_2234 = vector.shape_cast %mul3A_2229 : vector<16xf32> to vector<1x16xf32>
      tpu.vector_store %arg12[%swap3A_2230, %swap3A_2231], %swap3A_2234 {strides = array<i32>} : memref<128x128xf32, #tpu.memory_space<vmem>>, vector<1x16xf32>,
      %mul3A_2235 = arith.constant 4 : i32
      %mul3A_2236 = arith.muli %scan3A_1868, %mul3A_2235 : i32
      %add3A_2237 = arith.constant 3 : i32
      %add3A_2238 = arith.addi %mul3A_2236, %add3A_2237 : i32
      %get3A_2239 = arith.index_cast %add3A_2238 : i32 to index
      %get3A_2240 = arith.constant 0 : index
      %get3A_2241 = tpu.vector_load %arg12[%get3A_2239, %get3A_2240] {strides = array<i32>} : memref<128x128xf32, #tpu.memory_space<vmem>>, vector<1x16xf32>,
      %get3A_2242 = vector.shape_cast %get3A_2241 : vector<1x16xf32> to vector<16xf32>
      %get3A_2243 = arith.index_cast %add3A_2238 : i32 to index
      %get3A_2244 = arith.constant 0 : index
      %get3A_2245 = tpu.vector_load %arg10[%get3A_2243, %get3A_2244] {strides = array<i32>} : memref<128x32xf32, #tpu.memory_space<vmem>>, vector<1x16xf32>,
      %get3A_2246 = vector.shape_cast %get3A_2245 : vector<1x16xf32> to vector<16xf32>
      %add3A_2247 = arith.addf %get3A_2242, %get3A_2246 : vector<16xf32>
      %get3A_2248 = arith.index_cast %add3A_2238 : i32 to index
      %get3A_2249 = arith.constant 0 : index
      %get3A_2250 = tpu.vector_load %arg11[%get3A_2248, %get3A_2249] {strides = array<i32>} : memref<128x64xf32, #tpu.memory_space<vmem>>, vector<1x16xf32>,
      %get3A_2251 = vector.shape_cast %get3A_2250 : vector<1x16xf32> to vector<16xf32>
      %add3A_2252 = arith.addf %add3A_2247, %get3A_2251 : vector<16xf32>
      %mul3A_2253 = vector.broadcast %scan3A_1696 : f32 to vector<16xf32>
      %mul3A_2254 = arith.mulf %add3A_2252, %mul3A_2253 : vector<16xf32>
      %swap3A_2255 = arith.index_cast %add3A_2238 : i32 to index
      %swap3A_2256 = arith.constant 0 : index
      %swap3A_2257 = tpu.vector_load %arg12[%swap3A_2255, %swap3A_2256] {strides = array<i32>} : memref<128x128xf32, #tpu.memory_space<vmem>>, vector<1x16xf32>,
      %swap3A_2258 = vector.shape_cast %swap3A_2257 : vector<1x16xf32> to vector<16xf32>
      %swap3A_2259 = vector.shape_cast %mul3A_2254 : vector<16xf32> to vector<1x16xf32>
      tpu.vector_store %arg12[%swap3A_2255, %swap3A_2256], %swap3A_2259 {strides = array<i32>} : memref<128x128xf32, #tpu.memory_space<vmem>>, vector<1x16xf32>,
      %get3A_2260 = arith.index_cast %add3A_2238 : i32 to index
      %get3A_2261 = arith.constant 16 : index
      %get3A_2262 = tpu.vector_load %arg12[%get3A_2260, %get3A_2261] {strides = array<i32>} : memref<128x128xf32, #tpu.memory_space<vmem>>, vector<1x16xf32>,
      %get3A_2263 = vector.shape_cast %get3A_2262 : vector<1x16xf32> to vector<16xf32>
      %get3A_2264 = arith.index_cast %add3A_2238 : i32 to index
      %get3A_2265 = arith.constant 16 : index
      %get3A_2266 = tpu.vector_load %arg10[%get3A_2264, %get3A_2265] {strides = array<i32>} : memref<128x32xf32, #tpu.memory_space<vmem>>, vector<1x16xf32>,
      %get3A_2267 = vector.shape_cast %get3A_2266 : vector<1x16xf32> to vector<16xf32>
      %add3A_2268 = arith.addf %get3A_2263, %get3A_2267 : vector<16xf32>
      %get3A_2269 = arith.index_cast %add3A_2238 : i32 to index
      %get3A_2270 = arith.constant 16 : index
      %get3A_2271 = tpu.vector_load %arg11[%get3A_2269, %get3A_2270] {strides = array<i32>} : memref<128x64xf32, #tpu.memory_space<vmem>>, vector<1x16xf32>,
      %get3A_2272 = vector.shape_cast %get3A_2271 : vector<1x16xf32> to vector<16xf32>
      %add3A_2273 = arith.addf %add3A_2268, %get3A_2272 : vector<16xf32>
      %mul3A_2274 = vector.broadcast %scan3A_1696 : f32 to vector<16xf32>
      %mul3A_2275 = arith.mulf %add3A_2273, %mul3A_2274 : vector<16xf32>
      %swap3A_2276 = arith.index_cast %add3A_2238 : i32 to index
      %swap3A_2277 = arith.constant 16 : index
      %swap3A_2278 = tpu.vector_load %arg12[%swap3A_2276, %swap3A_2277] {strides = array<i32>} : memref<128x128xf32, #tpu.memory_space<vmem>>, vector<1x16xf32>,
      %swap3A_2279 = vector.shape_cast %swap3A_2278 : vector<1x16xf32> to vector<16xf32>
      %swap3A_2280 = vector.shape_cast %mul3A_2275 : vector<16xf32> to vector<1x16xf32>
      tpu.vector_store %arg12[%swap3A_2276, %swap3A_2277], %swap3A_2280 {strides = array<i32>} : memref<128x128xf32, #tpu.memory_space<vmem>>, vector<1x16xf32>,
      %get3A_2281 = arith.index_cast %add3A_2238 : i32 to index
      %get3A_2282 = arith.constant 32 : index
      %get3A_2283 = tpu.vector_load %arg12[%get3A_2281, %get3A_2282] {strides = array<i32>} : memref<128x128xf32, #tpu.memory_space<vmem>>, vector<1x16xf32>,
      %get3A_2284 = vector.shape_cast %get3A_2283 : vector<1x16xf32> to vector<16xf32>
      %get3A_2285 = arith.index_cast %add3A_2238 : i32 to index
      %get3A_2286 = arith.constant 32 : index
      %get3A_2287 = tpu.vector_load %arg11[%get3A_2285, %get3A_2286] {strides = array<i32>} : memref<128x64xf32, #tpu.memory_space<vmem>>, vector<1x16xf32>,
      %get3A_2288 = vector.shape_cast %get3A_2287 : vector<1x16xf32> to vector<16xf32>
      %add3A_2289 = arith.addf %get3A_2284, %get3A_2288 : vector<16xf32>
      %mul3A_2290 = vector.broadcast %scan3A_1696 : f32 to vector<16xf32>
      %mul3A_2291 = arith.mulf %add3A_2289, %mul3A_2290 : vector<16xf32>
      %swap3A_2292 = arith.index_cast %add3A_2238 : i32 to index
      %swap3A_2293 = arith.constant 32 : index
      %swap3A_2294 = tpu.vector_load %arg12[%swap3A_2292, %swap3A_2293] {strides = array<i32>} : memref<128x128xf32, #tpu.memory_space<vmem>>, vector<1x16xf32>,
      %swap3A_2295 = vector.shape_cast %swap3A_2294 : vector<1x16xf32> to vector<16xf32>
      %swap3A_2296 = vector.shape_cast %mul3A_2291 : vector<16xf32> to vector<1x16xf32>
      tpu.vector_store %arg12[%swap3A_2292, %swap3A_2293], %swap3A_2296 {strides = array<i32>} : memref<128x128xf32, #tpu.memory_space<vmem>>, vector<1x16xf32>,
      %get3A_2297 = arith.index_cast %add3A_2238 : i32 to index
      %get3A_2298 = arith.constant 48 : index
      %get3A_2299 = tpu.vector_load %arg12[%get3A_2297, %get3A_2298] {strides = array<i32>} : memref<128x128xf32, #tpu.memory_space<vmem>>, vector<1x16xf32>,
      %get3A_2300 = vector.shape_cast %get3A_2299 : vector<1x16xf32> to vector<16xf32>
      %get3A_2301 = arith.index_cast %add3A_2238 : i32 to index
      %get3A_2302 = arith.constant 48 : index
      %get3A_2303 = tpu.vector_load %arg11[%get3A_2301, %get3A_2302] {strides = array<i32>} : memref<128x64xf32, #tpu.memory_space<vmem>>, vector<1x16xf32>,
      %get3A_2304 = vector.shape_cast %get3A_2303 : vector<1x16xf32> to vector<16xf32>
      %add3A_2305 = arith.addf %get3A_2300, %get3A_2304 : vector<16xf32>
      %mul3A_2306 = vector.broadcast %scan3A_1696 : f32 to vector<16xf32>
      %mul3A_2307 = arith.mulf %add3A_2305, %mul3A_2306 : vector<16xf32>
      %swap3A_2308 = arith.index_cast %add3A_2238 : i32 to index
      %swap3A_2309 = arith.constant 48 : index
      %swap3A_2310 = tpu.vector_load %arg12[%swap3A_2308, %swap3A_2309] {strides = array<i32>} : memref<128x128xf32, #tpu.memory_space<vmem>>, vector<1x16xf32>,
      %swap3A_2311 = vector.shape_cast %swap3A_2310 : vector<1x16xf32> to vector<16xf32>
      %swap3A_2312 = vector.shape_cast %mul3A_2307 : vector<16xf32> to vector<1x16xf32>
      tpu.vector_store %arg12[%swap3A_2308, %swap3A_2309], %swap3A_2312 {strides = array<i32>} : memref<128x128xf32, #tpu.memory_space<vmem>>, vector<1x16xf32>,
      %get3A_2313 = arith.index_cast %add3A_2238 : i32 to index
      %get3A_2314 = arith.constant 64 : index
      %get3A_2315 = tpu.vector_load %arg12[%get3A_2313, %get3A_2314] {strides = array<i32>} : memref<128x128xf32, #tpu.memory_space<vmem>>, vector<1x16xf32>,
      %get3A_2316 = vector.shape_cast %get3A_2315 : vector<1x16xf32> to vector<16xf32>
      %mul3A_2317 = vector.broadcast %scan3A_1696 : f32 to vector<16xf32>
      %mul3A_2318 = arith.mulf %get3A_2316, %mul3A_2317 : vector<16xf32>
      %swap3A_2319 = arith.index_cast %add3A_2238 : i32 to index
      %swap3A_2320 = arith.constant 64 : index
      %swap3A_2321 = tpu.vector_load %arg12[%swap3A_2319, %swap3A_2320] {strides = array<i32>} : memref<128x128xf32, #tpu.memory_space<vmem>>, vector<1x16xf32>,
      %swap3A_2322 = vector.shape_cast %swap3A_2321 : vector<1x16xf32> to vector<16xf32>
      %swap3A_2323 = vector.shape_cast %mul3A_2318 : vector<16xf32> to vector<1x16xf32>
      tpu.vector_store %arg12[%swap3A_2319, %swap3A_2320], %swap3A_2323 {strides = array<i32>} : memref<128x128xf32, #tpu.memory_space<vmem>>, vector<1x16xf32>,
      %get3A_2324 = arith.index_cast %add3A_2238 : i32 to index
      %get3A_2325 = arith.constant 80 : index
      %get3A_2326 = tpu.vector_load %arg12[%get3A_2324, %get3A_2325] {strides = array<i32>} : memref<128x128xf32, #tpu.memory_space<vmem>>, vector<1x16xf32>,
      %get3A_2327 = vector.shape_cast %get3A_2326 : vector<1x16xf32> to vector<16xf32>
      %mul3A_2328 = vector.broadcast %scan3A_1696 : f32 to vector<16xf32>
      %mul3A_2329 = arith.mulf %get3A_2327, %mul3A_2328 : vector<16xf32>
      %swap3A_2330 = arith.index_cast %add3A_2238 : i32 to index
      %swap3A_2331 = arith.constant 80 : index
      %swap3A_2332 = tpu.vector_load %arg12[%swap3A_2330, %swap3A_2331] {strides = array<i32>} : memref<128x128xf32, #tpu.memory_space<vmem>>, vector<1x16xf32>,
      %swap3A_2333 = vector.shape_cast %swap3A_2332 : vector<1x16xf32> to vector<16xf32>
      %swap3A_2334 = vector.shape_cast %mul3A_2329 : vector<16xf32> to vector<1x16xf32>
      tpu.vector_store %arg12[%swap3A_2330, %swap3A_2331], %swap3A_2334 {strides = array<i32>} : memref<128x128xf32, #tpu.memory_space<vmem>>, vector<1x16xf32>,
      %get3A_2335 = arith.index_cast %add3A_2238 : i32 to index
      %get3A_2336 = arith.constant 96 : index
      %get3A_2337 = tpu.vector_load %arg12[%get3A_2335, %get3A_2336] {strides = array<i32>} : memref<128x128xf32, #tpu.memory_space<vmem>>, vector<1x16xf32>,
      %get3A_2338 = vector.shape_cast %get3A_2337 : vector<1x16xf32> to vector<16xf32>
      %mul3A_2339 = vector.broadcast %scan3A_1696 : f32 to vector<16xf32>
      %mul3A_2340 = arith.mulf %get3A_2338, %mul3A_2339 : vector<16xf32>
      %swap3A_2341 = arith.index_cast %add3A_2238 : i32 to index
      %swap3A_2342 = arith.constant 96 : index
      %swap3A_2343 = tpu.vector_load %arg12[%swap3A_2341, %swap3A_2342] {strides = array<i32>} : memref<128x128xf32, #tpu.memory_space<vmem>>, vector<1x16xf32>,
      %swap3A_2344 = vector.shape_cast %swap3A_2343 : vector<1x16xf32> to vector<16xf32>
      %swap3A_2345 = vector.shape_cast %mul3A_2340 : vector<16xf32> to vector<1x16xf32>
      tpu.vector_store %arg12[%swap3A_2341, %swap3A_2342], %swap3A_2345 {strides = array<i32>} : memref<128x128xf32, #tpu.memory_space<vmem>>, vector<1x16xf32>,
      %get3A_2346 = arith.index_cast %add3A_2238 : i32 to index
      %get3A_2347 = arith.constant 112 : index
      %get3A_2348 = tpu.vector_load %arg12[%get3A_2346, %get3A_2347] {strides = array<i32>} : memref<128x128xf32, #tpu.memory_space<vmem>>, vector<1x16xf32>,
      %get3A_2349 = vector.shape_cast %get3A_2348 : vector<1x16xf32> to vector<16xf32>
      %mul3A_2350 = vector.broadcast %scan3A_1696 : f32 to vector<16xf32>
      %mul3A_2351 = arith.mulf %get3A_2349, %mul3A_2350 : vector<16xf32>
      %swap3A_2352 = arith.index_cast %add3A_2238 : i32 to index
      %swap3A_2353 = arith.constant 112 : index
      %swap3A_2354 = tpu.vector_load %arg12[%swap3A_2352, %swap3A_2353] {strides = array<i32>} : memref<128x128xf32, #tpu.memory_space<vmem>>, vector<1x16xf32>,
      %swap3A_2355 = vector.shape_cast %swap3A_2354 : vector<1x16xf32> to vector<16xf32>
      %swap3A_2356 = vector.shape_cast %mul3A_2351 : vector<16xf32> to vector<1x16xf32>
      tpu.vector_store %arg12[%swap3A_2352, %swap3A_2353], %swap3A_2356 {strides = array<i32>} : memref<128x128xf32, #tpu.memory_space<vmem>>, vector<1x16xf32>,
    }
    %scan3A_1701 = arith.constant 32 : i32
    %add3A_1702 = arith.constant 0 : i32
    %add3A_1703 = arith.addi %mul3A_2, %add3A_1702 : i32
    %dma_start3A_1704 = arith.constant 0 : i32
    %dma_start3A_1705 = tpu.memref_slice %arg6[%add3A_1703, %dma_start3A_1704] : memref<16384x128xf32, #tpu.memory_space<hbm>> -> memref<128x128xf32, #tpu.memory_space<hbm>>
    %dma_start3A_1706 = arith.constant 0 : i32
    %dma_start3A_1707 = tpu.memref_slice %arg6[%add3A_1703, %dma_start3A_1706] : memref<16384x128xf32, #tpu.memory_space<hbm>> -> memref<128x128xf32, #tpu.memory_space<hbm>>
    tpu.enqueue_dma source(%arg12 : memref<128x128xf32, #tpu.memory_space<vmem>>) target(%dma_start3A_1707 : memref<128x128xf32, #tpu.memory_space<hbm>>) target_semaphore(%arg18 : memref<!tpu.dma_semaphore, #tpu.memory_space<semaphore_mem>>)
    %dma_wait3A_1708 = arith.constant 1 : i32
    %dma_wait3A_1709 = arith.constant 0 : i32
    %dma_wait3A_1710 = tpu.memref_slice %arg8[%dma_wait3A_1708, %dma_wait3A_1709] : memref<4x128xi32, #tpu.memory_space<vmem>> -> memref<1x128xi32, #tpu.memory_space<vmem>>
    %dma_wait3A_1711 = tpu.memref_squeeze %dma_wait3A_1710 : memref<1x128xi32, #tpu.memory_space<vmem>> -> memref<128xi32, #tpu.memory_space<vmem>>
    %dma_wait3A_1712 = arith.constant 0 : i32
    %dma_wait3A_1713 = arith.constant 0 : i32
    %dma_wait3A_1714 = tpu.memref_slice %arg3[%dma_wait3A_1712, %dma_wait3A_1713] : memref<131072x32xf32, #tpu.memory_space<hbm>> -> memref<131072x32xf32, #tpu.memory_space<hbm>>
    tpu.wait_indirect_dma semaphore(%arg17 : memref<!tpu.dma_semaphore, #tpu.memory_space<semaphore_mem>>) src(%dma_wait3A_1714 : memref<131072x32xf32, #tpu.memory_space<hbm>>) dst(%arg13 : memref<128x32xf32, #tpu.memory_space<vmem>>)
    %dma_wait3A_1715 = arith.constant 1 : i32
    %dma_wait3A_1716 = arith.constant 0 : i32
    %dma_wait3A_1717 = tpu.memref_slice %arg9[%dma_wait3A_1715, %dma_wait3A_1716] : memref<4x128xi32, #tpu.memory_space<vmem>> -> memref<1x128xi32, #tpu.memory_space<vmem>>
    %dma_wait3A_1718 = tpu.memref_squeeze %dma_wait3A_1717 : memref<1x128xi32, #tpu.memory_space<vmem>> -> memref<128xi32, #tpu.memory_space<vmem>>
    %dma_wait3A_1719 = arith.constant 0 : i32
    %dma_wait3A_1720 = arith.constant 0 : i32
    %dma_wait3A_1721 = tpu.memref_slice %arg4[%dma_wait3A_1719, %dma_wait3A_1720] : memref<114688x64xf32, #tpu.memory_space<hbm>> -> memref<114688x64xf32, #tpu.memory_space<hbm>>
    tpu.wait_indirect_dma semaphore(%arg17 : memref<!tpu.dma_semaphore, #tpu.memory_space<semaphore_mem>>) src(%dma_wait3A_1721 : memref<114688x64xf32, #tpu.memory_space<hbm>>) dst(%arg14 : memref<128x64xf32, #tpu.memory_space<vmem>>)
    %dma_wait3A_1722 = arith.constant 1 : i32
    %dma_wait3A_1723 = arith.constant 0 : i32
    %dma_wait3A_1724 = tpu.memref_slice %arg7[%dma_wait3A_1722, %dma_wait3A_1723] : memref<4x128xi32, #tpu.memory_space<vmem>> -> memref<1x128xi32, #tpu.memory_space<vmem>>
    %dma_wait3A_1725 = tpu.memref_squeeze %dma_wait3A_1724 : memref<1x128xi32, #tpu.memory_space<vmem>> -> memref<128xi32, #tpu.memory_space<vmem>>
    %dma_wait3A_1726 = arith.constant 0 : i32
    %dma_wait3A_1727 = arith.constant 0 : i32
    %dma_wait3A_1728 = tpu.memref_slice %arg5[%dma_wait3A_1726, %dma_wait3A_1727] : memref<100000x128xf32, #tpu.memory_space<hbm>> -> memref<100000x128xf32, #tpu.memory_space<hbm>>
    tpu.wait_indirect_dma semaphore(%arg17 : memref<!tpu.dma_semaphore, #tpu.memory_space<semaphore_mem>>) src(%dma_wait3A_1728 : memref<100000x128xf32, #tpu.memory_space<hbm>>) dst(%arg15 : memref<128x128xf32, #tpu.memory_space<vmem>>)
    %dma_wait3A_1729 = arith.constant 0 : i32
    %dma_wait3A_1730 = tpu.memref_slice %arg6[%add3A_1703, %dma_wait3A_1729] : memref<16384x128xf32, #tpu.memory_space<hbm>> -> memref<128x128xf32, #tpu.memory_space<hbm>>
    %dma_wait3A_1731 = arith.constant 0 : i32
    %dma_wait3A_1732 = tpu.memref_slice %arg6[%add3A_1703, %dma_wait3A_1731] : memref<16384x128xf32, #tpu.memory_space<hbm>> -> memref<128x128xf32, #tpu.memory_space<hbm>>
    tpu.wait_dma2 semaphore(%arg18 : memref<!tpu.dma_semaphore, #tpu.memory_space<semaphore_mem>>) src(%arg12 : memref<128x128xf32, #tpu.memory_space<vmem>>) dst(%dma_wait3A_1732 : memref<128x128xf32, #tpu.memory_space<hbm>>)
    %dma_start3A_1733 = arith.constant 2 : i32
    %dma_start3A_1734 = arith.constant 0 : i32
    %dma_start3A_1735 = tpu.memref_slice %arg8[%dma_start3A_1733, %dma_start3A_1734] : memref<4x128xi32, #tpu.memory_space<vmem>> -> memref<1x128xi32, #tpu.memory_space<vmem>>
    %dma_start3A_1736 = tpu.memref_squeeze %dma_start3A_1735 : memref<1x128xi32, #tpu.memory_space<vmem>> -> memref<128xi32, #tpu.memory_space<vmem>>
    %dma_start3A_1737 = arith.constant 0 : i32
    %dma_start3A_1738 = arith.constant 0 : i32
    %dma_start3A_1739 = tpu.memref_slice %arg3[%dma_start3A_1737, %dma_start3A_1738] : memref<131072x32xf32, #tpu.memory_space<hbm>> -> memref<131072x32xf32, #tpu.memory_space<hbm>>
    tpu.enqueue_indirect_dma source(%dma_start3A_1739 : memref<131072x32xf32, #tpu.memory_space<hbm>>) target(%arg10 : memref<128x32xf32, #tpu.memory_space<vmem>>) offsets(%dma_start3A_1736 : memref<128xi32, #tpu.memory_space<vmem>>) semaphore(%arg16 : memref<!tpu.dma_semaphore, #tpu.memory_space<semaphore_mem>>)
    %dma_start3A_1740 = arith.constant 2 : i32
    %dma_start3A_1741 = arith.constant 0 : i32
    %dma_start3A_1742 = tpu.memref_slice %arg9[%dma_start3A_1740, %dma_start3A_1741] : memref<4x128xi32, #tpu.memory_space<vmem>> -> memref<1x128xi32, #tpu.memory_space<vmem>>
    %dma_start3A_1743 = tpu.memref_squeeze %dma_start3A_1742 : memref<1x128xi32, #tpu.memory_space<vmem>> -> memref<128xi32, #tpu.memory_space<vmem>>
    %dma_start3A_1744 = arith.constant 0 : i32
    %dma_start3A_1745 = arith.constant 0 : i32
    %dma_start3A_1746 = tpu.memref_slice %arg4[%dma_start3A_1744, %dma_start3A_1745] : memref<114688x64xf32, #tpu.memory_space<hbm>> -> memref<114688x64xf32, #tpu.memory_space<hbm>>
    tpu.enqueue_indirect_dma source(%dma_start3A_1746 : memref<114688x64xf32, #tpu.memory_space<hbm>>) target(%arg11 : memref<128x64xf32, #tpu.memory_space<vmem>>) offsets(%dma_start3A_1743 : memref<128xi32, #tpu.memory_space<vmem>>) semaphore(%arg16 : memref<!tpu.dma_semaphore, #tpu.memory_space<semaphore_mem>>)
    %dma_start3A_1747 = arith.constant 2 : i32
    %dma_start3A_1748 = arith.constant 0 : i32
    %dma_start3A_1749 = tpu.memref_slice %arg7[%dma_start3A_1747, %dma_start3A_1748] : memref<4x128xi32, #tpu.memory_space<vmem>> -> memref<1x128xi32, #tpu.memory_space<vmem>>
    %dma_start3A_1750 = tpu.memref_squeeze %dma_start3A_1749 : memref<1x128xi32, #tpu.memory_space<vmem>> -> memref<128xi32, #tpu.memory_space<vmem>>
    %dma_start3A_1751 = arith.constant 0 : i32
    %dma_start3A_1752 = arith.constant 0 : i32
    %dma_start3A_1753 = tpu.memref_slice %arg5[%dma_start3A_1751, %dma_start3A_1752] : memref<100000x128xf32, #tpu.memory_space<hbm>> -> memref<100000x128xf32, #tpu.memory_space<hbm>>
    tpu.enqueue_indirect_dma source(%dma_start3A_1753 : memref<100000x128xf32, #tpu.memory_space<hbm>>) target(%arg12 : memref<128x128xf32, #tpu.memory_space<vmem>>) offsets(%dma_start3A_1750 : memref<128xi32, #tpu.memory_space<vmem>>) semaphore(%arg16 : memref<!tpu.dma_semaphore, #tpu.memory_space<semaphore_mem>>)
    %scan3A_1754 = arith.constant 0 : i32
    %scan3A_1755 = arith.constant 0.333333343 : f32
    %scan3A_1756 = arith.constant 0 : i32
    %scan3A_1757 = arith.constant 32 : i32
    %scan3A_1758 = arith.addi %scan3A_1756, %scan3A_1757 : i32
    %scan3A_1759 = arith.constant 1 : i32
    scf.for %scan3A_1868 = %scan3A_1756 to %scan3A_1758 step %scan3A_1759  : i32 {
      %mul3A_1869 = arith.constant 4 : i32
      %mul3A_1870 = arith.muli %scan3A_1868, %mul3A_1869 : i32
      %add3A_1871 = arith.constant 0 : i32
      %add3A_1872 = arith.addi %mul3A_1870, %add3A_1871 : i32
      %get3A_1873 = arith.index_cast %add3A_1872 : i32 to index
      %get3A_1874 = arith.constant 0 : index
      %get3A_1875 = tpu.vector_load %arg15[%get3A_1873, %get3A_1874] {strides = array<i32>} : memref<128x128xf32, #tpu.memory_space<vmem>>, vector<1x16xf32>,
      %get3A_1876 = vector.shape_cast %get3A_1875 : vector<1x16xf32> to vector<16xf32>
      %get3A_1877 = arith.index_cast %add3A_1872 : i32 to index
      %get3A_1878 = arith.constant 0 : index
      %get3A_1879 = tpu.vector_load %arg13[%get3A_1877, %get3A_1878] {strides = array<i32>} : memref<128x32xf32, #tpu.memory_space<vmem>>, vector<1x16xf32>,
      %get3A_1880 = vector.shape_cast %get3A_1879 : vector<1x16xf32> to vector<16xf32>
      %add3A_1881 = arith.addf %get3A_1876, %get3A_1880 : vector<16xf32>
      %get3A_1882 = arith.index_cast %add3A_1872 : i32 to index
      %get3A_1883 = arith.constant 0 : index
      %get3A_1884 = tpu.vector_load %arg14[%get3A_1882, %get3A_1883] {strides = array<i32>} : memref<128x64xf32, #tpu.memory_space<vmem>>, vector<1x16xf32>,
      %get3A_1885 = vector.shape_cast %get3A_1884 : vector<1x16xf32> to vector<16xf32>
      %add3A_1886 = arith.addf %add3A_1881, %get3A_1885 : vector<16xf32>
      %mul3A_1887 = vector.broadcast %scan3A_1755 : f32 to vector<16xf32>
      %mul3A_1888 = arith.mulf %add3A_1886, %mul3A_1887 : vector<16xf32>
      %swap3A_1889 = arith.index_cast %add3A_1872 : i32 to index
      %swap3A_1890 = arith.constant 0 : index
      %swap3A_1891 = tpu.vector_load %arg15[%swap3A_1889, %swap3A_1890] {strides = array<i32>} : memref<128x128xf32, #tpu.memory_space<vmem>>, vector<1x16xf32>,
      %swap3A_1892 = vector.shape_cast %swap3A_1891 : vector<1x16xf32> to vector<16xf32>
      %swap3A_1893 = vector.shape_cast %mul3A_1888 : vector<16xf32> to vector<1x16xf32>
      tpu.vector_store %arg15[%swap3A_1889, %swap3A_1890], %swap3A_1893 {strides = array<i32>} : memref<128x128xf32, #tpu.memory_space<vmem>>, vector<1x16xf32>,
      %get3A_1894 = arith.index_cast %add3A_1872 : i32 to index
      %get3A_1895 = arith.constant 16 : index
      %get3A_1896 = tpu.vector_load %arg15[%get3A_1894, %get3A_1895] {strides = array<i32>} : memref<128x128xf32, #tpu.memory_space<vmem>>, vector<1x16xf32>,
      %get3A_1897 = vector.shape_cast %get3A_1896 : vector<1x16xf32> to vector<16xf32>
      %get3A_1898 = arith.index_cast %add3A_1872 : i32 to index
      %get3A_1899 = arith.constant 16 : index
      %get3A_1900 = tpu.vector_load %arg13[%get3A_1898, %get3A_1899] {strides = array<i32>} : memref<128x32xf32, #tpu.memory_space<vmem>>, vector<1x16xf32>,
      %get3A_1901 = vector.shape_cast %get3A_1900 : vector<1x16xf32> to vector<16xf32>
      %add3A_1902 = arith.addf %get3A_1897, %get3A_1901 : vector<16xf32>
      %get3A_1903 = arith.index_cast %add3A_1872 : i32 to index
      %get3A_1904 = arith.constant 16 : index
      %get3A_1905 = tpu.vector_load %arg14[%get3A_1903, %get3A_1904] {strides = array<i32>} : memref<128x64xf32, #tpu.memory_space<vmem>>, vector<1x16xf32>,
      %get3A_1906 = vector.shape_cast %get3A_1905 : vector<1x16xf32> to vector<16xf32>
      %add3A_1907 = arith.addf %add3A_1902, %get3A_1906 : vector<16xf32>
      %mul3A_1908 = vector.broadcast %scan3A_1755 : f32 to vector<16xf32>
      %mul3A_1909 = arith.mulf %add3A_1907, %mul3A_1908 : vector<16xf32>
      %swap3A_1910 = arith.index_cast %add3A_1872 : i32 to index
      %swap3A_1911 = arith.constant 16 : index
      %swap3A_1912 = tpu.vector_load %arg15[%swap3A_1910, %swap3A_1911] {strides = array<i32>} : memref<128x128xf32, #tpu.memory_space<vmem>>, vector<1x16xf32>,
      %swap3A_1913 = vector.shape_cast %swap3A_1912 : vector<1x16xf32> to vector<16xf32>
      %swap3A_1914 = vector.shape_cast %mul3A_1909 : vector<16xf32> to vector<1x16xf32>
      tpu.vector_store %arg15[%swap3A_1910, %swap3A_1911], %swap3A_1914 {strides = array<i32>} : memref<128x128xf32, #tpu.memory_space<vmem>>, vector<1x16xf32>,
      %get3A_1915 = arith.index_cast %add3A_1872 : i32 to index
      %get3A_1916 = arith.constant 32 : index
      %get3A_1917 = tpu.vector_load %arg15[%get3A_1915, %get3A_1916] {strides = array<i32>} : memref<128x128xf32, #tpu.memory_space<vmem>>, vector<1x16xf32>,
      %get3A_1918 = vector.shape_cast %get3A_1917 : vector<1x16xf32> to vector<16xf32>
      %get3A_1919 = arith.index_cast %add3A_1872 : i32 to index
      %get3A_1920 = arith.constant 32 : index
      %get3A_1921 = tpu.vector_load %arg14[%get3A_1919, %get3A_1920] {strides = array<i32>} : memref<128x64xf32, #tpu.memory_space<vmem>>, vector<1x16xf32>,
      %get3A_1922 = vector.shape_cast %get3A_1921 : vector<1x16xf32> to vector<16xf32>
      %add3A_1923 = arith.addf %get3A_1918, %get3A_1922 : vector<16xf32>
      %mul3A_1924 = vector.broadcast %scan3A_1755 : f32 to vector<16xf32>
      %mul3A_1925 = arith.mulf %add3A_1923, %mul3A_1924 : vector<16xf32>
      %swap3A_1926 = arith.index_cast %add3A_1872 : i32 to index
      %swap3A_1927 = arith.constant 32 : index
      %swap3A_1928 = tpu.vector_load %arg15[%swap3A_1926, %swap3A_1927] {strides = array<i32>} : memref<128x128xf32, #tpu.memory_space<vmem>>, vector<1x16xf32>,
      %swap3A_1929 = vector.shape_cast %swap3A_1928 : vector<1x16xf32> to vector<16xf32>
      %swap3A_1930 = vector.shape_cast %mul3A_1925 : vector<16xf32> to vector<1x16xf32>
      tpu.vector_store %arg15[%swap3A_1926, %swap3A_1927], %swap3A_1930 {strides = array<i32>} : memref<128x128xf32, #tpu.memory_space<vmem>>, vector<1x16xf32>,
      %get3A_1931 = arith.index_cast %add3A_1872 : i32 to index
      %get3A_1932 = arith.constant 48 : index
      %get3A_1933 = tpu.vector_load %arg15[%get3A_1931, %get3A_1932] {strides = array<i32>} : memref<128x128xf32, #tpu.memory_space<vmem>>, vector<1x16xf32>,
      %get3A_1934 = vector.shape_cast %get3A_1933 : vector<1x16xf32> to vector<16xf32>
      %get3A_1935 = arith.index_cast %add3A_1872 : i32 to index
      %get3A_1936 = arith.constant 48 : index
      %get3A_1937 = tpu.vector_load %arg14[%get3A_1935, %get3A_1936] {strides = array<i32>} : memref<128x64xf32, #tpu.memory_space<vmem>>, vector<1x16xf32>,
      %get3A_1938 = vector.shape_cast %get3A_1937 : vector<1x16xf32> to vector<16xf32>
      %add3A_1939 = arith.addf %get3A_1934, %get3A_1938 : vector<16xf32>
      %mul3A_1940 = vector.broadcast %scan3A_1755 : f32 to vector<16xf32>
      %mul3A_1941 = arith.mulf %add3A_1939, %mul3A_1940 : vector<16xf32>
      %swap3A_1942 = arith.index_cast %add3A_1872 : i32 to index
      %swap3A_1943 = arith.constant 48 : index
      %swap3A_1944 = tpu.vector_load %arg15[%swap3A_1942, %swap3A_1943] {strides = array<i32>} : memref<128x128xf32, #tpu.memory_space<vmem>>, vector<1x16xf32>,
      %swap3A_1945 = vector.shape_cast %swap3A_1944 : vector<1x16xf32> to vector<16xf32>
      %swap3A_1946 = vector.shape_cast %mul3A_1941 : vector<16xf32> to vector<1x16xf32>
      tpu.vector_store %arg15[%swap3A_1942, %swap3A_1943], %swap3A_1946 {strides = array<i32>} : memref<128x128xf32, #tpu.memory_space<vmem>>, vector<1x16xf32>,
      %get3A_1947 = arith.index_cast %add3A_1872 : i32 to index
      %get3A_1948 = arith.constant 64 : index
      %get3A_1949 = tpu.vector_load %arg15[%get3A_1947, %get3A_1948] {strides = array<i32>} : memref<128x128xf32, #tpu.memory_space<vmem>>, vector<1x16xf32>,
      %get3A_1950 = vector.shape_cast %get3A_1949 : vector<1x16xf32> to vector<16xf32>
      %mul3A_1951 = vector.broadcast %scan3A_1755 : f32 to vector<16xf32>
      %mul3A_1952 = arith.mulf %get3A_1950, %mul3A_1951 : vector<16xf32>
      %swap3A_1953 = arith.index_cast %add3A_1872 : i32 to index
      %swap3A_1954 = arith.constant 64 : index
      %swap3A_1955 = tpu.vector_load %arg15[%swap3A_1953, %swap3A_1954] {strides = array<i32>} : memref<128x128xf32, #tpu.memory_space<vmem>>, vector<1x16xf32>,
      %swap3A_1956 = vector.shape_cast %swap3A_1955 : vector<1x16xf32> to vector<16xf32>
      %swap3A_1957 = vector.shape_cast %mul3A_1952 : vector<16xf32> to vector<1x16xf32>
      tpu.vector_store %arg15[%swap3A_1953, %swap3A_1954], %swap3A_1957 {strides = array<i32>} : memref<128x128xf32, #tpu.memory_space<vmem>>, vector<1x16xf32>,
      %get3A_1958 = arith.index_cast %add3A_1872 : i32 to index
      %get3A_1959 = arith.constant 80 : index
      %get3A_1960 = tpu.vector_load %arg15[%get3A_1958, %get3A_1959] {strides = array<i32>} : memref<128x128xf32, #tpu.memory_space<vmem>>, vector<1x16xf32>,
      %get3A_1961 = vector.shape_cast %get3A_1960 : vector<1x16xf32> to vector<16xf32>
      %mul3A_1962 = vector.broadcast %scan3A_1755 : f32 to vector<16xf32>
      %mul3A_1963 = arith.mulf %get3A_1961, %mul3A_1962 : vector<16xf32>
      %swap3A_1964 = arith.index_cast %add3A_1872 : i32 to index
      %swap3A_1965 = arith.constant 80 : index
      %swap3A_1966 = tpu.vector_load %arg15[%swap3A_1964, %swap3A_1965] {strides = array<i32>} : memref<128x128xf32, #tpu.memory_space<vmem>>, vector<1x16xf32>,
      %swap3A_1967 = vector.shape_cast %swap3A_1966 : vector<1x16xf32> to vector<16xf32>
      %swap3A_1968 = vector.shape_cast %mul3A_1963 : vector<16xf32> to vector<1x16xf32>
      tpu.vector_store %arg15[%swap3A_1964, %swap3A_1965], %swap3A_1968 {strides = array<i32>} : memref<128x128xf32, #tpu.memory_space<vmem>>, vector<1x16xf32>,
      %get3A_1969 = arith.index_cast %add3A_1872 : i32 to index
      %get3A_1970 = arith.constant 96 : index
      %get3A_1971 = tpu.vector_load %arg15[%get3A_1969, %get3A_1970] {strides = array<i32>} : memref<128x128xf32, #tpu.memory_space<vmem>>, vector<1x16xf32>,
      %get3A_1972 = vector.shape_cast %get3A_1971 : vector<1x16xf32> to vector<16xf32>
      %mul3A_1973 = vector.broadcast %scan3A_1755 : f32 to vector<16xf32>
      %mul3A_1974 = arith.mulf %get3A_1972, %mul3A_1973 : vector<16xf32>
      %swap3A_1975 = arith.index_cast %add3A_1872 : i32 to index
      %swap3A_1976 = arith.constant 96 : index
      %swap3A_1977 = tpu.vector_load %arg15[%swap3A_1975, %swap3A_1976] {strides = array<i32>} : memref<128x128xf32, #tpu.memory_space<vmem>>, vector<1x16xf32>,
      %swap3A_1978 = vector.shape_cast %swap3A_1977 : vector<1x16xf32> to vector<16xf32>
      %swap3A_1979 = vector.shape_cast %mul3A_1974 : vector<16xf32> to vector<1x16xf32>
      tpu.vector_store %arg15[%swap3A_1975, %swap3A_1976], %swap3A_1979 {strides = array<i32>} : memref<128x128xf32, #tpu.memory_space<vmem>>, vector<1x16xf32>,
      %get3A_1980 = arith.index_cast %add3A_1872 : i32 to index
      %get3A_1981 = arith.constant 112 : index
      %get3A_1982 = tpu.vector_load %arg15[%get3A_1980, %get3A_1981] {strides = array<i32>} : memref<128x128xf32, #tpu.memory_space<vmem>>, vector<1x16xf32>,
      %get3A_1983 = vector.shape_cast %get3A_1982 : vector<1x16xf32> to vector<16xf32>
      %mul3A_1984 = vector.broadcast %scan3A_1755 : f32 to vector<16xf32>
      %mul3A_1985 = arith.mulf %get3A_1983, %mul3A_1984 : vector<16xf32>
      %swap3A_1986 = arith.index_cast %add3A_1872 : i32 to index
      %swap3A_1987 = arith.constant 112 : index
      %swap3A_1988 = tpu.vector_load %arg15[%swap3A_1986, %swap3A_1987] {strides = array<i32>} : memref<128x128xf32, #tpu.memory_space<vmem>>, vector<1x16xf32>,
      %swap3A_1989 = vector.shape_cast %swap3A_1988 : vector<1x16xf32> to vector<16xf32>
      %swap3A_1990 = vector.shape_cast %mul3A_1985 : vector<16xf32> to vector<1x16xf32>
      tpu.vector_store %arg15[%swap3A_1986, %swap3A_1987], %swap3A_1990 {strides = array<i32>} : memref<128x128xf32, #tpu.memory_space<vmem>>, vector<1x16xf32>,
      %mul3A_1991 = arith.constant 4 : i32
      %mul3A_1992 = arith.muli %scan3A_1868, %mul3A_1991 : i32
      %add3A_1993 = arith.constant 1 : i32
      %add3A_1994 = arith.addi %mul3A_1992, %add3A_1993 : i32
      %get3A_1995 = arith.index_cast %add3A_1994 : i32 to index
      %get3A_1996 = arith.constant 0 : index
      %get3A_1997 = tpu.vector_load %arg15[%get3A_1995, %get3A_1996] {strides = array<i32>} : memref<128x128xf32, #tpu.memory_space<vmem>>, vector<1x16xf32>,
      %get3A_1998 = vector.shape_cast %get3A_1997 : vector<1x16xf32> to vector<16xf32>
      %get3A_1999 = arith.index_cast %add3A_1994 : i32 to index
      %get3A_2000 = arith.constant 0 : index
      %get3A_2001 = tpu.vector_load %arg13[%get3A_1999, %get3A_2000] {strides = array<i32>} : memref<128x32xf32, #tpu.memory_space<vmem>>, vector<1x16xf32>,
      %get3A_2002 = vector.shape_cast %get3A_2001 : vector<1x16xf32> to vector<16xf32>
      %add3A_2003 = arith.addf %get3A_1998, %get3A_2002 : vector<16xf32>
      %get3A_2004 = arith.index_cast %add3A_1994 : i32 to index
      %get3A_2005 = arith.constant 0 : index
      %get3A_2006 = tpu.vector_load %arg14[%get3A_2004, %get3A_2005] {strides = array<i32>} : memref<128x64xf32, #tpu.memory_space<vmem>>, vector<1x16xf32>,
      %get3A_2007 = vector.shape_cast %get3A_2006 : vector<1x16xf32> to vector<16xf32>
      %add3A_2008 = arith.addf %add3A_2003, %get3A_2007 : vector<16xf32>
      %mul3A_2009 = vector.broadcast %scan3A_1755 : f32 to vector<16xf32>
      %mul3A_2010 = arith.mulf %add3A_2008, %mul3A_2009 : vector<16xf32>
      %swap3A_2011 = arith.index_cast %add3A_1994 : i32 to index
      %swap3A_2012 = arith.constant 0 : index
      %swap3A_2013 = tpu.vector_load %arg15[%swap3A_2011, %swap3A_2012] {strides = array<i32>} : memref<128x128xf32, #tpu.memory_space<vmem>>, vector<1x16xf32>,
      %swap3A_2014 = vector.shape_cast %swap3A_2013 : vector<1x16xf32> to vector<16xf32>
      %swap3A_2015 = vector.shape_cast %mul3A_2010 : vector<16xf32> to vector<1x16xf32>
      tpu.vector_store %arg15[%swap3A_2011, %swap3A_2012], %swap3A_2015 {strides = array<i32>} : memref<128x128xf32, #tpu.memory_space<vmem>>, vector<1x16xf32>,
      %get3A_2016 = arith.index_cast %add3A_1994 : i32 to index
      %get3A_2017 = arith.constant 16 : index
      %get3A_2018 = tpu.vector_load %arg15[%get3A_2016, %get3A_2017] {strides = array<i32>} : memref<128x128xf32, #tpu.memory_space<vmem>>, vector<1x16xf32>,
      %get3A_2019 = vector.shape_cast %get3A_2018 : vector<1x16xf32> to vector<16xf32>
      %get3A_2020 = arith.index_cast %add3A_1994 : i32 to index
      %get3A_2021 = arith.constant 16 : index
      %get3A_2022 = tpu.vector_load %arg13[%get3A_2020, %get3A_2021] {strides = array<i32>} : memref<128x32xf32, #tpu.memory_space<vmem>>, vector<1x16xf32>,
      %get3A_2023 = vector.shape_cast %get3A_2022 : vector<1x16xf32> to vector<16xf32>
      %add3A_2024 = arith.addf %get3A_2019, %get3A_2023 : vector<16xf32>
      %get3A_2025 = arith.index_cast %add3A_1994 : i32 to index
      %get3A_2026 = arith.constant 16 : index
      %get3A_2027 = tpu.vector_load %arg14[%get3A_2025, %get3A_2026] {strides = array<i32>} : memref<128x64xf32, #tpu.memory_space<vmem>>, vector<1x16xf32>,
      %get3A_2028 = vector.shape_cast %get3A_2027 : vector<1x16xf32> to vector<16xf32>
      %add3A_2029 = arith.addf %add3A_2024, %get3A_2028 : vector<16xf32>
      %mul3A_2030 = vector.broadcast %scan3A_1755 : f32 to vector<16xf32>
      %mul3A_2031 = arith.mulf %add3A_2029, %mul3A_2030 : vector<16xf32>
      %swap3A_2032 = arith.index_cast %add3A_1994 : i32 to index
      %swap3A_2033 = arith.constant 16 : index
      %swap3A_2034 = tpu.vector_load %arg15[%swap3A_2032, %swap3A_2033] {strides = array<i32>} : memref<128x128xf32, #tpu.memory_space<vmem>>, vector<1x16xf32>,
      %swap3A_2035 = vector.shape_cast %swap3A_2034 : vector<1x16xf32> to vector<16xf32>
      %swap3A_2036 = vector.shape_cast %mul3A_2031 : vector<16xf32> to vector<1x16xf32>
      tpu.vector_store %arg15[%swap3A_2032, %swap3A_2033], %swap3A_2036 {strides = array<i32>} : memref<128x128xf32, #tpu.memory_space<vmem>>, vector<1x16xf32>,
      %get3A_2037 = arith.index_cast %add3A_1994 : i32 to index
      %get3A_2038 = arith.constant 32 : index
      %get3A_2039 = tpu.vector_load %arg15[%get3A_2037, %get3A_2038] {strides = array<i32>} : memref<128x128xf32, #tpu.memory_space<vmem>>, vector<1x16xf32>,
      %get3A_2040 = vector.shape_cast %get3A_2039 : vector<1x16xf32> to vector<16xf32>
      %get3A_2041 = arith.index_cast %add3A_1994 : i32 to index
      %get3A_2042 = arith.constant 32 : index
      %get3A_2043 = tpu.vector_load %arg14[%get3A_2041, %get3A_2042] {strides = array<i32>} : memref<128x64xf32, #tpu.memory_space<vmem>>, vector<1x16xf32>,
      %get3A_2044 = vector.shape_cast %get3A_2043 : vector<1x16xf32> to vector<16xf32>
      %add3A_2045 = arith.addf %get3A_2040, %get3A_2044 : vector<16xf32>
      %mul3A_2046 = vector.broadcast %scan3A_1755 : f32 to vector<16xf32>
      %mul3A_2047 = arith.mulf %add3A_2045, %mul3A_2046 : vector<16xf32>
      %swap3A_2048 = arith.index_cast %add3A_1994 : i32 to index
      %swap3A_2049 = arith.constant 32 : index
      %swap3A_2050 = tpu.vector_load %arg15[%swap3A_2048, %swap3A_2049] {strides = array<i32>} : memref<128x128xf32, #tpu.memory_space<vmem>>, vector<1x16xf32>,
      %swap3A_2051 = vector.shape_cast %swap3A_2050 : vector<1x16xf32> to vector<16xf32>
      %swap3A_2052 = vector.shape_cast %mul3A_2047 : vector<16xf32> to vector<1x16xf32>
      tpu.vector_store %arg15[%swap3A_2048, %swap3A_2049], %swap3A_2052 {strides = array<i32>} : memref<128x128xf32, #tpu.memory_space<vmem>>, vector<1x16xf32>,
      %get3A_2053 = arith.index_cast %add3A_1994 : i32 to index
      %get3A_2054 = arith.constant 48 : index
      %get3A_2055 = tpu.vector_load %arg15[%get3A_2053, %get3A_2054] {strides = array<i32>} : memref<128x128xf32, #tpu.memory_space<vmem>>, vector<1x16xf32>,
      %get3A_2056 = vector.shape_cast %get3A_2055 : vector<1x16xf32> to vector<16xf32>
      %get3A_2057 = arith.index_cast %add3A_1994 : i32 to index
      %get3A_2058 = arith.constant 48 : index
      %get3A_2059 = tpu.vector_load %arg14[%get3A_2057, %get3A_2058] {strides = array<i32>} : memref<128x64xf32, #tpu.memory_space<vmem>>, vector<1x16xf32>,
      %get3A_2060 = vector.shape_cast %get3A_2059 : vector<1x16xf32> to vector<16xf32>
      %add3A_2061 = arith.addf %get3A_2056, %get3A_2060 : vector<16xf32>
      %mul3A_2062 = vector.broadcast %scan3A_1755 : f32 to vector<16xf32>
      %mul3A_2063 = arith.mulf %add3A_2061, %mul3A_2062 : vector<16xf32>
      %swap3A_2064 = arith.index_cast %add3A_1994 : i32 to index
      %swap3A_2065 = arith.constant 48 : index
      %swap3A_2066 = tpu.vector_load %arg15[%swap3A_2064, %swap3A_2065] {strides = array<i32>} : memref<128x128xf32, #tpu.memory_space<vmem>>, vector<1x16xf32>,
      %swap3A_2067 = vector.shape_cast %swap3A_2066 : vector<1x16xf32> to vector<16xf32>
      %swap3A_2068 = vector.shape_cast %mul3A_2063 : vector<16xf32> to vector<1x16xf32>
      tpu.vector_store %arg15[%swap3A_2064, %swap3A_2065], %swap3A_2068 {strides = array<i32>} : memref<128x128xf32, #tpu.memory_space<vmem>>, vector<1x16xf32>,
      %get3A_2069 = arith.index_cast %add3A_1994 : i32 to index
      %get3A_2070 = arith.constant 64 : index
      %get3A_2071 = tpu.vector_load %arg15[%get3A_2069, %get3A_2070] {strides = array<i32>} : memref<128x128xf32, #tpu.memory_space<vmem>>, vector<1x16xf32>,
      %get3A_2072 = vector.shape_cast %get3A_2071 : vector<1x16xf32> to vector<16xf32>
      %mul3A_2073 = vector.broadcast %scan3A_1755 : f32 to vector<16xf32>
      %mul3A_2074 = arith.mulf %get3A_2072, %mul3A_2073 : vector<16xf32>
      %swap3A_2075 = arith.index_cast %add3A_1994 : i32 to index
      %swap3A_2076 = arith.constant 64 : index
      %swap3A_2077 = tpu.vector_load %arg15[%swap3A_2075, %swap3A_2076] {strides = array<i32>} : memref<128x128xf32, #tpu.memory_space<vmem>>, vector<1x16xf32>,
      %swap3A_2078 = vector.shape_cast %swap3A_2077 : vector<1x16xf32> to vector<16xf32>
      %swap3A_2079 = vector.shape_cast %mul3A_2074 : vector<16xf32> to vector<1x16xf32>
      tpu.vector_store %arg15[%swap3A_2075, %swap3A_2076], %swap3A_2079 {strides = array<i32>} : memref<128x128xf32, #tpu.memory_space<vmem>>, vector<1x16xf32>,
      %get3A_2080 = arith.index_cast %add3A_1994 : i32 to index
      %get3A_2081 = arith.constant 80 : index
      %get3A_2082 = tpu.vector_load %arg15[%get3A_2080, %get3A_2081] {strides = array<i32>} : memref<128x128xf32, #tpu.memory_space<vmem>>, vector<1x16xf32>,
      %get3A_2083 = vector.shape_cast %get3A_2082 : vector<1x16xf32> to vector<16xf32>
      %mul3A_2084 = vector.broadcast %scan3A_1755 : f32 to vector<16xf32>
      %mul3A_2085 = arith.mulf %get3A_2083, %mul3A_2084 : vector<16xf32>
      %swap3A_2086 = arith.index_cast %add3A_1994 : i32 to index
      %swap3A_2087 = arith.constant 80 : index
      %swap3A_2088 = tpu.vector_load %arg15[%swap3A_2086, %swap3A_2087] {strides = array<i32>} : memref<128x128xf32, #tpu.memory_space<vmem>>, vector<1x16xf32>,
      %swap3A_2089 = vector.shape_cast %swap3A_2088 : vector<1x16xf32> to vector<16xf32>
      %swap3A_2090 = vector.shape_cast %mul3A_2085 : vector<16xf32> to vector<1x16xf32>
      tpu.vector_store %arg15[%swap3A_2086, %swap3A_2087], %swap3A_2090 {strides = array<i32>} : memref<128x128xf32, #tpu.memory_space<vmem>>, vector<1x16xf32>,
      %get3A_2091 = arith.index_cast %add3A_1994 : i32 to index
      %get3A_2092 = arith.constant 96 : index
      %get3A_2093 = tpu.vector_load %arg15[%get3A_2091, %get3A_2092] {strides = array<i32>} : memref<128x128xf32, #tpu.memory_space<vmem>>, vector<1x16xf32>,
      %get3A_2094 = vector.shape_cast %get3A_2093 : vector<1x16xf32> to vector<16xf32>
      %mul3A_2095 = vector.broadcast %scan3A_1755 : f32 to vector<16xf32>
      %mul3A_2096 = arith.mulf %get3A_2094, %mul3A_2095 : vector<16xf32>
      %swap3A_2097 = arith.index_cast %add3A_1994 : i32 to index
      %swap3A_2098 = arith.constant 96 : index
      %swap3A_2099 = tpu.vector_load %arg15[%swap3A_2097, %swap3A_2098] {strides = array<i32>} : memref<128x128xf32, #tpu.memory_space<vmem>>, vector<1x16xf32>,
      %swap3A_2100 = vector.shape_cast %swap3A_2099 : vector<1x16xf32> to vector<16xf32>
      %swap3A_2101 = vector.shape_cast %mul3A_2096 : vector<16xf32> to vector<1x16xf32>
      tpu.vector_store %arg15[%swap3A_2097, %swap3A_2098], %swap3A_2101 {strides = array<i32>} : memref<128x128xf32, #tpu.memory_space<vmem>>, vector<1x16xf32>,
      %get3A_2102 = arith.index_cast %add3A_1994 : i32 to index
      %get3A_2103 = arith.constant 112 : index
      %get3A_2104 = tpu.vector_load %arg15[%get3A_2102, %get3A_2103] {strides = array<i32>} : memref<128x128xf32, #tpu.memory_space<vmem>>, vector<1x16xf32>,
      %get3A_2105 = vector.shape_cast %get3A_2104 : vector<1x16xf32> to vector<16xf32>
      %mul3A_2106 = vector.broadcast %scan3A_1755 : f32 to vector<16xf32>
      %mul3A_2107 = arith.mulf %get3A_2105, %mul3A_2106 : vector<16xf32>
      %swap3A_2108 = arith.index_cast %add3A_1994 : i32 to index
      %swap3A_2109 = arith.constant 112 : index
      %swap3A_2110 = tpu.vector_load %arg15[%swap3A_2108, %swap3A_2109] {strides = array<i32>} : memref<128x128xf32, #tpu.memory_space<vmem>>, vector<1x16xf32>,
      %swap3A_2111 = vector.shape_cast %swap3A_2110 : vector<1x16xf32> to vector<16xf32>
      %swap3A_2112 = vector.shape_cast %mul3A_2107 : vector<16xf32> to vector<1x16xf32>
      tpu.vector_store %arg15[%swap3A_2108, %swap3A_2109], %swap3A_2112 {strides = array<i32>} : memref<128x128xf32, #tpu.memory_space<vmem>>, vector<1x16xf32>,
      %mul3A_2113 = arith.constant 4 : i32
      %mul3A_2114 = arith.muli %scan3A_1868, %mul3A_2113 : i32
      %add3A_2115 = arith.constant 2 : i32
      %add3A_2116 = arith.addi %mul3A_2114, %add3A_2115 : i32
      %get3A_2117 = arith.index_cast %add3A_2116 : i32 to index
      %get3A_2118 = arith.constant 0 : index
      %get3A_2119 = tpu.vector_load %arg15[%get3A_2117, %get3A_2118] {strides = array<i32>} : memref<128x128xf32, #tpu.memory_space<vmem>>, vector<1x16xf32>,
      %get3A_2120 = vector.shape_cast %get3A_2119 : vector<1x16xf32> to vector<16xf32>
      %get3A_2121 = arith.index_cast %add3A_2116 : i32 to index
      %get3A_2122 = arith.constant 0 : index
      %get3A_2123 = tpu.vector_load %arg13[%get3A_2121, %get3A_2122] {strides = array<i32>} : memref<128x32xf32, #tpu.memory_space<vmem>>, vector<1x16xf32>,
      %get3A_2124 = vector.shape_cast %get3A_2123 : vector<1x16xf32> to vector<16xf32>
      %add3A_2125 = arith.addf %get3A_2120, %get3A_2124 : vector<16xf32>
      %get3A_2126 = arith.index_cast %add3A_2116 : i32 to index
      %get3A_2127 = arith.constant 0 : index
      %get3A_2128 = tpu.vector_load %arg14[%get3A_2126, %get3A_2127] {strides = array<i32>} : memref<128x64xf32, #tpu.memory_space<vmem>>, vector<1x16xf32>,
      %get3A_2129 = vector.shape_cast %get3A_2128 : vector<1x16xf32> to vector<16xf32>
      %add3A_2130 = arith.addf %add3A_2125, %get3A_2129 : vector<16xf32>
      %mul3A_2131 = vector.broadcast %scan3A_1755 : f32 to vector<16xf32>
      %mul3A_2132 = arith.mulf %add3A_2130, %mul3A_2131 : vector<16xf32>
      %swap3A_2133 = arith.index_cast %add3A_2116 : i32 to index
      %swap3A_2134 = arith.constant 0 : index
      %swap3A_2135 = tpu.vector_load %arg15[%swap3A_2133, %swap3A_2134] {strides = array<i32>} : memref<128x128xf32, #tpu.memory_space<vmem>>, vector<1x16xf32>,
      %swap3A_2136 = vector.shape_cast %swap3A_2135 : vector<1x16xf32> to vector<16xf32>
      %swap3A_2137 = vector.shape_cast %mul3A_2132 : vector<16xf32> to vector<1x16xf32>
      tpu.vector_store %arg15[%swap3A_2133, %swap3A_2134], %swap3A_2137 {strides = array<i32>} : memref<128x128xf32, #tpu.memory_space<vmem>>, vector<1x16xf32>,
      %get3A_2138 = arith.index_cast %add3A_2116 : i32 to index
      %get3A_2139 = arith.constant 16 : index
      %get3A_2140 = tpu.vector_load %arg15[%get3A_2138, %get3A_2139] {strides = array<i32>} : memref<128x128xf32, #tpu.memory_space<vmem>>, vector<1x16xf32>,
      %get3A_2141 = vector.shape_cast %get3A_2140 : vector<1x16xf32> to vector<16xf32>
      %get3A_2142 = arith.index_cast %add3A_2116 : i32 to index
      %get3A_2143 = arith.constant 16 : index
      %get3A_2144 = tpu.vector_load %arg13[%get3A_2142, %get3A_2143] {strides = array<i32>} : memref<128x32xf32, #tpu.memory_space<vmem>>, vector<1x16xf32>,
      %get3A_2145 = vector.shape_cast %get3A_2144 : vector<1x16xf32> to vector<16xf32>
      %add3A_2146 = arith.addf %get3A_2141, %get3A_2145 : vector<16xf32>
      %get3A_2147 = arith.index_cast %add3A_2116 : i32 to index
      %get3A_2148 = arith.constant 16 : index
      %get3A_2149 = tpu.vector_load %arg14[%get3A_2147, %get3A_2148] {strides = array<i32>} : memref<128x64xf32, #tpu.memory_space<vmem>>, vector<1x16xf32>,
      %get3A_2150 = vector.shape_cast %get3A_2149 : vector<1x16xf32> to vector<16xf32>
      %add3A_2151 = arith.addf %add3A_2146, %get3A_2150 : vector<16xf32>
      %mul3A_2152 = vector.broadcast %scan3A_1755 : f32 to vector<16xf32>
      %mul3A_2153 = arith.mulf %add3A_2151, %mul3A_2152 : vector<16xf32>
      %swap3A_2154 = arith.index_cast %add3A_2116 : i32 to index
      %swap3A_2155 = arith.constant 16 : index
      %swap3A_2156 = tpu.vector_load %arg15[%swap3A_2154, %swap3A_2155] {strides = array<i32>} : memref<128x128xf32, #tpu.memory_space<vmem>>, vector<1x16xf32>,
      %swap3A_2157 = vector.shape_cast %swap3A_2156 : vector<1x16xf32> to vector<16xf32>
      %swap3A_2158 = vector.shape_cast %mul3A_2153 : vector<16xf32> to vector<1x16xf32>
      tpu.vector_store %arg15[%swap3A_2154, %swap3A_2155], %swap3A_2158 {strides = array<i32>} : memref<128x128xf32, #tpu.memory_space<vmem>>, vector<1x16xf32>,
      %get3A_2159 = arith.index_cast %add3A_2116 : i32 to index
      %get3A_2160 = arith.constant 32 : index
      %get3A_2161 = tpu.vector_load %arg15[%get3A_2159, %get3A_2160] {strides = array<i32>} : memref<128x128xf32, #tpu.memory_space<vmem>>, vector<1x16xf32>,
      %get3A_2162 = vector.shape_cast %get3A_2161 : vector<1x16xf32> to vector<16xf32>
      %get3A_2163 = arith.index_cast %add3A_2116 : i32 to index
      %get3A_2164 = arith.constant 32 : index
      %get3A_2165 = tpu.vector_load %arg14[%get3A_2163, %get3A_2164] {strides = array<i32>} : memref<128x64xf32, #tpu.memory_space<vmem>>, vector<1x16xf32>,
      %get3A_2166 = vector.shape_cast %get3A_2165 : vector<1x16xf32> to vector<16xf32>
      %add3A_2167 = arith.addf %get3A_2162, %get3A_2166 : vector<16xf32>
      %mul3A_2168 = vector.broadcast %scan3A_1755 : f32 to vector<16xf32>
      %mul3A_2169 = arith.mulf %add3A_2167, %mul3A_2168 : vector<16xf32>
      %swap3A_2170 = arith.index_cast %add3A_2116 : i32 to index
      %swap3A_2171 = arith.constant 32 : index
      %swap3A_2172 = tpu.vector_load %arg15[%swap3A_2170, %swap3A_2171] {strides = array<i32>} : memref<128x128xf32, #tpu.memory_space<vmem>>, vector<1x16xf32>,
      %swap3A_2173 = vector.shape_cast %swap3A_2172 : vector<1x16xf32> to vector<16xf32>
      %swap3A_2174 = vector.shape_cast %mul3A_2169 : vector<16xf32> to vector<1x16xf32>
      tpu.vector_store %arg15[%swap3A_2170, %swap3A_2171], %swap3A_2174 {strides = array<i32>} : memref<128x128xf32, #tpu.memory_space<vmem>>, vector<1x16xf32>,
      %get3A_2175 = arith.index_cast %add3A_2116 : i32 to index
      %get3A_2176 = arith.constant 48 : index
      %get3A_2177 = tpu.vector_load %arg15[%get3A_2175, %get3A_2176] {strides = array<i32>} : memref<128x128xf32, #tpu.memory_space<vmem>>, vector<1x16xf32>,
      %get3A_2178 = vector.shape_cast %get3A_2177 : vector<1x16xf32> to vector<16xf32>
      %get3A_2179 = arith.index_cast %add3A_2116 : i32 to index
      %get3A_2180 = arith.constant 48 : index
      %get3A_2181 = tpu.vector_load %arg14[%get3A_2179, %get3A_2180] {strides = array<i32>} : memref<128x64xf32, #tpu.memory_space<vmem>>, vector<1x16xf32>,
      %get3A_2182 = vector.shape_cast %get3A_2181 : vector<1x16xf32> to vector<16xf32>
      %add3A_2183 = arith.addf %get3A_2178, %get3A_2182 : vector<16xf32>
      %mul3A_2184 = vector.broadcast %scan3A_1755 : f32 to vector<16xf32>
      %mul3A_2185 = arith.mulf %add3A_2183, %mul3A_2184 : vector<16xf32>
      %swap3A_2186 = arith.index_cast %add3A_2116 : i32 to index
      %swap3A_2187 = arith.constant 48 : index
      %swap3A_2188 = tpu.vector_load %arg15[%swap3A_2186, %swap3A_2187] {strides = array<i32>} : memref<128x128xf32, #tpu.memory_space<vmem>>, vector<1x16xf32>,
      %swap3A_2189 = vector.shape_cast %swap3A_2188 : vector<1x16xf32> to vector<16xf32>
      %swap3A_2190 = vector.shape_cast %mul3A_2185 : vector<16xf32> to vector<1x16xf32>
      tpu.vector_store %arg15[%swap3A_2186, %swap3A_2187], %swap3A_2190 {strides = array<i32>} : memref<128x128xf32, #tpu.memory_space<vmem>>, vector<1x16xf32>,
      %get3A_2191 = arith.index_cast %add3A_2116 : i32 to index
      %get3A_2192 = arith.constant 64 : index
      %get3A_2193 = tpu.vector_load %arg15[%get3A_2191, %get3A_2192] {strides = array<i32>} : memref<128x128xf32, #tpu.memory_space<vmem>>, vector<1x16xf32>,
      %get3A_2194 = vector.shape_cast %get3A_2193 : vector<1x16xf32> to vector<16xf32>
      %mul3A_2195 = vector.broadcast %scan3A_1755 : f32 to vector<16xf32>
      %mul3A_2196 = arith.mulf %get3A_2194, %mul3A_2195 : vector<16xf32>
      %swap3A_2197 = arith.index_cast %add3A_2116 : i32 to index
      %swap3A_2198 = arith.constant 64 : index
      %swap3A_2199 = tpu.vector_load %arg15[%swap3A_2197, %swap3A_2198] {strides = array<i32>} : memref<128x128xf32, #tpu.memory_space<vmem>>, vector<1x16xf32>,
      %swap3A_2200 = vector.shape_cast %swap3A_2199 : vector<1x16xf32> to vector<16xf32>
      %swap3A_2201 = vector.shape_cast %mul3A_2196 : vector<16xf32> to vector<1x16xf32>
      tpu.vector_store %arg15[%swap3A_2197, %swap3A_2198], %swap3A_2201 {strides = array<i32>} : memref<128x128xf32, #tpu.memory_space<vmem>>, vector<1x16xf32>,
      %get3A_2202 = arith.index_cast %add3A_2116 : i32 to index
      %get3A_2203 = arith.constant 80 : index
      %get3A_2204 = tpu.vector_load %arg15[%get3A_2202, %get3A_2203] {strides = array<i32>} : memref<128x128xf32, #tpu.memory_space<vmem>>, vector<1x16xf32>,
      %get3A_2205 = vector.shape_cast %get3A_2204 : vector<1x16xf32> to vector<16xf32>
      %mul3A_2206 = vector.broadcast %scan3A_1755 : f32 to vector<16xf32>
      %mul3A_2207 = arith.mulf %get3A_2205, %mul3A_2206 : vector<16xf32>
      %swap3A_2208 = arith.index_cast %add3A_2116 : i32 to index
      %swap3A_2209 = arith.constant 80 : index
      %swap3A_2210 = tpu.vector_load %arg15[%swap3A_2208, %swap3A_2209] {strides = array<i32>} : memref<128x128xf32, #tpu.memory_space<vmem>>, vector<1x16xf32>,
      %swap3A_2211 = vector.shape_cast %swap3A_2210 : vector<1x16xf32> to vector<16xf32>
      %swap3A_2212 = vector.shape_cast %mul3A_2207 : vector<16xf32> to vector<1x16xf32>
      tpu.vector_store %arg15[%swap3A_2208, %swap3A_2209], %swap3A_2212 {strides = array<i32>} : memref<128x128xf32, #tpu.memory_space<vmem>>, vector<1x16xf32>,
      %get3A_2213 = arith.index_cast %add3A_2116 : i32 to index
      %get3A_2214 = arith.constant 96 : index
      %get3A_2215 = tpu.vector_load %arg15[%get3A_2213, %get3A_2214] {strides = array<i32>} : memref<128x128xf32, #tpu.memory_space<vmem>>, vector<1x16xf32>,
      %get3A_2216 = vector.shape_cast %get3A_2215 : vector<1x16xf32> to vector<16xf32>
      %mul3A_2217 = vector.broadcast %scan3A_1755 : f32 to vector<16xf32>
      %mul3A_2218 = arith.mulf %get3A_2216, %mul3A_2217 : vector<16xf32>
      %swap3A_2219 = arith.index_cast %add3A_2116 : i32 to index
      %swap3A_2220 = arith.constant 96 : index
      %swap3A_2221 = tpu.vector_load %arg15[%swap3A_2219, %swap3A_2220] {strides = array<i32>} : memref<128x128xf32, #tpu.memory_space<vmem>>, vector<1x16xf32>,
      %swap3A_2222 = vector.shape_cast %swap3A_2221 : vector<1x16xf32> to vector<16xf32>
      %swap3A_2223 = vector.shape_cast %mul3A_2218 : vector<16xf32> to vector<1x16xf32>
      tpu.vector_store %arg15[%swap3A_2219, %swap3A_2220], %swap3A_2223 {strides = array<i32>} : memref<128x128xf32, #tpu.memory_space<vmem>>, vector<1x16xf32>,
      %get3A_2224 = arith.index_cast %add3A_2116 : i32 to index
      %get3A_2225 = arith.constant 112 : index
      %get3A_2226 = tpu.vector_load %arg15[%get3A_2224, %get3A_2225] {strides = array<i32>} : memref<128x128xf32, #tpu.memory_space<vmem>>, vector<1x16xf32>,
      %get3A_2227 = vector.shape_cast %get3A_2226 : vector<1x16xf32> to vector<16xf32>
      %mul3A_2228 = vector.broadcast %scan3A_1755 : f32 to vector<16xf32>
      %mul3A_2229 = arith.mulf %get3A_2227, %mul3A_2228 : vector<16xf32>
      %swap3A_2230 = arith.index_cast %add3A_2116 : i32 to index
      %swap3A_2231 = arith.constant 112 : index
      %swap3A_2232 = tpu.vector_load %arg15[%swap3A_2230, %swap3A_2231] {strides = array<i32>} : memref<128x128xf32, #tpu.memory_space<vmem>>, vector<1x16xf32>,
      %swap3A_2233 = vector.shape_cast %swap3A_2232 : vector<1x16xf32> to vector<16xf32>
      %swap3A_2234 = vector.shape_cast %mul3A_2229 : vector<16xf32> to vector<1x16xf32>
      tpu.vector_store %arg15[%swap3A_2230, %swap3A_2231], %swap3A_2234 {strides = array<i32>} : memref<128x128xf32, #tpu.memory_space<vmem>>, vector<1x16xf32>,
      %mul3A_2235 = arith.constant 4 : i32
      %mul3A_2236 = arith.muli %scan3A_1868, %mul3A_2235 : i32
      %add3A_2237 = arith.constant 3 : i32
      %add3A_2238 = arith.addi %mul3A_2236, %add3A_2237 : i32
      %get3A_2239 = arith.index_cast %add3A_2238 : i32 to index
      %get3A_2240 = arith.constant 0 : index
      %get3A_2241 = tpu.vector_load %arg15[%get3A_2239, %get3A_2240] {strides = array<i32>} : memref<128x128xf32, #tpu.memory_space<vmem>>, vector<1x16xf32>,
      %get3A_2242 = vector.shape_cast %get3A_2241 : vector<1x16xf32> to vector<16xf32>
      %get3A_2243 = arith.index_cast %add3A_2238 : i32 to index
      %get3A_2244 = arith.constant 0 : index
      %get3A_2245 = tpu.vector_load %arg13[%get3A_2243, %get3A_2244] {strides = array<i32>} : memref<128x32xf32, #tpu.memory_space<vmem>>, vector<1x16xf32>,
      %get3A_2246 = vector.shape_cast %get3A_2245 : vector<1x16xf32> to vector<16xf32>
      %add3A_2247 = arith.addf %get3A_2242, %get3A_2246 : vector<16xf32>
      %get3A_2248 = arith.index_cast %add3A_2238 : i32 to index
      %get3A_2249 = arith.constant 0 : index
      %get3A_2250 = tpu.vector_load %arg14[%get3A_2248, %get3A_2249] {strides = array<i32>} : memref<128x64xf32, #tpu.memory_space<vmem>>, vector<1x16xf32>,
      %get3A_2251 = vector.shape_cast %get3A_2250 : vector<1x16xf32> to vector<16xf32>
      %add3A_2252 = arith.addf %add3A_2247, %get3A_2251 : vector<16xf32>
      %mul3A_2253 = vector.broadcast %scan3A_1755 : f32 to vector<16xf32>
      %mul3A_2254 = arith.mulf %add3A_2252, %mul3A_2253 : vector<16xf32>
      %swap3A_2255 = arith.index_cast %add3A_2238 : i32 to index
      %swap3A_2256 = arith.constant 0 : index
      %swap3A_2257 = tpu.vector_load %arg15[%swap3A_2255, %swap3A_2256] {strides = array<i32>} : memref<128x128xf32, #tpu.memory_space<vmem>>, vector<1x16xf32>,
      %swap3A_2258 = vector.shape_cast %swap3A_2257 : vector<1x16xf32> to vector<16xf32>
      %swap3A_2259 = vector.shape_cast %mul3A_2254 : vector<16xf32> to vector<1x16xf32>
      tpu.vector_store %arg15[%swap3A_2255, %swap3A_2256], %swap3A_2259 {strides = array<i32>} : memref<128x128xf32, #tpu.memory_space<vmem>>, vector<1x16xf32>,
      %get3A_2260 = arith.index_cast %add3A_2238 : i32 to index
      %get3A_2261 = arith.constant 16 : index
      %get3A_2262 = tpu.vector_load %arg15[%get3A_2260, %get3A_2261] {strides = array<i32>} : memref<128x128xf32, #tpu.memory_space<vmem>>, vector<1x16xf32>,
      %get3A_2263 = vector.shape_cast %get3A_2262 : vector<1x16xf32> to vector<16xf32>
      %get3A_2264 = arith.index_cast %add3A_2238 : i32 to index
      %get3A_2265 = arith.constant 16 : index
      %get3A_2266 = tpu.vector_load %arg13[%get3A_2264, %get3A_2265] {strides = array<i32>} : memref<128x32xf32, #tpu.memory_space<vmem>>, vector<1x16xf32>,
      %get3A_2267 = vector.shape_cast %get3A_2266 : vector<1x16xf32> to vector<16xf32>
      %add3A_2268 = arith.addf %get3A_2263, %get3A_2267 : vector<16xf32>
      %get3A_2269 = arith.index_cast %add3A_2238 : i32 to index
      %get3A_2270 = arith.constant 16 : index
      %get3A_2271 = tpu.vector_load %arg14[%get3A_2269, %get3A_2270] {strides = array<i32>} : memref<128x64xf32, #tpu.memory_space<vmem>>, vector<1x16xf32>,
      %get3A_2272 = vector.shape_cast %get3A_2271 : vector<1x16xf32> to vector<16xf32>
      %add3A_2273 = arith.addf %add3A_2268, %get3A_2272 : vector<16xf32>
      %mul3A_2274 = vector.broadcast %scan3A_1755 : f32 to vector<16xf32>
      %mul3A_2275 = arith.mulf %add3A_2273, %mul3A_2274 : vector<16xf32>
      %swap3A_2276 = arith.index_cast %add3A_2238 : i32 to index
      %swap3A_2277 = arith.constant 16 : index
      %swap3A_2278 = tpu.vector_load %arg15[%swap3A_2276, %swap3A_2277] {strides = array<i32>} : memref<128x128xf32, #tpu.memory_space<vmem>>, vector<1x16xf32>,
      %swap3A_2279 = vector.shape_cast %swap3A_2278 : vector<1x16xf32> to vector<16xf32>
      %swap3A_2280 = vector.shape_cast %mul3A_2275 : vector<16xf32> to vector<1x16xf32>
      tpu.vector_store %arg15[%swap3A_2276, %swap3A_2277], %swap3A_2280 {strides = array<i32>} : memref<128x128xf32, #tpu.memory_space<vmem>>, vector<1x16xf32>,
      %get3A_2281 = arith.index_cast %add3A_2238 : i32 to index
      %get3A_2282 = arith.constant 32 : index
      %get3A_2283 = tpu.vector_load %arg15[%get3A_2281, %get3A_2282] {strides = array<i32>} : memref<128x128xf32, #tpu.memory_space<vmem>>, vector<1x16xf32>,
      %get3A_2284 = vector.shape_cast %get3A_2283 : vector<1x16xf32> to vector<16xf32>
      %get3A_2285 = arith.index_cast %add3A_2238 : i32 to index
      %get3A_2286 = arith.constant 32 : index
      %get3A_2287 = tpu.vector_load %arg14[%get3A_2285, %get3A_2286] {strides = array<i32>} : memref<128x64xf32, #tpu.memory_space<vmem>>, vector<1x16xf32>,
      %get3A_2288 = vector.shape_cast %get3A_2287 : vector<1x16xf32> to vector<16xf32>
      %add3A_2289 = arith.addf %get3A_2284, %get3A_2288 : vector<16xf32>
      %mul3A_2290 = vector.broadcast %scan3A_1755 : f32 to vector<16xf32>
      %mul3A_2291 = arith.mulf %add3A_2289, %mul3A_2290 : vector<16xf32>
      %swap3A_2292 = arith.index_cast %add3A_2238 : i32 to index
      %swap3A_2293 = arith.constant 32 : index
      %swap3A_2294 = tpu.vector_load %arg15[%swap3A_2292, %swap3A_2293] {strides = array<i32>} : memref<128x128xf32, #tpu.memory_space<vmem>>, vector<1x16xf32>,
      %swap3A_2295 = vector.shape_cast %swap3A_2294 : vector<1x16xf32> to vector<16xf32>
      %swap3A_2296 = vector.shape_cast %mul3A_2291 : vector<16xf32> to vector<1x16xf32>
      tpu.vector_store %arg15[%swap3A_2292, %swap3A_2293], %swap3A_2296 {strides = array<i32>} : memref<128x128xf32, #tpu.memory_space<vmem>>, vector<1x16xf32>,
      %get3A_2297 = arith.index_cast %add3A_2238 : i32 to index
      %get3A_2298 = arith.constant 48 : index
      %get3A_2299 = tpu.vector_load %arg15[%get3A_2297, %get3A_2298] {strides = array<i32>} : memref<128x128xf32, #tpu.memory_space<vmem>>, vector<1x16xf32>,
      %get3A_2300 = vector.shape_cast %get3A_2299 : vector<1x16xf32> to vector<16xf32>
      %get3A_2301 = arith.index_cast %add3A_2238 : i32 to index
      %get3A_2302 = arith.constant 48 : index
      %get3A_2303 = tpu.vector_load %arg14[%get3A_2301, %get3A_2302] {strides = array<i32>} : memref<128x64xf32, #tpu.memory_space<vmem>>, vector<1x16xf32>,
      %get3A_2304 = vector.shape_cast %get3A_2303 : vector<1x16xf32> to vector<16xf32>
      %add3A_2305 = arith.addf %get3A_2300, %get3A_2304 : vector<16xf32>
      %mul3A_2306 = vector.broadcast %scan3A_1755 : f32 to vector<16xf32>
      %mul3A_2307 = arith.mulf %add3A_2305, %mul3A_2306 : vector<16xf32>
      %swap3A_2308 = arith.index_cast %add3A_2238 : i32 to index
      %swap3A_2309 = arith.constant 48 : index
      %swap3A_2310 = tpu.vector_load %arg15[%swap3A_2308, %swap3A_2309] {strides = array<i32>} : memref<128x128xf32, #tpu.memory_space<vmem>>, vector<1x16xf32>,
      %swap3A_2311 = vector.shape_cast %swap3A_2310 : vector<1x16xf32> to vector<16xf32>
      %swap3A_2312 = vector.shape_cast %mul3A_2307 : vector<16xf32> to vector<1x16xf32>
      tpu.vector_store %arg15[%swap3A_2308, %swap3A_2309], %swap3A_2312 {strides = array<i32>} : memref<128x128xf32, #tpu.memory_space<vmem>>, vector<1x16xf32>,
      %get3A_2313 = arith.index_cast %add3A_2238 : i32 to index
      %get3A_2314 = arith.constant 64 : index
      %get3A_2315 = tpu.vector_load %arg15[%get3A_2313, %get3A_2314] {strides = array<i32>} : memref<128x128xf32, #tpu.memory_space<vmem>>, vector<1x16xf32>,
      %get3A_2316 = vector.shape_cast %get3A_2315 : vector<1x16xf32> to vector<16xf32>
      %mul3A_2317 = vector.broadcast %scan3A_1755 : f32 to vector<16xf32>
      %mul3A_2318 = arith.mulf %get3A_2316, %mul3A_2317 : vector<16xf32>
      %swap3A_2319 = arith.index_cast %add3A_2238 : i32 to index
      %swap3A_2320 = arith.constant 64 : index
      %swap3A_2321 = tpu.vector_load %arg15[%swap3A_2319, %swap3A_2320] {strides = array<i32>} : memref<128x128xf32, #tpu.memory_space<vmem>>, vector<1x16xf32>,
      %swap3A_2322 = vector.shape_cast %swap3A_2321 : vector<1x16xf32> to vector<16xf32>
      %swap3A_2323 = vector.shape_cast %mul3A_2318 : vector<16xf32> to vector<1x16xf32>
      tpu.vector_store %arg15[%swap3A_2319, %swap3A_2320], %swap3A_2323 {strides = array<i32>} : memref<128x128xf32, #tpu.memory_space<vmem>>, vector<1x16xf32>,
      %get3A_2324 = arith.index_cast %add3A_2238 : i32 to index
      %get3A_2325 = arith.constant 80 : index
      %get3A_2326 = tpu.vector_load %arg15[%get3A_2324, %get3A_2325] {strides = array<i32>} : memref<128x128xf32, #tpu.memory_space<vmem>>, vector<1x16xf32>,
      %get3A_2327 = vector.shape_cast %get3A_2326 : vector<1x16xf32> to vector<16xf32>
      %mul3A_2328 = vector.broadcast %scan3A_1755 : f32 to vector<16xf32>
      %mul3A_2329 = arith.mulf %get3A_2327, %mul3A_2328 : vector<16xf32>
      %swap3A_2330 = arith.index_cast %add3A_2238 : i32 to index
      %swap3A_2331 = arith.constant 80 : index
      %swap3A_2332 = tpu.vector_load %arg15[%swap3A_2330, %swap3A_2331] {strides = array<i32>} : memref<128x128xf32, #tpu.memory_space<vmem>>, vector<1x16xf32>,
      %swap3A_2333 = vector.shape_cast %swap3A_2332 : vector<1x16xf32> to vector<16xf32>
      %swap3A_2334 = vector.shape_cast %mul3A_2329 : vector<16xf32> to vector<1x16xf32>
      tpu.vector_store %arg15[%swap3A_2330, %swap3A_2331], %swap3A_2334 {strides = array<i32>} : memref<128x128xf32, #tpu.memory_space<vmem>>, vector<1x16xf32>,
      %get3A_2335 = arith.index_cast %add3A_2238 : i32 to index
      %get3A_2336 = arith.constant 96 : index
      %get3A_2337 = tpu.vector_load %arg15[%get3A_2335, %get3A_2336] {strides = array<i32>} : memref<128x128xf32, #tpu.memory_space<vmem>>, vector<1x16xf32>,
      %get3A_2338 = vector.shape_cast %get3A_2337 : vector<1x16xf32> to vector<16xf32>
      %mul3A_2339 = vector.broadcast %scan3A_1755 : f32 to vector<16xf32>
      %mul3A_2340 = arith.mulf %get3A_2338, %mul3A_2339 : vector<16xf32>
      %swap3A_2341 = arith.index_cast %add3A_2238 : i32 to index
      %swap3A_2342 = arith.constant 96 : index
      %swap3A_2343 = tpu.vector_load %arg15[%swap3A_2341, %swap3A_2342] {strides = array<i32>} : memref<128x128xf32, #tpu.memory_space<vmem>>, vector<1x16xf32>,
      %swap3A_2344 = vector.shape_cast %swap3A_2343 : vector<1x16xf32> to vector<16xf32>
      %swap3A_2345 = vector.shape_cast %mul3A_2340 : vector<16xf32> to vector<1x16xf32>
      tpu.vector_store %arg15[%swap3A_2341, %swap3A_2342], %swap3A_2345 {strides = array<i32>} : memref<128x128xf32, #tpu.memory_space<vmem>>, vector<1x16xf32>,
      %get3A_2346 = arith.index_cast %add3A_2238 : i32 to index
      %get3A_2347 = arith.constant 112 : index
      %get3A_2348 = tpu.vector_load %arg15[%get3A_2346, %get3A_2347] {strides = array<i32>} : memref<128x128xf32, #tpu.memory_space<vmem>>, vector<1x16xf32>,
      %get3A_2349 = vector.shape_cast %get3A_2348 : vector<1x16xf32> to vector<16xf32>
      %mul3A_2350 = vector.broadcast %scan3A_1755 : f32 to vector<16xf32>
      %mul3A_2351 = arith.mulf %get3A_2349, %mul3A_2350 : vector<16xf32>
      %swap3A_2352 = arith.index_cast %add3A_2238 : i32 to index
      %swap3A_2353 = arith.constant 112 : index
      %swap3A_2354 = tpu.vector_load %arg15[%swap3A_2352, %swap3A_2353] {strides = array<i32>} : memref<128x128xf32, #tpu.memory_space<vmem>>, vector<1x16xf32>,
      %swap3A_2355 = vector.shape_cast %swap3A_2354 : vector<1x16xf32> to vector<16xf32>
      %swap3A_2356 = vector.shape_cast %mul3A_2351 : vector<16xf32> to vector<1x16xf32>
      tpu.vector_store %arg15[%swap3A_2352, %swap3A_2353], %swap3A_2356 {strides = array<i32>} : memref<128x128xf32, #tpu.memory_space<vmem>>, vector<1x16xf32>,
    }
    %scan3A_1760 = arith.constant 32 : i32
    %add3A_1761 = arith.constant 128 : i32
    %add3A_1762 = arith.addi %mul3A_2, %add3A_1761 : i32
    %dma_start3A_1763 = arith.constant 0 : i32
    %dma_start3A_1764 = tpu.memref_slice %arg6[%add3A_1762, %dma_start3A_1763] : memref<16384x128xf32, #tpu.memory_space<hbm>> -> memref<128x128xf32, #tpu.memory_space<hbm>>
    %dma_start3A_1765 = arith.constant 0 : i32
    %dma_start3A_1766 = tpu.memref_slice %arg6[%add3A_1762, %dma_start3A_1765] : memref<16384x128xf32, #tpu.memory_space<hbm>> -> memref<128x128xf32, #tpu.memory_space<hbm>>
    tpu.enqueue_dma source(%arg15 : memref<128x128xf32, #tpu.memory_space<vmem>>) target(%dma_start3A_1766 : memref<128x128xf32, #tpu.memory_space<hbm>>) target_semaphore(%arg18 : memref<!tpu.dma_semaphore, #tpu.memory_space<semaphore_mem>>)
    %dma_wait3A_1767 = arith.constant 2 : i32
    %dma_wait3A_1768 = arith.constant 0 : i32
    %dma_wait3A_1769 = tpu.memref_slice %arg8[%dma_wait3A_1767, %dma_wait3A_1768] : memref<4x128xi32, #tpu.memory_space<vmem>> -> memref<1x128xi32, #tpu.memory_space<vmem>>
    %dma_wait3A_1770 = tpu.memref_squeeze %dma_wait3A_1769 : memref<1x128xi32, #tpu.memory_space<vmem>> -> memref<128xi32, #tpu.memory_space<vmem>>
    %dma_wait3A_1771 = arith.constant 0 : i32
    %dma_wait3A_1772 = arith.constant 0 : i32
    %dma_wait3A_1773 = tpu.memref_slice %arg3[%dma_wait3A_1771, %dma_wait3A_1772] : memref<131072x32xf32, #tpu.memory_space<hbm>> -> memref<131072x32xf32, #tpu.memory_space<hbm>>
    tpu.wait_indirect_dma semaphore(%arg16 : memref<!tpu.dma_semaphore, #tpu.memory_space<semaphore_mem>>) src(%dma_wait3A_1773 : memref<131072x32xf32, #tpu.memory_space<hbm>>) dst(%arg10 : memref<128x32xf32, #tpu.memory_space<vmem>>)
    %dma_wait3A_1774 = arith.constant 2 : i32
    %dma_wait3A_1775 = arith.constant 0 : i32
    %dma_wait3A_1776 = tpu.memref_slice %arg9[%dma_wait3A_1774, %dma_wait3A_1775] : memref<4x128xi32, #tpu.memory_space<vmem>> -> memref<1x128xi32, #tpu.memory_space<vmem>>
    %dma_wait3A_1777 = tpu.memref_squeeze %dma_wait3A_1776 : memref<1x128xi32, #tpu.memory_space<vmem>> -> memref<128xi32, #tpu.memory_space<vmem>>
    %dma_wait3A_1778 = arith.constant 0 : i32
    %dma_wait3A_1779 = arith.constant 0 : i32
    %dma_wait3A_1780 = tpu.memref_slice %arg4[%dma_wait3A_1778, %dma_wait3A_1779] : memref<114688x64xf32, #tpu.memory_space<hbm>> -> memref<114688x64xf32, #tpu.memory_space<hbm>>
    tpu.wait_indirect_dma semaphore(%arg16 : memref<!tpu.dma_semaphore, #tpu.memory_space<semaphore_mem>>) src(%dma_wait3A_1780 : memref<114688x64xf32, #tpu.memory_space<hbm>>) dst(%arg11 : memref<128x64xf32, #tpu.memory_space<vmem>>)
    %dma_wait3A_1781 = arith.constant 2 : i32
    %dma_wait3A_1782 = arith.constant 0 : i32
    %dma_wait3A_1783 = tpu.memref_slice %arg7[%dma_wait3A_1781, %dma_wait3A_1782] : memref<4x128xi32, #tpu.memory_space<vmem>> -> memref<1x128xi32, #tpu.memory_space<vmem>>
    %dma_wait3A_1784 = tpu.memref_squeeze %dma_wait3A_1783 : memref<1x128xi32, #tpu.memory_space<vmem>> -> memref<128xi32, #tpu.memory_space<vmem>>
    %dma_wait3A_1785 = arith.constant 0 : i32
    %dma_wait3A_1786 = arith.constant 0 : i32
    %dma_wait3A_1787 = tpu.memref_slice %arg5[%dma_wait3A_1785, %dma_wait3A_1786] : memref<100000x128xf32, #tpu.memory_space<hbm>> -> memref<100000x128xf32, #tpu.memory_space<hbm>>
    tpu.wait_indirect_dma semaphore(%arg16 : memref<!tpu.dma_semaphore, #tpu.memory_space<semaphore_mem>>) src(%dma_wait3A_1787 : memref<100000x128xf32, #tpu.memory_space<hbm>>) dst(%arg12 : memref<128x128xf32, #tpu.memory_space<vmem>>)
    %dma_wait3A_1788 = arith.constant 0 : i32
    %dma_wait3A_1789 = tpu.memref_slice %arg6[%add3A_1762, %dma_wait3A_1788] : memref<16384x128xf32, #tpu.memory_space<hbm>> -> memref<128x128xf32, #tpu.memory_space<hbm>>
    %dma_wait3A_1790 = arith.constant 0 : i32
    %dma_wait3A_1791 = tpu.memref_slice %arg6[%add3A_1762, %dma_wait3A_1790] : memref<16384x128xf32, #tpu.memory_space<hbm>> -> memref<128x128xf32, #tpu.memory_space<hbm>>
    tpu.wait_dma2 semaphore(%arg18 : memref<!tpu.dma_semaphore, #tpu.memory_space<semaphore_mem>>) src(%arg15 : memref<128x128xf32, #tpu.memory_space<vmem>>) dst(%dma_wait3A_1791 : memref<128x128xf32, #tpu.memory_space<hbm>>)
    %dma_start3A_1792 = arith.constant 3 : i32
    %dma_start3A_1793 = arith.constant 0 : i32
    %dma_start3A_1794 = tpu.memref_slice %arg8[%dma_start3A_1792, %dma_start3A_1793] : memref<4x128xi32, #tpu.memory_space<vmem>> -> memref<1x128xi32, #tpu.memory_space<vmem>>
    %dma_start3A_1795 = tpu.memref_squeeze %dma_start3A_1794 : memref<1x128xi32, #tpu.memory_space<vmem>> -> memref<128xi32, #tpu.memory_space<vmem>>
    %dma_start3A_1796 = arith.constant 0 : i32
    %dma_start3A_1797 = arith.constant 0 : i32
    %dma_start3A_1798 = tpu.memref_slice %arg3[%dma_start3A_1796, %dma_start3A_1797] : memref<131072x32xf32, #tpu.memory_space<hbm>> -> memref<131072x32xf32, #tpu.memory_space<hbm>>
    tpu.enqueue_indirect_dma source(%dma_start3A_1798 : memref<131072x32xf32, #tpu.memory_space<hbm>>) target(%arg13 : memref<128x32xf32, #tpu.memory_space<vmem>>) offsets(%dma_start3A_1795 : memref<128xi32, #tpu.memory_space<vmem>>) semaphore(%arg17 : memref<!tpu.dma_semaphore, #tpu.memory_space<semaphore_mem>>)
    %dma_start3A_1799 = arith.constant 3 : i32
    %dma_start3A_1800 = arith.constant 0 : i32
    %dma_start3A_1801 = tpu.memref_slice %arg9[%dma_start3A_1799, %dma_start3A_1800] : memref<4x128xi32, #tpu.memory_space<vmem>> -> memref<1x128xi32, #tpu.memory_space<vmem>>
    %dma_start3A_1802 = tpu.memref_squeeze %dma_start3A_1801 : memref<1x128xi32, #tpu.memory_space<vmem>> -> memref<128xi32, #tpu.memory_space<vmem>>
    %dma_start3A_1803 = arith.constant 0 : i32
    %dma_start3A_1804 = arith.constant 0 : i32
    %dma_start3A_1805 = tpu.memref_slice %arg4[%dma_start3A_1803, %dma_start3A_1804] : memref<114688x64xf32, #tpu.memory_space<hbm>> -> memref<114688x64xf32, #tpu.memory_space<hbm>>
    tpu.enqueue_indirect_dma source(%dma_start3A_1805 : memref<114688x64xf32, #tpu.memory_space<hbm>>) target(%arg14 : memref<128x64xf32, #tpu.memory_space<vmem>>) offsets(%dma_start3A_1802 : memref<128xi32, #tpu.memory_space<vmem>>) semaphore(%arg17 : memref<!tpu.dma_semaphore, #tpu.memory_space<semaphore_mem>>)
    %dma_start3A_1806 = arith.constant 3 : i32
    %dma_start3A_1807 = arith.constant 0 : i32
    %dma_start3A_1808 = tpu.memref_slice %arg7[%dma_start3A_1806, %dma_start3A_1807] : memref<4x128xi32, #tpu.memory_space<vmem>> -> memref<1x128xi32, #tpu.memory_space<vmem>>
    %dma_start3A_1809 = tpu.memref_squeeze %dma_start3A_1808 : memref<1x128xi32, #tpu.memory_space<vmem>> -> memref<128xi32, #tpu.memory_space<vmem>>
    %dma_start3A_1810 = arith.constant 0 : i32
    %dma_start3A_1811 = arith.constant 0 : i32
    %dma_start3A_1812 = tpu.memref_slice %arg5[%dma_start3A_1810, %dma_start3A_1811] : memref<100000x128xf32, #tpu.memory_space<hbm>> -> memref<100000x128xf32, #tpu.memory_space<hbm>>
    tpu.enqueue_indirect_dma source(%dma_start3A_1812 : memref<100000x128xf32, #tpu.memory_space<hbm>>) target(%arg15 : memref<128x128xf32, #tpu.memory_space<vmem>>) offsets(%dma_start3A_1809 : memref<128xi32, #tpu.memory_space<vmem>>) semaphore(%arg17 : memref<!tpu.dma_semaphore, #tpu.memory_space<semaphore_mem>>)
    %scan3A_1813 = arith.constant 0 : i32
    %scan3A_1814 = arith.constant 0.333333343 : f32
    %scan3A_1815 = arith.constant 0 : i32
    %scan3A_1816 = arith.constant 32 : i32
    %scan3A_1817 = arith.addi %scan3A_1815, %scan3A_1816 : i32
    %scan3A_1818 = arith.constant 1 : i32
    scf.for %scan3A_1868 = %scan3A_1815 to %scan3A_1817 step %scan3A_1818  : i32 {
      %mul3A_1869 = arith.constant 4 : i32
      %mul3A_1870 = arith.muli %scan3A_1868, %mul3A_1869 : i32
      %add3A_1871 = arith.constant 0 : i32
      %add3A_1872 = arith.addi %mul3A_1870, %add3A_1871 : i32
      %get3A_1873 = arith.index_cast %add3A_1872 : i32 to index
      %get3A_1874 = arith.constant 0 : index
      %get3A_1875 = tpu.vector_load %arg12[%get3A_1873, %get3A_1874] {strides = array<i32>} : memref<128x128xf32, #tpu.memory_space<vmem>>, vector<1x16xf32>,
      %get3A_1876 = vector.shape_cast %get3A_1875 : vector<1x16xf32> to vector<16xf32>
      %get3A_1877 = arith.index_cast %add3A_1872 : i32 to index
      %get3A_1878 = arith.constant 0 : index
      %get3A_1879 = tpu.vector_load %arg10[%get3A_1877, %get3A_1878] {strides = array<i32>} : memref<128x32xf32, #tpu.memory_space<vmem>>, vector<1x16xf32>,
      %get3A_1880 = vector.shape_cast %get3A_1879 : vector<1x16xf32> to vector<16xf32>
      %add3A_1881 = arith.addf %get3A_1876, %get3A_1880 : vector<16xf32>
      %get3A_1882 = arith.index_cast %add3A_1872 : i32 to index
      %get3A_1883 = arith.constant 0 : index
      %get3A_1884 = tpu.vector_load %arg11[%get3A_1882, %get3A_1883] {strides = array<i32>} : memref<128x64xf32, #tpu.memory_space<vmem>>, vector<1x16xf32>,
      %get3A_1885 = vector.shape_cast %get3A_1884 : vector<1x16xf32> to vector<16xf32>
      %add3A_1886 = arith.addf %add3A_1881, %get3A_1885 : vector<16xf32>
      %mul3A_1887 = vector.broadcast %scan3A_1814 : f32 to vector<16xf32>
      %mul3A_1888 = arith.mulf %add3A_1886, %mul3A_1887 : vector<16xf32>
      %swap3A_1889 = arith.index_cast %add3A_1872 : i32 to index
      %swap3A_1890 = arith.constant 0 : index
      %swap3A_1891 = tpu.vector_load %arg12[%swap3A_1889, %swap3A_1890] {strides = array<i32>} : memref<128x128xf32, #tpu.memory_space<vmem>>, vector<1x16xf32>,
      %swap3A_1892 = vector.shape_cast %swap3A_1891 : vector<1x16xf32> to vector<16xf32>
      %swap3A_1893 = vector.shape_cast %mul3A_1888 : vector<16xf32> to vector<1x16xf32>
      tpu.vector_store %arg12[%swap3A_1889, %swap3A_1890], %swap3A_1893 {strides = array<i32>} : memref<128x128xf32, #tpu.memory_space<vmem>>, vector<1x16xf32>,
      %get3A_1894 = arith.index_cast %add3A_1872 : i32 to index
      %get3A_1895 = arith.constant 16 : index
      %get3A_1896 = tpu.vector_load %arg12[%get3A_1894, %get3A_1895] {strides = array<i32>} : memref<128x128xf32, #tpu.memory_space<vmem>>, vector<1x16xf32>,
      %get3A_1897 = vector.shape_cast %get3A_1896 : vector<1x16xf32> to vector<16xf32>
      %get3A_1898 = arith.index_cast %add3A_1872 : i32 to index
      %get3A_1899 = arith.constant 16 : index
      %get3A_1900 = tpu.vector_load %arg10[%get3A_1898, %get3A_1899] {strides = array<i32>} : memref<128x32xf32, #tpu.memory_space<vmem>>, vector<1x16xf32>,
      %get3A_1901 = vector.shape_cast %get3A_1900 : vector<1x16xf32> to vector<16xf32>
      %add3A_1902 = arith.addf %get3A_1897, %get3A_1901 : vector<16xf32>
      %get3A_1903 = arith.index_cast %add3A_1872 : i32 to index
      %get3A_1904 = arith.constant 16 : index
      %get3A_1905 = tpu.vector_load %arg11[%get3A_1903, %get3A_1904] {strides = array<i32>} : memref<128x64xf32, #tpu.memory_space<vmem>>, vector<1x16xf32>,
      %get3A_1906 = vector.shape_cast %get3A_1905 : vector<1x16xf32> to vector<16xf32>
      %add3A_1907 = arith.addf %add3A_1902, %get3A_1906 : vector<16xf32>
      %mul3A_1908 = vector.broadcast %scan3A_1814 : f32 to vector<16xf32>
      %mul3A_1909 = arith.mulf %add3A_1907, %mul3A_1908 : vector<16xf32>
      %swap3A_1910 = arith.index_cast %add3A_1872 : i32 to index
      %swap3A_1911 = arith.constant 16 : index
      %swap3A_1912 = tpu.vector_load %arg12[%swap3A_1910, %swap3A_1911] {strides = array<i32>} : memref<128x128xf32, #tpu.memory_space<vmem>>, vector<1x16xf32>,
      %swap3A_1913 = vector.shape_cast %swap3A_1912 : vector<1x16xf32> to vector<16xf32>
      %swap3A_1914 = vector.shape_cast %mul3A_1909 : vector<16xf32> to vector<1x16xf32>
      tpu.vector_store %arg12[%swap3A_1910, %swap3A_1911], %swap3A_1914 {strides = array<i32>} : memref<128x128xf32, #tpu.memory_space<vmem>>, vector<1x16xf32>,
      %get3A_1915 = arith.index_cast %add3A_1872 : i32 to index
      %get3A_1916 = arith.constant 32 : index
      %get3A_1917 = tpu.vector_load %arg12[%get3A_1915, %get3A_1916] {strides = array<i32>} : memref<128x128xf32, #tpu.memory_space<vmem>>, vector<1x16xf32>,
      %get3A_1918 = vector.shape_cast %get3A_1917 : vector<1x16xf32> to vector<16xf32>
      %get3A_1919 = arith.index_cast %add3A_1872 : i32 to index
      %get3A_1920 = arith.constant 32 : index
      %get3A_1921 = tpu.vector_load %arg11[%get3A_1919, %get3A_1920] {strides = array<i32>} : memref<128x64xf32, #tpu.memory_space<vmem>>, vector<1x16xf32>,
      %get3A_1922 = vector.shape_cast %get3A_1921 : vector<1x16xf32> to vector<16xf32>
      %add3A_1923 = arith.addf %get3A_1918, %get3A_1922 : vector<16xf32>
      %mul3A_1924 = vector.broadcast %scan3A_1814 : f32 to vector<16xf32>
      %mul3A_1925 = arith.mulf %add3A_1923, %mul3A_1924 : vector<16xf32>
      %swap3A_1926 = arith.index_cast %add3A_1872 : i32 to index
      %swap3A_1927 = arith.constant 32 : index
      %swap3A_1928 = tpu.vector_load %arg12[%swap3A_1926, %swap3A_1927] {strides = array<i32>} : memref<128x128xf32, #tpu.memory_space<vmem>>, vector<1x16xf32>,
      %swap3A_1929 = vector.shape_cast %swap3A_1928 : vector<1x16xf32> to vector<16xf32>
      %swap3A_1930 = vector.shape_cast %mul3A_1925 : vector<16xf32> to vector<1x16xf32>
      tpu.vector_store %arg12[%swap3A_1926, %swap3A_1927], %swap3A_1930 {strides = array<i32>} : memref<128x128xf32, #tpu.memory_space<vmem>>, vector<1x16xf32>,
      %get3A_1931 = arith.index_cast %add3A_1872 : i32 to index
      %get3A_1932 = arith.constant 48 : index
      %get3A_1933 = tpu.vector_load %arg12[%get3A_1931, %get3A_1932] {strides = array<i32>} : memref<128x128xf32, #tpu.memory_space<vmem>>, vector<1x16xf32>,
      %get3A_1934 = vector.shape_cast %get3A_1933 : vector<1x16xf32> to vector<16xf32>
      %get3A_1935 = arith.index_cast %add3A_1872 : i32 to index
      %get3A_1936 = arith.constant 48 : index
      %get3A_1937 = tpu.vector_load %arg11[%get3A_1935, %get3A_1936] {strides = array<i32>} : memref<128x64xf32, #tpu.memory_space<vmem>>, vector<1x16xf32>,
      %get3A_1938 = vector.shape_cast %get3A_1937 : vector<1x16xf32> to vector<16xf32>
      %add3A_1939 = arith.addf %get3A_1934, %get3A_1938 : vector<16xf32>
      %mul3A_1940 = vector.broadcast %scan3A_1814 : f32 to vector<16xf32>
      %mul3A_1941 = arith.mulf %add3A_1939, %mul3A_1940 : vector<16xf32>
      %swap3A_1942 = arith.index_cast %add3A_1872 : i32 to index
      %swap3A_1943 = arith.constant 48 : index
      %swap3A_1944 = tpu.vector_load %arg12[%swap3A_1942, %swap3A_1943] {strides = array<i32>} : memref<128x128xf32, #tpu.memory_space<vmem>>, vector<1x16xf32>,
      %swap3A_1945 = vector.shape_cast %swap3A_1944 : vector<1x16xf32> to vector<16xf32>
      %swap3A_1946 = vector.shape_cast %mul3A_1941 : vector<16xf32> to vector<1x16xf32>
      tpu.vector_store %arg12[%swap3A_1942, %swap3A_1943], %swap3A_1946 {strides = array<i32>} : memref<128x128xf32, #tpu.memory_space<vmem>>, vector<1x16xf32>,
      %get3A_1947 = arith.index_cast %add3A_1872 : i32 to index
      %get3A_1948 = arith.constant 64 : index
      %get3A_1949 = tpu.vector_load %arg12[%get3A_1947, %get3A_1948] {strides = array<i32>} : memref<128x128xf32, #tpu.memory_space<vmem>>, vector<1x16xf32>,
      %get3A_1950 = vector.shape_cast %get3A_1949 : vector<1x16xf32> to vector<16xf32>
      %mul3A_1951 = vector.broadcast %scan3A_1814 : f32 to vector<16xf32>
      %mul3A_1952 = arith.mulf %get3A_1950, %mul3A_1951 : vector<16xf32>
      %swap3A_1953 = arith.index_cast %add3A_1872 : i32 to index
      %swap3A_1954 = arith.constant 64 : index
      %swap3A_1955 = tpu.vector_load %arg12[%swap3A_1953, %swap3A_1954] {strides = array<i32>} : memref<128x128xf32, #tpu.memory_space<vmem>>, vector<1x16xf32>,
      %swap3A_1956 = vector.shape_cast %swap3A_1955 : vector<1x16xf32> to vector<16xf32>
      %swap3A_1957 = vector.shape_cast %mul3A_1952 : vector<16xf32> to vector<1x16xf32>
      tpu.vector_store %arg12[%swap3A_1953, %swap3A_1954], %swap3A_1957 {strides = array<i32>} : memref<128x128xf32, #tpu.memory_space<vmem>>, vector<1x16xf32>,
      %get3A_1958 = arith.index_cast %add3A_1872 : i32 to index
      %get3A_1959 = arith.constant 80 : index
      %get3A_1960 = tpu.vector_load %arg12[%get3A_1958, %get3A_1959] {strides = array<i32>} : memref<128x128xf32, #tpu.memory_space<vmem>>, vector<1x16xf32>,
      %get3A_1961 = vector.shape_cast %get3A_1960 : vector<1x16xf32> to vector<16xf32>
      %mul3A_1962 = vector.broadcast %scan3A_1814 : f32 to vector<16xf32>
      %mul3A_1963 = arith.mulf %get3A_1961, %mul3A_1962 : vector<16xf32>
      %swap3A_1964 = arith.index_cast %add3A_1872 : i32 to index
      %swap3A_1965 = arith.constant 80 : index
      %swap3A_1966 = tpu.vector_load %arg12[%swap3A_1964, %swap3A_1965] {strides = array<i32>} : memref<128x128xf32, #tpu.memory_space<vmem>>, vector<1x16xf32>,
      %swap3A_1967 = vector.shape_cast %swap3A_1966 : vector<1x16xf32> to vector<16xf32>
      %swap3A_1968 = vector.shape_cast %mul3A_1963 : vector<16xf32> to vector<1x16xf32>
      tpu.vector_store %arg12[%swap3A_1964, %swap3A_1965], %swap3A_1968 {strides = array<i32>} : memref<128x128xf32, #tpu.memory_space<vmem>>, vector<1x16xf32>,
      %get3A_1969 = arith.index_cast %add3A_1872 : i32 to index
      %get3A_1970 = arith.constant 96 : index
      %get3A_1971 = tpu.vector_load %arg12[%get3A_1969, %get3A_1970] {strides = array<i32>} : memref<128x128xf32, #tpu.memory_space<vmem>>, vector<1x16xf32>,
      %get3A_1972 = vector.shape_cast %get3A_1971 : vector<1x16xf32> to vector<16xf32>
      %mul3A_1973 = vector.broadcast %scan3A_1814 : f32 to vector<16xf32>
      %mul3A_1974 = arith.mulf %get3A_1972, %mul3A_1973 : vector<16xf32>
      %swap3A_1975 = arith.index_cast %add3A_1872 : i32 to index
      %swap3A_1976 = arith.constant 96 : index
      %swap3A_1977 = tpu.vector_load %arg12[%swap3A_1975, %swap3A_1976] {strides = array<i32>} : memref<128x128xf32, #tpu.memory_space<vmem>>, vector<1x16xf32>,
      %swap3A_1978 = vector.shape_cast %swap3A_1977 : vector<1x16xf32> to vector<16xf32>
      %swap3A_1979 = vector.shape_cast %mul3A_1974 : vector<16xf32> to vector<1x16xf32>
      tpu.vector_store %arg12[%swap3A_1975, %swap3A_1976], %swap3A_1979 {strides = array<i32>} : memref<128x128xf32, #tpu.memory_space<vmem>>, vector<1x16xf32>,
      %get3A_1980 = arith.index_cast %add3A_1872 : i32 to index
      %get3A_1981 = arith.constant 112 : index
      %get3A_1982 = tpu.vector_load %arg12[%get3A_1980, %get3A_1981] {strides = array<i32>} : memref<128x128xf32, #tpu.memory_space<vmem>>, vector<1x16xf32>,
      %get3A_1983 = vector.shape_cast %get3A_1982 : vector<1x16xf32> to vector<16xf32>
      %mul3A_1984 = vector.broadcast %scan3A_1814 : f32 to vector<16xf32>
      %mul3A_1985 = arith.mulf %get3A_1983, %mul3A_1984 : vector<16xf32>
      %swap3A_1986 = arith.index_cast %add3A_1872 : i32 to index
      %swap3A_1987 = arith.constant 112 : index
      %swap3A_1988 = tpu.vector_load %arg12[%swap3A_1986, %swap3A_1987] {strides = array<i32>} : memref<128x128xf32, #tpu.memory_space<vmem>>, vector<1x16xf32>,
      %swap3A_1989 = vector.shape_cast %swap3A_1988 : vector<1x16xf32> to vector<16xf32>
      %swap3A_1990 = vector.shape_cast %mul3A_1985 : vector<16xf32> to vector<1x16xf32>
      tpu.vector_store %arg12[%swap3A_1986, %swap3A_1987], %swap3A_1990 {strides = array<i32>} : memref<128x128xf32, #tpu.memory_space<vmem>>, vector<1x16xf32>,
      %mul3A_1991 = arith.constant 4 : i32
      %mul3A_1992 = arith.muli %scan3A_1868, %mul3A_1991 : i32
      %add3A_1993 = arith.constant 1 : i32
      %add3A_1994 = arith.addi %mul3A_1992, %add3A_1993 : i32
      %get3A_1995 = arith.index_cast %add3A_1994 : i32 to index
      %get3A_1996 = arith.constant 0 : index
      %get3A_1997 = tpu.vector_load %arg12[%get3A_1995, %get3A_1996] {strides = array<i32>} : memref<128x128xf32, #tpu.memory_space<vmem>>, vector<1x16xf32>,
      %get3A_1998 = vector.shape_cast %get3A_1997 : vector<1x16xf32> to vector<16xf32>
      %get3A_1999 = arith.index_cast %add3A_1994 : i32 to index
      %get3A_2000 = arith.constant 0 : index
      %get3A_2001 = tpu.vector_load %arg10[%get3A_1999, %get3A_2000] {strides = array<i32>} : memref<128x32xf32, #tpu.memory_space<vmem>>, vector<1x16xf32>,
      %get3A_2002 = vector.shape_cast %get3A_2001 : vector<1x16xf32> to vector<16xf32>
      %add3A_2003 = arith.addf %get3A_1998, %get3A_2002 : vector<16xf32>
      %get3A_2004 = arith.index_cast %add3A_1994 : i32 to index
      %get3A_2005 = arith.constant 0 : index
      %get3A_2006 = tpu.vector_load %arg11[%get3A_2004, %get3A_2005] {strides = array<i32>} : memref<128x64xf32, #tpu.memory_space<vmem>>, vector<1x16xf32>,
      %get3A_2007 = vector.shape_cast %get3A_2006 : vector<1x16xf32> to vector<16xf32>
      %add3A_2008 = arith.addf %add3A_2003, %get3A_2007 : vector<16xf32>
      %mul3A_2009 = vector.broadcast %scan3A_1814 : f32 to vector<16xf32>
      %mul3A_2010 = arith.mulf %add3A_2008, %mul3A_2009 : vector<16xf32>
      %swap3A_2011 = arith.index_cast %add3A_1994 : i32 to index
      %swap3A_2012 = arith.constant 0 : index
      %swap3A_2013 = tpu.vector_load %arg12[%swap3A_2011, %swap3A_2012] {strides = array<i32>} : memref<128x128xf32, #tpu.memory_space<vmem>>, vector<1x16xf32>,
      %swap3A_2014 = vector.shape_cast %swap3A_2013 : vector<1x16xf32> to vector<16xf32>
      %swap3A_2015 = vector.shape_cast %mul3A_2010 : vector<16xf32> to vector<1x16xf32>
      tpu.vector_store %arg12[%swap3A_2011, %swap3A_2012], %swap3A_2015 {strides = array<i32>} : memref<128x128xf32, #tpu.memory_space<vmem>>, vector<1x16xf32>,
      %get3A_2016 = arith.index_cast %add3A_1994 : i32 to index
      %get3A_2017 = arith.constant 16 : index
      %get3A_2018 = tpu.vector_load %arg12[%get3A_2016, %get3A_2017] {strides = array<i32>} : memref<128x128xf32, #tpu.memory_space<vmem>>, vector<1x16xf32>,
      %get3A_2019 = vector.shape_cast %get3A_2018 : vector<1x16xf32> to vector<16xf32>
      %get3A_2020 = arith.index_cast %add3A_1994 : i32 to index
      %get3A_2021 = arith.constant 16 : index
      %get3A_2022 = tpu.vector_load %arg10[%get3A_2020, %get3A_2021] {strides = array<i32>} : memref<128x32xf32, #tpu.memory_space<vmem>>, vector<1x16xf32>,
      %get3A_2023 = vector.shape_cast %get3A_2022 : vector<1x16xf32> to vector<16xf32>
      %add3A_2024 = arith.addf %get3A_2019, %get3A_2023 : vector<16xf32>
      %get3A_2025 = arith.index_cast %add3A_1994 : i32 to index
      %get3A_2026 = arith.constant 16 : index
      %get3A_2027 = tpu.vector_load %arg11[%get3A_2025, %get3A_2026] {strides = array<i32>} : memref<128x64xf32, #tpu.memory_space<vmem>>, vector<1x16xf32>,
      %get3A_2028 = vector.shape_cast %get3A_2027 : vector<1x16xf32> to vector<16xf32>
      %add3A_2029 = arith.addf %add3A_2024, %get3A_2028 : vector<16xf32>
      %mul3A_2030 = vector.broadcast %scan3A_1814 : f32 to vector<16xf32>
      %mul3A_2031 = arith.mulf %add3A_2029, %mul3A_2030 : vector<16xf32>
      %swap3A_2032 = arith.index_cast %add3A_1994 : i32 to index
      %swap3A_2033 = arith.constant 16 : index
      %swap3A_2034 = tpu.vector_load %arg12[%swap3A_2032, %swap3A_2033] {strides = array<i32>} : memref<128x128xf32, #tpu.memory_space<vmem>>, vector<1x16xf32>,
      %swap3A_2035 = vector.shape_cast %swap3A_2034 : vector<1x16xf32> to vector<16xf32>
      %swap3A_2036 = vector.shape_cast %mul3A_2031 : vector<16xf32> to vector<1x16xf32>
      tpu.vector_store %arg12[%swap3A_2032, %swap3A_2033], %swap3A_2036 {strides = array<i32>} : memref<128x128xf32, #tpu.memory_space<vmem>>, vector<1x16xf32>,
      %get3A_2037 = arith.index_cast %add3A_1994 : i32 to index
      %get3A_2038 = arith.constant 32 : index
      %get3A_2039 = tpu.vector_load %arg12[%get3A_2037, %get3A_2038] {strides = array<i32>} : memref<128x128xf32, #tpu.memory_space<vmem>>, vector<1x16xf32>,
      %get3A_2040 = vector.shape_cast %get3A_2039 : vector<1x16xf32> to vector<16xf32>
      %get3A_2041 = arith.index_cast %add3A_1994 : i32 to index
      %get3A_2042 = arith.constant 32 : index
      %get3A_2043 = tpu.vector_load %arg11[%get3A_2041, %get3A_2042] {strides = array<i32>} : memref<128x64xf32, #tpu.memory_space<vmem>>, vector<1x16xf32>,
      %get3A_2044 = vector.shape_cast %get3A_2043 : vector<1x16xf32> to vector<16xf32>
      %add3A_2045 = arith.addf %get3A_2040, %get3A_2044 : vector<16xf32>
      %mul3A_2046 = vector.broadcast %scan3A_1814 : f32 to vector<16xf32>
      %mul3A_2047 = arith.mulf %add3A_2045, %mul3A_2046 : vector<16xf32>
      %swap3A_2048 = arith.index_cast %add3A_1994 : i32 to index
      %swap3A_2049 = arith.constant 32 : index
      %swap3A_2050 = tpu.vector_load %arg12[%swap3A_2048, %swap3A_2049] {strides = array<i32>} : memref<128x128xf32, #tpu.memory_space<vmem>>, vector<1x16xf32>,
      %swap3A_2051 = vector.shape_cast %swap3A_2050 : vector<1x16xf32> to vector<16xf32>
      %swap3A_2052 = vector.shape_cast %mul3A_2047 : vector<16xf32> to vector<1x16xf32>
      tpu.vector_store %arg12[%swap3A_2048, %swap3A_2049], %swap3A_2052 {strides = array<i32>} : memref<128x128xf32, #tpu.memory_space<vmem>>, vector<1x16xf32>,
      %get3A_2053 = arith.index_cast %add3A_1994 : i32 to index
      %get3A_2054 = arith.constant 48 : index
      %get3A_2055 = tpu.vector_load %arg12[%get3A_2053, %get3A_2054] {strides = array<i32>} : memref<128x128xf32, #tpu.memory_space<vmem>>, vector<1x16xf32>,
      %get3A_2056 = vector.shape_cast %get3A_2055 : vector<1x16xf32> to vector<16xf32>
      %get3A_2057 = arith.index_cast %add3A_1994 : i32 to index
      %get3A_2058 = arith.constant 48 : index
      %get3A_2059 = tpu.vector_load %arg11[%get3A_2057, %get3A_2058] {strides = array<i32>} : memref<128x64xf32, #tpu.memory_space<vmem>>, vector<1x16xf32>,
      %get3A_2060 = vector.shape_cast %get3A_2059 : vector<1x16xf32> to vector<16xf32>
      %add3A_2061 = arith.addf %get3A_2056, %get3A_2060 : vector<16xf32>
      %mul3A_2062 = vector.broadcast %scan3A_1814 : f32 to vector<16xf32>
      %mul3A_2063 = arith.mulf %add3A_2061, %mul3A_2062 : vector<16xf32>
      %swap3A_2064 = arith.index_cast %add3A_1994 : i32 to index
      %swap3A_2065 = arith.constant 48 : index
      %swap3A_2066 = tpu.vector_load %arg12[%swap3A_2064, %swap3A_2065] {strides = array<i32>} : memref<128x128xf32, #tpu.memory_space<vmem>>, vector<1x16xf32>,
      %swap3A_2067 = vector.shape_cast %swap3A_2066 : vector<1x16xf32> to vector<16xf32>
      %swap3A_2068 = vector.shape_cast %mul3A_2063 : vector<16xf32> to vector<1x16xf32>
      tpu.vector_store %arg12[%swap3A_2064, %swap3A_2065], %swap3A_2068 {strides = array<i32>} : memref<128x128xf32, #tpu.memory_space<vmem>>, vector<1x16xf32>,
      %get3A_2069 = arith.index_cast %add3A_1994 : i32 to index
      %get3A_2070 = arith.constant 64 : index
      %get3A_2071 = tpu.vector_load %arg12[%get3A_2069, %get3A_2070] {strides = array<i32>} : memref<128x128xf32, #tpu.memory_space<vmem>>, vector<1x16xf32>,
      %get3A_2072 = vector.shape_cast %get3A_2071 : vector<1x16xf32> to vector<16xf32>
      %mul3A_2073 = vector.broadcast %scan3A_1814 : f32 to vector<16xf32>
      %mul3A_2074 = arith.mulf %get3A_2072, %mul3A_2073 : vector<16xf32>
      %swap3A_2075 = arith.index_cast %add3A_1994 : i32 to index
      %swap3A_2076 = arith.constant 64 : index
      %swap3A_2077 = tpu.vector_load %arg12[%swap3A_2075, %swap3A_2076] {strides = array<i32>} : memref<128x128xf32, #tpu.memory_space<vmem>>, vector<1x16xf32>,
      %swap3A_2078 = vector.shape_cast %swap3A_2077 : vector<1x16xf32> to vector<16xf32>
      %swap3A_2079 = vector.shape_cast %mul3A_2074 : vector<16xf32> to vector<1x16xf32>
      tpu.vector_store %arg12[%swap3A_2075, %swap3A_2076], %swap3A_2079 {strides = array<i32>} : memref<128x128xf32, #tpu.memory_space<vmem>>, vector<1x16xf32>,
      %get3A_2080 = arith.index_cast %add3A_1994 : i32 to index
      %get3A_2081 = arith.constant 80 : index
      %get3A_2082 = tpu.vector_load %arg12[%get3A_2080, %get3A_2081] {strides = array<i32>} : memref<128x128xf32, #tpu.memory_space<vmem>>, vector<1x16xf32>,
      %get3A_2083 = vector.shape_cast %get3A_2082 : vector<1x16xf32> to vector<16xf32>
      %mul3A_2084 = vector.broadcast %scan3A_1814 : f32 to vector<16xf32>
      %mul3A_2085 = arith.mulf %get3A_2083, %mul3A_2084 : vector<16xf32>
      %swap3A_2086 = arith.index_cast %add3A_1994 : i32 to index
      %swap3A_2087 = arith.constant 80 : index
      %swap3A_2088 = tpu.vector_load %arg12[%swap3A_2086, %swap3A_2087] {strides = array<i32>} : memref<128x128xf32, #tpu.memory_space<vmem>>, vector<1x16xf32>,
      %swap3A_2089 = vector.shape_cast %swap3A_2088 : vector<1x16xf32> to vector<16xf32>
      %swap3A_2090 = vector.shape_cast %mul3A_2085 : vector<16xf32> to vector<1x16xf32>
      tpu.vector_store %arg12[%swap3A_2086, %swap3A_2087], %swap3A_2090 {strides = array<i32>} : memref<128x128xf32, #tpu.memory_space<vmem>>, vector<1x16xf32>,
      %get3A_2091 = arith.index_cast %add3A_1994 : i32 to index
      %get3A_2092 = arith.constant 96 : index
      %get3A_2093 = tpu.vector_load %arg12[%get3A_2091, %get3A_2092] {strides = array<i32>} : memref<128x128xf32, #tpu.memory_space<vmem>>, vector<1x16xf32>,
      %get3A_2094 = vector.shape_cast %get3A_2093 : vector<1x16xf32> to vector<16xf32>
      %mul3A_2095 = vector.broadcast %scan3A_1814 : f32 to vector<16xf32>
      %mul3A_2096 = arith.mulf %get3A_2094, %mul3A_2095 : vector<16xf32>
      %swap3A_2097 = arith.index_cast %add3A_1994 : i32 to index
      %swap3A_2098 = arith.constant 96 : index
      %swap3A_2099 = tpu.vector_load %arg12[%swap3A_2097, %swap3A_2098] {strides = array<i32>} : memref<128x128xf32, #tpu.memory_space<vmem>>, vector<1x16xf32>,
      %swap3A_2100 = vector.shape_cast %swap3A_2099 : vector<1x16xf32> to vector<16xf32>
      %swap3A_2101 = vector.shape_cast %mul3A_2096 : vector<16xf32> to vector<1x16xf32>
      tpu.vector_store %arg12[%swap3A_2097, %swap3A_2098], %swap3A_2101 {strides = array<i32>} : memref<128x128xf32, #tpu.memory_space<vmem>>, vector<1x16xf32>,
      %get3A_2102 = arith.index_cast %add3A_1994 : i32 to index
      %get3A_2103 = arith.constant 112 : index
      %get3A_2104 = tpu.vector_load %arg12[%get3A_2102, %get3A_2103] {strides = array<i32>} : memref<128x128xf32, #tpu.memory_space<vmem>>, vector<1x16xf32>,
      %get3A_2105 = vector.shape_cast %get3A_2104 : vector<1x16xf32> to vector<16xf32>
      %mul3A_2106 = vector.broadcast %scan3A_1814 : f32 to vector<16xf32>
      %mul3A_2107 = arith.mulf %get3A_2105, %mul3A_2106 : vector<16xf32>
      %swap3A_2108 = arith.index_cast %add3A_1994 : i32 to index
      %swap3A_2109 = arith.constant 112 : index
      %swap3A_2110 = tpu.vector_load %arg12[%swap3A_2108, %swap3A_2109] {strides = array<i32>} : memref<128x128xf32, #tpu.memory_space<vmem>>, vector<1x16xf32>,
      %swap3A_2111 = vector.shape_cast %swap3A_2110 : vector<1x16xf32> to vector<16xf32>
      %swap3A_2112 = vector.shape_cast %mul3A_2107 : vector<16xf32> to vector<1x16xf32>
      tpu.vector_store %arg12[%swap3A_2108, %swap3A_2109], %swap3A_2112 {strides = array<i32>} : memref<128x128xf32, #tpu.memory_space<vmem>>, vector<1x16xf32>,
      %mul3A_2113 = arith.constant 4 : i32
      %mul3A_2114 = arith.muli %scan3A_1868, %mul3A_2113 : i32
      %add3A_2115 = arith.constant 2 : i32
      %add3A_2116 = arith.addi %mul3A_2114, %add3A_2115 : i32
      %get3A_2117 = arith.index_cast %add3A_2116 : i32 to index
      %get3A_2118 = arith.constant 0 : index
      %get3A_2119 = tpu.vector_load %arg12[%get3A_2117, %get3A_2118] {strides = array<i32>} : memref<128x128xf32, #tpu.memory_space<vmem>>, vector<1x16xf32>,
      %get3A_2120 = vector.shape_cast %get3A_2119 : vector<1x16xf32> to vector<16xf32>
      %get3A_2121 = arith.index_cast %add3A_2116 : i32 to index
      %get3A_2122 = arith.constant 0 : index
      %get3A_2123 = tpu.vector_load %arg10[%get3A_2121, %get3A_2122] {strides = array<i32>} : memref<128x32xf32, #tpu.memory_space<vmem>>, vector<1x16xf32>,
      %get3A_2124 = vector.shape_cast %get3A_2123 : vector<1x16xf32> to vector<16xf32>
      %add3A_2125 = arith.addf %get3A_2120, %get3A_2124 : vector<16xf32>
      %get3A_2126 = arith.index_cast %add3A_2116 : i32 to index
      %get3A_2127 = arith.constant 0 : index
      %get3A_2128 = tpu.vector_load %arg11[%get3A_2126, %get3A_2127] {strides = array<i32>} : memref<128x64xf32, #tpu.memory_space<vmem>>, vector<1x16xf32>,
      %get3A_2129 = vector.shape_cast %get3A_2128 : vector<1x16xf32> to vector<16xf32>
      %add3A_2130 = arith.addf %add3A_2125, %get3A_2129 : vector<16xf32>
      %mul3A_2131 = vector.broadcast %scan3A_1814 : f32 to vector<16xf32>
      %mul3A_2132 = arith.mulf %add3A_2130, %mul3A_2131 : vector<16xf32>
      %swap3A_2133 = arith.index_cast %add3A_2116 : i32 to index
      %swap3A_2134 = arith.constant 0 : index
      %swap3A_2135 = tpu.vector_load %arg12[%swap3A_2133, %swap3A_2134] {strides = array<i32>} : memref<128x128xf32, #tpu.memory_space<vmem>>, vector<1x16xf32>,
      %swap3A_2136 = vector.shape_cast %swap3A_2135 : vector<1x16xf32> to vector<16xf32>
      %swap3A_2137 = vector.shape_cast %mul3A_2132 : vector<16xf32> to vector<1x16xf32>
      tpu.vector_store %arg12[%swap3A_2133, %swap3A_2134], %swap3A_2137 {strides = array<i32>} : memref<128x128xf32, #tpu.memory_space<vmem>>, vector<1x16xf32>,
      %get3A_2138 = arith.index_cast %add3A_2116 : i32 to index
      %get3A_2139 = arith.constant 16 : index
      %get3A_2140 = tpu.vector_load %arg12[%get3A_2138, %get3A_2139] {strides = array<i32>} : memref<128x128xf32, #tpu.memory_space<vmem>>, vector<1x16xf32>,
      %get3A_2141 = vector.shape_cast %get3A_2140 : vector<1x16xf32> to vector<16xf32>
      %get3A_2142 = arith.index_cast %add3A_2116 : i32 to index
      %get3A_2143 = arith.constant 16 : index
      %get3A_2144 = tpu.vector_load %arg10[%get3A_2142, %get3A_2143] {strides = array<i32>} : memref<128x32xf32, #tpu.memory_space<vmem>>, vector<1x16xf32>,
      %get3A_2145 = vector.shape_cast %get3A_2144 : vector<1x16xf32> to vector<16xf32>
      %add3A_2146 = arith.addf %get3A_2141, %get3A_2145 : vector<16xf32>
      %get3A_2147 = arith.index_cast %add3A_2116 : i32 to index
      %get3A_2148 = arith.constant 16 : index
      %get3A_2149 = tpu.vector_load %arg11[%get3A_2147, %get3A_2148] {strides = array<i32>} : memref<128x64xf32, #tpu.memory_space<vmem>>, vector<1x16xf32>,
      %get3A_2150 = vector.shape_cast %get3A_2149 : vector<1x16xf32> to vector<16xf32>
      %add3A_2151 = arith.addf %add3A_2146, %get3A_2150 : vector<16xf32>
      %mul3A_2152 = vector.broadcast %scan3A_1814 : f32 to vector<16xf32>
      %mul3A_2153 = arith.mulf %add3A_2151, %mul3A_2152 : vector<16xf32>
      %swap3A_2154 = arith.index_cast %add3A_2116 : i32 to index
      %swap3A_2155 = arith.constant 16 : index
      %swap3A_2156 = tpu.vector_load %arg12[%swap3A_2154, %swap3A_2155] {strides = array<i32>} : memref<128x128xf32, #tpu.memory_space<vmem>>, vector<1x16xf32>,
      %swap3A_2157 = vector.shape_cast %swap3A_2156 : vector<1x16xf32> to vector<16xf32>
      %swap3A_2158 = vector.shape_cast %mul3A_2153 : vector<16xf32> to vector<1x16xf32>
      tpu.vector_store %arg12[%swap3A_2154, %swap3A_2155], %swap3A_2158 {strides = array<i32>} : memref<128x128xf32, #tpu.memory_space<vmem>>, vector<1x16xf32>,
      %get3A_2159 = arith.index_cast %add3A_2116 : i32 to index
      %get3A_2160 = arith.constant 32 : index
      %get3A_2161 = tpu.vector_load %arg12[%get3A_2159, %get3A_2160] {strides = array<i32>} : memref<128x128xf32, #tpu.memory_space<vmem>>, vector<1x16xf32>,
      %get3A_2162 = vector.shape_cast %get3A_2161 : vector<1x16xf32> to vector<16xf32>
      %get3A_2163 = arith.index_cast %add3A_2116 : i32 to index
      %get3A_2164 = arith.constant 32 : index
      %get3A_2165 = tpu.vector_load %arg11[%get3A_2163, %get3A_2164] {strides = array<i32>} : memref<128x64xf32, #tpu.memory_space<vmem>>, vector<1x16xf32>,
      %get3A_2166 = vector.shape_cast %get3A_2165 : vector<1x16xf32> to vector<16xf32>
      %add3A_2167 = arith.addf %get3A_2162, %get3A_2166 : vector<16xf32>
      %mul3A_2168 = vector.broadcast %scan3A_1814 : f32 to vector<16xf32>
      %mul3A_2169 = arith.mulf %add3A_2167, %mul3A_2168 : vector<16xf32>
      %swap3A_2170 = arith.index_cast %add3A_2116 : i32 to index
      %swap3A_2171 = arith.constant 32 : index
      %swap3A_2172 = tpu.vector_load %arg12[%swap3A_2170, %swap3A_2171] {strides = array<i32>} : memref<128x128xf32, #tpu.memory_space<vmem>>, vector<1x16xf32>,
      %swap3A_2173 = vector.shape_cast %swap3A_2172 : vector<1x16xf32> to vector<16xf32>
      %swap3A_2174 = vector.shape_cast %mul3A_2169 : vector<16xf32> to vector<1x16xf32>
      tpu.vector_store %arg12[%swap3A_2170, %swap3A_2171], %swap3A_2174 {strides = array<i32>} : memref<128x128xf32, #tpu.memory_space<vmem>>, vector<1x16xf32>,
      %get3A_2175 = arith.index_cast %add3A_2116 : i32 to index
      %get3A_2176 = arith.constant 48 : index
      %get3A_2177 = tpu.vector_load %arg12[%get3A_2175, %get3A_2176] {strides = array<i32>} : memref<128x128xf32, #tpu.memory_space<vmem>>, vector<1x16xf32>,
      %get3A_2178 = vector.shape_cast %get3A_2177 : vector<1x16xf32> to vector<16xf32>
      %get3A_2179 = arith.index_cast %add3A_2116 : i32 to index
      %get3A_2180 = arith.constant 48 : index
      %get3A_2181 = tpu.vector_load %arg11[%get3A_2179, %get3A_2180] {strides = array<i32>} : memref<128x64xf32, #tpu.memory_space<vmem>>, vector<1x16xf32>,
      %get3A_2182 = vector.shape_cast %get3A_2181 : vector<1x16xf32> to vector<16xf32>
      %add3A_2183 = arith.addf %get3A_2178, %get3A_2182 : vector<16xf32>
      %mul3A_2184 = vector.broadcast %scan3A_1814 : f32 to vector<16xf32>
      %mul3A_2185 = arith.mulf %add3A_2183, %mul3A_2184 : vector<16xf32>
      %swap3A_2186 = arith.index_cast %add3A_2116 : i32 to index
      %swap3A_2187 = arith.constant 48 : index
      %swap3A_2188 = tpu.vector_load %arg12[%swap3A_2186, %swap3A_2187] {strides = array<i32>} : memref<128x128xf32, #tpu.memory_space<vmem>>, vector<1x16xf32>,
      %swap3A_2189 = vector.shape_cast %swap3A_2188 : vector<1x16xf32> to vector<16xf32>
      %swap3A_2190 = vector.shape_cast %mul3A_2185 : vector<16xf32> to vector<1x16xf32>
      tpu.vector_store %arg12[%swap3A_2186, %swap3A_2187], %swap3A_2190 {strides = array<i32>} : memref<128x128xf32, #tpu.memory_space<vmem>>, vector<1x16xf32>,
      %get3A_2191 = arith.index_cast %add3A_2116 : i32 to index
      %get3A_2192 = arith.constant 64 : index
      %get3A_2193 = tpu.vector_load %arg12[%get3A_2191, %get3A_2192] {strides = array<i32>} : memref<128x128xf32, #tpu.memory_space<vmem>>, vector<1x16xf32>,
      %get3A_2194 = vector.shape_cast %get3A_2193 : vector<1x16xf32> to vector<16xf32>
      %mul3A_2195 = vector.broadcast %scan3A_1814 : f32 to vector<16xf32>
      %mul3A_2196 = arith.mulf %get3A_2194, %mul3A_2195 : vector<16xf32>
      %swap3A_2197 = arith.index_cast %add3A_2116 : i32 to index
      %swap3A_2198 = arith.constant 64 : index
      %swap3A_2199 = tpu.vector_load %arg12[%swap3A_2197, %swap3A_2198] {strides = array<i32>} : memref<128x128xf32, #tpu.memory_space<vmem>>, vector<1x16xf32>,
      %swap3A_2200 = vector.shape_cast %swap3A_2199 : vector<1x16xf32> to vector<16xf32>
      %swap3A_2201 = vector.shape_cast %mul3A_2196 : vector<16xf32> to vector<1x16xf32>
      tpu.vector_store %arg12[%swap3A_2197, %swap3A_2198], %swap3A_2201 {strides = array<i32>} : memref<128x128xf32, #tpu.memory_space<vmem>>, vector<1x16xf32>,
      %get3A_2202 = arith.index_cast %add3A_2116 : i32 to index
      %get3A_2203 = arith.constant 80 : index
      %get3A_2204 = tpu.vector_load %arg12[%get3A_2202, %get3A_2203] {strides = array<i32>} : memref<128x128xf32, #tpu.memory_space<vmem>>, vector<1x16xf32>,
      %get3A_2205 = vector.shape_cast %get3A_2204 : vector<1x16xf32> to vector<16xf32>
      %mul3A_2206 = vector.broadcast %scan3A_1814 : f32 to vector<16xf32>
      %mul3A_2207 = arith.mulf %get3A_2205, %mul3A_2206 : vector<16xf32>
      %swap3A_2208 = arith.index_cast %add3A_2116 : i32 to index
      %swap3A_2209 = arith.constant 80 : index
      %swap3A_2210 = tpu.vector_load %arg12[%swap3A_2208, %swap3A_2209] {strides = array<i32>} : memref<128x128xf32, #tpu.memory_space<vmem>>, vector<1x16xf32>,
      %swap3A_2211 = vector.shape_cast %swap3A_2210 : vector<1x16xf32> to vector<16xf32>
      %swap3A_2212 = vector.shape_cast %mul3A_2207 : vector<16xf32> to vector<1x16xf32>
      tpu.vector_store %arg12[%swap3A_2208, %swap3A_2209], %swap3A_2212 {strides = array<i32>} : memref<128x128xf32, #tpu.memory_space<vmem>>, vector<1x16xf32>,
      %get3A_2213 = arith.index_cast %add3A_2116 : i32 to index
      %get3A_2214 = arith.constant 96 : index
      %get3A_2215 = tpu.vector_load %arg12[%get3A_2213, %get3A_2214] {strides = array<i32>} : memref<128x128xf32, #tpu.memory_space<vmem>>, vector<1x16xf32>,
      %get3A_2216 = vector.shape_cast %get3A_2215 : vector<1x16xf32> to vector<16xf32>
      %mul3A_2217 = vector.broadcast %scan3A_1814 : f32 to vector<16xf32>
      %mul3A_2218 = arith.mulf %get3A_2216, %mul3A_2217 : vector<16xf32>
      %swap3A_2219 = arith.index_cast %add3A_2116 : i32 to index
      %swap3A_2220 = arith.constant 96 : index
      %swap3A_2221 = tpu.vector_load %arg12[%swap3A_2219, %swap3A_2220] {strides = array<i32>} : memref<128x128xf32, #tpu.memory_space<vmem>>, vector<1x16xf32>,
      %swap3A_2222 = vector.shape_cast %swap3A_2221 : vector<1x16xf32> to vector<16xf32>
      %swap3A_2223 = vector.shape_cast %mul3A_2218 : vector<16xf32> to vector<1x16xf32>
      tpu.vector_store %arg12[%swap3A_2219, %swap3A_2220], %swap3A_2223 {strides = array<i32>} : memref<128x128xf32, #tpu.memory_space<vmem>>, vector<1x16xf32>,
      %get3A_2224 = arith.index_cast %add3A_2116 : i32 to index
      %get3A_2225 = arith.constant 112 : index
      %get3A_2226 = tpu.vector_load %arg12[%get3A_2224, %get3A_2225] {strides = array<i32>} : memref<128x128xf32, #tpu.memory_space<vmem>>, vector<1x16xf32>,
      %get3A_2227 = vector.shape_cast %get3A_2226 : vector<1x16xf32> to vector<16xf32>
      %mul3A_2228 = vector.broadcast %scan3A_1814 : f32 to vector<16xf32>
      %mul3A_2229 = arith.mulf %get3A_2227, %mul3A_2228 : vector<16xf32>
      %swap3A_2230 = arith.index_cast %add3A_2116 : i32 to index
      %swap3A_2231 = arith.constant 112 : index
      %swap3A_2232 = tpu.vector_load %arg12[%swap3A_2230, %swap3A_2231] {strides = array<i32>} : memref<128x128xf32, #tpu.memory_space<vmem>>, vector<1x16xf32>,
      %swap3A_2233 = vector.shape_cast %swap3A_2232 : vector<1x16xf32> to vector<16xf32>
      %swap3A_2234 = vector.shape_cast %mul3A_2229 : vector<16xf32> to vector<1x16xf32>
      tpu.vector_store %arg12[%swap3A_2230, %swap3A_2231], %swap3A_2234 {strides = array<i32>} : memref<128x128xf32, #tpu.memory_space<vmem>>, vector<1x16xf32>,
      %mul3A_2235 = arith.constant 4 : i32
      %mul3A_2236 = arith.muli %scan3A_1868, %mul3A_2235 : i32
      %add3A_2237 = arith.constant 3 : i32
      %add3A_2238 = arith.addi %mul3A_2236, %add3A_2237 : i32
      %get3A_2239 = arith.index_cast %add3A_2238 : i32 to index
      %get3A_2240 = arith.constant 0 : index
      %get3A_2241 = tpu.vector_load %arg12[%get3A_2239, %get3A_2240] {strides = array<i32>} : memref<128x128xf32, #tpu.memory_space<vmem>>, vector<1x16xf32>,
      %get3A_2242 = vector.shape_cast %get3A_2241 : vector<1x16xf32> to vector<16xf32>
      %get3A_2243 = arith.index_cast %add3A_2238 : i32 to index
      %get3A_2244 = arith.constant 0 : index
      %get3A_2245 = tpu.vector_load %arg10[%get3A_2243, %get3A_2244] {strides = array<i32>} : memref<128x32xf32, #tpu.memory_space<vmem>>, vector<1x16xf32>,
      %get3A_2246 = vector.shape_cast %get3A_2245 : vector<1x16xf32> to vector<16xf32>
      %add3A_2247 = arith.addf %get3A_2242, %get3A_2246 : vector<16xf32>
      %get3A_2248 = arith.index_cast %add3A_2238 : i32 to index
      %get3A_2249 = arith.constant 0 : index
      %get3A_2250 = tpu.vector_load %arg11[%get3A_2248, %get3A_2249] {strides = array<i32>} : memref<128x64xf32, #tpu.memory_space<vmem>>, vector<1x16xf32>,
      %get3A_2251 = vector.shape_cast %get3A_2250 : vector<1x16xf32> to vector<16xf32>
      %add3A_2252 = arith.addf %add3A_2247, %get3A_2251 : vector<16xf32>
      %mul3A_2253 = vector.broadcast %scan3A_1814 : f32 to vector<16xf32>
      %mul3A_2254 = arith.mulf %add3A_2252, %mul3A_2253 : vector<16xf32>
      %swap3A_2255 = arith.index_cast %add3A_2238 : i32 to index
      %swap3A_2256 = arith.constant 0 : index
      %swap3A_2257 = tpu.vector_load %arg12[%swap3A_2255, %swap3A_2256] {strides = array<i32>} : memref<128x128xf32, #tpu.memory_space<vmem>>, vector<1x16xf32>,
      %swap3A_2258 = vector.shape_cast %swap3A_2257 : vector<1x16xf32> to vector<16xf32>
      %swap3A_2259 = vector.shape_cast %mul3A_2254 : vector<16xf32> to vector<1x16xf32>
      tpu.vector_store %arg12[%swap3A_2255, %swap3A_2256], %swap3A_2259 {strides = array<i32>} : memref<128x128xf32, #tpu.memory_space<vmem>>, vector<1x16xf32>,
      %get3A_2260 = arith.index_cast %add3A_2238 : i32 to index
      %get3A_2261 = arith.constant 16 : index
      %get3A_2262 = tpu.vector_load %arg12[%get3A_2260, %get3A_2261] {strides = array<i32>} : memref<128x128xf32, #tpu.memory_space<vmem>>, vector<1x16xf32>,
      %get3A_2263 = vector.shape_cast %get3A_2262 : vector<1x16xf32> to vector<16xf32>
      %get3A_2264 = arith.index_cast %add3A_2238 : i32 to index
      %get3A_2265 = arith.constant 16 : index
      %get3A_2266 = tpu.vector_load %arg10[%get3A_2264, %get3A_2265] {strides = array<i32>} : memref<128x32xf32, #tpu.memory_space<vmem>>, vector<1x16xf32>,
      %get3A_2267 = vector.shape_cast %get3A_2266 : vector<1x16xf32> to vector<16xf32>
      %add3A_2268 = arith.addf %get3A_2263, %get3A_2267 : vector<16xf32>
      %get3A_2269 = arith.index_cast %add3A_2238 : i32 to index
      %get3A_2270 = arith.constant 16 : index
      %get3A_2271 = tpu.vector_load %arg11[%get3A_2269, %get3A_2270] {strides = array<i32>} : memref<128x64xf32, #tpu.memory_space<vmem>>, vector<1x16xf32>,
      %get3A_2272 = vector.shape_cast %get3A_2271 : vector<1x16xf32> to vector<16xf32>
      %add3A_2273 = arith.addf %add3A_2268, %get3A_2272 : vector<16xf32>
      %mul3A_2274 = vector.broadcast %scan3A_1814 : f32 to vector<16xf32>
      %mul3A_2275 = arith.mulf %add3A_2273, %mul3A_2274 : vector<16xf32>
      %swap3A_2276 = arith.index_cast %add3A_2238 : i32 to index
      %swap3A_2277 = arith.constant 16 : index
      %swap3A_2278 = tpu.vector_load %arg12[%swap3A_2276, %swap3A_2277] {strides = array<i32>} : memref<128x128xf32, #tpu.memory_space<vmem>>, vector<1x16xf32>,
      %swap3A_2279 = vector.shape_cast %swap3A_2278 : vector<1x16xf32> to vector<16xf32>
      %swap3A_2280 = vector.shape_cast %mul3A_2275 : vector<16xf32> to vector<1x16xf32>
      tpu.vector_store %arg12[%swap3A_2276, %swap3A_2277], %swap3A_2280 {strides = array<i32>} : memref<128x128xf32, #tpu.memory_space<vmem>>, vector<1x16xf32>,
      %get3A_2281 = arith.index_cast %add3A_2238 : i32 to index
      %get3A_2282 = arith.constant 32 : index
      %get3A_2283 = tpu.vector_load %arg12[%get3A_2281, %get3A_2282] {strides = array<i32>} : memref<128x128xf32, #tpu.memory_space<vmem>>, vector<1x16xf32>,
      %get3A_2284 = vector.shape_cast %get3A_2283 : vector<1x16xf32> to vector<16xf32>
      %get3A_2285 = arith.index_cast %add3A_2238 : i32 to index
      %get3A_2286 = arith.constant 32 : index
      %get3A_2287 = tpu.vector_load %arg11[%get3A_2285, %get3A_2286] {strides = array<i32>} : memref<128x64xf32, #tpu.memory_space<vmem>>, vector<1x16xf32>,
      %get3A_2288 = vector.shape_cast %get3A_2287 : vector<1x16xf32> to vector<16xf32>
      %add3A_2289 = arith.addf %get3A_2284, %get3A_2288 : vector<16xf32>
      %mul3A_2290 = vector.broadcast %scan3A_1814 : f32 to vector<16xf32>
      %mul3A_2291 = arith.mulf %add3A_2289, %mul3A_2290 : vector<16xf32>
      %swap3A_2292 = arith.index_cast %add3A_2238 : i32 to index
      %swap3A_2293 = arith.constant 32 : index
      %swap3A_2294 = tpu.vector_load %arg12[%swap3A_2292, %swap3A_2293] {strides = array<i32>} : memref<128x128xf32, #tpu.memory_space<vmem>>, vector<1x16xf32>,
      %swap3A_2295 = vector.shape_cast %swap3A_2294 : vector<1x16xf32> to vector<16xf32>
      %swap3A_2296 = vector.shape_cast %mul3A_2291 : vector<16xf32> to vector<1x16xf32>
      tpu.vector_store %arg12[%swap3A_2292, %swap3A_2293], %swap3A_2296 {strides = array<i32>} : memref<128x128xf32, #tpu.memory_space<vmem>>, vector<1x16xf32>,
      %get3A_2297 = arith.index_cast %add3A_2238 : i32 to index
      %get3A_2298 = arith.constant 48 : index
      %get3A_2299 = tpu.vector_load %arg12[%get3A_2297, %get3A_2298] {strides = array<i32>} : memref<128x128xf32, #tpu.memory_space<vmem>>, vector<1x16xf32>,
      %get3A_2300 = vector.shape_cast %get3A_2299 : vector<1x16xf32> to vector<16xf32>
      %get3A_2301 = arith.index_cast %add3A_2238 : i32 to index
      %get3A_2302 = arith.constant 48 : index
      %get3A_2303 = tpu.vector_load %arg11[%get3A_2301, %get3A_2302] {strides = array<i32>} : memref<128x64xf32, #tpu.memory_space<vmem>>, vector<1x16xf32>,
      %get3A_2304 = vector.shape_cast %get3A_2303 : vector<1x16xf32> to vector<16xf32>
      %add3A_2305 = arith.addf %get3A_2300, %get3A_2304 : vector<16xf32>
      %mul3A_2306 = vector.broadcast %scan3A_1814 : f32 to vector<16xf32>
      %mul3A_2307 = arith.mulf %add3A_2305, %mul3A_2306 : vector<16xf32>
      %swap3A_2308 = arith.index_cast %add3A_2238 : i32 to index
      %swap3A_2309 = arith.constant 48 : index
      %swap3A_2310 = tpu.vector_load %arg12[%swap3A_2308, %swap3A_2309] {strides = array<i32>} : memref<128x128xf32, #tpu.memory_space<vmem>>, vector<1x16xf32>,
      %swap3A_2311 = vector.shape_cast %swap3A_2310 : vector<1x16xf32> to vector<16xf32>
      %swap3A_2312 = vector.shape_cast %mul3A_2307 : vector<16xf32> to vector<1x16xf32>
      tpu.vector_store %arg12[%swap3A_2308, %swap3A_2309], %swap3A_2312 {strides = array<i32>} : memref<128x128xf32, #tpu.memory_space<vmem>>, vector<1x16xf32>,
      %get3A_2313 = arith.index_cast %add3A_2238 : i32 to index
      %get3A_2314 = arith.constant 64 : index
      %get3A_2315 = tpu.vector_load %arg12[%get3A_2313, %get3A_2314] {strides = array<i32>} : memref<128x128xf32, #tpu.memory_space<vmem>>, vector<1x16xf32>,
      %get3A_2316 = vector.shape_cast %get3A_2315 : vector<1x16xf32> to vector<16xf32>
      %mul3A_2317 = vector.broadcast %scan3A_1814 : f32 to vector<16xf32>
      %mul3A_2318 = arith.mulf %get3A_2316, %mul3A_2317 : vector<16xf32>
      %swap3A_2319 = arith.index_cast %add3A_2238 : i32 to index
      %swap3A_2320 = arith.constant 64 : index
      %swap3A_2321 = tpu.vector_load %arg12[%swap3A_2319, %swap3A_2320] {strides = array<i32>} : memref<128x128xf32, #tpu.memory_space<vmem>>, vector<1x16xf32>,
      %swap3A_2322 = vector.shape_cast %swap3A_2321 : vector<1x16xf32> to vector<16xf32>
      %swap3A_2323 = vector.shape_cast %mul3A_2318 : vector<16xf32> to vector<1x16xf32>
      tpu.vector_store %arg12[%swap3A_2319, %swap3A_2320], %swap3A_2323 {strides = array<i32>} : memref<128x128xf32, #tpu.memory_space<vmem>>, vector<1x16xf32>,
      %get3A_2324 = arith.index_cast %add3A_2238 : i32 to index
      %get3A_2325 = arith.constant 80 : index
      %get3A_2326 = tpu.vector_load %arg12[%get3A_2324, %get3A_2325] {strides = array<i32>} : memref<128x128xf32, #tpu.memory_space<vmem>>, vector<1x16xf32>,
      %get3A_2327 = vector.shape_cast %get3A_2326 : vector<1x16xf32> to vector<16xf32>
      %mul3A_2328 = vector.broadcast %scan3A_1814 : f32 to vector<16xf32>
      %mul3A_2329 = arith.mulf %get3A_2327, %mul3A_2328 : vector<16xf32>
      %swap3A_2330 = arith.index_cast %add3A_2238 : i32 to index
      %swap3A_2331 = arith.constant 80 : index
      %swap3A_2332 = tpu.vector_load %arg12[%swap3A_2330, %swap3A_2331] {strides = array<i32>} : memref<128x128xf32, #tpu.memory_space<vmem>>, vector<1x16xf32>,
      %swap3A_2333 = vector.shape_cast %swap3A_2332 : vector<1x16xf32> to vector<16xf32>
      %swap3A_2334 = vector.shape_cast %mul3A_2329 : vector<16xf32> to vector<1x16xf32>
      tpu.vector_store %arg12[%swap3A_2330, %swap3A_2331], %swap3A_2334 {strides = array<i32>} : memref<128x128xf32, #tpu.memory_space<vmem>>, vector<1x16xf32>,
      %get3A_2335 = arith.index_cast %add3A_2238 : i32 to index
      %get3A_2336 = arith.constant 96 : index
      %get3A_2337 = tpu.vector_load %arg12[%get3A_2335, %get3A_2336] {strides = array<i32>} : memref<128x128xf32, #tpu.memory_space<vmem>>, vector<1x16xf32>,
      %get3A_2338 = vector.shape_cast %get3A_2337 : vector<1x16xf32> to vector<16xf32>
      %mul3A_2339 = vector.broadcast %scan3A_1814 : f32 to vector<16xf32>
      %mul3A_2340 = arith.mulf %get3A_2338, %mul3A_2339 : vector<16xf32>
      %swap3A_2341 = arith.index_cast %add3A_2238 : i32 to index
      %swap3A_2342 = arith.constant 96 : index
      %swap3A_2343 = tpu.vector_load %arg12[%swap3A_2341, %swap3A_2342] {strides = array<i32>} : memref<128x128xf32, #tpu.memory_space<vmem>>, vector<1x16xf32>,
      %swap3A_2344 = vector.shape_cast %swap3A_2343 : vector<1x16xf32> to vector<16xf32>
      %swap3A_2345 = vector.shape_cast %mul3A_2340 : vector<16xf32> to vector<1x16xf32>
      tpu.vector_store %arg12[%swap3A_2341, %swap3A_2342], %swap3A_2345 {strides = array<i32>} : memref<128x128xf32, #tpu.memory_space<vmem>>, vector<1x16xf32>,
      %get3A_2346 = arith.index_cast %add3A_2238 : i32 to index
      %get3A_2347 = arith.constant 112 : index
      %get3A_2348 = tpu.vector_load %arg12[%get3A_2346, %get3A_2347] {strides = array<i32>} : memref<128x128xf32, #tpu.memory_space<vmem>>, vector<1x16xf32>,
      %get3A_2349 = vector.shape_cast %get3A_2348 : vector<1x16xf32> to vector<16xf32>
      %mul3A_2350 = vector.broadcast %scan3A_1814 : f32 to vector<16xf32>
      %mul3A_2351 = arith.mulf %get3A_2349, %mul3A_2350 : vector<16xf32>
      %swap3A_2352 = arith.index_cast %add3A_2238 : i32 to index
      %swap3A_2353 = arith.constant 112 : index
      %swap3A_2354 = tpu.vector_load %arg12[%swap3A_2352, %swap3A_2353] {strides = array<i32>} : memref<128x128xf32, #tpu.memory_space<vmem>>, vector<1x16xf32>,
      %swap3A_2355 = vector.shape_cast %swap3A_2354 : vector<1x16xf32> to vector<16xf32>
      %swap3A_2356 = vector.shape_cast %mul3A_2351 : vector<16xf32> to vector<1x16xf32>
      tpu.vector_store %arg12[%swap3A_2352, %swap3A_2353], %swap3A_2356 {strides = array<i32>} : memref<128x128xf32, #tpu.memory_space<vmem>>, vector<1x16xf32>,
    }
    %scan3A_1819 = arith.constant 32 : i32
    %add3A_1820 = arith.constant 256 : i32
    %add3A_1821 = arith.addi %mul3A_2, %add3A_1820 : i32
    %dma_start3A_1822 = arith.constant 0 : i32
    %dma_start3A_1823 = tpu.memref_slice %arg6[%add3A_1821, %dma_start3A_1822] : memref<16384x128xf32, #tpu.memory_space<hbm>> -> memref<128x128xf32, #tpu.memory_space<hbm>>
    %dma_start3A_1824 = arith.constant 0 : i32
    %dma_start3A_1825 = tpu.memref_slice %arg6[%add3A_1821, %dma_start3A_1824] : memref<16384x128xf32, #tpu.memory_space<hbm>> -> memref<128x128xf32, #tpu.memory_space<hbm>>
    tpu.enqueue_dma source(%arg12 : memref<128x128xf32, #tpu.memory_space<vmem>>) target(%dma_start3A_1825 : memref<128x128xf32, #tpu.memory_space<hbm>>) target_semaphore(%arg18 : memref<!tpu.dma_semaphore, #tpu.memory_space<semaphore_mem>>)
    %dma_wait3A_1826 = arith.constant 3 : i32
    %dma_wait3A_1827 = arith.constant 0 : i32
    %dma_wait3A_1828 = tpu.memref_slice %arg8[%dma_wait3A_1826, %dma_wait3A_1827] : memref<4x128xi32, #tpu.memory_space<vmem>> -> memref<1x128xi32, #tpu.memory_space<vmem>>
    %dma_wait3A_1829 = tpu.memref_squeeze %dma_wait3A_1828 : memref<1x128xi32, #tpu.memory_space<vmem>> -> memref<128xi32, #tpu.memory_space<vmem>>
    %dma_wait3A_1830 = arith.constant 0 : i32
    %dma_wait3A_1831 = arith.constant 0 : i32
    %dma_wait3A_1832 = tpu.memref_slice %arg3[%dma_wait3A_1830, %dma_wait3A_1831] : memref<131072x32xf32, #tpu.memory_space<hbm>> -> memref<131072x32xf32, #tpu.memory_space<hbm>>
    tpu.wait_indirect_dma semaphore(%arg17 : memref<!tpu.dma_semaphore, #tpu.memory_space<semaphore_mem>>) src(%dma_wait3A_1832 : memref<131072x32xf32, #tpu.memory_space<hbm>>) dst(%arg13 : memref<128x32xf32, #tpu.memory_space<vmem>>)
    %dma_wait3A_1833 = arith.constant 3 : i32
    %dma_wait3A_1834 = arith.constant 0 : i32
    %dma_wait3A_1835 = tpu.memref_slice %arg9[%dma_wait3A_1833, %dma_wait3A_1834] : memref<4x128xi32, #tpu.memory_space<vmem>> -> memref<1x128xi32, #tpu.memory_space<vmem>>
    %dma_wait3A_1836 = tpu.memref_squeeze %dma_wait3A_1835 : memref<1x128xi32, #tpu.memory_space<vmem>> -> memref<128xi32, #tpu.memory_space<vmem>>
    %dma_wait3A_1837 = arith.constant 0 : i32
    %dma_wait3A_1838 = arith.constant 0 : i32
    %dma_wait3A_1839 = tpu.memref_slice %arg4[%dma_wait3A_1837, %dma_wait3A_1838] : memref<114688x64xf32, #tpu.memory_space<hbm>> -> memref<114688x64xf32, #tpu.memory_space<hbm>>
    tpu.wait_indirect_dma semaphore(%arg17 : memref<!tpu.dma_semaphore, #tpu.memory_space<semaphore_mem>>) src(%dma_wait3A_1839 : memref<114688x64xf32, #tpu.memory_space<hbm>>) dst(%arg14 : memref<128x64xf32, #tpu.memory_space<vmem>>)
    %dma_wait3A_1840 = arith.constant 3 : i32
    %dma_wait3A_1841 = arith.constant 0 : i32
    %dma_wait3A_1842 = tpu.memref_slice %arg7[%dma_wait3A_1840, %dma_wait3A_1841] : memref<4x128xi32, #tpu.memory_space<vmem>> -> memref<1x128xi32, #tpu.memory_space<vmem>>
    %dma_wait3A_1843 = tpu.memref_squeeze %dma_wait3A_1842 : memref<1x128xi32, #tpu.memory_space<vmem>> -> memref<128xi32, #tpu.memory_space<vmem>>
    %dma_wait3A_1844 = arith.constant 0 : i32
    %dma_wait3A_1845 = arith.constant 0 : i32
    %dma_wait3A_1846 = tpu.memref_slice %arg5[%dma_wait3A_1844, %dma_wait3A_1845] : memref<100000x128xf32, #tpu.memory_space<hbm>> -> memref<100000x128xf32, #tpu.memory_space<hbm>>
    tpu.wait_indirect_dma semaphore(%arg17 : memref<!tpu.dma_semaphore, #tpu.memory_space<semaphore_mem>>) src(%dma_wait3A_1846 : memref<100000x128xf32, #tpu.memory_space<hbm>>) dst(%arg15 : memref<128x128xf32, #tpu.memory_space<vmem>>)
    %dma_wait3A_1847 = arith.constant 0 : i32
    %dma_wait3A_1848 = tpu.memref_slice %arg6[%add3A_1821, %dma_wait3A_1847] : memref<16384x128xf32, #tpu.memory_space<hbm>> -> memref<128x128xf32, #tpu.memory_space<hbm>>
    %dma_wait3A_1849 = arith.constant 0 : i32
    %dma_wait3A_1850 = tpu.memref_slice %arg6[%add3A_1821, %dma_wait3A_1849] : memref<16384x128xf32, #tpu.memory_space<hbm>> -> memref<128x128xf32, #tpu.memory_space<hbm>>
    tpu.wait_dma2 semaphore(%arg18 : memref<!tpu.dma_semaphore, #tpu.memory_space<semaphore_mem>>) src(%arg12 : memref<128x128xf32, #tpu.memory_space<vmem>>) dst(%dma_wait3A_1850 : memref<128x128xf32, #tpu.memory_space<hbm>>)
    %scan3A_1851 = arith.constant 0 : i32
    %scan3A_1852 = arith.constant 0.333333343 : f32
    %scan3A_1853 = arith.constant 0 : i32
    %scan3A_1854 = arith.constant 32 : i32
    %scan3A_1855 = arith.addi %scan3A_1853, %scan3A_1854 : i32
    %scan3A_1856 = arith.constant 1 : i32
    scf.for %scan3A_1868 = %scan3A_1853 to %scan3A_1855 step %scan3A_1856  : i32 {
      %mul3A_1869 = arith.constant 4 : i32
      %mul3A_1870 = arith.muli %scan3A_1868, %mul3A_1869 : i32
      %add3A_1871 = arith.constant 0 : i32
      %add3A_1872 = arith.addi %mul3A_1870, %add3A_1871 : i32
      %get3A_1873 = arith.index_cast %add3A_1872 : i32 to index
      %get3A_1874 = arith.constant 0 : index
      %get3A_1875 = tpu.vector_load %arg15[%get3A_1873, %get3A_1874] {strides = array<i32>} : memref<128x128xf32, #tpu.memory_space<vmem>>, vector<1x16xf32>,
      %get3A_1876 = vector.shape_cast %get3A_1875 : vector<1x16xf32> to vector<16xf32>
      %get3A_1877 = arith.index_cast %add3A_1872 : i32 to index
      %get3A_1878 = arith.constant 0 : index
      %get3A_1879 = tpu.vector_load %arg13[%get3A_1877, %get3A_1878] {strides = array<i32>} : memref<128x32xf32, #tpu.memory_space<vmem>>, vector<1x16xf32>,
      %get3A_1880 = vector.shape_cast %get3A_1879 : vector<1x16xf32> to vector<16xf32>
      %add3A_1881 = arith.addf %get3A_1876, %get3A_1880 : vector<16xf32>
      %get3A_1882 = arith.index_cast %add3A_1872 : i32 to index
      %get3A_1883 = arith.constant 0 : index
      %get3A_1884 = tpu.vector_load %arg14[%get3A_1882, %get3A_1883] {strides = array<i32>} : memref<128x64xf32, #tpu.memory_space<vmem>>, vector<1x16xf32>,
      %get3A_1885 = vector.shape_cast %get3A_1884 : vector<1x16xf32> to vector<16xf32>
      %add3A_1886 = arith.addf %add3A_1881, %get3A_1885 : vector<16xf32>
      %mul3A_1887 = vector.broadcast %scan3A_1852 : f32 to vector<16xf32>
      %mul3A_1888 = arith.mulf %add3A_1886, %mul3A_1887 : vector<16xf32>
      %swap3A_1889 = arith.index_cast %add3A_1872 : i32 to index
      %swap3A_1890 = arith.constant 0 : index
      %swap3A_1891 = tpu.vector_load %arg15[%swap3A_1889, %swap3A_1890] {strides = array<i32>} : memref<128x128xf32, #tpu.memory_space<vmem>>, vector<1x16xf32>,
      %swap3A_1892 = vector.shape_cast %swap3A_1891 : vector<1x16xf32> to vector<16xf32>
      %swap3A_1893 = vector.shape_cast %mul3A_1888 : vector<16xf32> to vector<1x16xf32>
      tpu.vector_store %arg15[%swap3A_1889, %swap3A_1890], %swap3A_1893 {strides = array<i32>} : memref<128x128xf32, #tpu.memory_space<vmem>>, vector<1x16xf32>,
      %get3A_1894 = arith.index_cast %add3A_1872 : i32 to index
      %get3A_1895 = arith.constant 16 : index
      %get3A_1896 = tpu.vector_load %arg15[%get3A_1894, %get3A_1895] {strides = array<i32>} : memref<128x128xf32, #tpu.memory_space<vmem>>, vector<1x16xf32>,
      %get3A_1897 = vector.shape_cast %get3A_1896 : vector<1x16xf32> to vector<16xf32>
      %get3A_1898 = arith.index_cast %add3A_1872 : i32 to index
      %get3A_1899 = arith.constant 16 : index
      %get3A_1900 = tpu.vector_load %arg13[%get3A_1898, %get3A_1899] {strides = array<i32>} : memref<128x32xf32, #tpu.memory_space<vmem>>, vector<1x16xf32>,
      %get3A_1901 = vector.shape_cast %get3A_1900 : vector<1x16xf32> to vector<16xf32>
      %add3A_1902 = arith.addf %get3A_1897, %get3A_1901 : vector<16xf32>
      %get3A_1903 = arith.index_cast %add3A_1872 : i32 to index
      %get3A_1904 = arith.constant 16 : index
      %get3A_1905 = tpu.vector_load %arg14[%get3A_1903, %get3A_1904] {strides = array<i32>} : memref<128x64xf32, #tpu.memory_space<vmem>>, vector<1x16xf32>,
      %get3A_1906 = vector.shape_cast %get3A_1905 : vector<1x16xf32> to vector<16xf32>
      %add3A_1907 = arith.addf %add3A_1902, %get3A_1906 : vector<16xf32>
      %mul3A_1908 = vector.broadcast %scan3A_1852 : f32 to vector<16xf32>
      %mul3A_1909 = arith.mulf %add3A_1907, %mul3A_1908 : vector<16xf32>
      %swap3A_1910 = arith.index_cast %add3A_1872 : i32 to index
      %swap3A_1911 = arith.constant 16 : index
      %swap3A_1912 = tpu.vector_load %arg15[%swap3A_1910, %swap3A_1911] {strides = array<i32>} : memref<128x128xf32, #tpu.memory_space<vmem>>, vector<1x16xf32>,
      %swap3A_1913 = vector.shape_cast %swap3A_1912 : vector<1x16xf32> to vector<16xf32>
      %swap3A_1914 = vector.shape_cast %mul3A_1909 : vector<16xf32> to vector<1x16xf32>
      tpu.vector_store %arg15[%swap3A_1910, %swap3A_1911], %swap3A_1914 {strides = array<i32>} : memref<128x128xf32, #tpu.memory_space<vmem>>, vector<1x16xf32>,
      %get3A_1915 = arith.index_cast %add3A_1872 : i32 to index
      %get3A_1916 = arith.constant 32 : index
      %get3A_1917 = tpu.vector_load %arg15[%get3A_1915, %get3A_1916] {strides = array<i32>} : memref<128x128xf32, #tpu.memory_space<vmem>>, vector<1x16xf32>,
      %get3A_1918 = vector.shape_cast %get3A_1917 : vector<1x16xf32> to vector<16xf32>
      %get3A_1919 = arith.index_cast %add3A_1872 : i32 to index
      %get3A_1920 = arith.constant 32 : index
      %get3A_1921 = tpu.vector_load %arg14[%get3A_1919, %get3A_1920] {strides = array<i32>} : memref<128x64xf32, #tpu.memory_space<vmem>>, vector<1x16xf32>,
      %get3A_1922 = vector.shape_cast %get3A_1921 : vector<1x16xf32> to vector<16xf32>
      %add3A_1923 = arith.addf %get3A_1918, %get3A_1922 : vector<16xf32>
      %mul3A_1924 = vector.broadcast %scan3A_1852 : f32 to vector<16xf32>
      %mul3A_1925 = arith.mulf %add3A_1923, %mul3A_1924 : vector<16xf32>
      %swap3A_1926 = arith.index_cast %add3A_1872 : i32 to index
      %swap3A_1927 = arith.constant 32 : index
      %swap3A_1928 = tpu.vector_load %arg15[%swap3A_1926, %swap3A_1927] {strides = array<i32>} : memref<128x128xf32, #tpu.memory_space<vmem>>, vector<1x16xf32>,
      %swap3A_1929 = vector.shape_cast %swap3A_1928 : vector<1x16xf32> to vector<16xf32>
      %swap3A_1930 = vector.shape_cast %mul3A_1925 : vector<16xf32> to vector<1x16xf32>
      tpu.vector_store %arg15[%swap3A_1926, %swap3A_1927], %swap3A_1930 {strides = array<i32>} : memref<128x128xf32, #tpu.memory_space<vmem>>, vector<1x16xf32>,
      %get3A_1931 = arith.index_cast %add3A_1872 : i32 to index
      %get3A_1932 = arith.constant 48 : index
      %get3A_1933 = tpu.vector_load %arg15[%get3A_1931, %get3A_1932] {strides = array<i32>} : memref<128x128xf32, #tpu.memory_space<vmem>>, vector<1x16xf32>,
      %get3A_1934 = vector.shape_cast %get3A_1933 : vector<1x16xf32> to vector<16xf32>
      %get3A_1935 = arith.index_cast %add3A_1872 : i32 to index
      %get3A_1936 = arith.constant 48 : index
      %get3A_1937 = tpu.vector_load %arg14[%get3A_1935, %get3A_1936] {strides = array<i32>} : memref<128x64xf32, #tpu.memory_space<vmem>>, vector<1x16xf32>,
      %get3A_1938 = vector.shape_cast %get3A_1937 : vector<1x16xf32> to vector<16xf32>
      %add3A_1939 = arith.addf %get3A_1934, %get3A_1938 : vector<16xf32>
      %mul3A_1940 = vector.broadcast %scan3A_1852 : f32 to vector<16xf32>
      %mul3A_1941 = arith.mulf %add3A_1939, %mul3A_1940 : vector<16xf32>
      %swap3A_1942 = arith.index_cast %add3A_1872 : i32 to index
      %swap3A_1943 = arith.constant 48 : index
      %swap3A_1944 = tpu.vector_load %arg15[%swap3A_1942, %swap3A_1943] {strides = array<i32>} : memref<128x128xf32, #tpu.memory_space<vmem>>, vector<1x16xf32>,
      %swap3A_1945 = vector.shape_cast %swap3A_1944 : vector<1x16xf32> to vector<16xf32>
      %swap3A_1946 = vector.shape_cast %mul3A_1941 : vector<16xf32> to vector<1x16xf32>
      tpu.vector_store %arg15[%swap3A_1942, %swap3A_1943], %swap3A_1946 {strides = array<i32>} : memref<128x128xf32, #tpu.memory_space<vmem>>, vector<1x16xf32>,
      %get3A_1947 = arith.index_cast %add3A_1872 : i32 to index
      %get3A_1948 = arith.constant 64 : index
      %get3A_1949 = tpu.vector_load %arg15[%get3A_1947, %get3A_1948] {strides = array<i32>} : memref<128x128xf32, #tpu.memory_space<vmem>>, vector<1x16xf32>,
      %get3A_1950 = vector.shape_cast %get3A_1949 : vector<1x16xf32> to vector<16xf32>
      %mul3A_1951 = vector.broadcast %scan3A_1852 : f32 to vector<16xf32>
      %mul3A_1952 = arith.mulf %get3A_1950, %mul3A_1951 : vector<16xf32>
      %swap3A_1953 = arith.index_cast %add3A_1872 : i32 to index
      %swap3A_1954 = arith.constant 64 : index
      %swap3A_1955 = tpu.vector_load %arg15[%swap3A_1953, %swap3A_1954] {strides = array<i32>} : memref<128x128xf32, #tpu.memory_space<vmem>>, vector<1x16xf32>,
      %swap3A_1956 = vector.shape_cast %swap3A_1955 : vector<1x16xf32> to vector<16xf32>
      %swap3A_1957 = vector.shape_cast %mul3A_1952 : vector<16xf32> to vector<1x16xf32>
      tpu.vector_store %arg15[%swap3A_1953, %swap3A_1954], %swap3A_1957 {strides = array<i32>} : memref<128x128xf32, #tpu.memory_space<vmem>>, vector<1x16xf32>,
      %get3A_1958 = arith.index_cast %add3A_1872 : i32 to index
      %get3A_1959 = arith.constant 80 : index
      %get3A_1960 = tpu.vector_load %arg15[%get3A_1958, %get3A_1959] {strides = array<i32>} : memref<128x128xf32, #tpu.memory_space<vmem>>, vector<1x16xf32>,
      %get3A_1961 = vector.shape_cast %get3A_1960 : vector<1x16xf32> to vector<16xf32>
      %mul3A_1962 = vector.broadcast %scan3A_1852 : f32 to vector<16xf32>
      %mul3A_1963 = arith.mulf %get3A_1961, %mul3A_1962 : vector<16xf32>
      %swap3A_1964 = arith.index_cast %add3A_1872 : i32 to index
      %swap3A_1965 = arith.constant 80 : index
      %swap3A_1966 = tpu.vector_load %arg15[%swap3A_1964, %swap3A_1965] {strides = array<i32>} : memref<128x128xf32, #tpu.memory_space<vmem>>, vector<1x16xf32>,
      %swap3A_1967 = vector.shape_cast %swap3A_1966 : vector<1x16xf32> to vector<16xf32>
      %swap3A_1968 = vector.shape_cast %mul3A_1963 : vector<16xf32> to vector<1x16xf32>
      tpu.vector_store %arg15[%swap3A_1964, %swap3A_1965], %swap3A_1968 {strides = array<i32>} : memref<128x128xf32, #tpu.memory_space<vmem>>, vector<1x16xf32>,
      %get3A_1969 = arith.index_cast %add3A_1872 : i32 to index
      %get3A_1970 = arith.constant 96 : index
      %get3A_1971 = tpu.vector_load %arg15[%get3A_1969, %get3A_1970] {strides = array<i32>} : memref<128x128xf32, #tpu.memory_space<vmem>>, vector<1x16xf32>,
      %get3A_1972 = vector.shape_cast %get3A_1971 : vector<1x16xf32> to vector<16xf32>
      %mul3A_1973 = vector.broadcast %scan3A_1852 : f32 to vector<16xf32>
      %mul3A_1974 = arith.mulf %get3A_1972, %mul3A_1973 : vector<16xf32>
      %swap3A_1975 = arith.index_cast %add3A_1872 : i32 to index
      %swap3A_1976 = arith.constant 96 : index
      %swap3A_1977 = tpu.vector_load %arg15[%swap3A_1975, %swap3A_1976] {strides = array<i32>} : memref<128x128xf32, #tpu.memory_space<vmem>>, vector<1x16xf32>,
      %swap3A_1978 = vector.shape_cast %swap3A_1977 : vector<1x16xf32> to vector<16xf32>
      %swap3A_1979 = vector.shape_cast %mul3A_1974 : vector<16xf32> to vector<1x16xf32>
      tpu.vector_store %arg15[%swap3A_1975, %swap3A_1976], %swap3A_1979 {strides = array<i32>} : memref<128x128xf32, #tpu.memory_space<vmem>>, vector<1x16xf32>,
      %get3A_1980 = arith.index_cast %add3A_1872 : i32 to index
      %get3A_1981 = arith.constant 112 : index
      %get3A_1982 = tpu.vector_load %arg15[%get3A_1980, %get3A_1981] {strides = array<i32>} : memref<128x128xf32, #tpu.memory_space<vmem>>, vector<1x16xf32>,
      %get3A_1983 = vector.shape_cast %get3A_1982 : vector<1x16xf32> to vector<16xf32>
      %mul3A_1984 = vector.broadcast %scan3A_1852 : f32 to vector<16xf32>
      %mul3A_1985 = arith.mulf %get3A_1983, %mul3A_1984 : vector<16xf32>
      %swap3A_1986 = arith.index_cast %add3A_1872 : i32 to index
      %swap3A_1987 = arith.constant 112 : index
      %swap3A_1988 = tpu.vector_load %arg15[%swap3A_1986, %swap3A_1987] {strides = array<i32>} : memref<128x128xf32, #tpu.memory_space<vmem>>, vector<1x16xf32>,
      %swap3A_1989 = vector.shape_cast %swap3A_1988 : vector<1x16xf32> to vector<16xf32>
      %swap3A_1990 = vector.shape_cast %mul3A_1985 : vector<16xf32> to vector<1x16xf32>
      tpu.vector_store %arg15[%swap3A_1986, %swap3A_1987], %swap3A_1990 {strides = array<i32>} : memref<128x128xf32, #tpu.memory_space<vmem>>, vector<1x16xf32>,
      %mul3A_1991 = arith.constant 4 : i32
      %mul3A_1992 = arith.muli %scan3A_1868, %mul3A_1991 : i32
      %add3A_1993 = arith.constant 1 : i32
      %add3A_1994 = arith.addi %mul3A_1992, %add3A_1993 : i32
      %get3A_1995 = arith.index_cast %add3A_1994 : i32 to index
      %get3A_1996 = arith.constant 0 : index
      %get3A_1997 = tpu.vector_load %arg15[%get3A_1995, %get3A_1996] {strides = array<i32>} : memref<128x128xf32, #tpu.memory_space<vmem>>, vector<1x16xf32>,
      %get3A_1998 = vector.shape_cast %get3A_1997 : vector<1x16xf32> to vector<16xf32>
      %get3A_1999 = arith.index_cast %add3A_1994 : i32 to index
      %get3A_2000 = arith.constant 0 : index
      %get3A_2001 = tpu.vector_load %arg13[%get3A_1999, %get3A_2000] {strides = array<i32>} : memref<128x32xf32, #tpu.memory_space<vmem>>, vector<1x16xf32>,
      %get3A_2002 = vector.shape_cast %get3A_2001 : vector<1x16xf32> to vector<16xf32>
      %add3A_2003 = arith.addf %get3A_1998, %get3A_2002 : vector<16xf32>
      %get3A_2004 = arith.index_cast %add3A_1994 : i32 to index
      %get3A_2005 = arith.constant 0 : index
      %get3A_2006 = tpu.vector_load %arg14[%get3A_2004, %get3A_2005] {strides = array<i32>} : memref<128x64xf32, #tpu.memory_space<vmem>>, vector<1x16xf32>,
      %get3A_2007 = vector.shape_cast %get3A_2006 : vector<1x16xf32> to vector<16xf32>
      %add3A_2008 = arith.addf %add3A_2003, %get3A_2007 : vector<16xf32>
      %mul3A_2009 = vector.broadcast %scan3A_1852 : f32 to vector<16xf32>
      %mul3A_2010 = arith.mulf %add3A_2008, %mul3A_2009 : vector<16xf32>
      %swap3A_2011 = arith.index_cast %add3A_1994 : i32 to index
      %swap3A_2012 = arith.constant 0 : index
      %swap3A_2013 = tpu.vector_load %arg15[%swap3A_2011, %swap3A_2012] {strides = array<i32>} : memref<128x128xf32, #tpu.memory_space<vmem>>, vector<1x16xf32>,
      %swap3A_2014 = vector.shape_cast %swap3A_2013 : vector<1x16xf32> to vector<16xf32>
      %swap3A_2015 = vector.shape_cast %mul3A_2010 : vector<16xf32> to vector<1x16xf32>
      tpu.vector_store %arg15[%swap3A_2011, %swap3A_2012], %swap3A_2015 {strides = array<i32>} : memref<128x128xf32, #tpu.memory_space<vmem>>, vector<1x16xf32>,
      %get3A_2016 = arith.index_cast %add3A_1994 : i32 to index
      %get3A_2017 = arith.constant 16 : index
      %get3A_2018 = tpu.vector_load %arg15[%get3A_2016, %get3A_2017] {strides = array<i32>} : memref<128x128xf32, #tpu.memory_space<vmem>>, vector<1x16xf32>,
      %get3A_2019 = vector.shape_cast %get3A_2018 : vector<1x16xf32> to vector<16xf32>
      %get3A_2020 = arith.index_cast %add3A_1994 : i32 to index
      %get3A_2021 = arith.constant 16 : index
      %get3A_2022 = tpu.vector_load %arg13[%get3A_2020, %get3A_2021] {strides = array<i32>} : memref<128x32xf32, #tpu.memory_space<vmem>>, vector<1x16xf32>,
      %get3A_2023 = vector.shape_cast %get3A_2022 : vector<1x16xf32> to vector<16xf32>
      %add3A_2024 = arith.addf %get3A_2019, %get3A_2023 : vector<16xf32>
      %get3A_2025 = arith.index_cast %add3A_1994 : i32 to index
      %get3A_2026 = arith.constant 16 : index
      %get3A_2027 = tpu.vector_load %arg14[%get3A_2025, %get3A_2026] {strides = array<i32>} : memref<128x64xf32, #tpu.memory_space<vmem>>, vector<1x16xf32>,
      %get3A_2028 = vector.shape_cast %get3A_2027 : vector<1x16xf32> to vector<16xf32>
      %add3A_2029 = arith.addf %add3A_2024, %get3A_2028 : vector<16xf32>
      %mul3A_2030 = vector.broadcast %scan3A_1852 : f32 to vector<16xf32>
      %mul3A_2031 = arith.mulf %add3A_2029, %mul3A_2030 : vector<16xf32>
      %swap3A_2032 = arith.index_cast %add3A_1994 : i32 to index
      %swap3A_2033 = arith.constant 16 : index
      %swap3A_2034 = tpu.vector_load %arg15[%swap3A_2032, %swap3A_2033] {strides = array<i32>} : memref<128x128xf32, #tpu.memory_space<vmem>>, vector<1x16xf32>,
      %swap3A_2035 = vector.shape_cast %swap3A_2034 : vector<1x16xf32> to vector<16xf32>
      %swap3A_2036 = vector.shape_cast %mul3A_2031 : vector<16xf32> to vector<1x16xf32>
      tpu.vector_store %arg15[%swap3A_2032, %swap3A_2033], %swap3A_2036 {strides = array<i32>} : memref<128x128xf32, #tpu.memory_space<vmem>>, vector<1x16xf32>,
      %get3A_2037 = arith.index_cast %add3A_1994 : i32 to index
      %get3A_2038 = arith.constant 32 : index
      %get3A_2039 = tpu.vector_load %arg15[%get3A_2037, %get3A_2038] {strides = array<i32>} : memref<128x128xf32, #tpu.memory_space<vmem>>, vector<1x16xf32>,
      %get3A_2040 = vector.shape_cast %get3A_2039 : vector<1x16xf32> to vector<16xf32>
      %get3A_2041 = arith.index_cast %add3A_1994 : i32 to index
      %get3A_2042 = arith.constant 32 : index
      %get3A_2043 = tpu.vector_load %arg14[%get3A_2041, %get3A_2042] {strides = array<i32>} : memref<128x64xf32, #tpu.memory_space<vmem>>, vector<1x16xf32>,
      %get3A_2044 = vector.shape_cast %get3A_2043 : vector<1x16xf32> to vector<16xf32>
      %add3A_2045 = arith.addf %get3A_2040, %get3A_2044 : vector<16xf32>
      %mul3A_2046 = vector.broadcast %scan3A_1852 : f32 to vector<16xf32>
      %mul3A_2047 = arith.mulf %add3A_2045, %mul3A_2046 : vector<16xf32>
      %swap3A_2048 = arith.index_cast %add3A_1994 : i32 to index
      %swap3A_2049 = arith.constant 32 : index
      %swap3A_2050 = tpu.vector_load %arg15[%swap3A_2048, %swap3A_2049] {strides = array<i32>} : memref<128x128xf32, #tpu.memory_space<vmem>>, vector<1x16xf32>,
      %swap3A_2051 = vector.shape_cast %swap3A_2050 : vector<1x16xf32> to vector<16xf32>
      %swap3A_2052 = vector.shape_cast %mul3A_2047 : vector<16xf32> to vector<1x16xf32>
      tpu.vector_store %arg15[%swap3A_2048, %swap3A_2049], %swap3A_2052 {strides = array<i32>} : memref<128x128xf32, #tpu.memory_space<vmem>>, vector<1x16xf32>,
      %get3A_2053 = arith.index_cast %add3A_1994 : i32 to index
      %get3A_2054 = arith.constant 48 : index
      %get3A_2055 = tpu.vector_load %arg15[%get3A_2053, %get3A_2054] {strides = array<i32>} : memref<128x128xf32, #tpu.memory_space<vmem>>, vector<1x16xf32>,
      %get3A_2056 = vector.shape_cast %get3A_2055 : vector<1x16xf32> to vector<16xf32>
      %get3A_2057 = arith.index_cast %add3A_1994 : i32 to index
      %get3A_2058 = arith.constant 48 : index
      %get3A_2059 = tpu.vector_load %arg14[%get3A_2057, %get3A_2058] {strides = array<i32>} : memref<128x64xf32, #tpu.memory_space<vmem>>, vector<1x16xf32>,
      %get3A_2060 = vector.shape_cast %get3A_2059 : vector<1x16xf32> to vector<16xf32>
      %add3A_2061 = arith.addf %get3A_2056, %get3A_2060 : vector<16xf32>
      %mul3A_2062 = vector.broadcast %scan3A_1852 : f32 to vector<16xf32>
      %mul3A_2063 = arith.mulf %add3A_2061, %mul3A_2062 : vector<16xf32>
      %swap3A_2064 = arith.index_cast %add3A_1994 : i32 to index
      %swap3A_2065 = arith.constant 48 : index
      %swap3A_2066 = tpu.vector_load %arg15[%swap3A_2064, %swap3A_2065] {strides = array<i32>} : memref<128x128xf32, #tpu.memory_space<vmem>>, vector<1x16xf32>,
      %swap3A_2067 = vector.shape_cast %swap3A_2066 : vector<1x16xf32> to vector<16xf32>
      %swap3A_2068 = vector.shape_cast %mul3A_2063 : vector<16xf32> to vector<1x16xf32>
      tpu.vector_store %arg15[%swap3A_2064, %swap3A_2065], %swap3A_2068 {strides = array<i32>} : memref<128x128xf32, #tpu.memory_space<vmem>>, vector<1x16xf32>,
      %get3A_2069 = arith.index_cast %add3A_1994 : i32 to index
      %get3A_2070 = arith.constant 64 : index
      %get3A_2071 = tpu.vector_load %arg15[%get3A_2069, %get3A_2070] {strides = array<i32>} : memref<128x128xf32, #tpu.memory_space<vmem>>, vector<1x16xf32>,
      %get3A_2072 = vector.shape_cast %get3A_2071 : vector<1x16xf32> to vector<16xf32>
      %mul3A_2073 = vector.broadcast %scan3A_1852 : f32 to vector<16xf32>
      %mul3A_2074 = arith.mulf %get3A_2072, %mul3A_2073 : vector<16xf32>
      %swap3A_2075 = arith.index_cast %add3A_1994 : i32 to index
      %swap3A_2076 = arith.constant 64 : index
      %swap3A_2077 = tpu.vector_load %arg15[%swap3A_2075, %swap3A_2076] {strides = array<i32>} : memref<128x128xf32, #tpu.memory_space<vmem>>, vector<1x16xf32>,
      %swap3A_2078 = vector.shape_cast %swap3A_2077 : vector<1x16xf32> to vector<16xf32>
      %swap3A_2079 = vector.shape_cast %mul3A_2074 : vector<16xf32> to vector<1x16xf32>
      tpu.vector_store %arg15[%swap3A_2075, %swap3A_2076], %swap3A_2079 {strides = array<i32>} : memref<128x128xf32, #tpu.memory_space<vmem>>, vector<1x16xf32>,
      %get3A_2080 = arith.index_cast %add3A_1994 : i32 to index
      %get3A_2081 = arith.constant 80 : index
      %get3A_2082 = tpu.vector_load %arg15[%get3A_2080, %get3A_2081] {strides = array<i32>} : memref<128x128xf32, #tpu.memory_space<vmem>>, vector<1x16xf32>,
      %get3A_2083 = vector.shape_cast %get3A_2082 : vector<1x16xf32> to vector<16xf32>
      %mul3A_2084 = vector.broadcast %scan3A_1852 : f32 to vector<16xf32>
      %mul3A_2085 = arith.mulf %get3A_2083, %mul3A_2084 : vector<16xf32>
      %swap3A_2086 = arith.index_cast %add3A_1994 : i32 to index
      %swap3A_2087 = arith.constant 80 : index
      %swap3A_2088 = tpu.vector_load %arg15[%swap3A_2086, %swap3A_2087] {strides = array<i32>} : memref<128x128xf32, #tpu.memory_space<vmem>>, vector<1x16xf32>,
      %swap3A_2089 = vector.shape_cast %swap3A_2088 : vector<1x16xf32> to vector<16xf32>
      %swap3A_2090 = vector.shape_cast %mul3A_2085 : vector<16xf32> to vector<1x16xf32>
      tpu.vector_store %arg15[%swap3A_2086, %swap3A_2087], %swap3A_2090 {strides = array<i32>} : memref<128x128xf32, #tpu.memory_space<vmem>>, vector<1x16xf32>,
      %get3A_2091 = arith.index_cast %add3A_1994 : i32 to index
      %get3A_2092 = arith.constant 96 : index
      %get3A_2093 = tpu.vector_load %arg15[%get3A_2091, %get3A_2092] {strides = array<i32>} : memref<128x128xf32, #tpu.memory_space<vmem>>, vector<1x16xf32>,
      %get3A_2094 = vector.shape_cast %get3A_2093 : vector<1x16xf32> to vector<16xf32>
      %mul3A_2095 = vector.broadcast %scan3A_1852 : f32 to vector<16xf32>
      %mul3A_2096 = arith.mulf %get3A_2094, %mul3A_2095 : vector<16xf32>
      %swap3A_2097 = arith.index_cast %add3A_1994 : i32 to index
      %swap3A_2098 = arith.constant 96 : index
      %swap3A_2099 = tpu.vector_load %arg15[%swap3A_2097, %swap3A_2098] {strides = array<i32>} : memref<128x128xf32, #tpu.memory_space<vmem>>, vector<1x16xf32>,
      %swap3A_2100 = vector.shape_cast %swap3A_2099 : vector<1x16xf32> to vector<16xf32>
      %swap3A_2101 = vector.shape_cast %mul3A_2096 : vector<16xf32> to vector<1x16xf32>
      tpu.vector_store %arg15[%swap3A_2097, %swap3A_2098], %swap3A_2101 {strides = array<i32>} : memref<128x128xf32, #tpu.memory_space<vmem>>, vector<1x16xf32>,
      %get3A_2102 = arith.index_cast %add3A_1994 : i32 to index
      %get3A_2103 = arith.constant 112 : index
      %get3A_2104 = tpu.vector_load %arg15[%get3A_2102, %get3A_2103] {strides = array<i32>} : memref<128x128xf32, #tpu.memory_space<vmem>>, vector<1x16xf32>,
      %get3A_2105 = vector.shape_cast %get3A_2104 : vector<1x16xf32> to vector<16xf32>
      %mul3A_2106 = vector.broadcast %scan3A_1852 : f32 to vector<16xf32>
      %mul3A_2107 = arith.mulf %get3A_2105, %mul3A_2106 : vector<16xf32>
      %swap3A_2108 = arith.index_cast %add3A_1994 : i32 to index
      %swap3A_2109 = arith.constant 112 : index
      %swap3A_2110 = tpu.vector_load %arg15[%swap3A_2108, %swap3A_2109] {strides = array<i32>} : memref<128x128xf32, #tpu.memory_space<vmem>>, vector<1x16xf32>,
      %swap3A_2111 = vector.shape_cast %swap3A_2110 : vector<1x16xf32> to vector<16xf32>
      %swap3A_2112 = vector.shape_cast %mul3A_2107 : vector<16xf32> to vector<1x16xf32>
      tpu.vector_store %arg15[%swap3A_2108, %swap3A_2109], %swap3A_2112 {strides = array<i32>} : memref<128x128xf32, #tpu.memory_space<vmem>>, vector<1x16xf32>,
      %mul3A_2113 = arith.constant 4 : i32
      %mul3A_2114 = arith.muli %scan3A_1868, %mul3A_2113 : i32
      %add3A_2115 = arith.constant 2 : i32
      %add3A_2116 = arith.addi %mul3A_2114, %add3A_2115 : i32
      %get3A_2117 = arith.index_cast %add3A_2116 : i32 to index
      %get3A_2118 = arith.constant 0 : index
      %get3A_2119 = tpu.vector_load %arg15[%get3A_2117, %get3A_2118] {strides = array<i32>} : memref<128x128xf32, #tpu.memory_space<vmem>>, vector<1x16xf32>,
      %get3A_2120 = vector.shape_cast %get3A_2119 : vector<1x16xf32> to vector<16xf32>
      %get3A_2121 = arith.index_cast %add3A_2116 : i32 to index
      %get3A_2122 = arith.constant 0 : index
      %get3A_2123 = tpu.vector_load %arg13[%get3A_2121, %get3A_2122] {strides = array<i32>} : memref<128x32xf32, #tpu.memory_space<vmem>>, vector<1x16xf32>,
      %get3A_2124 = vector.shape_cast %get3A_2123 : vector<1x16xf32> to vector<16xf32>
      %add3A_2125 = arith.addf %get3A_2120, %get3A_2124 : vector<16xf32>
      %get3A_2126 = arith.index_cast %add3A_2116 : i32 to index
      %get3A_2127 = arith.constant 0 : index
      %get3A_2128 = tpu.vector_load %arg14[%get3A_2126, %get3A_2127] {strides = array<i32>} : memref<128x64xf32, #tpu.memory_space<vmem>>, vector<1x16xf32>,
      %get3A_2129 = vector.shape_cast %get3A_2128 : vector<1x16xf32> to vector<16xf32>
      %add3A_2130 = arith.addf %add3A_2125, %get3A_2129 : vector<16xf32>
      %mul3A_2131 = vector.broadcast %scan3A_1852 : f32 to vector<16xf32>
      %mul3A_2132 = arith.mulf %add3A_2130, %mul3A_2131 : vector<16xf32>
      %swap3A_2133 = arith.index_cast %add3A_2116 : i32 to index
      %swap3A_2134 = arith.constant 0 : index
      %swap3A_2135 = tpu.vector_load %arg15[%swap3A_2133, %swap3A_2134] {strides = array<i32>} : memref<128x128xf32, #tpu.memory_space<vmem>>, vector<1x16xf32>,
      %swap3A_2136 = vector.shape_cast %swap3A_2135 : vector<1x16xf32> to vector<16xf32>
      %swap3A_2137 = vector.shape_cast %mul3A_2132 : vector<16xf32> to vector<1x16xf32>
      tpu.vector_store %arg15[%swap3A_2133, %swap3A_2134], %swap3A_2137 {strides = array<i32>} : memref<128x128xf32, #tpu.memory_space<vmem>>, vector<1x16xf32>,
      %get3A_2138 = arith.index_cast %add3A_2116 : i32 to index
      %get3A_2139 = arith.constant 16 : index
      %get3A_2140 = tpu.vector_load %arg15[%get3A_2138, %get3A_2139] {strides = array<i32>} : memref<128x128xf32, #tpu.memory_space<vmem>>, vector<1x16xf32>,
      %get3A_2141 = vector.shape_cast %get3A_2140 : vector<1x16xf32> to vector<16xf32>
      %get3A_2142 = arith.index_cast %add3A_2116 : i32 to index
      %get3A_2143 = arith.constant 16 : index
      %get3A_2144 = tpu.vector_load %arg13[%get3A_2142, %get3A_2143] {strides = array<i32>} : memref<128x32xf32, #tpu.memory_space<vmem>>, vector<1x16xf32>,
      %get3A_2145 = vector.shape_cast %get3A_2144 : vector<1x16xf32> to vector<16xf32>
      %add3A_2146 = arith.addf %get3A_2141, %get3A_2145 : vector<16xf32>
      %get3A_2147 = arith.index_cast %add3A_2116 : i32 to index
      %get3A_2148 = arith.constant 16 : index
      %get3A_2149 = tpu.vector_load %arg14[%get3A_2147, %get3A_2148] {strides = array<i32>} : memref<128x64xf32, #tpu.memory_space<vmem>>, vector<1x16xf32>,
      %get3A_2150 = vector.shape_cast %get3A_2149 : vector<1x16xf32> to vector<16xf32>
      %add3A_2151 = arith.addf %add3A_2146, %get3A_2150 : vector<16xf32>
      %mul3A_2152 = vector.broadcast %scan3A_1852 : f32 to vector<16xf32>
      %mul3A_2153 = arith.mulf %add3A_2151, %mul3A_2152 : vector<16xf32>
      %swap3A_2154 = arith.index_cast %add3A_2116 : i32 to index
      %swap3A_2155 = arith.constant 16 : index
      %swap3A_2156 = tpu.vector_load %arg15[%swap3A_2154, %swap3A_2155] {strides = array<i32>} : memref<128x128xf32, #tpu.memory_space<vmem>>, vector<1x16xf32>,
      %swap3A_2157 = vector.shape_cast %swap3A_2156 : vector<1x16xf32> to vector<16xf32>
      %swap3A_2158 = vector.shape_cast %mul3A_2153 : vector<16xf32> to vector<1x16xf32>
      tpu.vector_store %arg15[%swap3A_2154, %swap3A_2155], %swap3A_2158 {strides = array<i32>} : memref<128x128xf32, #tpu.memory_space<vmem>>, vector<1x16xf32>,
      %get3A_2159 = arith.index_cast %add3A_2116 : i32 to index
      %get3A_2160 = arith.constant 32 : index
      %get3A_2161 = tpu.vector_load %arg15[%get3A_2159, %get3A_2160] {strides = array<i32>} : memref<128x128xf32, #tpu.memory_space<vmem>>, vector<1x16xf32>,
      %get3A_2162 = vector.shape_cast %get3A_2161 : vector<1x16xf32> to vector<16xf32>
      %get3A_2163 = arith.index_cast %add3A_2116 : i32 to index
      %get3A_2164 = arith.constant 32 : index
      %get3A_2165 = tpu.vector_load %arg14[%get3A_2163, %get3A_2164] {strides = array<i32>} : memref<128x64xf32, #tpu.memory_space<vmem>>, vector<1x16xf32>,
      %get3A_2166 = vector.shape_cast %get3A_2165 : vector<1x16xf32> to vector<16xf32>
      %add3A_2167 = arith.addf %get3A_2162, %get3A_2166 : vector<16xf32>
      %mul3A_2168 = vector.broadcast %scan3A_1852 : f32 to vector<16xf32>
      %mul3A_2169 = arith.mulf %add3A_2167, %mul3A_2168 : vector<16xf32>
      %swap3A_2170 = arith.index_cast %add3A_2116 : i32 to index
      %swap3A_2171 = arith.constant 32 : index
      %swap3A_2172 = tpu.vector_load %arg15[%swap3A_2170, %swap3A_2171] {strides = array<i32>} : memref<128x128xf32, #tpu.memory_space<vmem>>, vector<1x16xf32>,
      %swap3A_2173 = vector.shape_cast %swap3A_2172 : vector<1x16xf32> to vector<16xf32>
      %swap3A_2174 = vector.shape_cast %mul3A_2169 : vector<16xf32> to vector<1x16xf32>
      tpu.vector_store %arg15[%swap3A_2170, %swap3A_2171], %swap3A_2174 {strides = array<i32>} : memref<128x128xf32, #tpu.memory_space<vmem>>, vector<1x16xf32>,
      %get3A_2175 = arith.index_cast %add3A_2116 : i32 to index
      %get3A_2176 = arith.constant 48 : index
      %get3A_2177 = tpu.vector_load %arg15[%get3A_2175, %get3A_2176] {strides = array<i32>} : memref<128x128xf32, #tpu.memory_space<vmem>>, vector<1x16xf32>,
      %get3A_2178 = vector.shape_cast %get3A_2177 : vector<1x16xf32> to vector<16xf32>
      %get3A_2179 = arith.index_cast %add3A_2116 : i32 to index
      %get3A_2180 = arith.constant 48 : index
      %get3A_2181 = tpu.vector_load %arg14[%get3A_2179, %get3A_2180] {strides = array<i32>} : memref<128x64xf32, #tpu.memory_space<vmem>>, vector<1x16xf32>,
      %get3A_2182 = vector.shape_cast %get3A_2181 : vector<1x16xf32> to vector<16xf32>
      %add3A_2183 = arith.addf %get3A_2178, %get3A_2182 : vector<16xf32>
      %mul3A_2184 = vector.broadcast %scan3A_1852 : f32 to vector<16xf32>
      %mul3A_2185 = arith.mulf %add3A_2183, %mul3A_2184 : vector<16xf32>
      %swap3A_2186 = arith.index_cast %add3A_2116 : i32 to index
      %swap3A_2187 = arith.constant 48 : index
      %swap3A_2188 = tpu.vector_load %arg15[%swap3A_2186, %swap3A_2187] {strides = array<i32>} : memref<128x128xf32, #tpu.memory_space<vmem>>, vector<1x16xf32>,
      %swap3A_2189 = vector.shape_cast %swap3A_2188 : vector<1x16xf32> to vector<16xf32>
      %swap3A_2190 = vector.shape_cast %mul3A_2185 : vector<16xf32> to vector<1x16xf32>
      tpu.vector_store %arg15[%swap3A_2186, %swap3A_2187], %swap3A_2190 {strides = array<i32>} : memref<128x128xf32, #tpu.memory_space<vmem>>, vector<1x16xf32>,
      %get3A_2191 = arith.index_cast %add3A_2116 : i32 to index
      %get3A_2192 = arith.constant 64 : index
      %get3A_2193 = tpu.vector_load %arg15[%get3A_2191, %get3A_2192] {strides = array<i32>} : memref<128x128xf32, #tpu.memory_space<vmem>>, vector<1x16xf32>,
      %get3A_2194 = vector.shape_cast %get3A_2193 : vector<1x16xf32> to vector<16xf32>
      %mul3A_2195 = vector.broadcast %scan3A_1852 : f32 to vector<16xf32>
      %mul3A_2196 = arith.mulf %get3A_2194, %mul3A_2195 : vector<16xf32>
      %swap3A_2197 = arith.index_cast %add3A_2116 : i32 to index
      %swap3A_2198 = arith.constant 64 : index
      %swap3A_2199 = tpu.vector_load %arg15[%swap3A_2197, %swap3A_2198] {strides = array<i32>} : memref<128x128xf32, #tpu.memory_space<vmem>>, vector<1x16xf32>,
      %swap3A_2200 = vector.shape_cast %swap3A_2199 : vector<1x16xf32> to vector<16xf32>
      %swap3A_2201 = vector.shape_cast %mul3A_2196 : vector<16xf32> to vector<1x16xf32>
      tpu.vector_store %arg15[%swap3A_2197, %swap3A_2198], %swap3A_2201 {strides = array<i32>} : memref<128x128xf32, #tpu.memory_space<vmem>>, vector<1x16xf32>,
      %get3A_2202 = arith.index_cast %add3A_2116 : i32 to index
      %get3A_2203 = arith.constant 80 : index
      %get3A_2204 = tpu.vector_load %arg15[%get3A_2202, %get3A_2203] {strides = array<i32>} : memref<128x128xf32, #tpu.memory_space<vmem>>, vector<1x16xf32>,
      %get3A_2205 = vector.shape_cast %get3A_2204 : vector<1x16xf32> to vector<16xf32>
      %mul3A_2206 = vector.broadcast %scan3A_1852 : f32 to vector<16xf32>
      %mul3A_2207 = arith.mulf %get3A_2205, %mul3A_2206 : vector<16xf32>
      %swap3A_2208 = arith.index_cast %add3A_2116 : i32 to index
      %swap3A_2209 = arith.constant 80 : index
      %swap3A_2210 = tpu.vector_load %arg15[%swap3A_2208, %swap3A_2209] {strides = array<i32>} : memref<128x128xf32, #tpu.memory_space<vmem>>, vector<1x16xf32>,
      %swap3A_2211 = vector.shape_cast %swap3A_2210 : vector<1x16xf32> to vector<16xf32>
      %swap3A_2212 = vector.shape_cast %mul3A_2207 : vector<16xf32> to vector<1x16xf32>
      tpu.vector_store %arg15[%swap3A_2208, %swap3A_2209], %swap3A_2212 {strides = array<i32>} : memref<128x128xf32, #tpu.memory_space<vmem>>, vector<1x16xf32>,
      %get3A_2213 = arith.index_cast %add3A_2116 : i32 to index
      %get3A_2214 = arith.constant 96 : index
      %get3A_2215 = tpu.vector_load %arg15[%get3A_2213, %get3A_2214] {strides = array<i32>} : memref<128x128xf32, #tpu.memory_space<vmem>>, vector<1x16xf32>,
      %get3A_2216 = vector.shape_cast %get3A_2215 : vector<1x16xf32> to vector<16xf32>
      %mul3A_2217 = vector.broadcast %scan3A_1852 : f32 to vector<16xf32>
      %mul3A_2218 = arith.mulf %get3A_2216, %mul3A_2217 : vector<16xf32>
      %swap3A_2219 = arith.index_cast %add3A_2116 : i32 to index
      %swap3A_2220 = arith.constant 96 : index
      %swap3A_2221 = tpu.vector_load %arg15[%swap3A_2219, %swap3A_2220] {strides = array<i32>} : memref<128x128xf32, #tpu.memory_space<vmem>>, vector<1x16xf32>,
      %swap3A_2222 = vector.shape_cast %swap3A_2221 : vector<1x16xf32> to vector<16xf32>
      %swap3A_2223 = vector.shape_cast %mul3A_2218 : vector<16xf32> to vector<1x16xf32>
      tpu.vector_store %arg15[%swap3A_2219, %swap3A_2220], %swap3A_2223 {strides = array<i32>} : memref<128x128xf32, #tpu.memory_space<vmem>>, vector<1x16xf32>,
      %get3A_2224 = arith.index_cast %add3A_2116 : i32 to index
      %get3A_2225 = arith.constant 112 : index
      %get3A_2226 = tpu.vector_load %arg15[%get3A_2224, %get3A_2225] {strides = array<i32>} : memref<128x128xf32, #tpu.memory_space<vmem>>, vector<1x16xf32>,
      %get3A_2227 = vector.shape_cast %get3A_2226 : vector<1x16xf32> to vector<16xf32>
      %mul3A_2228 = vector.broadcast %scan3A_1852 : f32 to vector<16xf32>
      %mul3A_2229 = arith.mulf %get3A_2227, %mul3A_2228 : vector<16xf32>
      %swap3A_2230 = arith.index_cast %add3A_2116 : i32 to index
      %swap3A_2231 = arith.constant 112 : index
      %swap3A_2232 = tpu.vector_load %arg15[%swap3A_2230, %swap3A_2231] {strides = array<i32>} : memref<128x128xf32, #tpu.memory_space<vmem>>, vector<1x16xf32>,
      %swap3A_2233 = vector.shape_cast %swap3A_2232 : vector<1x16xf32> to vector<16xf32>
      %swap3A_2234 = vector.shape_cast %mul3A_2229 : vector<16xf32> to vector<1x16xf32>
      tpu.vector_store %arg15[%swap3A_2230, %swap3A_2231], %swap3A_2234 {strides = array<i32>} : memref<128x128xf32, #tpu.memory_space<vmem>>, vector<1x16xf32>,
      %mul3A_2235 = arith.constant 4 : i32
      %mul3A_2236 = arith.muli %scan3A_1868, %mul3A_2235 : i32
      %add3A_2237 = arith.constant 3 : i32
      %add3A_2238 = arith.addi %mul3A_2236, %add3A_2237 : i32
      %get3A_2239 = arith.index_cast %add3A_2238 : i32 to index
      %get3A_2240 = arith.constant 0 : index
      %get3A_2241 = tpu.vector_load %arg15[%get3A_2239, %get3A_2240] {strides = array<i32>} : memref<128x128xf32, #tpu.memory_space<vmem>>, vector<1x16xf32>,
      %get3A_2242 = vector.shape_cast %get3A_2241 : vector<1x16xf32> to vector<16xf32>
      %get3A_2243 = arith.index_cast %add3A_2238 : i32 to index
      %get3A_2244 = arith.constant 0 : index
      %get3A_2245 = tpu.vector_load %arg13[%get3A_2243, %get3A_2244] {strides = array<i32>} : memref<128x32xf32, #tpu.memory_space<vmem>>, vector<1x16xf32>,
      %get3A_2246 = vector.shape_cast %get3A_2245 : vector<1x16xf32> to vector<16xf32>
      %add3A_2247 = arith.addf %get3A_2242, %get3A_2246 : vector<16xf32>
      %get3A_2248 = arith.index_cast %add3A_2238 : i32 to index
      %get3A_2249 = arith.constant 0 : index
      %get3A_2250 = tpu.vector_load %arg14[%get3A_2248, %get3A_2249] {strides = array<i32>} : memref<128x64xf32, #tpu.memory_space<vmem>>, vector<1x16xf32>,
      %get3A_2251 = vector.shape_cast %get3A_2250 : vector<1x16xf32> to vector<16xf32>
      %add3A_2252 = arith.addf %add3A_2247, %get3A_2251 : vector<16xf32>
      %mul3A_2253 = vector.broadcast %scan3A_1852 : f32 to vector<16xf32>
      %mul3A_2254 = arith.mulf %add3A_2252, %mul3A_2253 : vector<16xf32>
      %swap3A_2255 = arith.index_cast %add3A_2238 : i32 to index
      %swap3A_2256 = arith.constant 0 : index
      %swap3A_2257 = tpu.vector_load %arg15[%swap3A_2255, %swap3A_2256] {strides = array<i32>} : memref<128x128xf32, #tpu.memory_space<vmem>>, vector<1x16xf32>,
      %swap3A_2258 = vector.shape_cast %swap3A_2257 : vector<1x16xf32> to vector<16xf32>
      %swap3A_2259 = vector.shape_cast %mul3A_2254 : vector<16xf32> to vector<1x16xf32>
      tpu.vector_store %arg15[%swap3A_2255, %swap3A_2256], %swap3A_2259 {strides = array<i32>} : memref<128x128xf32, #tpu.memory_space<vmem>>, vector<1x16xf32>,
      %get3A_2260 = arith.index_cast %add3A_2238 : i32 to index
      %get3A_2261 = arith.constant 16 : index
      %get3A_2262 = tpu.vector_load %arg15[%get3A_2260, %get3A_2261] {strides = array<i32>} : memref<128x128xf32, #tpu.memory_space<vmem>>, vector<1x16xf32>,
      %get3A_2263 = vector.shape_cast %get3A_2262 : vector<1x16xf32> to vector<16xf32>
      %get3A_2264 = arith.index_cast %add3A_2238 : i32 to index
      %get3A_2265 = arith.constant 16 : index
      %get3A_2266 = tpu.vector_load %arg13[%get3A_2264, %get3A_2265] {strides = array<i32>} : memref<128x32xf32, #tpu.memory_space<vmem>>, vector<1x16xf32>,
      %get3A_2267 = vector.shape_cast %get3A_2266 : vector<1x16xf32> to vector<16xf32>
      %add3A_2268 = arith.addf %get3A_2263, %get3A_2267 : vector<16xf32>
      %get3A_2269 = arith.index_cast %add3A_2238 : i32 to index
      %get3A_2270 = arith.constant 16 : index
      %get3A_2271 = tpu.vector_load %arg14[%get3A_2269, %get3A_2270] {strides = array<i32>} : memref<128x64xf32, #tpu.memory_space<vmem>>, vector<1x16xf32>,
      %get3A_2272 = vector.shape_cast %get3A_2271 : vector<1x16xf32> to vector<16xf32>
      %add3A_2273 = arith.addf %add3A_2268, %get3A_2272 : vector<16xf32>
      %mul3A_2274 = vector.broadcast %scan3A_1852 : f32 to vector<16xf32>
      %mul3A_2275 = arith.mulf %add3A_2273, %mul3A_2274 : vector<16xf32>
      %swap3A_2276 = arith.index_cast %add3A_2238 : i32 to index
      %swap3A_2277 = arith.constant 16 : index
      %swap3A_2278 = tpu.vector_load %arg15[%swap3A_2276, %swap3A_2277] {strides = array<i32>} : memref<128x128xf32, #tpu.memory_space<vmem>>, vector<1x16xf32>,
      %swap3A_2279 = vector.shape_cast %swap3A_2278 : vector<1x16xf32> to vector<16xf32>
      %swap3A_2280 = vector.shape_cast %mul3A_2275 : vector<16xf32> to vector<1x16xf32>
      tpu.vector_store %arg15[%swap3A_2276, %swap3A_2277], %swap3A_2280 {strides = array<i32>} : memref<128x128xf32, #tpu.memory_space<vmem>>, vector<1x16xf32>,
      %get3A_2281 = arith.index_cast %add3A_2238 : i32 to index
      %get3A_2282 = arith.constant 32 : index
      %get3A_2283 = tpu.vector_load %arg15[%get3A_2281, %get3A_2282] {strides = array<i32>} : memref<128x128xf32, #tpu.memory_space<vmem>>, vector<1x16xf32>,
      %get3A_2284 = vector.shape_cast %get3A_2283 : vector<1x16xf32> to vector<16xf32>
      %get3A_2285 = arith.index_cast %add3A_2238 : i32 to index
      %get3A_2286 = arith.constant 32 : index
      %get3A_2287 = tpu.vector_load %arg14[%get3A_2285, %get3A_2286] {strides = array<i32>} : memref<128x64xf32, #tpu.memory_space<vmem>>, vector<1x16xf32>,
      %get3A_2288 = vector.shape_cast %get3A_2287 : vector<1x16xf32> to vector<16xf32>
      %add3A_2289 = arith.addf %get3A_2284, %get3A_2288 : vector<16xf32>
      %mul3A_2290 = vector.broadcast %scan3A_1852 : f32 to vector<16xf32>
      %mul3A_2291 = arith.mulf %add3A_2289, %mul3A_2290 : vector<16xf32>
      %swap3A_2292 = arith.index_cast %add3A_2238 : i32 to index
      %swap3A_2293 = arith.constant 32 : index
      %swap3A_2294 = tpu.vector_load %arg15[%swap3A_2292, %swap3A_2293] {strides = array<i32>} : memref<128x128xf32, #tpu.memory_space<vmem>>, vector<1x16xf32>,
      %swap3A_2295 = vector.shape_cast %swap3A_2294 : vector<1x16xf32> to vector<16xf32>
      %swap3A_2296 = vector.shape_cast %mul3A_2291 : vector<16xf32> to vector<1x16xf32>
      tpu.vector_store %arg15[%swap3A_2292, %swap3A_2293], %swap3A_2296 {strides = array<i32>} : memref<128x128xf32, #tpu.memory_space<vmem>>, vector<1x16xf32>,
      %get3A_2297 = arith.index_cast %add3A_2238 : i32 to index
      %get3A_2298 = arith.constant 48 : index
      %get3A_2299 = tpu.vector_load %arg15[%get3A_2297, %get3A_2298] {strides = array<i32>} : memref<128x128xf32, #tpu.memory_space<vmem>>, vector<1x16xf32>,
      %get3A_2300 = vector.shape_cast %get3A_2299 : vector<1x16xf32> to vector<16xf32>
      %get3A_2301 = arith.index_cast %add3A_2238 : i32 to index
      %get3A_2302 = arith.constant 48 : index
      %get3A_2303 = tpu.vector_load %arg14[%get3A_2301, %get3A_2302] {strides = array<i32>} : memref<128x64xf32, #tpu.memory_space<vmem>>, vector<1x16xf32>,
      %get3A_2304 = vector.shape_cast %get3A_2303 : vector<1x16xf32> to vector<16xf32>
      %add3A_2305 = arith.addf %get3A_2300, %get3A_2304 : vector<16xf32>
      %mul3A_2306 = vector.broadcast %scan3A_1852 : f32 to vector<16xf32>
      %mul3A_2307 = arith.mulf %add3A_2305, %mul3A_2306 : vector<16xf32>
      %swap3A_2308 = arith.index_cast %add3A_2238 : i32 to index
      %swap3A_2309 = arith.constant 48 : index
      %swap3A_2310 = tpu.vector_load %arg15[%swap3A_2308, %swap3A_2309] {strides = array<i32>} : memref<128x128xf32, #tpu.memory_space<vmem>>, vector<1x16xf32>,
      %swap3A_2311 = vector.shape_cast %swap3A_2310 : vector<1x16xf32> to vector<16xf32>
      %swap3A_2312 = vector.shape_cast %mul3A_2307 : vector<16xf32> to vector<1x16xf32>
      tpu.vector_store %arg15[%swap3A_2308, %swap3A_2309], %swap3A_2312 {strides = array<i32>} : memref<128x128xf32, #tpu.memory_space<vmem>>, vector<1x16xf32>,
      %get3A_2313 = arith.index_cast %add3A_2238 : i32 to index
      %get3A_2314 = arith.constant 64 : index
      %get3A_2315 = tpu.vector_load %arg15[%get3A_2313, %get3A_2314] {strides = array<i32>} : memref<128x128xf32, #tpu.memory_space<vmem>>, vector<1x16xf32>,
      %get3A_2316 = vector.shape_cast %get3A_2315 : vector<1x16xf32> to vector<16xf32>
      %mul3A_2317 = vector.broadcast %scan3A_1852 : f32 to vector<16xf32>
      %mul3A_2318 = arith.mulf %get3A_2316, %mul3A_2317 : vector<16xf32>
      %swap3A_2319 = arith.index_cast %add3A_2238 : i32 to index
      %swap3A_2320 = arith.constant 64 : index
      %swap3A_2321 = tpu.vector_load %arg15[%swap3A_2319, %swap3A_2320] {strides = array<i32>} : memref<128x128xf32, #tpu.memory_space<vmem>>, vector<1x16xf32>,
      %swap3A_2322 = vector.shape_cast %swap3A_2321 : vector<1x16xf32> to vector<16xf32>
      %swap3A_2323 = vector.shape_cast %mul3A_2318 : vector<16xf32> to vector<1x16xf32>
      tpu.vector_store %arg15[%swap3A_2319, %swap3A_2320], %swap3A_2323 {strides = array<i32>} : memref<128x128xf32, #tpu.memory_space<vmem>>, vector<1x16xf32>,
      %get3A_2324 = arith.index_cast %add3A_2238 : i32 to index
      %get3A_2325 = arith.constant 80 : index
      %get3A_2326 = tpu.vector_load %arg15[%get3A_2324, %get3A_2325] {strides = array<i32>} : memref<128x128xf32, #tpu.memory_space<vmem>>, vector<1x16xf32>,
      %get3A_2327 = vector.shape_cast %get3A_2326 : vector<1x16xf32> to vector<16xf32>
      %mul3A_2328 = vector.broadcast %scan3A_1852 : f32 to vector<16xf32>
      %mul3A_2329 = arith.mulf %get3A_2327, %mul3A_2328 : vector<16xf32>
      %swap3A_2330 = arith.index_cast %add3A_2238 : i32 to index
      %swap3A_2331 = arith.constant 80 : index
      %swap3A_2332 = tpu.vector_load %arg15[%swap3A_2330, %swap3A_2331] {strides = array<i32>} : memref<128x128xf32, #tpu.memory_space<vmem>>, vector<1x16xf32>,
      %swap3A_2333 = vector.shape_cast %swap3A_2332 : vector<1x16xf32> to vector<16xf32>
      %swap3A_2334 = vector.shape_cast %mul3A_2329 : vector<16xf32> to vector<1x16xf32>
      tpu.vector_store %arg15[%swap3A_2330, %swap3A_2331], %swap3A_2334 {strides = array<i32>} : memref<128x128xf32, #tpu.memory_space<vmem>>, vector<1x16xf32>,
      %get3A_2335 = arith.index_cast %add3A_2238 : i32 to index
      %get3A_2336 = arith.constant 96 : index
      %get3A_2337 = tpu.vector_load %arg15[%get3A_2335, %get3A_2336] {strides = array<i32>} : memref<128x128xf32, #tpu.memory_space<vmem>>, vector<1x16xf32>,
      %get3A_2338 = vector.shape_cast %get3A_2337 : vector<1x16xf32> to vector<16xf32>
      %mul3A_2339 = vector.broadcast %scan3A_1852 : f32 to vector<16xf32>
      %mul3A_2340 = arith.mulf %get3A_2338, %mul3A_2339 : vector<16xf32>
      %swap3A_2341 = arith.index_cast %add3A_2238 : i32 to index
      %swap3A_2342 = arith.constant 96 : index
      %swap3A_2343 = tpu.vector_load %arg15[%swap3A_2341, %swap3A_2342] {strides = array<i32>} : memref<128x128xf32, #tpu.memory_space<vmem>>, vector<1x16xf32>,
      %swap3A_2344 = vector.shape_cast %swap3A_2343 : vector<1x16xf32> to vector<16xf32>
      %swap3A_2345 = vector.shape_cast %mul3A_2340 : vector<16xf32> to vector<1x16xf32>
      tpu.vector_store %arg15[%swap3A_2341, %swap3A_2342], %swap3A_2345 {strides = array<i32>} : memref<128x128xf32, #tpu.memory_space<vmem>>, vector<1x16xf32>,
      %get3A_2346 = arith.index_cast %add3A_2238 : i32 to index
      %get3A_2347 = arith.constant 112 : index
      %get3A_2348 = tpu.vector_load %arg15[%get3A_2346, %get3A_2347] {strides = array<i32>} : memref<128x128xf32, #tpu.memory_space<vmem>>, vector<1x16xf32>,
      %get3A_2349 = vector.shape_cast %get3A_2348 : vector<1x16xf32> to vector<16xf32>
      %mul3A_2350 = vector.broadcast %scan3A_1852 : f32 to vector<16xf32>
      %mul3A_2351 = arith.mulf %get3A_2349, %mul3A_2350 : vector<16xf32>
      %swap3A_2352 = arith.index_cast %add3A_2238 : i32 to index
      %swap3A_2353 = arith.constant 112 : index
      %swap3A_2354 = tpu.vector_load %arg15[%swap3A_2352, %swap3A_2353] {strides = array<i32>} : memref<128x128xf32, #tpu.memory_space<vmem>>, vector<1x16xf32>,
      %swap3A_2355 = vector.shape_cast %swap3A_2354 : vector<1x16xf32> to vector<16xf32>
      %swap3A_2356 = vector.shape_cast %mul3A_2351 : vector<16xf32> to vector<1x16xf32>
      tpu.vector_store %arg15[%swap3A_2352, %swap3A_2353], %swap3A_2356 {strides = array<i32>} : memref<128x128xf32, #tpu.memory_space<vmem>>, vector<1x16xf32>,
    }
    %scan3A_1857 = arith.constant 32 : i32
    %add3A_1858 = arith.constant 384 : i32
    %add3A_1859 = arith.addi %mul3A_2, %add3A_1858 : i32
    %dma_start3A_1860 = arith.constant 0 : i32
    %dma_start3A_1861 = tpu.memref_slice %arg6[%add3A_1859, %dma_start3A_1860] : memref<16384x128xf32, #tpu.memory_space<hbm>> -> memref<128x128xf32, #tpu.memory_space<hbm>>
    %dma_start3A_1862 = arith.constant 0 : i32
    %dma_start3A_1863 = tpu.memref_slice %arg6[%add3A_1859, %dma_start3A_1862] : memref<16384x128xf32, #tpu.memory_space<hbm>> -> memref<128x128xf32, #tpu.memory_space<hbm>>
    tpu.enqueue_dma source(%arg15 : memref<128x128xf32, #tpu.memory_space<vmem>>) target(%dma_start3A_1863 : memref<128x128xf32, #tpu.memory_space<hbm>>) target_semaphore(%arg18 : memref<!tpu.dma_semaphore, #tpu.memory_space<semaphore_mem>>)
    %dma_wait3A_1864 = arith.constant 0 : i32
    %dma_wait3A_1865 = tpu.memref_slice %arg6[%add3A_1859, %dma_wait3A_1864] : memref<16384x128xf32, #tpu.memory_space<hbm>> -> memref<128x128xf32, #tpu.memory_space<hbm>>
    %dma_wait3A_1866 = arith.constant 0 : i32
    %dma_wait3A_1867 = tpu.memref_slice %arg6[%add3A_1859, %dma_wait3A_1866] : memref<16384x128xf32, #tpu.memory_space<hbm>> -> memref<128x128xf32, #tpu.memory_space<hbm>>
    tpu.wait_dma2 semaphore(%arg18 : memref<!tpu.dma_semaphore, #tpu.memory_space<semaphore_mem>>) src(%arg15 : memref<128x128xf32, #tpu.memory_space<vmem>>) dst(%dma_wait3A_1867 : memref<128x128xf32, #tpu.memory_space<hbm>>)
    return
  }
}

module attributes {stable_mosaic.version = 14 : i64} {
  func.func @body(%arg0: i32, %arg1: memref<32x8192xf32, #tpu.memory_space<vmem>>, %arg2: memref<32x8192xf32, #tpu.memory_space<vmem>>, %arg3: memref<32x8192xf32, #tpu.memory_space<vmem>>, %arg4: memref<32x8192xf32, #tpu.memory_space<vmem>>, %arg5: memref<8192x128xf32, #tpu.memory_space<vmem>>) attributes {dimension_semantics = [#tpu.dimension_semantics<arbitrary>], iteration_bounds = array<i64: 4>, scalar_prefetch = 0 : i64, scratch_operands = 0 : i64, tpu.core_type = #tpu.core_type<tc>, window_params = [{transform_indices = @transform_0, window_bounds = array<i64: 32, 8192>}, {transform_indices = @transform_1, window_bounds = array<i64: 32, 8192>}, {transform_indices = @transform_2, window_bounds = array<i64: 32, 8192>}, {transform_indices = @transform_3, window_bounds = array<i64: 32, 8192>}, {transform_indices = @transform_4, window_bounds = array<i64: 8192, 128>}]} {
    %get3A = arith.constant 0 : index
    %get3A_0 = arith.constant 0 : index
    %get3A_1 = vector.load %arg1[%get3A, %get3A_0] : memref<32x8192xf32, #tpu.memory_space<vmem>>, vector<32x8192xf32>
    %get3A_2 = arith.constant 0 : index
    %get3A_3 = arith.constant 0 : index
    %get3A_4 = vector.load %arg2[%get3A_2, %get3A_3] : memref<32x8192xf32, #tpu.memory_space<vmem>>, vector<32x8192xf32>
    %get3A_5 = arith.constant 0 : index
    %get3A_6 = arith.constant 0 : index
    %get3A_7 = vector.load %arg3[%get3A_5, %get3A_6] : memref<32x8192xf32, #tpu.memory_space<vmem>>, vector<32x8192xf32>
    %get3A_8 = arith.constant 0 : index
    %get3A_9 = arith.constant 0 : index
    %get3A_10 = vector.load %arg4[%get3A_8, %get3A_9] : memref<32x8192xf32, #tpu.memory_space<vmem>>, vector<32x8192xf32>
    %concatenate3A = tpu.concatenate %get3A_1, %get3A_4, %get3A_7, %get3A_10 in 0 : vector<32x8192xf32>, vector<32x8192xf32>, vector<32x8192xf32>, vector<32x8192xf32> -> vector<128x8192xf32>
    %transpose3A = tpu.transpose %concatenate3A, [1, 0] : vector<128x8192xf32> -> vector<8192x128xf32>
    %swap3A = arith.constant 0 : index
    %swap3A_11 = arith.constant 0 : index
    %swap3A_12 = vector.load %arg5[%swap3A, %swap3A_11] : memref<8192x128xf32, #tpu.memory_space<vmem>>, vector<8192x128xf32>
    tpu.vector_store %arg5[%swap3A, %swap3A_11], %transpose3A {strides = array<i32>} : memref<8192x128xf32, #tpu.memory_space<vmem>>, vector<8192x128xf32>,
    return
  }
  func.func @transform_0(%arg0: i32) -> (i32, i32) {
    %add3A = arith.constant 0 : i32
    %add3A_0 = arith.addi %add3A, %arg0 : i32
    %min3A = arith.constant 12 : i32
    %min3A_1 = arith.minsi %add3A_0, %min3A : i32
    %c0_i32 = arith.constant 0 : i32
    %c0_i32_2 = arith.constant 0 : i32
    return %c0_i32, %min3A_1 : i32, i32
  }
  func.func @transform_1(%arg0: i32) -> (i32, i32) {
    %add3A = arith.constant 4 : i32
    %add3A_0 = arith.addi %add3A, %arg0 : i32
    %min3A = arith.constant 12 : i32
    %min3A_1 = arith.minsi %add3A_0, %min3A : i32
    %c0_i32 = arith.constant 0 : i32
    %c0_i32_2 = arith.constant 0 : i32
    return %c0_i32, %min3A_1 : i32, i32
  }
  func.func @transform_2(%arg0: i32) -> (i32, i32) {
    %add3A = arith.constant 8 : i32
    %add3A_0 = arith.addi %add3A, %arg0 : i32
    %min3A = arith.constant 12 : i32
    %min3A_1 = arith.minsi %add3A_0, %min3A : i32
    %c0_i32 = arith.constant 0 : i32
    %c0_i32_2 = arith.constant 0 : i32
    return %c0_i32, %min3A_1 : i32, i32
  }
  func.func @transform_3(%arg0: i32) -> (i32, i32) {
    %add3A = arith.constant 12 : i32
    %add3A_0 = arith.addi %add3A, %arg0 : i32
    %min3A = arith.constant 12 : i32
    %min3A_1 = arith.minsi %add3A_0, %min3A : i32
    %c0_i32 = arith.constant 0 : i32
    %c0_i32_2 = arith.constant 0 : i32
    return %c0_i32, %min3A_1 : i32, i32
  }
  func.func @transform_4(%arg0: i32) -> (i32, i32) {
    %c0_i32 = arith.constant 0 : i32
    %c0_i32_0 = arith.constant 0 : i32
    return %arg0, %c0_i32 : i32, i32
  }
}

module attributes {stable_mosaic.version = 14 : i64} {
  func.func @body(%arg0: i32, %arg1: memref<64x8192xf32, #tpu.memory_space<vmem>>, %arg2: memref<64x8192xf32, #tpu.memory_space<vmem>>, %arg3: memref<8192x128xf32, #tpu.memory_space<vmem>>) attributes {dimension_semantics = [#tpu.dimension_semantics<arbitrary>], iteration_bounds = array<i64: 7>, scalar_prefetch = 0 : i64, scratch_operands = 0 : i64, tpu.core_type = #tpu.core_type<tc>, window_params = [{transform_indices = @transform_0, window_bounds = array<i64: 64, 8192>}, {transform_indices = @transform_1, window_bounds = array<i64: 64, 8192>}, {transform_indices = @transform_2, window_bounds = array<i64: 8192, 128>}]} {
    %get3A = arith.constant 0 : index
    %get3A_0 = arith.constant 0 : index
    %get3A_1 = vector.load %arg1[%get3A, %get3A_0] : memref<64x8192xf32, #tpu.memory_space<vmem>>, vector<64x8192xf32>
    %get3A_2 = arith.constant 0 : index
    %get3A_3 = arith.constant 0 : index
    %get3A_4 = vector.load %arg2[%get3A_2, %get3A_3] : memref<64x8192xf32, #tpu.memory_space<vmem>>, vector<64x8192xf32>
    %concatenate3A = tpu.concatenate %get3A_1, %get3A_4 in 0 : vector<64x8192xf32>, vector<64x8192xf32> -> vector<128x8192xf32>
    %transpose3A = tpu.transpose %concatenate3A, [1, 0] : vector<128x8192xf32> -> vector<8192x128xf32>
    %swap3A = arith.constant 0 : index
    %swap3A_5 = arith.constant 0 : index
    %swap3A_6 = vector.load %arg3[%swap3A, %swap3A_5] : memref<8192x128xf32, #tpu.memory_space<vmem>>, vector<8192x128xf32>
    tpu.vector_store %arg3[%swap3A, %swap3A_5], %transpose3A {strides = array<i32>} : memref<8192x128xf32, #tpu.memory_space<vmem>>, vector<8192x128xf32>,
    return
  }
  func.func @transform_0(%arg0: i32) -> (i32, i32) {
    %add3A = arith.constant 0 : i32
    %add3A_0 = arith.addi %add3A, %arg0 : i32
    %min3A = arith.constant 12 : i32
    %min3A_1 = arith.minsi %add3A_0, %min3A : i32
    %c0_i32 = arith.constant 0 : i32
    %c0_i32_2 = arith.constant 0 : i32
    return %c0_i32, %min3A_1 : i32, i32
  }
  func.func @transform_1(%arg0: i32) -> (i32, i32) {
    %add3A = arith.constant 7 : i32
    %add3A_0 = arith.addi %add3A, %arg0 : i32
    %min3A = arith.constant 12 : i32
    %min3A_1 = arith.minsi %add3A_0, %min3A : i32
    %c0_i32 = arith.constant 0 : i32
    %c0_i32_2 = arith.constant 0 : i32
    return %c0_i32, %min3A_1 : i32, i32
  }
  func.func @transform_2(%arg0: i32) -> (i32, i32) {
    %c0_i32 = arith.constant 0 : i32
    %c0_i32_0 = arith.constant 0 : i32
    return %arg0, %c0_i32 : i32, i32
  }
}

</mosaic_0001>

<sc_bundles>
// kernel: kernel.5.cloned.1.call-start
scs
__scs_entry_jumppad:
0x0: {  	(pc) =	sbr.rel $0x88, $3  }
0x1: {  	(tag) =	ssettag $0x0;
	lr =	simm.s32 $0x1  }
0x2: {  	[smem:$0x3F9D] =	sst lr;
	_ =	strace $0xD0000000  }
0x3: {  	_ = 	snop  }
0x4: {  	_ = 	snop  }
0x5: {  	_ = 	snop  }
0x6: {  	_ = 	snop  }
0x7: {  	_ = 	snop  }
__scs_overlays_trampoline_lowered:
0x8: {  	[smem:$0x3FAC] =	sst s0  }
0x9: {  	[smem:$0x3FAD] =	sst s1  }
0xa: {  	[smem:$0x3FAE] =	sst s2  }
0xb: {  	[smem:$0x3FAF] =	sst s3  }
0xc: {  	[smem:$0x3FB0] =	sst s4  }
0xd: {  	[smem:$0x3FB1] =	sst s5  }
0xe: {  	[smem:$0x3FB2] =	sst s6  }
0xf: {  	[smem:$0x3FB3] =	sst s7  }
0x10: {  	[smem:$0x3FB4] =	sst s8  }
0x11: {  	[smem:$0x3FB5] =	sst s9;
	s0 =	simm.s32 @!p0 $0x0  }
0x12: {  	s1 =	sld [smem:$0x3F9B];
	s0 =	simm.s32 @p0 $0x1  }
0x13: {  	[smem:$0x3FB6] =	sst s0;
	s0 =	simm.s32 @!p1 $0x0  }
0x14: {  	s2 =	sld [smem:$0x3F9A];
	s0 =	simm.s32 @p1 $0x1  }
0x15: {  	[smem:$0x3FB7] =	sst s0;
	s0 =	simm.s32 @!p2 $0x0  }
0x16: {  	s3 =	sld [smem:$0x3FDB];
	s0 =	simm.s32 @p2 $0x1  }
0x17: {  	s4 =	simm.s32 $0x1BF5;
	[smem:$0x3FB9] =	sst s0  }
0x18: {  	s0 =	sld [smem:$0x3F9C];
	_ =	swait.ge [sflag:s4], $0x0  }
0x19: {  	s7 =	sld [smem:$0x3F9D]  }
0x1a: {  	s8 =	sadd.s32 $0xFFFFE003, lr  }
0x1b: {  	s9 =	sadd.s32 $0xFFFFFEF7, lr;
	s5 =	simm.s32 $0xFFFFFFFF;
	p2 =	slt.u32 s8, $0xFFFFF086  }
0x1c: {  	p1 =	slt.u32 s9, $0xF7A;
	s5 =	simm.s32 @!p2 $0x0  }
0x1d: {  	s5 =	simm.s32 @p1 $0x1;
	p0 =	seq.s32 s7, s2  }
0x1e: {  	s7 =	smul.u32 @!p0 $0xF7A, s2;
	p2 =	seq.s32 @!p0 s5, $0x0  }
0x1f: {  	s9 =	smul.u32 $0xF7A, s1;
	s8 =	simm.s32 @!p0 $0x1BF5;
	p2 =	por !p2, p0  }
0x20: {  	[sflag:s8] =	ssyncset.s32 @!p0 $0xFFFFF086;
	s6 =	sadd.s32 @!p0 s3, s7;
	s7 =	simm.s32 @!p0 $0x108  }
0x21: {  	s3 =	sadd.s32 s3, s9;
	s6 =	sadd.s32 @!p0 $0x88, s6;
	s7 =	simm.s32 @p2 $0x1082  }
0x22: {  	[simem:s7], [sflag:s8] =	dma.local @!p0 [hbm:s6], $0xF7A  }
0x23: {  	s9 =	sor.u32 $0xD0000000, s2;
	s6 =	simm.s32 $0x108;
	_ =	swait.ge @!p0 [sflag:s8], $0x0  }
0x24: {  	s3 =	sadd.s32 $0x88, s3;
	s6 =	simm.s32 @!p1 $0x1082;
	[sflag:s4] =	ssyncset.s32 $0xFFFFF086  }
0x25: {  	[simem:s6], [sflag:s4] =	dma.local [hbm:s3], $0xF7A  }
0x26: {  	[smem:$0x3F9D] =	sst s1;
	(tag) =	ssettag s2;
	_ =	strace s9  }
0x27: {  	s1 =	sld [smem:$0x3FAD]  }
0x28: {  	s2 =	sld [smem:$0x3FAE]  }
0x29: {  	s4 =	sld [smem:$0x3FB0]  }
0x2a: {  	p0 =	seq.s32 s5, $0x0;
	s5 =	sld [smem:$0x3FB1]  }
0x2b: {  	s6 =	sld [smem:$0x3FB2]  }
0x2c: {  	s7 =	sld [smem:$0x3FB3]  }
0x2d: {  	s3 =	simm.s32 $0x108;
	s8 =	sld [smem:$0x3FB4]  }
0x2e: {  	s3 =	simm.s32 @!p0 $0x1082;
	s9 =	sld [smem:$0x3FB5]  }
0x2f: {  	lr =	sadd.s32 s0, s3;
	s0 =	sld [smem:$0x3FAC]  }
0x30: {  	s3 =	sld [smem:$0x3FAF]  }
0x31: {  	[smem:$0x3FB8] =	sst s10  }
0x32: {  	s10 =	sld [smem:$0x3FB6];
	_ =	sdelay $0x3  }
0x33: {  	p0 =	seq.s32 s10, $0x1;
	s10 =	sld [smem:$0x3FB8];
	_ =	sdelay $0x3  }
0x34: {  	[smem:$0x3FB8] =	sst s10  }
0x35: {  	s10 =	sld [smem:$0x3FB7];
	_ =	sdelay $0x3  }
0x36: {  	p1 =	seq.s32 s10, $0x1;
	s10 =	sld [smem:$0x3FB8];
	_ =	sdelay $0x3  }
0x37: {  	[smem:$0x3FB8] =	sst s10  }
0x38: {  	s10 =	sld [smem:$0x3FB9]  }
0x39: {  	_ = 	snop;
	(pc) =	sbr.ind lr, $3  }
0x3a: {  	_ = 	snop  }
0x3b: {  	_ = 	snop  }
0x3c: {  	p2 =	seq.s32 s10, $0x1;
	s10 =	sld [smem:$0x3FB8]  }
0x3d: {  	_ =	shalt  }
0x3e: {  	_ =	shalt  }
0x3f: {  	_ =	shalt  }
0x40: {  	_ =	shalt  }
0x41: {  	_ =	shalt  }
0x42: {  	_ =	shalt  }
0x43: {  	_ =	shalt  }
0x44: {  	_ =	shalt  }
0x45: {  	_ =	shalt  }
0x46: {  	_ =	shalt  }
0x47: {  	_ =	shalt  }
0x48: {  	_ =	shalt  }
0x49: {  	_ =	shalt  }
0x4a: {  	_ =	shalt  }
0x4b: {  	_ =	shalt  }
0x4c: {  	_ =	shalt  }
0x4d: {  	_ =	shalt  }
0x4e: {  	_ =	shalt  }
0x4f: {  	_ =	shalt  }
0x50: {  	_ =	shalt  }
0x51: {  	_ =	shalt  }
0x52: {  	_ =	shalt  }
0x53: {  	_ =	shalt  }
0x54: {  	_ =	shalt  }
0x55: {  	_ =	shalt  }
0x56: {  	_ =	shalt  }
0x57: {  	_ =	shalt  }
0x58: {  	_ =	shalt  }
0x59: {  	_ =	shalt  }
0x5a: {  	_ =	shalt  }
0x5b: {  	_ =	shalt  }
0x5c: {  	_ =	shalt  }
0x5d: {  	_ =	shalt  }
0x5e: {  	_ =	shalt  }
0x5f: {  	_ =	shalt  }
0x60: {  	_ =	shalt  }
0x61: {  	_ =	shalt  }
0x62: {  	_ =	shalt  }
0x63: {  	_ =	shalt  }
0x64: {  	_ =	shalt  }
0x65: {  	_ =	shalt  }
0x66: {  	_ =	shalt  }
0x67: {  	_ =	shalt  }
0x68: {  	_ =	shalt  }
0x69: {  	_ =	shalt  }
0x6a: {  	_ =	shalt  }
0x6b: {  	_ =	shalt  }
0x6c: {  	_ =	shalt  }
0x6d: {  	_ =	shalt  }
0x6e: {  	_ =	shalt  }
0x6f: {  	_ =	shalt  }
0x70: {  	_ =	shalt  }
0x71: {  	_ =	shalt  }
0x72: {  	_ =	shalt  }
0x73: {  	_ =	shalt  }
0x74: {  	_ =	shalt  }
0x75: {  	_ =	shalt  }
0x76: {  	_ =	shalt  }
0x77: {  	_ =	shalt  }
0x78: {  	_ =	shalt  }
0x79: {  	_ =	shalt  }
0x7a: {  	_ =	shalt  }
0x7b: {  	_ =	shalt  }
0x7c: {  	_ =	shalt  }
0x7d: {  	_ =	shalt  }
0x7e: {  	_ =	shalt  }
0x7f: {  	_ =	shalt  }
0x80: {  	_ =	shalt  }
0x81: {  	_ =	shalt  }
0x82: {  	_ =	shalt  }
0x83: {  	_ =	shalt  }
0x84: {  	_ =	shalt  }
0x85: {  	_ =	shalt  }
0x86: {  	_ =	shalt  }
0x87: {  	_ =	shalt  }
.Lfunc_end0:
.L_simem_size_0:
called_computation_lowered:
.L_overlay_start_0:
0x88: {  	s2 =	sld [smem:$0x3FD9]  }
0x89: {  	s3 =	sld [smem:$0x3FFE];
	_ =	sdelay $0x1  }
0x8a: {  	s1 =	srdreg.scid  }
0x8b: {  	s0 =	sand.u32 $0x1, s1  }
0x8c: {  	s17 =	sshll.u32 s0, $0xA;
	s2 =	sadd.s32 s3, s2  }
0x8d: {  	s2 =	sadd.s32 s2, s17  }
0x8e: {  	[smem:$0x3FC4] =	sst s2  }
0x8f: {  	_ = 	snop  }
0x90: {  	s2 =	sld [smem:$0x3FC9]  }
0x91: {  	s18 =	sld [smem:$0x3FC6]  }
0x92: {  	s4 =	sld [smem:$0x3FD0];
	(tm) =	ssettm $0x1  }
0x93: {  	s5 =	sld [smem:$0x3FFB];
	_ =	sdelay $0x3  }
0x94: {  	_ =	strace s5  }
0x95: {  	s5 =	sld [smem:$0x3FFC];
	_ =	sdelay $0x3  }
0x96: {  	_ =	strace s5  }
0x97: {  	s5 =	sld [smem:$0x3FFD];
	_ =	sdelay $0x3  }
0x98: {  	_ =	strace s5  }
0x99: {  	_ =	strace $0x8FFFFFFF  }
0x9a: {  	s19 =	sld [smem:$0x3FDB];
	_ =	sdelay $0x1  }
0x9b: {  	s6 =	simm.s32 $_scs_section_size  }
0x9c: {  	s7 =	simm.s32 $_size__tile_overlayer_lowered;
	s8 =	simm.s32 $_tile_overlayer_lowered  }
0x9d: {  	s22 =	simm.s32 $0x1BFF;
	s21 =	sshll.u32 s8, $0x1;
	s5 =	sadd.s32 s6, s19  }
0x9e: {  	s9 =	simm.s32 $0x0;
	s20 =	sshll.u32 s7, $0x1;
	s7 =	sadd.s32 s21, s5  }
0x9f: {  	[timem:s9], [sflag:s22] =	dma.local [hbm:s7], s20  }
0xa0: {  	_ =	swait.ge [sflag:s22], s20  }
0xa1: {  	s6 =	ssub.s32 $0x0, s20;
	[sflag:s22] =	ssyncset.done $0x0  }
0xa2: {  	[sflag:s22] =	ssyncadd.s32 s6;
	_ =	sdelay $0x1  }
0xa3: {  	s23 =	simm.s32 $0x1B8B  }
0xa4: {  	_ =	swait.ge [sflag:s23], $0x1  }
0xa5: {  	[sflag:s23] =	ssyncset.done $0x0  }
0xa6: {  	s25 =	simm.s32 $0x1B8E;
	s24 =	sld [smem:$0x3FFE];
	[sflag:s23] =	ssyncadd.s32 $0xFFFFFFFF  }
0xa7: {  	s26 =	simm.s32 $execute0_lowered;
	[smem:$0x3FD2] =	sst s25  }
0xa8: {  	s7 =	sshll.u32 s26, $0x1;
	_ =	strace $0x80000046;
	[dreg:$0x1] =	wrdreg $0xFFFFFFFF  }
0xa9: {  	s28 =	simm.s32 $_size_execute0_lowered;
	s5 =	sadd.s32 s5, s7;
	[dreg:$0x0] =	wrdreg $0x0  }
0xaa: {  	s7 =	sshll.u32 s28, $0x1;
	[dreg:$0x2] =	wrdreg s5  }
0xab: {  	[dreg:$0x3] =	wrdreg s7  }
0xac: {  	[dreg:$0x4] =	wrdreg $0xC0  }
0xad: {  	_ =	task [dreg:s9], $0x5FFFF  }
0xae: {  	[dreg:$0x1] =	wrdreg $0xFFFFFFFF  }
0xaf: {  	[dreg:$0x0] =	wrdreg $0x60  }
0xb0: {  	[dreg:$0x2] =	wrdreg s2  }
0xb1: {  	[dreg:$0x3] =	wrdreg s24  }
0xb2: {  	[dreg:$0x4] =	wrdreg s18  }
0xb3: {  	[dreg:$0x5] =	wrdreg s4  }
0xb4: {  	[dreg:$0x6] =	wrdreg $0x9  }
0xb5: {  	_ =	task.clear_ibuf [dreg:s9], $0x7FFFF;
	_ =	strace $0x90000046  }
0xb6: {  	s29 =	simm.s32 $0x9;
	_ =	strace $0x80000048  }
0xb7: {  	_ =	swait.ge [sflag:s29], $0x1  }
0xb8: {  	[sflag:s29] =	ssyncadd.s32 $0xFFFFFFFF  }
0xb9: {  	_ =	strace $0x90000048  }
0xba: {  	_ =	sfence  }
0xbb: {  	s30 =	sld [smem:$0x0];
	_ =	sdelay $0x2  }
0xbc: {  	s31 =	sshll.u32 s1, $0xD;
	s1 =	sshrl.u32 s1, $0x2  }
0xbd: {  	s3 =	sand.u32 $0x4000, s31;
	s1 =	sadd.s32 s1, s30  }
0xbe: {  	s0 =	sor.u32 s3, s0;
	s1 =	sshll.u32 s1, $0x11  }
0xbf: {  	s0 =	sor.u32 s1, s0  }
0xc0: {  	s0 =	sadd.s32 $0x8F2B, s0  }
0xc1: {  	[sflag:s0] =	ssyncadd.remote.s32 $0x1  }
0xc2: {  	_ =	sfence.sel $0xFFFF  }
0xc3: {  	[dreg:$0x0] =	wrdreg $0xFFFFFFFF;
	(pc) =	sbr.abs _section_cstart, $3  }
0xc4: {  	[dreg:$0x1] =	wrdreg $0xFFFFFFFF  }
0xc5: {  	_ =	task.clear_ibuf [dreg:s9], $0x2FFFF;
	_ =	strace $0x9FFFFFFF  }
0xc6: {  	(tm) =	ssettm $0x7FFFFFFF  }
0xc7: {  	_ =	shalt  }
tec
execute0_lowered:
.L_overlay_start_1:
0x0: {  	(tag) =	ssettag $0x1  }
0x1: {  	s0 =	rddreg [dreg:$0x0]  }
0x2: {  	s2 =	rddreg [dreg:$0x1]  }
0x3: {  	s1 =	rddreg [dreg:$0x2]  }
0x4: {  	s6 =	rddreg [dreg:$0x3];
	s3 =	simm.s32 $0x0;
	s4 =	srdreg.scid  }
0x5: {  	s7 =	stileid.u32;
	s12 =	simm.s32 $0x4;
	s13 =	simm.s32 $0x80  }
0x6: {  	s15 =	simm.s32 $0x600;
	s17 =	simm.s32 $0x1600;
	s18 =	simm.s32 $0x3600  }
0x7: {  	s19 =	simm.s32 $0x1;
	s21 =	simm.s32 $0x7600;
	s23 =	simm.s32 $0x8600  }
0x8: {  	s24 =	simm.s32 $0xA600;
	s25 =	simm.s32 $0x2;
	s26 =	simm.s32 $0x3  }
0x9: {  	s14 =	simm.s32 $0x0;
	[smem:$0x7FF] =	sst s3;
	s5 =	sand.u32 $0x1, s4  }
0xa: {  	s7 =	sshll.u32 s7, $0x1;
	s4 =	sadd.s32 $0x600, s2;
	_ =	strace $0x80000047  }
0xb: {  	s8 =	ssub.s32 $0x2, s5;
	s7 =	sor.u32 s5, s7;
	s5 =	sadd.s32 $0x80600, s2  }
0xc: {  	s31 =	sshrl.u32 s8, $0x1;
	s9 =	sshll.u32 s7, $0xD;
	s7 =	sshll.u32 s7, $0x6  }
0xd: {  	s2 =	ssub.s32 s8, s31;
	s6 =	sadd.s32 s6, s9;
	s7 =	sadd.s32 s0, s7  }
0xe: {  	s0 =	simm.s32 $0x580;
	s8 =	sadd.s32 $0x800, s6;
	s9 =	sadd.s32 $0x1000, s6  }
0xf: {  	v0 =	vimm.s32 $0x0;
	s10 =	sadd.s32 $0x1800, s6;
	s11 =	smax.u32 s2, $0x1;
	s2 =	simm.s32 $0x180  }
.LBB2_1:
0x10: {  	[tilespmem:s3], [sflag:$0x4] =	stream.linear.gather [hbm4b:s7+s3], $0x200, $0x38;
	[tilespmem:$0xE600] =	vst v63  }
0x11: {  	_ =	swait.ge [sflag:s12], $0x200  }
0x12: {  	[sflag:s12] =	ssyncset.done $0x0  }
0x13: {  	[sflag:s12] =	ssyncadd.s32 $0xFFFFFE00  }
0x14: {  	v2 =	vld [tilespmem:$0x0];
	_ =	sdelay $0x1  }
0x15: {  	v4 =	vld [tilespmem:$0x10]  }
0x16: {  	v19 =	vld [tilespmem:$0x20]  }
0x17: {  	v23 =	vld [tilespmem:$0x30]  }
0x18: {  	v28 =	vld [tilespmem:$0x40];
	vm0 =	vgt.s32 v2, $0x7FFF;
	vm1 =	vgt.s32 v2, $0xFFFF  }
0x19: {  	v33 =	vld [tilespmem:$0x50];
	vm10 =	vgt.s32 v2, $0x17FFF;
	vm11 =	vgt.s32 v2, $0xDFFF;
	v5 =	vshll.u32 v2, $0x2  }
0x1a: {  	v38 =	vld [tilespmem:$0x60];
	vm12 =	vgt.s32 v4, $0x7FFF;
	vm13 =	vgt.s32 v4, $0xFFFF;
	vm14 =	vgt.s32 v4, $0x17FFF  }
0x1b: {  	vm15 =	vgt.s32 v4, $0xDFFF;
	v7 =	vshll.u32 v4, $0x2;
	vm4 =	vgt.s32 v19, $0x7FFF  }
0x1c: {  	vm5 =	vgt.s32 v19, $0xFFFF;
	vm6 =	vgt.s32 v19, $0x17FFF;
	vm7 =	vgt.s32 v19, $0xDFFF  }
0x1d: {  	v9 =	vshll.u32 v19, $0x2;
	vm8 =	vgt.s32 v23, $0x7FFF;
	vm9 =	vgt.s32 v23, $0xFFFF  }
0x1e: {  	v11 =	vshll.u32 v23, $0x2;
	v13 =	vshll.u32 v28, $0x2;
	v15 =	vshll.u32 v33, $0x2  }
0x1f: {  	v17 =	vshll.u32 v38, $0x2;
	v1 =	vsel vm0, $0x1, v0;
	v3 =	vsel vm1, $0x1, v0  }
0x20: {  	v6 =	vsel vm11, $0x7FFF2000, v0;
	v18 =	vsel vm12, $0x1, v0;
	v20 =	vsel vm14, $0x1, v0  }
0x21: {  	v21 =	vsel vm15, $0x1, v0;
	v8 =	vsel vm15, $0x7FFF2000, v0;
	v22 =	vsel vm4, $0x1, v0  }
0x22: {  	v24 =	vsel vm5, $0x1, v0;
	v25 =	vsel vm6, $0x1, v0;
	v26 =	vsel vm7, $0x1, v0  }
0x23: {  	v10 =	vsel vm7, $0x7FFF2000, v0;
	v27 =	vsel vm8, $0x1, v0;
	v29 =	vsel vm9, $0x1, v0  }
0x24: {  	vm12 =	vgt.s32 v28, $0x7FFF;
	vm14 =	vgt.s32 v28, $0x17FFF;
	vm15 =	vgt.s32 v28, $0xDFFF  }
0x25: {  	vm4 =	vgt.s32 v33, $0x7FFF;
	vm5 =	vgt.s32 v33, $0xFFFF;
	vm6 =	vgt.s32 v33, $0x17FFF  }
0x26: {  	vm7 =	vgt.s32 v33, $0xDFFF;
	vm8 =	vgt.s32 v38, $0x7FFF;
	vm9 =	vgt.s32 v38, $0xFFFF  }
0x27: {  	v43 =	vld [tilespmem:$0x70];
	v1 =	vadd.s32 v3, v1;
	v3 =	vsel vm10, $0x1, v0;
	v2 =	vadd.s32 v2, v6  }
0x28: {  	v4 =	vadd.s32 v4, v8;
	v6 =	vadd.s32 v19, v10;
	vm10 =	vgt.s32 v23, $0x17FFF  }
0x29: {  	v48 =	vld [tilespmem:$0x80];
	v32 =	vsel vm12, $0x1, v0;
	v35 =	vsel vm14, $0x1, v0;
	v36 =	vsel vm15, $0x1, v0  }
0x2a: {  	v53 =	vld [tilespmem:$0x90];
	v14 =	vsel vm15, $0x7FFF2000, v0;
	v37 =	vsel vm4, $0x1, v0;
	v39 =	vsel vm5, $0x1, v0  }
0x2b: {  	v40 =	vsel vm6, $0x1, v0;
	v41 =	vsel vm7, $0x1, v0;
	v16 =	vsel vm7, $0x7FFF2000, v0  }
0x2c: {  	v42 =	vsel vm8, $0x1, v0;
	v44 =	vsel vm9, $0x1, v0;
	vm12 =	vgt.s32 v43, $0x7FFF  }
0x2d: {  	vm14 =	vgt.s32 v43, $0x17FFF;
	vm15 =	vgt.s32 v43, $0xDFFF;
	v19 =	vshll.u32 v43, $0x2  }
0x2e: {  	vm4 =	vgt.s32 v48, $0x7FFF;
	vm5 =	vgt.s32 v48, $0xFFFF;
	vm6 =	vgt.s32 v48, $0x17FFF  }
0x2f: {  	vm7 =	vgt.s32 v48, $0xDFFF;
	vm8 =	vgt.s32 v53, $0x7FFF;
	vm9 =	vgt.s32 v53, $0xFFFF  }
0x30: {  	v58 =	vld [tilespmem:$0xA0];
	v1 =	vadd.s32 v3, v1;
	v3 =	vsel vm11, $0x1, v0;
	v2 =	vshll.u32 v2, $0x1  }
0x31: {  	v63 =	vld [tilespmem:$0xB0];
	v4 =	vshll.u32 v4, $0x1;
	v6 =	vshll.u32 v6, $0x1;
	v30 =	vsel vm10, $0x1, v0  }
0x32: {  	vm11 =	vgt.s32 v23, $0xDFFF;
	v10 =	vadd.s32 v28, v14;
	vm10 =	vgt.s32 v38, $0x17FFF  }
0x33: {  	v47 =	vsel vm12, $0x1, v0;
	v50 =	vsel vm14, $0x1, v0;
	v51 =	vsel vm15, $0x1, v0  }
0x34: {  	v52 =	vsel vm4, $0x1, v0;
	v54 =	vsel vm5, $0x1, v0;
	v55 =	vsel vm6, $0x1, v0  }
0x35: {  	v56 =	vsel vm7, $0x1, v0;
	v57 =	vsel vm8, $0x1, v0;
	v59 =	vsel vm9, $0x1, v0  }
0x36: {  	vm12 =	vgt.s32 v58, $0x7FFF;
	vm14 =	vgt.s32 v58, $0x17FFF;
	vm4 =	vgt.s32 v63, $0x7FFF  }
0x37: {  	vm5 =	vgt.s32 v63, $0xFFFF;
	vm6 =	vgt.s32 v63, $0x17FFF;
	v5 =	vadd.s32 v5, v1  }
0x38: {  	v1 =	vshll.u32 v1, $0x11;
	v2 =	vor.u32 v3, v2;
	v3 =	vsel vm13, $0x1, v0  }
0x39: {  	v4 =	vor.u32 v21, v4;
	v6 =	vor.u32 v26, v6;
	v31 =	vsel vm11, $0x1, v0  }
0x3a: {  	v12 =	vsel vm11, $0x7FFF2000, v0;
	vm13 =	vgt.s32 v28, $0xFFFF;
	v10 =	vshll.u32 v10, $0x1  }
0x3b: {  	v45 =	vsel vm10, $0x1, v0;
	vm11 =	vgt.s32 v38, $0xDFFF;
	v21 =	vshll.u32 v48, $0x2  }
0x3c: {  	vm10 =	vgt.s32 v53, $0x17FFF;
	v62 =	vsel vm12, $0x1, v0;
	v1 =	vsub.s32 v5, v1  }
0x3d: {  	v3 =	vadd.s32 v3, v18;
	v5 =	vadd.s32 v24, v22;
	v8 =	vadd.s32 v23, v12  }
0x3e: {  	v34 =	vsel vm13, $0x1, v0;
	v10 =	vor.u32 v36, v10;
	v12 =	vadd.s32 v33, v16  }
0x3f: {  	v46 =	vsel vm11, $0x1, v0;
	v18 =	vsel vm11, $0x7FFF2000, v0;
	vm13 =	vgt.s32 v43, $0xFFFF  }
0x40: {  	v22 =	vsel vm7, $0x7FFF2000, v0;
	v60 =	vsel vm10, $0x1, v0;
	vm11 =	vgt.s32 v53, $0xDFFF  }
0x41: {  	v23 =	vshll.u32 v53, $0x2;
	vm7 =	vgt.s32 v63, $0xDFFF;
	v3 =	vadd.s32 v20, v3  }
0x42: {  	v5 =	vadd.s32 v25, v5;
	v8 =	vshll.u32 v8, $0x1;
	v12 =	vshll.u32 v12, $0x1  }
0x43: {  	v14 =	vadd.s32 v38, v18;
	v49 =	vsel vm13, $0x1, v0;
	v20 =	vsel vm15, $0x7FFF2000, v0  }
0x44: {  	v18 =	vadd.s32 v48, v22;
	v61 =	vsel vm11, $0x1, v0;
	v24 =	vsel vm11, $0x7FFF2000, v0  }
0x45: {  	vm13 =	vgt.s32 v58, $0xFFFF;
	vm15 =	vgt.s32 v58, $0xDFFF;
	v25 =	vshll.u32 v58, $0x2  }
0x46: {  	v36 =	vsel vm7, $0x1, v0;
	v28 =	vsel vm7, $0x7FFF2000, v0;
	v7 =	vadd.s32 v7, v3  }
0x47: {  	v3 =	vshll.u32 v3, $0x11;
	v9 =	vadd.s32 v9, v5;
	v5 =	vshll.u32 v5, $0x11  }
0x48: {  	v8 =	vor.u32 v31, v8;
	v12 =	vor.u32 v41, v12;
	v14 =	vshll.u32 v14, $0x1  }
0x49: {  	v16 =	vadd.s32 v43, v20;
	v18 =	vshll.u32 v18, $0x1;
	v20 =	vadd.s32 v53, v24  }
0x4a: {  	v31 =	vsel vm15, $0x1, v0;
	v26 =	vsel vm15, $0x7FFF2000, v0;
	v24 =	vadd.s32 v63, v28  }
0x4b: {  	v3 =	vsub.s32 v7, v3;
	v5 =	vsub.s32 v9, v5;
	v7 =	vadd.s32 v29, v27  }
0x4c: {  	v9 =	vadd.s32 v34, v32;
	v14 =	vor.u32 v46, v14;
	v16 =	vshll.u32 v16, $0x1  }
0x4d: {  	v18 =	vor.u32 v56, v18;
	v20 =	vshll.u32 v20, $0x1;
	v29 =	vsel vm13, $0x1, v0  }
0x4e: {  	v22 =	vadd.s32 v58, v26;
	v32 =	vsel vm4, $0x1, v0;
	v34 =	vsel vm5, $0x1, v0  }
0x4f: {  	v33 =	vld [tilespmem:$0xC0];
	v27 =	vshll.u32 v63, $0x2;
	v24 =	vshll.u32 v24, $0x1;
	v7 =	vadd.s32 v30, v7  }
0x50: {  	v9 =	vadd.s32 v35, v9;
	v16 =	vor.u32 v51, v16;
	v20 =	vor.u32 v61, v20  }
0x51: {  	v30 =	vsel vm14, $0x1, v0;
	v22 =	vshll.u32 v22, $0x1;
	v35 =	vsel vm6, $0x1, v0  }
0x52: {  	v38 =	vld [tilespmem:$0xD0];
	v24 =	vor.u32 v36, v24;
	v11 =	vadd.s32 v11, v7;
	v7 =	vshll.u32 v7, $0x11  }
0x53: {  	v13 =	vadd.s32 v13, v9;
	v9 =	vshll.u32 v9, $0x11;
	v22 =	vor.u32 v31, v22  }
0x54: {  	v48 =	vld [tilespmem:$0xF0];
	vm8 =	vgt.s32 v33, $0x7FFF;
	vm9 =	vgt.s32 v33, $0xFFFF;
	vm10 =	vgt.s32 v33, $0x17FFF  }
0x55: {  	vm11 =	vgt.s32 v33, $0xDFFF;
	v7 =	vsub.s32 v11, v7;
	v9 =	vsub.s32 v13, v9  }
0x56: {  	v11 =	vadd.s32 v39, v37;
	v13 =	vadd.s32 v44, v42;
	v37 =	vsel vm8, $0x1, v0  }
0x57: {  	v43 =	vld [tilespmem:$0xE0];
	v39 =	vsel vm9, $0x1, v0;
	v41 =	vsel vm11, $0x1, v0;
	vm12 =	vgt.s32 v38, $0x7FFF  }
0x58: {  	vm13 =	vgt.s32 v38, $0xFFFF;
	vm14 =	vgt.s32 v38, $0x17FFF;
	vm15 =	vgt.s32 v38, $0xDFFF  }
0x59: {  	v53 =	vld [tilespmem:$0x100];
	v31 =	vshll.u32 v38, $0x2;
	vm8 =	vgt.s32 v48, $0x7FFF;
	vm9 =	vgt.s32 v48, $0xFFFF  }
0x5a: {  	v11 =	vadd.s32 v40, v11;
	v13 =	vadd.s32 v45, v13;
	v40 =	vsel vm10, $0x1, v0  }
0x5b: {  	v42 =	vsel vm12, $0x1, v0;
	v44 =	vsel vm13, $0x1, v0;
	v45 =	vsel vm14, $0x1, v0  }
0x5c: {  	v46 =	vsel vm15, $0x1, v0;
	vm4 =	vgt.s32 v43, $0x7FFF;
	vm5 =	vgt.s32 v43, $0xFFFF  }
0x5d: {  	vm6 =	vgt.s32 v43, $0x17FFF;
	vm7 =	vgt.s32 v43, $0xDFFF;
	vm10 =	vgt.s32 v48, $0x17FFF  }
0x5e: {  	v58 =	vld [tilespmem:$0x110];
	vm12 =	vgt.s32 v53, $0x7FFF;
	vm13 =	vgt.s32 v53, $0xFFFF;
	vm14 =	vgt.s32 v53, $0x17FFF  }
0x5f: {  	v63 =	vld [tilespmem:$0x120];
	v15 =	vadd.s32 v15, v11;
	v11 =	vshll.u32 v11, $0x11;
	v17 =	vadd.s32 v17, v13  }
0x60: {  	v13 =	vshll.u32 v13, $0x11;
	v51 =	vsel vm7, $0x1, v0;
	v11 =	vsub.s32 v15, v11  }
0x61: {  	v13 =	vsub.s32 v17, v13;
	v15 =	vadd.s32 v49, v47;
	v17 =	vadd.s32 v54, v52  }
0x62: {  	v47 =	vsel vm4, $0x1, v0;
	v49 =	vsel vm5, $0x1, v0;
	v52 =	vsel vm8, $0x1, v0  }
0x63: {  	v54 =	vsel vm9, $0x1, v0;
	vm4 =	vgt.s32 v58, $0x7FFF;
	vm5 =	vgt.s32 v58, $0xFFFF  }
0x64: {  	vm8 =	vgt.s32 v63, $0x7FFF;
	vm9 =	vgt.s32 v63, $0xFFFF;
	v15 =	vadd.s32 v50, v15  }
0x65: {  	v17 =	vadd.s32 v55, v17;
	v50 =	vsel vm6, $0x1, v0;
	v55 =	vsel vm10, $0x1, v0  }
0x66: {  	vm6 =	vgt.s32 v58, $0x17FFF;
	vm10 =	vgt.s32 v63, $0x17FFF;
	v19 =	vadd.s32 v19, v15  }
0x67: {  	v15 =	vshll.u32 v15, $0x11;
	v21 =	vadd.s32 v21, v17;
	v17 =	vshll.u32 v17, $0x11  }
0x68: {  	v15 =	vsub.s32 v19, v15;
	v17 =	vsub.s32 v21, v17;
	v19 =	vadd.s32 v59, v57  }
0x69: {  	v21 =	vadd.s32 v29, v62;
	v29 =	vshll.u32 v33, $0x2;
	v57 =	vsel vm12, $0x1, v0  }
0x6a: {  	v59 =	vsel vm13, $0x1, v0;
	v62 =	vsel vm4, $0x1, v0;
	v19 =	vadd.s32 v60, v19  }
0x6b: {  	v21 =	vadd.s32 v30, v21;
	v30 =	vsel vm11, $0x7FFF2000, v0;
	vm11 =	vgt.s32 v48, $0xDFFF  }
0x6c: {  	v60 =	vsel vm14, $0x1, v0;
	v23 =	vadd.s32 v23, v19;
	v19 =	vshll.u32 v19, $0x11  }
0x6d: {  	v25 =	vadd.s32 v25, v21;
	v21 =	vshll.u32 v21, $0x11;
	v26 =	vadd.s32 v33, v30  }
0x6e: {  	v33 =	vshll.u32 v43, $0x2;
	v56 =	vsel vm11, $0x1, v0;
	v36 =	vsel vm11, $0x7FFF2000, v0  }
0x6f: {  	vm11 =	vgt.s32 v63, $0xDFFF;
	v19 =	vsub.s32 v23, v19;
	v21 =	vsub.s32 v25, v21  }
0x70: {  	v23 =	vadd.s32 v34, v32;
	v25 =	vadd.s32 v39, v37;
	v26 =	vshll.u32 v26, $0x1  }
0x71: {  	v32 =	vsel vm15, $0x7FFF2000, v0;
	v34 =	vsel vm7, $0x7FFF2000, v0;
	vm15 =	vgt.s32 v53, $0xDFFF  }
0x72: {  	v37 =	vshll.u32 v53, $0x2;
	vm7 =	vgt.s32 v58, $0xDFFF;
	v39 =	vshll.u32 v58, $0x2  }
0x73: {  	v23 =	vadd.s32 v35, v23;
	v25 =	vadd.s32 v40, v25;
	v26 =	vor.u32 v41, v26  }
0x74: {  	v28 =	vadd.s32 v38, v32;
	v30 =	vadd.s32 v43, v34;
	v35 =	vshll.u32 v48, $0x2  }
0x75: {  	v32 =	vadd.s32 v48, v36;
	v61 =	vsel vm15, $0x1, v0;
	v38 =	vsel vm15, $0x7FFF2000, v0  }
0x76: {  	v40 =	vsel vm7, $0x7FFF2000, v0;
	v48 =	vsel vm8, $0x1, v0;
	v41 =	vshll.u32 v63, $0x2  }
0x77: {  	v27 =	vadd.s32 v27, v23;
	v23 =	vshll.u32 v23, $0x11;
	v29 =	vadd.s32 v29, v25  }
0x78: {  	v25 =	vshll.u32 v25, $0x11;
	v28 =	vshll.u32 v28, $0x1;
	v30 =	vshll.u32 v30, $0x1  }
0x79: {  	v32 =	vshll.u32 v32, $0x1;
	v34 =	vadd.s32 v53, v38;
	v36 =	vadd.s32 v58, v40  }
0x7a: {  	v23 =	vsub.s32 v27, v23;
	v25 =	vsub.s32 v29, v25;
	v27 =	vadd.s32 v44, v42  }
0x7b: {  	v28 =	vor.u32 v46, v28;
	v29 =	vadd.s32 v49, v47;
	v30 =	vor.u32 v51, v30  }
0x7c: {  	v32 =	vor.u32 v56, v32;
	v34 =	vshll.u32 v34, $0x1;
	v46 =	vsel vm6, $0x1, v0  }
0x7d: {  	v47 =	vsel vm7, $0x1, v0;
	v36 =	vshll.u32 v36, $0x1;
	v51 =	vsel vm10, $0x1, v0  }
0x7e: {  	v42 =	vsel vm11, $0x7FFF2000, v0;
	v27 =	vadd.s32 v45, v27;
	v29 =	vadd.s32 v50, v29  }
0x7f: {  	v34 =	vor.u32 v61, v34;
	v45 =	vsel vm5, $0x1, v0;
	v36 =	vor.u32 v47, v36  }
0x80: {  	v50 =	vsel vm9, $0x1, v0;
	v38 =	vadd.s32 v63, v42;
	v31 =	vadd.s32 v31, v27  }
0x81: {  	v49 =	vld [tilespmem:$0x130];
	v27 =	vshll.u32 v27, $0x11;
	v33 =	vadd.s32 v33, v29;
	v29 =	vshll.u32 v29, $0x11  }
0x82: {  	v38 =	vshll.u32 v38, $0x1;
	v27 =	vsub.s32 v31, v27;
	v29 =	vsub.s32 v33, v29  }
0x83: {  	v31 =	vadd.s32 v54, v52;
	v33 =	vadd.s32 v59, v57;
	v52 =	vsel vm11, $0x1, v0  }
0x84: {  	v31 =	vadd.s32 v55, v31;
	v33 =	vadd.s32 v60, v33;
	v38 =	vor.u32 v52, v38  }
0x85: {  	v35 =	vadd.s32 v35, v31;
	v31 =	vshll.u32 v31, $0x11;
	v37 =	vadd.s32 v37, v33  }
0x86: {  	v63 =	vld [tilespmem:$0x160];
	v33 =	vshll.u32 v33, $0x11;
	vm12 =	vgt.s32 v49, $0x7FFF;
	vm13 =	vgt.s32 v49, $0xFFFF  }
0x87: {  	vm14 =	vgt.s32 v49, $0x17FFF;
	vm15 =	vgt.s32 v49, $0xDFFF;
	v43 =	vshll.u32 v49, $0x2  }
0x88: {  	v31 =	vsub.s32 v35, v31;
	v33 =	vsub.s32 v37, v33;
	v35 =	vadd.s32 v45, v62  }
0x89: {  	v54 =	vld [tilespmem:$0x140];
	v37 =	vadd.s32 v50, v48;
	v53 =	vsel vm12, $0x1, v0;
	v55 =	vsel vm13, $0x1, v0  }
0x8a: {  	v56 =	vsel vm14, $0x1, v0;
	v57 =	vsel vm15, $0x1, v0;
	v44 =	vsel vm15, $0x7FFF2000, v0  }
0x8b: {  	v59 =	vld [tilespmem:$0x150];
	vm12 =	vgt.s32 v63, $0x7FFF;
	vm13 =	vgt.s32 v63, $0xFFFF;
	vm14 =	vgt.s32 v63, $0x17FFF  }
0x8c: {  	vm15 =	vgt.s32 v63, $0xDFFF;
	v35 =	vadd.s32 v46, v35;
	v37 =	vadd.s32 v51, v37  }
0x8d: {  	v40 =	vadd.s32 v49, v44;
	v39 =	vadd.s32 v39, v35;
	v35 =	vshll.u32 v35, $0x11  }
0x8e: {  	v41 =	vadd.s32 v41, v37;
	v37 =	vshll.u32 v37, $0x11;
	vm4 =	vgt.s32 v54, $0x7FFF  }
0x8f: {  	v40 =	vshll.u32 v40, $0x1;
	vm5 =	vgt.s32 v54, $0xFFFF;
	vm6 =	vgt.s32 v54, $0x17FFF  }
0x90: {  	vm7 =	vgt.s32 v54, $0xDFFF;
	v45 =	vshll.u32 v54, $0x2;
	vm8 =	vgt.s32 v59, $0x7FFF  }
0x91: {  	vm9 =	vgt.s32 v59, $0xFFFF;
	vm10 =	vgt.s32 v59, $0x17FFF;
	vm11 =	vgt.s32 v59, $0xDFFF  }
0x92: {  	v47 =	vshll.u32 v59, $0x2;
	v35 =	vsub.s32 v39, v35;
	v37 =	vsub.s32 v41, v37  }
0x93: {  	v39 =	vadd.s32 v55, v53;
	v58 =	vsel vm4, $0x1, v0;
	v40 =	vor.u32 v57, v40  }
0x94: {  	v60 =	vsel vm5, $0x1, v0;
	v61 =	vsel vm6, $0x1, v0;
	v62 =	vsel vm7, $0x1, v0  }
0x95: {  	v46 =	vsel vm7, $0x7FFF2000, v0;
	v49 =	vsel vm8, $0x1, v0;
	v50 =	vsel vm9, $0x1, v0  }
0x96: {  	v48 =	vld [tilespmem:$0x170];
	v51 =	vsel vm10, $0x1, v0;
	v52 =	vsel vm11, $0x1, v0;
	v53 =	vsel vm11, $0x7FFF2000, v0  }
0x97: {  	v55 =	vsel vm14, $0x1, v0;
	v57 =	vsel vm15, $0x7FFF2000, v0;
	v39 =	vadd.s32 v56, v39  }
0x98: {  	v41 =	vadd.s32 v60, v58;
	v42 =	vadd.s32 v54, v46;
	v54 =	vsel vm12, $0x1, v0  }
0x99: {  	[tilespmem:$0x210] =	vst v3;
	v3 =	vadd.s32 v59, v53;
	v56 =	vshll.u32 v63, $0x2;
	v58 =	vsel vm15, $0x1, v0  }
0x9a: {  	v43 =	vadd.s32 v43, v39;
	v39 =	vshll.u32 v39, $0x11;
	v41 =	vadd.s32 v61, v41  }
0x9b: {  	[tilespmem:$0x400] =	vst v2;
	v42 =	vshll.u32 v42, $0x1;
	v3 =	vshll.u32 v3, $0x1;
	vm4 =	vgt.s32 v48, $0x7FFF  }
0x9c: {  	[tilespmem:$0x450] =	vst v12;
	vm5 =	vgt.s32 v48, $0xFFFF;
	vm6 =	vgt.s32 v48, $0x17FFF;
	vm7 =	vgt.s32 v48, $0xDFFF  }
0x9d: {  	[tilespmem:$0x4E0] =	vst v30;
	v30 =	vld [tilespmem:$0x1D0];
	v12 =	vshll.u32 v48, $0x2;
	v39 =	vsub.s32 v43, v39;
	v45 =	vadd.s32 v45, v41  }
0x9e: {  	[tilespmem:$0x200] =	vst v1;
	v41 =	vshll.u32 v41, $0x11;
	v42 =	vor.u32 v62, v42;
	v43 =	vadd.s32 v50, v49  }
0x9f: {  	[tilespmem:$0x220] =	vst v5;
	v59 =	vld [tilespmem:$0x180];
	v3 =	vor.u32 v52, v3;
	v60 =	vsel vm4, $0x1, v0;
	v61 =	vsel vm5, $0x1, v0  }
0xa0: {  	[tilespmem:$0x260] =	vst v13;
	v62 =	vsel vm6, $0x1, v0;
	v13 =	vsel vm7, $0x7FFF2000, v0;
	v41 =	vsub.s32 v45, v41  }
0xa1: {  	[tilespmem:$0x240] =	vst v9;
	v43 =	vadd.s32 v51, v43;
	v5 =	vadd.s32 v61, v60;
	v9 =	vadd.s32 v48, v13  }
0xa2: {  	[tilespmem:$0x330] =	vst v39;
	v39 =	vshll.u32 v30, $0x2;
	v1 =	vadd.s32 v47, v43;
	v2 =	vshll.u32 v43, $0x11  }
0xa3: {  	[tilespmem:$0x410] =	vst v4;
	v5 =	vadd.s32 v62, v5;
	v9 =	vshll.u32 v9, $0x1;
	v1 =	vsub.s32 v1, v2  }
0xa4: {  	[tilespmem:$0x430] =	vst v8;
	v2 =	vsel vm13, $0x1, v0;
	v8 =	vadd.s32 v12, v5;
	vm8 =	vgt.s32 v59, $0x7FFF  }
0xa5: {  	[tilespmem:$0x420] =	vst v6;
	v5 =	vshll.u32 v5, $0x11;
	vm9 =	vgt.s32 v59, $0xFFFF;
	vm10 =	vgt.s32 v59, $0x17FFF  }
0xa6: {  	[tilespmem:$0x460] =	vst v14;
	v48 =	vld [tilespmem:$0x1A0];
	v45 =	vshll.u32 v59, $0x2;
	vm11 =	vgt.s32 v59, $0xDFFF;
	v2 =	vadd.s32 v2, v54  }
0xa7: {  	[tilespmem:$0x270] =	vst v15;
	v14 =	vsel vm8, $0x1, v0;
	v5 =	vsub.s32 v8, v5;
	v15 =	vsel vm9, $0x1, v0  }
0xa8: {  	[tilespmem:$0x440] =	vst v10;
	v44 =	vsel vm10, $0x1, v0;
	v46 =	vsel vm11, $0x7FFF2000, v0;
	v47 =	vsel vm11, $0x1, v0  }
0xa9: {  	[tilespmem:$0x480] =	vst v18;
	v43 =	vld [tilespmem:$0x190];
	v2 =	vadd.s32 v55, v2;
	v8 =	vadd.s32 v15, v14;
	v6 =	vadd.s32 v59, v46  }
0xaa: {  	[tilespmem:$0x470] =	vst v16;
	v4 =	vadd.s32 v56, v2;
	v2 =	vshll.u32 v2, $0x11;
	v8 =	vadd.s32 v44, v8  }
0xab: {  	[tilespmem:$0x490] =	vst v20;
	v6 =	vshll.u32 v6, $0x1;
	vm4 =	vgt.s32 v48, $0x7FFF;
	vm5 =	vgt.s32 v48, $0xFFFF  }
0xac: {  	[tilespmem:$0x4B0] =	vst v24;
	vm6 =	vgt.s32 v48, $0x17FFF;
	v59 =	vshll.u32 v48, $0x2;
	v2 =	vsub.s32 v4, v2  }
0xad: {  	[tilespmem:$0x310] =	vst v35;
	v35 =	vld [tilespmem:$0x1E0];
	v4 =	vadd.s32 v63, v57;
	v63 =	vsel vm7, $0x1, v0;
	v10 =	vadd.s32 v45, v8  }
0xae: {  	[tilespmem:$0x4A0] =	vst v22;
	v8 =	vshll.u32 v8, $0x11;
	vm12 =	vgt.s32 v43, $0x7FFF;
	vm13 =	vgt.s32 v43, $0xFFFF  }
0xaf: {  	[tilespmem:$0x230] =	vst v7;
	v6 =	vor.u32 v47, v6;
	vm14 =	vgt.s32 v43, $0x17FFF;
	vm15 =	vgt.s32 v43, $0xDFFF  }
0xb0: {  	[tilespmem:$0x250] =	vst v11;
	v53 =	vshll.u32 v43, $0x2;
	v55 =	vsel vm4, $0x1, v0;
	v56 =	vsel vm5, $0x1, v0  }
0xb1: {  	[tilespmem:$0x280] =	vst v17;
	vm7 =	vgt.s32 v48, $0xDFFF;
	vm4 =	vgt.s32 v30, $0x7FFF;
	vm5 =	vgt.s32 v30, $0xFFFF  }
0xb2: {  	[tilespmem:$0x290] =	vst v19;
	v45 =	vshll.u32 v35, $0x2;
	v4 =	vshll.u32 v4, $0x1;
	v7 =	vor.u32 v63, v9  }
0xb3: {  	[tilespmem:$0x2A0] =	vst v21;
	v8 =	vsub.s32 v10, v8;
	v49 =	vsel vm12, $0x1, v0;
	v50 =	vsel vm13, $0x1, v0  }
0xb4: {  	[tilespmem:$0x4C0] =	vst v26;
	v51 =	vsel vm14, $0x1, v0;
	v52 =	vsel vm15, $0x1, v0;
	v54 =	vsel vm15, $0x7FFF2000, v0  }
0xb5: {  	[tilespmem:$0x510] =	vst v36;
	v61 =	vsel vm7, $0x7FFF2000, v0;
	v62 =	vsel vm7, $0x1, v0;
	v36 =	vsel vm4, $0x1, v0  }
0xb6: {  	[tilespmem:$0x2B0] =	vst v23;
	vm7 =	vgt.s32 v30, $0xDFFF;
	v4 =	vor.u32 v58, v4;
	v10 =	vadd.s32 v50, v49  }
0xb7: {  	[tilespmem:$0x520] =	vst v38;
	v11 =	vadd.s32 v43, v54;
	v58 =	vsel vm6, $0x1, v0;
	v9 =	vadd.s32 v48, v61  }
0xb8: {  	[tilespmem:$0x530] =	vst v40;
	v57 =	vld [tilespmem:$0x1B0];
	vm6 =	vgt.s32 v30, $0x17FFF;
	v38 =	vsel vm7, $0x1, v0;
	v40 =	vsel vm7, $0x7FFF2000, v0  }
0xb9: {  	[tilespmem:$0x320] =	vst v37;
	v10 =	vadd.s32 v51, v10;
	v11 =	vshll.u32 v11, $0x1;
	v9 =	vshll.u32 v9, $0x1  }
0xba: {  	[tilespmem:$0x570] =	vst v7;
	v37 =	vsel vm6, $0x1, v0;
	v7 =	vadd.s32 v30, v40;
	v13 =	vadd.s32 v53, v10  }
0xbb: {  	[tilespmem:$0x2C0] =	vst v25;
	v10 =	vshll.u32 v10, $0x11;
	v11 =	vor.u32 v52, v11;
	v9 =	vor.u32 v62, v9  }
0xbc: {  	[tilespmem:$0x4D0] =	vst v28;
	v63 =	vld [tilespmem:$0x1C0];
	v7 =	vshll.u32 v7, $0x1;
	v10 =	vsub.s32 v13, v10;
	v13 =	vadd.s32 v56, v55  }
0xbd: {  	[tilespmem:$0x4F0] =	vst v32;
	vm8 =	vgt.s32 v57, $0x7FFF;
	vm9 =	vgt.s32 v57, $0xFFFF;
	vm10 =	vgt.s32 v57, $0x17FFF  }
0xbe: {  	[tilespmem:$0x560] =	vst v4;
	vm11 =	vgt.s32 v57, $0xDFFF;
	v26 =	vshll.u32 v57, $0x2;
	v4 =	vor.u32 v38, v7  }
0xbf: {  	[tilespmem:$0x500] =	vst v34;
	v13 =	vadd.s32 v58, v13;
	v22 =	vsel vm8, $0x1, v0;
	v23 =	vsel vm9, $0x1, v0  }
0xc0: {  	[tilespmem:$0x2D0] =	vst v27;
	v24 =	vsel vm10, $0x1, v0;
	v25 =	vsel vm11, $0x1, v0;
	v27 =	vsel vm11, $0x7FFF2000, v0  }
0xc1: {  	[tilespmem:$0x2E0] =	vst v29;
	vm12 =	vgt.s32 v63, $0x7FFF;
	vm13 =	vgt.s32 v63, $0xFFFF;
	vm14 =	vgt.s32 v63, $0x17FFF  }
0xc2: {  	[tilespmem:$0x2F0] =	vst v31;
	v32 =	vshll.u32 v63, $0x2;
	vm15 =	vgt.s32 v63, $0xDFFF;
	vm8 =	vgt.s32 v35, $0x7FFF  }
0xc3: {  	[tilespmem:$0x300] =	vst v33;
	v43 =	vld [tilespmem:$0x1F0];
	vm9 =	vgt.s32 v35, $0xFFFF;
	vm10 =	vgt.s32 v35, $0x17FFF;
	vm11 =	vgt.s32 v35, $0xDFFF  }
0xc4: {  	[tilespmem:$0x540] =	vst v42;
	v14 =	vadd.s32 v59, v13;
	v13 =	vshll.u32 v13, $0x11;
	v28 =	vsel vm12, $0x1, v0  }
0xc5: {  	[tilespmem:$0x550] =	vst v3;
	v29 =	vsel vm13, $0x1, v0;
	v16 =	vadd.s32 v57, v27;
	v31 =	vsel vm14, $0x1, v0  }
0xc6: {  	[tilespmem:$0x340] =	vst v41;
	v34 =	vsel vm15, $0x7FFF2000, v0;
	v3 =	vsel vm15, $0x1, v0;
	v41 =	vsel vm8, $0x1, v0  }
0xc7: {  	[tilespmem:$0x350] =	vst v1;
	v42 =	vsel vm9, $0x1, v0;
	v44 =	vsel vm10, $0x1, v0;
	v46 =	vsel vm11, $0x7FFF2000, v0  }
0xc8: {  	[tilespmem:$0x370] =	vst v5;
	v47 =	vsel vm11, $0x1, v0;
	vm12 =	vgt.s32 v43, $0x7FFF;
	vm13 =	vgt.s32 v43, $0xFFFF  }
0xc9: {  	[tilespmem:$0x360] =	vst v2;
	vm14 =	vgt.s32 v43, $0x17FFF;
	vm15 =	vgt.s32 v43, $0xDFFF;
	v60 =	vsub.s32 v14, v13  }
0xca: {  	[tilespmem:$0x580] =	vst v6;
	v14 =	vadd.s32 v23, v22;
	v16 =	vshll.u32 v16, $0x1;
	v13 =	vadd.s32 v63, v34  }
0xcb: {  	[tilespmem:$0x380] =	vst v8;
	v48 =	vsel vm12, $0x1, v0;
	v49 =	vsel vm15, $0x7FFF2000, v0;
	v14 =	vadd.s32 v24, v14  }
0xcc: {  	[tilespmem:$0x5D0] =	vst v4;
	v1 =	vor.u32 v25, v16;
	v2 =	vshll.u32 v13, $0x1;
	v4 =	vadd.s32 v43, v49  }
0xcd: {  	[tilespmem:$0x590] =	vst v11;
	v17 =	vadd.s32 v26, v14;
	v14 =	vshll.u32 v14, $0x11;
	v2 =	vor.u32 v3, v2  }
0xce: {  	v3 =	vsel vm5, $0x1, v0;
	[tilespmem:$0x5B0] =	vst v1;
	v1 =	vadd.s32 v35, v46;
	v14 =	vsub.s32 v17, v14  }
0xcf: {  	[tilespmem:$0x5A0] =	vst v9;
	v17 =	vadd.s32 v29, v28;
	v3 =	vadd.s32 v3, v36;
	v1 =	vshll.u32 v1, $0x1  }
0xd0: {  	[tilespmem:$0x5C0] =	vst v2;
	v2 =	vsel vm13, $0x1, v0;
	v17 =	vadd.s32 v31, v17;
	v3 =	vadd.s32 v37, v3  }
0xd1: {  	[tilespmem:$0x390] =	vst v10;
	v1 =	vor.u32 v47, v1;
	v5 =	vadd.s32 v39, v3;
	v3 =	vshll.u32 v3, $0x11  }
0xd2: {  	[tilespmem:$0x3A0] =	vst v60;
	v2 =	vadd.s32 v2, v48;
	v3 =	vsub.s32 v5, v3;
	v5 =	vadd.s32 v42, v41  }
0xd3: {  	[tilespmem:$0x3B0] =	vst v14;
	v18 =	vadd.s32 v32, v17;
	v17 =	vshll.u32 v17, $0x11;
	v5 =	vadd.s32 v44, v5  }
0xd4: {  	v33 =	vsub.s32 v18, v17;
	[tilespmem:$0x3D0] =	vst v3;
	v3 =	vsel vm14, $0x1, v0;
	v6 =	vadd.s32 v45, v5  }
0xd5: {  	[tilespmem:$0x5E0] =	vst v1;
	v5 =	vshll.u32 v5, $0x11;
	v2 =	vadd.s32 v3, v2;
	v3 =	vshll.u32 v43, $0x2  }
0xd6: {  	[tilespmem:$0x3C0] =	vst v33;
	v5 =	vsub.s32 v6, v5;
	v3 =	vadd.s32 v3, v2;
	v2 =	vshll.u32 v2, $0x11  }
0xd7: {  	v1 =	vsel vm15, $0x1, v0;
	[tilespmem:$0x3E0] =	vst v5;
	v2 =	vsub.s32 v3, v2;
	v3 =	vshll.u32 v4, $0x1  }
0xd8: {  	[tilespmem:$0x3F0] =	vst v2;
	v1 =	vor.u32 v1, v3  }
0xd9: {  	s16 =	simm.s32 $0x200;
	[tilespmem:$0x5F0] =	vst v1  }
0xda: {  	[tilespmem:s15], [sflag:$0x1] =	stream.indirect.gather [hbm4b:s4+s13], $0x20, s16, s13, $0xb8;
	[tilespmem:$0xE600] =	vst v63  }
0xdb: {  	s22 =	simm.s32 $0x400  }
0xdc: {  	[tilespmem:s17], [sflag:$0x1] =	stream.indirect.gather [hbm4b:s5+s13], $0x40, s22, s13, $0xb8;
	[tilespmem:$0xE600] =	vst v63  }
0xdd: {  	_ = 	snop  }
0xde: {  	[tilespmem:s18], [sflag:$0x1] =	stream.indirect.gather [hbm4b:s1+s13], $0x80, s3, s13, $0xb8;
	[tilespmem:$0xE600] =	vst v63  }
0xdf: {  	_ =	swait.ge [sflag:s19], $0x1000  }
0xe0: {  	[sflag:s19] =	ssyncset.done $0x0  }
0xe1: {  	[sflag:s19] =	ssyncadd.s32 $0xFFFFF000  }
0xe2: {  	_ =	swait.ge [sflag:s19], $0x2000  }
0xe3: {  	[sflag:s19] =	ssyncset.done $0x0  }
0xe4: {  	[sflag:s19] =	ssyncadd.s32 $0xFFFFE000  }
0xe5: {  	_ =	swait.ge [sflag:s19], $0x4000  }
0xe6: {  	[sflag:s19] =	ssyncset.done $0x0  }
0xe7: {  	s30 =	simm.s32 $0x280;
	[sflag:s19] =	ssyncadd.s32 $0xFFFFC000  }
0xe8: {  	[tilespmem:s21], [sflag:$0x2] =	stream.indirect.gather [hbm4b:s4+s13], $0x20, s30, s13, $0xb8;
	[tilespmem:$0xE600] =	vst v63  }
0xe9: {  	s31 =	simm.s32 $0x480  }
0xea: {  	[tilespmem:s23], [sflag:$0x2] =	stream.indirect.gather [hbm4b:s5+s13], $0x40, s31, s13, $0xb8;
	[tilespmem:$0xE600] =	vst v63  }
0xeb: {  	s20 =	simm.s32 $0x3700  }
0xec: {  	[tilespmem:s24], [sflag:$0x2] =	stream.indirect.gather [hbm4b:s1+s13], $0x80, s13, s13, $0xb8;
	[tilespmem:$0xE600] =	vst v63  }
0xed: {  	s22 =	simm.s32 $0x0;
	v1 =	vld [tilespmem:s20+$0xFFFFFF00]  }
0xee: {  	v2 =	vld [tilespmem:s22+$0x600]  }
0xef: {  	s16 =	simm.s32 $0x1680  }
0xf0: {  	v3 =	vld [tilespmem:s16+$0xFFFFFF80];
	_ =	sdelay $0x2  }
0xf1: {  	v1 =	vadd.f32 v2, v1;
	_ =	sdelay $0x1  }
0xf2: {  	v1 =	vadd.f32 v3, v1;
	_ =	sdelay $0x1  }
0xf3: {  	v1 =	vmul.f32 $3.333333430e-01, v1;
	_ =	sdelay $0x1  }
0xf4: {  	[tilespmem:s20+$0xFFFFFF00] =	vst v1;
	v1 =	vld [tilespmem:s20+$0xFFFFFF10]  }
0xf5: {  	v2 =	vld [tilespmem:s22+$0x610];
	_ =	sdelay $0x1  }
0xf6: {  	v3 =	vld [tilespmem:s16+$0xFFFFFF90];
	_ =	sdelay $0x2  }
0xf7: {  	v1 =	vadd.f32 v2, v1;
	_ =	sdelay $0x1  }
0xf8: {  	v1 =	vadd.f32 v3, v1;
	_ =	sdelay $0x1  }
0xf9: {  	v1 =	vmul.f32 $3.333333430e-01, v1;
	_ =	sdelay $0x1  }
0xfa: {  	[tilespmem:s20+$0xFFFFFF10] =	vst v1;
	v1 =	vld [tilespmem:s20+$0xFFFFFF20]  }
0xfb: {  	v2 =	vld [tilespmem:s16+$0xFFFFFFA0];
	_ =	sdelay $0x4  }
0xfc: {  	v1 =	vadd.f32 v2, v1  }
0xfd: {  	v50 =	vld [tilespmem:s20+$0xFFFFFF60]  }
0xfe: {  	v52 =	vld [tilespmem:s20+$0xFFFFFF40];
	v1 =	vmul.f32 $3.333333430e-01, v1  }
0xff: {  	v3 =	vld [tilespmem:s20+$0xFFFFFF70]  }
0x100: {  	[tilespmem:s20+$0xFFFFFF20] =	vst v1;
	v1 =	vld [tilespmem:s20+$0xFFFFFF30]  }
0x101: {  	v51 =	vld [tilespmem:s16+$0xFFFFFFB0]  }
0x102: {  	v2 =	vld [tilespmem:s20+$0xFFFFFF50];
	_ =	sdelay $0x1  }
0x103: {  	v4 =	vmul.f32 $3.333333430e-01, v50  }
0x104: {  	v3 =	vmul.f32 $3.333333430e-01, v3  }
0x105: {  	v53 =	vmul.f32 $3.333333430e-01, v52;
	[tilespmem:s20+$0xFFFFFF60] =	vst v4;
	v1 =	vadd.f32 v51, v1  }
0x106: {  	v2 =	vmul.f32 $3.333333430e-01, v2;
	[tilespmem:s20+$0xFFFFFF70] =	vst v3  }
0x107: {  	[tilespmem:s20+$0xFFFFFF40] =	vst v53;
	v1 =	vmul.f32 $3.333333430e-01, v1  }
0x108: {  	[tilespmem:s20+$0xFFFFFF50] =	vst v2  }
0x109: {  	[tilespmem:s20+$0xFFFFFF30] =	vst v1;
	v1 =	vld [tilespmem:s20+$0xFFFFFF80]  }
0x10a: {  	v2 =	vld [tilespmem:s22+$0x620];
	_ =	sdelay $0x1  }
0x10b: {  	v3 =	vld [tilespmem:s16+$0xFFFFFFC0];
	_ =	sdelay $0x2  }
0x10c: {  	v1 =	vadd.f32 v2, v1;
	_ =	sdelay $0x1  }
0x10d: {  	v1 =	vadd.f32 v3, v1;
	_ =	sdelay $0x1  }
0x10e: {  	v1 =	vmul.f32 $3.333333430e-01, v1;
	_ =	sdelay $0x1  }
0x10f: {  	[tilespmem:s20+$0xFFFFFF80] =	vst v1;
	v1 =	vld [tilespmem:s20+$0xFFFFFF90]  }
0x110: {  	v2 =	vld [tilespmem:s22+$0x630];
	_ =	sdelay $0x1  }
0x111: {  	v3 =	vld [tilespmem:s16+$0xFFFFFFD0];
	_ =	sdelay $0x2  }
0x112: {  	v1 =	vadd.f32 v2, v1;
	_ =	sdelay $0x1  }
0x113: {  	v1 =	vadd.f32 v3, v1;
	_ =	sdelay $0x1  }
0x114: {  	v1 =	vmul.f32 $3.333333430e-01, v1;
	_ =	sdelay $0x1  }
0x115: {  	[tilespmem:s20+$0xFFFFFF90] =	vst v1;
	v1 =	vld [tilespmem:s20+$0xFFFFFFA0]  }
0x116: {  	v2 =	vld [tilespmem:s16+$0xFFFFFFE0];
	_ =	sdelay $0x4  }
0x117: {  	v1 =	vadd.f32 v2, v1  }
0x118: {  	v54 =	vld [tilespmem:s20+$0xFFFFFFE0]  }
0x119: {  	v56 =	vld [tilespmem:s20+$0xFFFFFFC0];
	v1 =	vmul.f32 $3.333333430e-01, v1  }
0x11a: {  	v3 =	vld [tilespmem:s20+$0xFFFFFFD0]  }
0x11b: {  	[tilespmem:s20+$0xFFFFFFA0] =	vst v1;
	v1 =	vld [tilespmem:s20+$0xFFFFFFB0]  }
0x11c: {  	v55 =	vld [tilespmem:s16+$0xFFFFFFF0]  }
0x11d: {  	v2 =	vld [tilespmem:s20+$0xFFFFFFF0];
	_ =	sdelay $0x1  }
0x11e: {  	v4 =	vmul.f32 $3.333333430e-01, v54  }
0x11f: {  	v3 =	vmul.f32 $3.333333430e-01, v3  }
0x120: {  	v57 =	vmul.f32 $3.333333430e-01, v56;
	[tilespmem:s20+$0xFFFFFFE0] =	vst v4;
	v1 =	vadd.f32 v55, v1  }
0x121: {  	v2 =	vmul.f32 $3.333333430e-01, v2;
	[tilespmem:s20+$0xFFFFFFD0] =	vst v3  }
0x122: {  	[tilespmem:s20+$0xFFFFFFC0] =	vst v57;
	v1 =	vmul.f32 $3.333333430e-01, v1  }
0x123: {  	[tilespmem:s20+$0xFFFFFFF0] =	vst v2  }
0x124: {  	[tilespmem:s20+$0xFFFFFFB0] =	vst v1;
	v1 =	vld [tilespmem:s20+$0x0]  }
0x125: {  	v2 =	vld [tilespmem:s22+$0x640];
	_ =	sdelay $0x1  }
0x126: {  	v3 =	vld [tilespmem:s16+$0x0];
	_ =	sdelay $0x2  }
0x127: {  	v1 =	vadd.f32 v2, v1;
	_ =	sdelay $0x1  }
0x128: {  	v1 =	vadd.f32 v3, v1;
	_ =	sdelay $0x1  }
0x129: {  	v1 =	vmul.f32 $3.333333430e-01, v1;
	_ =	sdelay $0x1  }
0x12a: {  	[tilespmem:s20+$0x0] =	vst v1;
	v1 =	vld [tilespmem:s20+$0x10]  }
0x12b: {  	v2 =	vld [tilespmem:s22+$0x650];
	_ =	sdelay $0x1  }
0x12c: {  	v3 =	vld [tilespmem:s16+$0x10];
	_ =	sdelay $0x2  }
0x12d: {  	v1 =	vadd.f32 v2, v1;
	_ =	sdelay $0x1  }
0x12e: {  	v1 =	vadd.f32 v3, v1;
	_ =	sdelay $0x1  }
0x12f: {  	v1 =	vmul.f32 $3.333333430e-01, v1;
	_ =	sdelay $0x1  }
0x130: {  	[tilespmem:s20+$0x10] =	vst v1;
	v1 =	vld [tilespmem:s20+$0x20]  }
0x131: {  	v2 =	vld [tilespmem:s16+$0x20];
	_ =	sdelay $0x4  }
0x132: {  	v1 =	vadd.f32 v2, v1  }
0x133: {  	v60 =	vld [tilespmem:s20+$0x70]  }
0x134: {  	v3 =	vld [tilespmem:s20+$0x50];
	v1 =	vmul.f32 $3.333333430e-01, v1  }
0x135: {  	v2 =	vld [tilespmem:s20+$0x40]  }
0x136: {  	[tilespmem:s20+$0x20] =	vst v1;
	v1 =	vld [tilespmem:s20+$0x30]  }
0x137: {  	v59 =	vld [tilespmem:s16+$0x30]  }
0x138: {  	v58 =	vld [tilespmem:s20+$0x60];
	_ =	sdelay $0x1  }
0x139: {  	v3 =	vmul.f32 $3.333333430e-01, v3  }
0x13a: {  	v2 =	vmul.f32 $3.333333430e-01, v2  }
0x13b: {  	[tilespmem:s20+$0x50] =	vst v3;
	v3 =	vmul.f32 $3.333333430e-01, v60;
	v1 =	vadd.f32 v59, v1  }
0x13c: {  	[tilespmem:s20+$0x40] =	vst v2;
	v2 =	vmul.f32 $3.333333430e-01, v58  }
0x13d: {  	[tilespmem:s20+$0x70] =	vst v3;
	v1 =	vmul.f32 $3.333333430e-01, v1  }
0x13e: {  	[tilespmem:s20+$0x60] =	vst v2  }
0x13f: {  	[tilespmem:s20+$0x30] =	vst v1;
	v1 =	vld [tilespmem:s20+$0x80]  }
0x140: {  	v2 =	vld [tilespmem:s22+$0x660];
	_ =	sdelay $0x1  }
0x141: {  	v3 =	vld [tilespmem:s16+$0x40];
	_ =	sdelay $0x2  }
0x142: {  	v1 =	vadd.f32 v2, v1;
	_ =	sdelay $0x1  }
0x143: {  	v1 =	vadd.f32 v3, v1;
	_ =	sdelay $0x1  }
0x144: {  	v1 =	vmul.f32 $3.333333430e-01, v1;
	_ =	sdelay $0x1  }
0x145: {  	[tilespmem:s20+$0x80] =	vst v1;
	v1 =	vld [tilespmem:s20+$0x90]  }
0x146: {  	v2 =	vld [tilespmem:s22+$0x670];
	_ =	sdelay $0x1  }
0x147: {  	v3 =	vld [tilespmem:s16+$0x50];
	_ =	sdelay $0x2  }
0x148: {  	v1 =	vadd.f32 v2, v1;
	_ =	sdelay $0x1  }
0x149: {  	v1 =	vadd.f32 v3, v1;
	_ =	sdelay $0x1  }
0x14a: {  	v1 =	vmul.f32 $3.333333430e-01, v1;
	_ =	sdelay $0x1  }
0x14b: {  	[tilespmem:s20+$0x90] =	vst v1;
	v1 =	vld [tilespmem:s20+$0xA0]  }
0x14c: {  	v2 =	vld [tilespmem:s16+$0x60];
	_ =	sdelay $0x4  }
0x14d: {  	v61 =	vld [tilespmem:s20+$0xC0];
	v1 =	vadd.f32 v2, v1  }
0x14e: {  	v62 =	vld [tilespmem:s20+$0xF0]  }
0x14f: {  	v3 =	vld [tilespmem:s20+$0xE0];
	v1 =	vmul.f32 $3.333333430e-01, v1  }
0x150: {  	v2 =	vld [tilespmem:s20+$0xD0]  }
0x151: {  	[tilespmem:s20+$0xA0] =	vst v1;
	v1 =	vld [tilespmem:s20+$0xB0]  }
0x152: {  	v63 =	vld [tilespmem:s16+$0x70];
	_ =	sdelay $0x1  }
0x153: {  	v3 =	vmul.f32 $3.333333430e-01, v3  }
0x154: {  	v2 =	vmul.f32 $3.333333430e-01, v2  }
0x155: {  	v4 =	vmul.f32 $3.333333430e-01, v61;
	[tilespmem:s20+$0xE0] =	vst v3  }
0x156: {  	[tilespmem:s20+$0xD0] =	vst v2;
	v2 =	vmul.f32 $3.333333430e-01, v62;
	v1 =	vadd.f32 v63, v1  }
0x157: {  	[tilespmem:s20+$0xC0] =	vst v4  }
0x158: {  	s28 =	simm.s32 $0x200;
	s29 =	simm.s32 $0x400;
	s22 =	simm.s32 $0x3900;
	[tilespmem:s20+$0xF0] =	vst v2;
	v1 =	vmul.f32 $3.333333430e-01, v1  }
.LBB2_2:
0x159: {  	s30 =	sshra.s32 s28, $0x2;
	s16 =	sadd.s32 $0x100, s16  }
0x15a: {  	v2 =	vld [tilespmem:s22+$0xFFFFFF00];
	[tilespmem:s20+$0xB0] =	vst v1;
	s28 =	smov.u32 s29;
	s31 =	sadd.s32 $0x200, s29;
	s20 =	smov.u32 s22  }
0x15b: {  	p0 =	sne.s32 s29, $0x3E00;
	v1 =	vld [tilespmem:s30+$0x600];
	_ =	sdelay $0x1  }
0x15c: {  	v3 =	vld [tilespmem:s16+$0xFFFFFF80];
	_ =	sdelay $0x2  }
0x15d: {  	v1 =	vadd.f32 v1, v2;
	_ =	sdelay $0x1  }
0x15e: {  	v1 =	vadd.f32 v3, v1;
	_ =	sdelay $0x1  }
0x15f: {  	v1 =	vmul.f32 $3.333333430e-01, v1;
	_ =	sdelay $0x1  }
0x160: {  	[tilespmem:s22+$0xFFFFFF00] =	vst v1;
	v1 =	vld [tilespmem:s22+$0xFFFFFF10]  }
0x161: {  	v2 =	vld [tilespmem:s30+$0x610];
	_ =	sdelay $0x1  }
0x162: {  	v3 =	vld [tilespmem:s16+$0xFFFFFF90];
	_ =	sdelay $0x2  }
0x163: {  	v1 =	vadd.f32 v2, v1;
	_ =	sdelay $0x1  }
0x164: {  	v1 =	vadd.f32 v3, v1;
	_ =	sdelay $0x1  }
0x165: {  	v1 =	vmul.f32 $3.333333430e-01, v1;
	_ =	sdelay $0x1  }
0x166: {  	[tilespmem:s22+$0xFFFFFF10] =	vst v1;
	v1 =	vld [tilespmem:s22+$0xFFFFFF20]  }
0x167: {  	v2 =	vld [tilespmem:s16+$0xFFFFFFA0];
	_ =	sdelay $0x4  }
0x168: {  	v1 =	vadd.f32 v2, v1  }
0x169: {  	v2 =	vld [tilespmem:s22+$0xFFFFFF50]  }
0x16a: {  	v1 =	vmul.f32 $3.333333430e-01, v1;
	v3 =	vld [tilespmem:s22+$0xFFFFFF70]  }
0x16b: {  	v4 =	vld [tilespmem:s22+$0xFFFFFF60]  }
0x16c: {  	[tilespmem:s22+$0xFFFFFF20] =	vst v1;
	v1 =	vld [tilespmem:s22+$0xFFFFFF30]  }
0x16d: {  	v5 =	vld [tilespmem:s16+$0xFFFFFFB0]  }
0x16e: {  	v6 =	vld [tilespmem:s22+$0xFFFFFF40];
	_ =	sdelay $0x1  }
0x16f: {  	v4 =	vmul.f32 $3.333333430e-01, v4  }
0x170: {  	v3 =	vmul.f32 $3.333333430e-01, v3  }
0x171: {  	v2 =	vmul.f32 $3.333333430e-01, v2;
	v1 =	vadd.f32 v5, v1;
	[tilespmem:s22+$0xFFFFFF60] =	vst v4  }
0x172: {  	v4 =	vmul.f32 $3.333333430e-01, v6;
	[tilespmem:s22+$0xFFFFFF70] =	vst v3  }
0x173: {  	v1 =	vmul.f32 $3.333333430e-01, v1;
	[tilespmem:s22+$0xFFFFFF50] =	vst v2  }
0x174: {  	[tilespmem:s22+$0xFFFFFF40] =	vst v4  }
0x175: {  	[tilespmem:s22+$0xFFFFFF30] =	vst v1;
	v1 =	vld [tilespmem:s22+$0xFFFFFF80]  }
0x176: {  	v2 =	vld [tilespmem:s30+$0x620];
	_ =	sdelay $0x1  }
0x177: {  	v3 =	vld [tilespmem:s16+$0xFFFFFFC0];
	_ =	sdelay $0x2  }
0x178: {  	v1 =	vadd.f32 v2, v1;
	_ =	sdelay $0x1  }
0x179: {  	v1 =	vadd.f32 v3, v1;
	_ =	sdelay $0x1  }
0x17a: {  	v1 =	vmul.f32 $3.333333430e-01, v1;
	_ =	sdelay $0x1  }
0x17b: {  	[tilespmem:s22+$0xFFFFFF80] =	vst v1;
	v1 =	vld [tilespmem:s22+$0xFFFFFF90]  }
0x17c: {  	v2 =	vld [tilespmem:s30+$0x630];
	_ =	sdelay $0x1  }
0x17d: {  	v3 =	vld [tilespmem:s16+$0xFFFFFFD0];
	_ =	sdelay $0x2  }
0x17e: {  	v1 =	vadd.f32 v2, v1;
	_ =	sdelay $0x1  }
0x17f: {  	v1 =	vadd.f32 v3, v1;
	_ =	sdelay $0x1  }
0x180: {  	v1 =	vmul.f32 $3.333333430e-01, v1;
	_ =	sdelay $0x1  }
0x181: {  	[tilespmem:s22+$0xFFFFFF90] =	vst v1;
	v1 =	vld [tilespmem:s22+$0xFFFFFFA0]  }
0x182: {  	v2 =	vld [tilespmem:s16+$0xFFFFFFE0];
	_ =	sdelay $0x4  }
0x183: {  	v1 =	vadd.f32 v2, v1  }
0x184: {  	v2 =	vld [tilespmem:s22+$0xFFFFFFF0]  }
0x185: {  	v1 =	vmul.f32 $3.333333430e-01, v1;
	v3 =	vld [tilespmem:s22+$0xFFFFFFD0]  }
0x186: {  	v4 =	vld [tilespmem:s22+$0xFFFFFFE0]  }
0x187: {  	[tilespmem:s22+$0xFFFFFFA0] =	vst v1;
	v1 =	vld [tilespmem:s22+$0xFFFFFFB0]  }
0x188: {  	v5 =	vld [tilespmem:s16+$0xFFFFFFF0]  }
0x189: {  	v6 =	vld [tilespmem:s22+$0xFFFFFFC0];
	_ =	sdelay $0x1  }
0x18a: {  	v4 =	vmul.f32 $3.333333430e-01, v4  }
0x18b: {  	v2 =	vmul.f32 $3.333333430e-01, v2  }
0x18c: {  	v3 =	vmul.f32 $3.333333430e-01, v3;
	v1 =	vadd.f32 v5, v1;
	[tilespmem:s22+$0xFFFFFFE0] =	vst v4  }
0x18d: {  	v4 =	vmul.f32 $3.333333430e-01, v6;
	[tilespmem:s22+$0xFFFFFFF0] =	vst v2  }
0x18e: {  	v1 =	vmul.f32 $3.333333430e-01, v1;
	[tilespmem:s22+$0xFFFFFFD0] =	vst v3  }
0x18f: {  	[tilespmem:s22+$0xFFFFFFC0] =	vst v4  }
0x190: {  	[tilespmem:s22+$0xFFFFFFB0] =	vst v1;
	v1 =	vld [tilespmem:s22+$0x0]  }
0x191: {  	v2 =	vld [tilespmem:s30+$0x640];
	_ =	sdelay $0x1  }
0x192: {  	v3 =	vld [tilespmem:s16+$0x0];
	_ =	sdelay $0x2  }
0x193: {  	v1 =	vadd.f32 v2, v1;
	_ =	sdelay $0x1  }
0x194: {  	v1 =	vadd.f32 v3, v1;
	_ =	sdelay $0x1  }
0x195: {  	v1 =	vmul.f32 $3.333333430e-01, v1;
	_ =	sdelay $0x1  }
0x196: {  	[tilespmem:s22+$0x0] =	vst v1;
	v1 =	vld [tilespmem:s22+$0x10]  }
0x197: {  	v2 =	vld [tilespmem:s30+$0x650]  }
0x198: {  	v3 =	vld [tilespmem:s16+$0x10];
	_ =	sdelay $0x3  }
0x199: {  	v1 =	vadd.f32 v2, v1;
	_ =	sdelay $0x1  }
0x19a: {  	v1 =	vadd.f32 v3, v1;
	_ =	sdelay $0x1  }
0x19b: {  	v1 =	vmul.f32 $3.333333430e-01, v1;
	_ =	sdelay $0x1  }
0x19c: {  	[tilespmem:s22+$0x10] =	vst v1;
	v1 =	vld [tilespmem:s22+$0x20]  }
0x19d: {  	v2 =	vld [tilespmem:s16+$0x20];
	_ =	sdelay $0x3  }
0x19e: {  	v3 =	vld [tilespmem:s22+$0x40]  }
0x19f: {  	v1 =	vadd.f32 v2, v1;
	v2 =	vld [tilespmem:s22+$0x50]  }
0x1a0: {  	v4 =	vld [tilespmem:s22+$0x60]  }
0x1a1: {  	v1 =	vmul.f32 $3.333333430e-01, v1;
	v5 =	vld [tilespmem:s22+$0x70];
	_ =	sdelay $0x1  }
0x1a2: {  	[tilespmem:s22+$0x20] =	vst v1;
	v1 =	vld [tilespmem:s22+$0x30];
	v3 =	vmul.f32 $3.333333430e-01, v3  }
0x1a3: {  	v6 =	vld [tilespmem:s16+$0x30];
	v2 =	vmul.f32 $3.333333430e-01, v2  }
0x1a4: {  	[tilespmem:s22+$0x40] =	vst v3;
	v3 =	vmul.f32 $3.333333430e-01, v4  }
0x1a5: {  	[tilespmem:s22+$0x50] =	vst v2;
	v2 =	vmul.f32 $3.333333430e-01, v5  }
0x1a6: {  	[tilespmem:s22+$0x60] =	vst v3  }
0x1a7: {  	[tilespmem:s22+$0x70] =	vst v2  }
0x1a8: {  	v1 =	vadd.f32 v6, v1;
	_ =	sdelay $0x1  }
0x1a9: {  	v1 =	vmul.f32 $3.333333430e-01, v1;
	_ =	sdelay $0x1  }
0x1aa: {  	[tilespmem:s22+$0x30] =	vst v1;
	v1 =	vld [tilespmem:s22+$0x80]  }
0x1ab: {  	v2 =	vld [tilespmem:s30+$0x660]  }
0x1ac: {  	v3 =	vld [tilespmem:s16+$0x40];
	_ =	sdelay $0x3  }
0x1ad: {  	v1 =	vadd.f32 v2, v1;
	_ =	sdelay $0x1  }
0x1ae: {  	v1 =	vadd.f32 v3, v1;
	_ =	sdelay $0x1  }
0x1af: {  	v1 =	vmul.f32 $3.333333430e-01, v1;
	_ =	sdelay $0x1  }
0x1b0: {  	[tilespmem:s22+$0x80] =	vst v1;
	v1 =	vld [tilespmem:s22+$0x90]  }
0x1b1: {  	v2 =	vld [tilespmem:s30+$0x670]  }
0x1b2: {  	v3 =	vld [tilespmem:s16+$0x50];
	_ =	sdelay $0x3  }
0x1b3: {  	v1 =	vadd.f32 v2, v1;
	_ =	sdelay $0x1  }
0x1b4: {  	v1 =	vadd.f32 v3, v1;
	_ =	sdelay $0x1  }
0x1b5: {  	v1 =	vmul.f32 $3.333333430e-01, v1;
	_ =	sdelay $0x1  }
0x1b6: {  	[tilespmem:s22+$0x90] =	vst v1;
	v1 =	vld [tilespmem:s22+$0xA0]  }
0x1b7: {  	v2 =	vld [tilespmem:s16+$0x60];
	_ =	sdelay $0x3  }
0x1b8: {  	v3 =	vld [tilespmem:s22+$0xD0]  }
0x1b9: {  	v1 =	vadd.f32 v2, v1;
	v2 =	vld [tilespmem:s22+$0xE0]  }
0x1ba: {  	v4 =	vld [tilespmem:s22+$0xF0]  }
0x1bb: {  	v1 =	vmul.f32 $3.333333430e-01, v1;
	v5 =	vld [tilespmem:s22+$0xC0];
	_ =	sdelay $0x1  }
0x1bc: {  	[tilespmem:s22+$0xA0] =	vst v1;
	v1 =	vld [tilespmem:s22+$0xB0];
	v3 =	vmul.f32 $3.333333430e-01, v3  }
0x1bd: {  	v6 =	vld [tilespmem:s16+$0x70];
	v2 =	vmul.f32 $3.333333430e-01, v2  }
0x1be: {  	[tilespmem:s22+$0xD0] =	vst v3;
	v3 =	vmul.f32 $3.333333430e-01, v4  }
0x1bf: {  	v4 =	vmul.f32 $3.333333430e-01, v5;
	[tilespmem:s22+$0xE0] =	vst v2  }
0x1c0: {  	[tilespmem:s22+$0xF0] =	vst v3  }
.Ltmp0:
0x1c1: {  	[tilespmem:s22+$0xC0] =	vst v4;
	(pc) =	sbr.rel @p0 .LBB2_2-.Ltmp0, $3  }
0x1c2: {  	v1 =	vadd.f32 v6, v1;
	_ =	sdelay $0x1  }
0x1c3: {  	v1 =	vmul.f32 $3.333333430e-01, v1  }
0x1c4: {  	s29 =	smov.u32 s31;
	s22 =	sadd.s32 $0x200, s22  }
0x1c5: {  	v2 =	vld [tilespmem:s22+$0xFFFFFF00];
	s28 =	sshra.s32 s28, $0x2;
	[tilespmem:s20+$0xB0] =	vst v1  }
0x1c6: {  	v1 =	vld [tilespmem:s28+$0x600]  }
0x1c7: {  	s16 =	sadd.s32 $0x100, s16  }
0x1c8: {  	v3 =	vld [tilespmem:s16+$0xFFFFFF80];
	_ =	sdelay $0x2  }
0x1c9: {  	v1 =	vadd.f32 v1, v2;
	_ =	sdelay $0x1  }
0x1ca: {  	v1 =	vadd.f32 v3, v1;
	_ =	sdelay $0x1  }
0x1cb: {  	v1 =	vmul.f32 $3.333333430e-01, v1;
	_ =	sdelay $0x1  }
0x1cc: {  	[tilespmem:s22+$0xFFFFFF00] =	vst v1;
	v1 =	vld [tilespmem:s22+$0xFFFFFF10]  }
0x1cd: {  	v2 =	vld [tilespmem:s28+$0x610];
	_ =	sdelay $0x1  }
0x1ce: {  	v3 =	vld [tilespmem:s16+$0xFFFFFF90];
	_ =	sdelay $0x2  }
0x1cf: {  	v1 =	vadd.f32 v2, v1;
	_ =	sdelay $0x1  }
0x1d0: {  	v1 =	vadd.f32 v3, v1;
	_ =	sdelay $0x1  }
0x1d1: {  	v1 =	vmul.f32 $3.333333430e-01, v1;
	_ =	sdelay $0x1  }
0x1d2: {  	[tilespmem:s22+$0xFFFFFF10] =	vst v1;
	v1 =	vld [tilespmem:s22+$0xFFFFFF20]  }
0x1d3: {  	v2 =	vld [tilespmem:s16+$0xFFFFFFA0];
	_ =	sdelay $0x4  }
0x1d4: {  	v1 =	vadd.f32 v2, v1  }
0x1d5: {  	v4 =	vld [tilespmem:s22+$0xFFFFFF60]  }
0x1d6: {  	v6 =	vld [tilespmem:s22+$0xFFFFFF40];
	v1 =	vmul.f32 $3.333333430e-01, v1  }
0x1d7: {  	v3 =	vld [tilespmem:s22+$0xFFFFFF70]  }
0x1d8: {  	[tilespmem:s22+$0xFFFFFF20] =	vst v1;
	v1 =	vld [tilespmem:s22+$0xFFFFFF30]  }
0x1d9: {  	v5 =	vld [tilespmem:s16+$0xFFFFFFB0]  }
0x1da: {  	v2 =	vld [tilespmem:s22+$0xFFFFFF50];
	_ =	sdelay $0x1  }
0x1db: {  	v4 =	vmul.f32 $3.333333430e-01, v4  }
0x1dc: {  	v3 =	vmul.f32 $3.333333430e-01, v3  }
0x1dd: {  	v39 =	vmul.f32 $3.333333430e-01, v6;
	[tilespmem:s22+$0xFFFFFF60] =	vst v4;
	v1 =	vadd.f32 v5, v1  }
0x1de: {  	v2 =	vmul.f32 $3.333333430e-01, v2;
	[tilespmem:s22+$0xFFFFFF70] =	vst v3  }
0x1df: {  	[tilespmem:s22+$0xFFFFFF40] =	vst v39;
	v1 =	vmul.f32 $3.333333430e-01, v1  }
0x1e0: {  	[tilespmem:s22+$0xFFFFFF50] =	vst v2  }
0x1e1: {  	[tilespmem:s22+$0xFFFFFF30] =	vst v1;
	v1 =	vld [tilespmem:s22+$0xFFFFFF80]  }
0x1e2: {  	v2 =	vld [tilespmem:s28+$0x620];
	_ =	sdelay $0x1  }
0x1e3: {  	v3 =	vld [tilespmem:s16+$0xFFFFFFC0];
	_ =	sdelay $0x2  }
0x1e4: {  	v1 =	vadd.f32 v2, v1;
	_ =	sdelay $0x1  }
0x1e5: {  	v1 =	vadd.f32 v3, v1;
	_ =	sdelay $0x1  }
0x1e6: {  	v1 =	vmul.f32 $3.333333430e-01, v1;
	_ =	sdelay $0x1  }
0x1e7: {  	[tilespmem:s22+$0xFFFFFF80] =	vst v1;
	v1 =	vld [tilespmem:s22+$0xFFFFFF90]  }
0x1e8: {  	v2 =	vld [tilespmem:s28+$0x630];
	_ =	sdelay $0x1  }
0x1e9: {  	v3 =	vld [tilespmem:s16+$0xFFFFFFD0];
	_ =	sdelay $0x2  }
0x1ea: {  	v1 =	vadd.f32 v2, v1;
	_ =	sdelay $0x1  }
0x1eb: {  	v1 =	vadd.f32 v3, v1;
	_ =	sdelay $0x1  }
0x1ec: {  	v1 =	vmul.f32 $3.333333430e-01, v1;
	_ =	sdelay $0x1  }
0x1ed: {  	[tilespmem:s22+$0xFFFFFF90] =	vst v1;
	v1 =	vld [tilespmem:s22+$0xFFFFFFA0]  }
0x1ee: {  	v2 =	vld [tilespmem:s16+$0xFFFFFFE0];
	_ =	sdelay $0x4  }
0x1ef: {  	v1 =	vadd.f32 v2, v1  }
0x1f0: {  	v40 =	vld [tilespmem:s22+$0xFFFFFFE0]  }
0x1f1: {  	v42 =	vld [tilespmem:s22+$0xFFFFFFC0];
	v1 =	vmul.f32 $3.333333430e-01, v1  }
0x1f2: {  	v3 =	vld [tilespmem:s22+$0xFFFFFFD0]  }
0x1f3: {  	[tilespmem:s22+$0xFFFFFFA0] =	vst v1;
	v1 =	vld [tilespmem:s22+$0xFFFFFFB0]  }
0x1f4: {  	v41 =	vld [tilespmem:s16+$0xFFFFFFF0]  }
0x1f5: {  	v2 =	vld [tilespmem:s22+$0xFFFFFFF0];
	_ =	sdelay $0x1  }
0x1f6: {  	v4 =	vmul.f32 $3.333333430e-01, v40  }
0x1f7: {  	v3 =	vmul.f32 $3.333333430e-01, v3  }
0x1f8: {  	v43 =	vmul.f32 $3.333333430e-01, v42;
	[tilespmem:s22+$0xFFFFFFE0] =	vst v4;
	v1 =	vadd.f32 v41, v1  }
0x1f9: {  	v2 =	vmul.f32 $3.333333430e-01, v2;
	[tilespmem:s22+$0xFFFFFFD0] =	vst v3  }
0x1fa: {  	[tilespmem:s22+$0xFFFFFFC0] =	vst v43;
	v1 =	vmul.f32 $3.333333430e-01, v1  }
0x1fb: {  	[tilespmem:s22+$0xFFFFFFF0] =	vst v2  }
0x1fc: {  	[tilespmem:s22+$0xFFFFFFB0] =	vst v1;
	v1 =	vld [tilespmem:s22+$0x0]  }
0x1fd: {  	v2 =	vld [tilespmem:s28+$0x640];
	_ =	sdelay $0x1  }
0x1fe: {  	v3 =	vld [tilespmem:s16+$0x0];
	_ =	sdelay $0x2  }
0x1ff: {  	v1 =	vadd.f32 v2, v1;
	_ =	sdelay $0x1  }
0x200: {  	v1 =	vadd.f32 v3, v1;
	_ =	sdelay $0x1  }
0x201: {  	v1 =	vmul.f32 $3.333333430e-01, v1;
	_ =	sdelay $0x1  }
0x202: {  	[tilespmem:s22+$0x0] =	vst v1;
	v1 =	vld [tilespmem:s22+$0x10]  }
0x203: {  	v2 =	vld [tilespmem:s28+$0x650];
	_ =	sdelay $0x1  }
0x204: {  	v3 =	vld [tilespmem:s16+$0x10];
	_ =	sdelay $0x2  }
0x205: {  	v1 =	vadd.f32 v2, v1;
	_ =	sdelay $0x1  }
0x206: {  	v1 =	vadd.f32 v3, v1;
	_ =	sdelay $0x1  }
0x207: {  	v1 =	vmul.f32 $3.333333430e-01, v1;
	_ =	sdelay $0x1  }
0x208: {  	[tilespmem:s22+$0x10] =	vst v1;
	v1 =	vld [tilespmem:s22+$0x20]  }
0x209: {  	v2 =	vld [tilespmem:s16+$0x20];
	_ =	sdelay $0x4  }
0x20a: {  	v1 =	vadd.f32 v2, v1  }
0x20b: {  	v46 =	vld [tilespmem:s22+$0x70]  }
0x20c: {  	v3 =	vld [tilespmem:s22+$0x50];
	v1 =	vmul.f32 $3.333333430e-01, v1  }
0x20d: {  	v2 =	vld [tilespmem:s22+$0x40]  }
0x20e: {  	[tilespmem:s22+$0x20] =	vst v1;
	v1 =	vld [tilespmem:s22+$0x30]  }
0x20f: {  	v45 =	vld [tilespmem:s16+$0x30]  }
0x210: {  	v44 =	vld [tilespmem:s22+$0x60];
	_ =	sdelay $0x1  }
0x211: {  	v3 =	vmul.f32 $3.333333430e-01, v3  }
0x212: {  	v2 =	vmul.f32 $3.333333430e-01, v2  }
0x213: {  	[tilespmem:s22+$0x50] =	vst v3;
	v3 =	vmul.f32 $3.333333430e-01, v46;
	v1 =	vadd.f32 v45, v1  }
0x214: {  	[tilespmem:s22+$0x40] =	vst v2;
	v2 =	vmul.f32 $3.333333430e-01, v44  }
0x215: {  	[tilespmem:s22+$0x70] =	vst v3;
	v1 =	vmul.f32 $3.333333430e-01, v1  }
0x216: {  	[tilespmem:s22+$0x60] =	vst v2  }
0x217: {  	[tilespmem:s22+$0x30] =	vst v1;
	v1 =	vld [tilespmem:s22+$0x80]  }
0x218: {  	v2 =	vld [tilespmem:s28+$0x660];
	_ =	sdelay $0x1  }
0x219: {  	v3 =	vld [tilespmem:s16+$0x40];
	_ =	sdelay $0x2  }
0x21a: {  	v1 =	vadd.f32 v2, v1;
	_ =	sdelay $0x1  }
0x21b: {  	v1 =	vadd.f32 v3, v1;
	_ =	sdelay $0x1  }
0x21c: {  	v1 =	vmul.f32 $3.333333430e-01, v1;
	_ =	sdelay $0x1  }
0x21d: {  	[tilespmem:s22+$0x80] =	vst v1;
	v1 =	vld [tilespmem:s22+$0x90]  }
0x21e: {  	v2 =	vld [tilespmem:s28+$0x670];
	_ =	sdelay $0x1  }
0x21f: {  	v3 =	vld [tilespmem:s16+$0x50];
	_ =	sdelay $0x2  }
0x220: {  	v1 =	vadd.f32 v2, v1;
	_ =	sdelay $0x1  }
0x221: {  	v1 =	vadd.f32 v3, v1;
	_ =	sdelay $0x1  }
0x222: {  	v1 =	vmul.f32 $3.333333430e-01, v1;
	_ =	sdelay $0x1  }
0x223: {  	[tilespmem:s22+$0x90] =	vst v1;
	v1 =	vld [tilespmem:s22+$0xA0]  }
0x224: {  	v2 =	vld [tilespmem:s16+$0x60];
	_ =	sdelay $0x4  }
0x225: {  	v1 =	vadd.f32 v2, v1  }
0x226: {  	v47 =	vld [tilespmem:s22+$0xC0]  }
0x227: {  	v3 =	vld [tilespmem:s22+$0xE0];
	v1 =	vmul.f32 $3.333333430e-01, v1  }
0x228: {  	v2 =	vld [tilespmem:s22+$0xD0]  }
0x229: {  	[tilespmem:s22+$0xA0] =	vst v1;
	v1 =	vld [tilespmem:s22+$0xB0]  }
0x22a: {  	v49 =	vld [tilespmem:s16+$0x70]  }
0x22b: {  	v48 =	vld [tilespmem:s22+$0xF0];
	_ =	sdelay $0x1  }
0x22c: {  	v3 =	vmul.f32 $3.333333430e-01, v3  }
0x22d: {  	v2 =	vmul.f32 $3.333333430e-01, v2  }
0x22e: {  	v4 =	vmul.f32 $3.333333430e-01, v47;
	[tilespmem:s22+$0xE0] =	vst v3;
	v1 =	vadd.f32 v49, v1  }
0x22f: {  	[tilespmem:s22+$0xD0] =	vst v2;
	v2 =	vmul.f32 $3.333333430e-01, v48  }
0x230: {  	[tilespmem:s22+$0xC0] =	vst v4;
	v1 =	vmul.f32 $3.333333430e-01, v1  }
0x231: {  	[tilespmem:s22+$0xF0] =	vst v2  }
0x232: {  	s30 =	simm.s32 $0x0;
	[tilespmem:s22+$0xB0] =	vst v1  }
0x233: {  	[hbm4b:s6+s30] =	stream.linear.scatter [tilespmem:s18], [sflag:$0x3], $0x4000, $0x38;
	[tilespmem:$0xE600] =	vst v63  }
0x234: {  	_ =	swait.ge [sflag:s25], $0x1000  }
0x235: {  	[sflag:s25] =	ssyncset.done $0x0  }
0x236: {  	[sflag:s25] =	ssyncadd.s32 $0xFFFFF000  }
0x237: {  	_ =	swait.ge [sflag:s25], $0x2000  }
0x238: {  	[sflag:s25] =	ssyncset.done $0x0  }
0x239: {  	[sflag:s25] =	ssyncadd.s32 $0xFFFFE000  }
0x23a: {  	_ =	swait.ge [sflag:s25], $0x4000  }
0x23b: {  	[sflag:s25] =	ssyncset.done $0x0  }
0x23c: {  	[sflag:s25] =	ssyncadd.s32 $0xFFFFC000  }
0x23d: {  	_ =	swait.ge [sflag:s26], $0x4000  }
0x23e: {  	[sflag:s26] =	ssyncset.done $0x0  }
0x23f: {  	s20 =	simm.s32 $0x300;
	[sflag:s26] =	ssyncadd.s32 $0xFFFFC000  }
0x240: {  	[tilespmem:s15], [sflag:$0x1] =	stream.indirect.gather [hbm4b:s4+s13], $0x20, s20, s13, $0xb8;
	[tilespmem:$0xE600] =	vst v63  }
0x241: {  	s22 =	simm.s32 $0x500  }
0x242: {  	[tilespmem:s17], [sflag:$0x1] =	stream.indirect.gather [hbm4b:s5+s13], $0x40, s22, s13, $0xb8;
	[tilespmem:$0xE600] =	vst v63  }
0x243: {  	s29 =	simm.s32 $0x100;
	s20 =	simm.s32 $0xA700  }
0x244: {  	[tilespmem:s18], [sflag:$0x1] =	stream.indirect.gather [hbm4b:s1+s13], $0x80, s29, s13, $0xb8;
	[tilespmem:$0xE600] =	vst v63  }
0x245: {  	s30 =	simm.s32 $0x0;
	v1 =	vld [tilespmem:s20+$0xFFFFFF00]  }
0x246: {  	v2 =	vld [tilespmem:s30+$0x7600]  }
0x247: {  	s16 =	simm.s32 $0x8680  }
0x248: {  	v3 =	vld [tilespmem:s16+$0xFFFFFF80];
	_ =	sdelay $0x2  }
0x249: {  	v1 =	vadd.f32 v2, v1;
	_ =	sdelay $0x1  }
0x24a: {  	v1 =	vadd.f32 v3, v1;
	_ =	sdelay $0x1  }
0x24b: {  	v1 =	vmul.f32 $3.333333430e-01, v1;
	_ =	sdelay $0x1  }
0x24c: {  	[tilespmem:s20+$0xFFFFFF00] =	vst v1;
	v1 =	vld [tilespmem:s20+$0xFFFFFF10]  }
0x24d: {  	v2 =	vld [tilespmem:s30+$0x7610];
	_ =	sdelay $0x1  }
0x24e: {  	v3 =	vld [tilespmem:s16+$0xFFFFFF90];
	_ =	sdelay $0x2  }
0x24f: {  	v1 =	vadd.f32 v2, v1;
	_ =	sdelay $0x1  }
0x250: {  	v1 =	vadd.f32 v3, v1;
	_ =	sdelay $0x1  }
0x251: {  	v1 =	vmul.f32 $3.333333430e-01, v1;
	_ =	sdelay $0x1  }
0x252: {  	[tilespmem:s20+$0xFFFFFF10] =	vst v1;
	v1 =	vld [tilespmem:s20+$0xFFFFFF20]  }
0x253: {  	v2 =	vld [tilespmem:s16+$0xFFFFFFA0];
	_ =	sdelay $0x4  }
0x254: {  	v1 =	vadd.f32 v2, v1  }
0x255: {  	v50 =	vld [tilespmem:s20+$0xFFFFFF60]  }
0x256: {  	v52 =	vld [tilespmem:s20+$0xFFFFFF40];
	v1 =	vmul.f32 $3.333333430e-01, v1  }
0x257: {  	v3 =	vld [tilespmem:s20+$0xFFFFFF70]  }
0x258: {  	[tilespmem:s20+$0xFFFFFF20] =	vst v1;
	v1 =	vld [tilespmem:s20+$0xFFFFFF30]  }
0x259: {  	v51 =	vld [tilespmem:s16+$0xFFFFFFB0]  }
0x25a: {  	v2 =	vld [tilespmem:s20+$0xFFFFFF50];
	_ =	sdelay $0x1  }
0x25b: {  	v4 =	vmul.f32 $3.333333430e-01, v50  }
0x25c: {  	v3 =	vmul.f32 $3.333333430e-01, v3  }
0x25d: {  	v53 =	vmul.f32 $3.333333430e-01, v52;
	[tilespmem:s20+$0xFFFFFF60] =	vst v4;
	v1 =	vadd.f32 v51, v1  }
0x25e: {  	v2 =	vmul.f32 $3.333333430e-01, v2;
	[tilespmem:s20+$0xFFFFFF70] =	vst v3  }
0x25f: {  	[tilespmem:s20+$0xFFFFFF40] =	vst v53;
	v1 =	vmul.f32 $3.333333430e-01, v1  }
0x260: {  	[tilespmem:s20+$0xFFFFFF50] =	vst v2  }
0x261: {  	[tilespmem:s20+$0xFFFFFF30] =	vst v1;
	v1 =	vld [tilespmem:s20+$0xFFFFFF80]  }
0x262: {  	v2 =	vld [tilespmem:s30+$0x7620];
	_ =	sdelay $0x1  }
0x263: {  	v3 =	vld [tilespmem:s16+$0xFFFFFFC0];
	_ =	sdelay $0x2  }
0x264: {  	v1 =	vadd.f32 v2, v1;
	_ =	sdelay $0x1  }
0x265: {  	v1 =	vadd.f32 v3, v1;
	_ =	sdelay $0x1  }
0x266: {  	v1 =	vmul.f32 $3.333333430e-01, v1;
	_ =	sdelay $0x1  }
0x267: {  	[tilespmem:s20+$0xFFFFFF80] =	vst v1;
	v1 =	vld [tilespmem:s20+$0xFFFFFF90]  }
0x268: {  	v2 =	vld [tilespmem:s30+$0x7630];
	_ =	sdelay $0x1  }
0x269: {  	v3 =	vld [tilespmem:s16+$0xFFFFFFD0];
	_ =	sdelay $0x2  }
0x26a: {  	v1 =	vadd.f32 v2, v1;
	_ =	sdelay $0x1  }
0x26b: {  	v1 =	vadd.f32 v3, v1;
	_ =	sdelay $0x1  }
0x26c: {  	v1 =	vmul.f32 $3.333333430e-01, v1;
	_ =	sdelay $0x1  }
0x26d: {  	[tilespmem:s20+$0xFFFFFF90] =	vst v1;
	v1 =	vld [tilespmem:s20+$0xFFFFFFA0]  }
0x26e: {  	v2 =	vld [tilespmem:s16+$0xFFFFFFE0];
	_ =	sdelay $0x4  }
0x26f: {  	v1 =	vadd.f32 v2, v1  }
0x270: {  	v54 =	vld [tilespmem:s20+$0xFFFFFFE0]  }
0x271: {  	v56 =	vld [tilespmem:s20+$0xFFFFFFC0];
	v1 =	vmul.f32 $3.333333430e-01, v1  }
0x272: {  	v3 =	vld [tilespmem:s20+$0xFFFFFFD0]  }
0x273: {  	[tilespmem:s20+$0xFFFFFFA0] =	vst v1;
	v1 =	vld [tilespmem:s20+$0xFFFFFFB0]  }
0x274: {  	v55 =	vld [tilespmem:s16+$0xFFFFFFF0]  }
0x275: {  	v2 =	vld [tilespmem:s20+$0xFFFFFFF0];
	_ =	sdelay $0x1  }
0x276: {  	v4 =	vmul.f32 $3.333333430e-01, v54  }
0x277: {  	v3 =	vmul.f32 $3.333333430e-01, v3  }
0x278: {  	v57 =	vmul.f32 $3.333333430e-01, v56;
	[tilespmem:s20+$0xFFFFFFE0] =	vst v4;
	v1 =	vadd.f32 v55, v1  }
0x279: {  	v2 =	vmul.f32 $3.333333430e-01, v2;
	[tilespmem:s20+$0xFFFFFFD0] =	vst v3  }
0x27a: {  	[tilespmem:s20+$0xFFFFFFC0] =	vst v57;
	v1 =	vmul.f32 $3.333333430e-01, v1  }
0x27b: {  	[tilespmem:s20+$0xFFFFFFF0] =	vst v2  }
0x27c: {  	[tilespmem:s20+$0xFFFFFFB0] =	vst v1;
	v1 =	vld [tilespmem:s20+$0x0]  }
0x27d: {  	v2 =	vld [tilespmem:s30+$0x7640];
	_ =	sdelay $0x1  }
0x27e: {  	v3 =	vld [tilespmem:s16+$0x0];
	_ =	sdelay $0x2  }
0x27f: {  	v1 =	vadd.f32 v2, v1;
	_ =	sdelay $0x1  }
0x280: {  	v1 =	vadd.f32 v3, v1;
	_ =	sdelay $0x1  }
0x281: {  	v1 =	vmul.f32 $3.333333430e-01, v1;
	_ =	sdelay $0x1  }
0x282: {  	[tilespmem:s20+$0x0] =	vst v1;
	v1 =	vld [tilespmem:s20+$0x10]  }
0x283: {  	v2 =	vld [tilespmem:s30+$0x7650];
	_ =	sdelay $0x1  }
0x284: {  	v3 =	vld [tilespmem:s16+$0x10];
	_ =	sdelay $0x2  }
0x285: {  	v1 =	vadd.f32 v2, v1;
	_ =	sdelay $0x1  }
0x286: {  	v1 =	vadd.f32 v3, v1;
	_ =	sdelay $0x1  }
0x287: {  	v1 =	vmul.f32 $3.333333430e-01, v1;
	_ =	sdelay $0x1  }
0x288: {  	[tilespmem:s20+$0x10] =	vst v1;
	v1 =	vld [tilespmem:s20+$0x20]  }
0x289: {  	v2 =	vld [tilespmem:s16+$0x20];
	_ =	sdelay $0x4  }
0x28a: {  	v1 =	vadd.f32 v2, v1  }
0x28b: {  	v60 =	vld [tilespmem:s20+$0x70]  }
0x28c: {  	v3 =	vld [tilespmem:s20+$0x50];
	v1 =	vmul.f32 $3.333333430e-01, v1  }
0x28d: {  	v2 =	vld [tilespmem:s20+$0x40]  }
0x28e: {  	[tilespmem:s20+$0x20] =	vst v1;
	v1 =	vld [tilespmem:s20+$0x30]  }
0x28f: {  	v59 =	vld [tilespmem:s16+$0x30]  }
0x290: {  	v58 =	vld [tilespmem:s20+$0x60];
	_ =	sdelay $0x1  }
0x291: {  	v3 =	vmul.f32 $3.333333430e-01, v3  }
0x292: {  	v2 =	vmul.f32 $3.333333430e-01, v2  }
0x293: {  	[tilespmem:s20+$0x50] =	vst v3;
	v3 =	vmul.f32 $3.333333430e-01, v60;
	v1 =	vadd.f32 v59, v1  }
0x294: {  	[tilespmem:s20+$0x40] =	vst v2;
	v2 =	vmul.f32 $3.333333430e-01, v58  }
0x295: {  	[tilespmem:s20+$0x70] =	vst v3;
	v1 =	vmul.f32 $3.333333430e-01, v1  }
0x296: {  	[tilespmem:s20+$0x60] =	vst v2  }
0x297: {  	[tilespmem:s20+$0x30] =	vst v1;
	v1 =	vld [tilespmem:s20+$0x80]  }
0x298: {  	v2 =	vld [tilespmem:s30+$0x7660];
	_ =	sdelay $0x1  }
0x299: {  	v3 =	vld [tilespmem:s16+$0x40];
	_ =	sdelay $0x2  }
0x29a: {  	v1 =	vadd.f32 v2, v1;
	_ =	sdelay $0x1  }
0x29b: {  	v1 =	vadd.f32 v3, v1;
	_ =	sdelay $0x1  }
0x29c: {  	v1 =	vmul.f32 $3.333333430e-01, v1;
	_ =	sdelay $0x1  }
0x29d: {  	[tilespmem:s20+$0x80] =	vst v1;
	v1 =	vld [tilespmem:s20+$0x90]  }
0x29e: {  	v2 =	vld [tilespmem:s30+$0x7670];
	_ =	sdelay $0x1  }
0x29f: {  	v3 =	vld [tilespmem:s16+$0x50];
	_ =	sdelay $0x2  }
0x2a0: {  	v1 =	vadd.f32 v2, v1;
	_ =	sdelay $0x1  }
0x2a1: {  	v1 =	vadd.f32 v3, v1;
	_ =	sdelay $0x1  }
0x2a2: {  	v1 =	vmul.f32 $3.333333430e-01, v1;
	_ =	sdelay $0x1  }
0x2a3: {  	[tilespmem:s20+$0x90] =	vst v1;
	v1 =	vld [tilespmem:s20+$0xA0]  }
0x2a4: {  	v2 =	vld [tilespmem:s16+$0x60];
	_ =	sdelay $0x4  }
0x2a5: {  	v61 =	vld [tilespmem:s20+$0xC0];
	v1 =	vadd.f32 v2, v1  }
0x2a6: {  	v62 =	vld [tilespmem:s20+$0xF0]  }
0x2a7: {  	v3 =	vld [tilespmem:s20+$0xE0];
	v1 =	vmul.f32 $3.333333430e-01, v1  }
0x2a8: {  	v2 =	vld [tilespmem:s20+$0xD0]  }
0x2a9: {  	[tilespmem:s20+$0xA0] =	vst v1;
	v1 =	vld [tilespmem:s20+$0xB0]  }
0x2aa: {  	v63 =	vld [tilespmem:s16+$0x70];
	_ =	sdelay $0x1  }
0x2ab: {  	v3 =	vmul.f32 $3.333333430e-01, v3  }
0x2ac: {  	v2 =	vmul.f32 $3.333333430e-01, v2  }
0x2ad: {  	v4 =	vmul.f32 $3.333333430e-01, v61;
	[tilespmem:s20+$0xE0] =	vst v3  }
0x2ae: {  	[tilespmem:s20+$0xD0] =	vst v2;
	v2 =	vmul.f32 $3.333333430e-01, v62;
	v1 =	vadd.f32 v63, v1  }
0x2af: {  	[tilespmem:s20+$0xC0] =	vst v4  }
0x2b0: {  	s31 =	simm.s32 $0x400;
	s28 =	simm.s32 $0x200;
	s22 =	simm.s32 $0xA900;
	[tilespmem:s20+$0xF0] =	vst v2;
	v1 =	vmul.f32 $3.333333430e-01, v1  }
.LBB2_4:
0x2b1: {  	s30 =	sshra.s32 s28, $0x2;
	s16 =	sadd.s32 $0x100, s16  }
0x2b2: {  	v2 =	vld [tilespmem:s22+$0xFFFFFF00];
	[tilespmem:s20+$0xB0] =	vst v1;
	s28 =	smov.u32 s31;
	s29 =	sadd.s32 $0x200, s31;
	s20 =	smov.u32 s22  }
0x2b3: {  	p0 =	sne.s32 s31, $0x3E00;
	v1 =	vld [tilespmem:s30+$0x7600];
	_ =	sdelay $0x1  }
0x2b4: {  	v3 =	vld [tilespmem:s16+$0xFFFFFF80];
	_ =	sdelay $0x2  }
0x2b5: {  	v1 =	vadd.f32 v1, v2;
	_ =	sdelay $0x1  }
0x2b6: {  	v1 =	vadd.f32 v3, v1;
	_ =	sdelay $0x1  }
0x2b7: {  	v1 =	vmul.f32 $3.333333430e-01, v1;
	_ =	sdelay $0x1  }
0x2b8: {  	[tilespmem:s22+$0xFFFFFF00] =	vst v1;
	v1 =	vld [tilespmem:s22+$0xFFFFFF10]  }
0x2b9: {  	v2 =	vld [tilespmem:s30+$0x7610];
	_ =	sdelay $0x1  }
0x2ba: {  	v3 =	vld [tilespmem:s16+$0xFFFFFF90];
	_ =	sdelay $0x2  }
0x2bb: {  	v1 =	vadd.f32 v2, v1;
	_ =	sdelay $0x1  }
0x2bc: {  	v1 =	vadd.f32 v3, v1;
	_ =	sdelay $0x1  }
0x2bd: {  	v1 =	vmul.f32 $3.333333430e-01, v1;
	_ =	sdelay $0x1  }
0x2be: {  	[tilespmem:s22+$0xFFFFFF10] =	vst v1;
	v1 =	vld [tilespmem:s22+$0xFFFFFF20]  }
0x2bf: {  	v2 =	vld [tilespmem:s16+$0xFFFFFFA0];
	_ =	sdelay $0x4  }
0x2c0: {  	v1 =	vadd.f32 v2, v1  }
0x2c1: {  	v2 =	vld [tilespmem:s22+$0xFFFFFF50]  }
0x2c2: {  	v1 =	vmul.f32 $3.333333430e-01, v1;
	v3 =	vld [tilespmem:s22+$0xFFFFFF70]  }
0x2c3: {  	v4 =	vld [tilespmem:s22+$0xFFFFFF60]  }
0x2c4: {  	[tilespmem:s22+$0xFFFFFF20] =	vst v1;
	v1 =	vld [tilespmem:s22+$0xFFFFFF30]  }
0x2c5: {  	v5 =	vld [tilespmem:s16+$0xFFFFFFB0]  }
0x2c6: {  	v6 =	vld [tilespmem:s22+$0xFFFFFF40];
	_ =	sdelay $0x1  }
0x2c7: {  	v4 =	vmul.f32 $3.333333430e-01, v4  }
0x2c8: {  	v3 =	vmul.f32 $3.333333430e-01, v3  }
0x2c9: {  	v2 =	vmul.f32 $3.333333430e-01, v2;
	v1 =	vadd.f32 v5, v1;
	[tilespmem:s22+$0xFFFFFF60] =	vst v4  }
0x2ca: {  	v4 =	vmul.f32 $3.333333430e-01, v6;
	[tilespmem:s22+$0xFFFFFF70] =	vst v3  }
0x2cb: {  	v1 =	vmul.f32 $3.333333430e-01, v1;
	[tilespmem:s22+$0xFFFFFF50] =	vst v2  }
0x2cc: {  	[tilespmem:s22+$0xFFFFFF40] =	vst v4  }
0x2cd: {  	[tilespmem:s22+$0xFFFFFF30] =	vst v1;
	v1 =	vld [tilespmem:s22+$0xFFFFFF80]  }
0x2ce: {  	v2 =	vld [tilespmem:s30+$0x7620];
	_ =	sdelay $0x1  }
0x2cf: {  	v3 =	vld [tilespmem:s16+$0xFFFFFFC0];
	_ =	sdelay $0x2  }
0x2d0: {  	v1 =	vadd.f32 v2, v1;
	_ =	sdelay $0x1  }
0x2d1: {  	v1 =	vadd.f32 v3, v1;
	_ =	sdelay $0x1  }
0x2d2: {  	v1 =	vmul.f32 $3.333333430e-01, v1;
	_ =	sdelay $0x1  }
0x2d3: {  	[tilespmem:s22+$0xFFFFFF80] =	vst v1;
	v1 =	vld [tilespmem:s22+$0xFFFFFF90]  }
0x2d4: {  	v2 =	vld [tilespmem:s30+$0x7630];
	_ =	sdelay $0x1  }
0x2d5: {  	v3 =	vld [tilespmem:s16+$0xFFFFFFD0];
	_ =	sdelay $0x2  }
0x2d6: {  	v1 =	vadd.f32 v2, v1;
	_ =	sdelay $0x1  }
0x2d7: {  	v1 =	vadd.f32 v3, v1;
	_ =	sdelay $0x1  }
0x2d8: {  	v1 =	vmul.f32 $3.333333430e-01, v1;
	_ =	sdelay $0x1  }
0x2d9: {  	[tilespmem:s22+$0xFFFFFF90] =	vst v1;
	v1 =	vld [tilespmem:s22+$0xFFFFFFA0]  }
0x2da: {  	v2 =	vld [tilespmem:s16+$0xFFFFFFE0];
	_ =	sdelay $0x4  }
0x2db: {  	v1 =	vadd.f32 v2, v1  }
0x2dc: {  	v2 =	vld [tilespmem:s22+$0xFFFFFFF0]  }
0x2dd: {  	v1 =	vmul.f32 $3.333333430e-01, v1;
	v3 =	vld [tilespmem:s22+$0xFFFFFFD0]  }
0x2de: {  	v4 =	vld [tilespmem:s22+$0xFFFFFFE0]  }
0x2df: {  	[tilespmem:s22+$0xFFFFFFA0] =	vst v1;
	v1 =	vld [tilespmem:s22+$0xFFFFFFB0]  }
0x2e0: {  	v5 =	vld [tilespmem:s16+$0xFFFFFFF0]  }
0x2e1: {  	v6 =	vld [tilespmem:s22+$0xFFFFFFC0];
	_ =	sdelay $0x1  }
0x2e2: {  	v4 =	vmul.f32 $3.333333430e-01, v4  }
0x2e3: {  	v2 =	vmul.f32 $3.333333430e-01, v2  }
0x2e4: {  	v3 =	vmul.f32 $3.333333430e-01, v3;
	v1 =	vadd.f32 v5, v1;
	[tilespmem:s22+$0xFFFFFFE0] =	vst v4  }
0x2e5: {  	v4 =	vmul.f32 $3.333333430e-01, v6;
	[tilespmem:s22+$0xFFFFFFF0] =	vst v2  }
0x2e6: {  	v1 =	vmul.f32 $3.333333430e-01, v1;
	[tilespmem:s22+$0xFFFFFFD0] =	vst v3  }
0x2e7: {  	[tilespmem:s22+$0xFFFFFFC0] =	vst v4  }
0x2e8: {  	[tilespmem:s22+$0xFFFFFFB0] =	vst v1;
	v1 =	vld [tilespmem:s22+$0x0]  }
0x2e9: {  	v2 =	vld [tilespmem:s30+$0x7640];
	_ =	sdelay $0x1  }
0x2ea: {  	v3 =	vld [tilespmem:s16+$0x0];
	_ =	sdelay $0x2  }
0x2eb: {  	v1 =	vadd.f32 v2, v1;
	_ =	sdelay $0x1  }
0x2ec: {  	v1 =	vadd.f32 v3, v1;
	_ =	sdelay $0x1  }
0x2ed: {  	v1 =	vmul.f32 $3.333333430e-01, v1;
	_ =	sdelay $0x1  }
0x2ee: {  	[tilespmem:s22+$0x0] =	vst v1;
	v1 =	vld [tilespmem:s22+$0x10]  }
0x2ef: {  	v2 =	vld [tilespmem:s30+$0x7650]  }
0x2f0: {  	v3 =	vld [tilespmem:s16+$0x10];
	_ =	sdelay $0x3  }
0x2f1: {  	v1 =	vadd.f32 v2, v1;
	_ =	sdelay $0x1  }
0x2f2: {  	v1 =	vadd.f32 v3, v1;
	_ =	sdelay $0x1  }
0x2f3: {  	v1 =	vmul.f32 $3.333333430e-01, v1;
	_ =	sdelay $0x1  }
0x2f4: {  	[tilespmem:s22+$0x10] =	vst v1;
	v1 =	vld [tilespmem:s22+$0x20]  }
0x2f5: {  	v2 =	vld [tilespmem:s16+$0x20];
	_ =	sdelay $0x3  }
0x2f6: {  	v3 =	vld [tilespmem:s22+$0x40]  }
0x2f7: {  	v1 =	vadd.f32 v2, v1;
	v2 =	vld [tilespmem:s22+$0x50]  }
0x2f8: {  	v4 =	vld [tilespmem:s22+$0x60]  }
0x2f9: {  	v1 =	vmul.f32 $3.333333430e-01, v1;
	v5 =	vld [tilespmem:s22+$0x70];
	_ =	sdelay $0x1  }
0x2fa: {  	[tilespmem:s22+$0x20] =	vst v1;
	v1 =	vld [tilespmem:s22+$0x30];
	v3 =	vmul.f32 $3.333333430e-01, v3  }
0x2fb: {  	v6 =	vld [tilespmem:s16+$0x30];
	v2 =	vmul.f32 $3.333333430e-01, v2  }
0x2fc: {  	[tilespmem:s22+$0x40] =	vst v3;
	v3 =	vmul.f32 $3.333333430e-01, v4  }
0x2fd: {  	[tilespmem:s22+$0x50] =	vst v2;
	v2 =	vmul.f32 $3.333333430e-01, v5  }
0x2fe: {  	[tilespmem:s22+$0x60] =	vst v3  }
0x2ff: {  	[tilespmem:s22+$0x70] =	vst v2  }
0x300: {  	v1 =	vadd.f32 v6, v1;
	_ =	sdelay $0x1  }
0x301: {  	v1 =	vmul.f32 $3.333333430e-01, v1;
	_ =	sdelay $0x1  }
0x302: {  	[tilespmem:s22+$0x30] =	vst v1;
	v1 =	vld [tilespmem:s22+$0x80]  }
0x303: {  	v2 =	vld [tilespmem:s30+$0x7660]  }
0x304: {  	v3 =	vld [tilespmem:s16+$0x40];
	_ =	sdelay $0x3  }
0x305: {  	v1 =	vadd.f32 v2, v1;
	_ =	sdelay $0x1  }
0x306: {  	v1 =	vadd.f32 v3, v1;
	_ =	sdelay $0x1  }
0x307: {  	v1 =	vmul.f32 $3.333333430e-01, v1;
	_ =	sdelay $0x1  }
0x308: {  	[tilespmem:s22+$0x80] =	vst v1;
	v1 =	vld [tilespmem:s22+$0x90]  }
0x309: {  	v2 =	vld [tilespmem:s30+$0x7670]  }
0x30a: {  	v3 =	vld [tilespmem:s16+$0x50];
	_ =	sdelay $0x3  }
0x30b: {  	v1 =	vadd.f32 v2, v1;
	_ =	sdelay $0x1  }
0x30c: {  	v1 =	vadd.f32 v3, v1;
	_ =	sdelay $0x1  }
0x30d: {  	v1 =	vmul.f32 $3.333333430e-01, v1;
	_ =	sdelay $0x1  }
0x30e: {  	[tilespmem:s22+$0x90] =	vst v1;
	v1 =	vld [tilespmem:s22+$0xA0]  }
0x30f: {  	v2 =	vld [tilespmem:s16+$0x60];
	_ =	sdelay $0x3  }
0x310: {  	v3 =	vld [tilespmem:s22+$0xD0]  }
0x311: {  	v1 =	vadd.f32 v2, v1;
	v2 =	vld [tilespmem:s22+$0xE0]  }
0x312: {  	v4 =	vld [tilespmem:s22+$0xF0]  }
0x313: {  	v1 =	vmul.f32 $3.333333430e-01, v1;
	v5 =	vld [tilespmem:s22+$0xC0];
	_ =	sdelay $0x1  }
0x314: {  	[tilespmem:s22+$0xA0] =	vst v1;
	v1 =	vld [tilespmem:s22+$0xB0];
	v3 =	vmul.f32 $3.333333430e-01, v3  }
0x315: {  	v6 =	vld [tilespmem:s16+$0x70];
	v2 =	vmul.f32 $3.333333430e-01, v2  }
0x316: {  	[tilespmem:s22+$0xD0] =	vst v3;
	v3 =	vmul.f32 $3.333333430e-01, v4  }
0x317: {  	v4 =	vmul.f32 $3.333333430e-01, v5;
	[tilespmem:s22+$0xE0] =	vst v2  }
0x318: {  	[tilespmem:s22+$0xF0] =	vst v3  }
.Ltmp1:
0x319: {  	[tilespmem:s22+$0xC0] =	vst v4;
	(pc) =	sbr.rel @p0 .LBB2_4-.Ltmp1, $3  }
0x31a: {  	v1 =	vadd.f32 v6, v1;
	_ =	sdelay $0x1  }
0x31b: {  	v1 =	vmul.f32 $3.333333430e-01, v1  }
0x31c: {  	s31 =	smov.u32 s29;
	s22 =	sadd.s32 $0x200, s22  }
0x31d: {  	v2 =	vld [tilespmem:s22+$0xFFFFFF00];
	s28 =	sshra.s32 s28, $0x2;
	[tilespmem:s20+$0xB0] =	vst v1  }
0x31e: {  	v1 =	vld [tilespmem:s28+$0x7600]  }
0x31f: {  	s16 =	sadd.s32 $0x100, s16  }
0x320: {  	v3 =	vld [tilespmem:s16+$0xFFFFFF80];
	_ =	sdelay $0x2  }
0x321: {  	v1 =	vadd.f32 v1, v2;
	_ =	sdelay $0x1  }
0x322: {  	v1 =	vadd.f32 v3, v1;
	_ =	sdelay $0x1  }
0x323: {  	v1 =	vmul.f32 $3.333333430e-01, v1;
	_ =	sdelay $0x1  }
0x324: {  	[tilespmem:s22+$0xFFFFFF00] =	vst v1;
	v1 =	vld [tilespmem:s22+$0xFFFFFF10]  }
0x325: {  	v2 =	vld [tilespmem:s28+$0x7610];
	_ =	sdelay $0x1  }
0x326: {  	v3 =	vld [tilespmem:s16+$0xFFFFFF90];
	_ =	sdelay $0x2  }
0x327: {  	v1 =	vadd.f32 v2, v1;
	_ =	sdelay $0x1  }
0x328: {  	v1 =	vadd.f32 v3, v1;
	_ =	sdelay $0x1  }
0x329: {  	v1 =	vmul.f32 $3.333333430e-01, v1;
	_ =	sdelay $0x1  }
0x32a: {  	[tilespmem:s22+$0xFFFFFF10] =	vst v1;
	v1 =	vld [tilespmem:s22+$0xFFFFFF20]  }
0x32b: {  	v2 =	vld [tilespmem:s16+$0xFFFFFFA0];
	_ =	sdelay $0x4  }
0x32c: {  	v1 =	vadd.f32 v2, v1  }
0x32d: {  	v4 =	vld [tilespmem:s22+$0xFFFFFF60]  }
0x32e: {  	v6 =	vld [tilespmem:s22+$0xFFFFFF40];
	v1 =	vmul.f32 $3.333333430e-01, v1  }
0x32f: {  	v3 =	vld [tilespmem:s22+$0xFFFFFF70]  }
0x330: {  	[tilespmem:s22+$0xFFFFFF20] =	vst v1;
	v1 =	vld [tilespmem:s22+$0xFFFFFF30]  }
0x331: {  	v5 =	vld [tilespmem:s16+$0xFFFFFFB0]  }
0x332: {  	v2 =	vld [tilespmem:s22+$0xFFFFFF50];
	_ =	sdelay $0x1  }
0x333: {  	v4 =	vmul.f32 $3.333333430e-01, v4  }
0x334: {  	v3 =	vmul.f32 $3.333333430e-01, v3  }
0x335: {  	v39 =	vmul.f32 $3.333333430e-01, v6;
	[tilespmem:s22+$0xFFFFFF60] =	vst v4;
	v1 =	vadd.f32 v5, v1  }
0x336: {  	v2 =	vmul.f32 $3.333333430e-01, v2;
	[tilespmem:s22+$0xFFFFFF70] =	vst v3  }
0x337: {  	[tilespmem:s22+$0xFFFFFF40] =	vst v39;
	v1 =	vmul.f32 $3.333333430e-01, v1  }
0x338: {  	[tilespmem:s22+$0xFFFFFF50] =	vst v2  }
0x339: {  	[tilespmem:s22+$0xFFFFFF30] =	vst v1;
	v1 =	vld [tilespmem:s22+$0xFFFFFF80]  }
0x33a: {  	v2 =	vld [tilespmem:s28+$0x7620];
	_ =	sdelay $0x1  }
0x33b: {  	v3 =	vld [tilespmem:s16+$0xFFFFFFC0];
	_ =	sdelay $0x2  }
0x33c: {  	v1 =	vadd.f32 v2, v1;
	_ =	sdelay $0x1  }
0x33d: {  	v1 =	vadd.f32 v3, v1;
	_ =	sdelay $0x1  }
0x33e: {  	v1 =	vmul.f32 $3.333333430e-01, v1;
	_ =	sdelay $0x1  }
0x33f: {  	[tilespmem:s22+$0xFFFFFF80] =	vst v1;
	v1 =	vld [tilespmem:s22+$0xFFFFFF90]  }
0x340: {  	v2 =	vld [tilespmem:s28+$0x7630];
	_ =	sdelay $0x1  }
0x341: {  	v3 =	vld [tilespmem:s16+$0xFFFFFFD0];
	_ =	sdelay $0x2  }
0x342: {  	v1 =	vadd.f32 v2, v1;
	_ =	sdelay $0x1  }
0x343: {  	v1 =	vadd.f32 v3, v1;
	_ =	sdelay $0x1  }
0x344: {  	v1 =	vmul.f32 $3.333333430e-01, v1;
	_ =	sdelay $0x1  }
0x345: {  	[tilespmem:s22+$0xFFFFFF90] =	vst v1;
	v1 =	vld [tilespmem:s22+$0xFFFFFFA0]  }
0x346: {  	v2 =	vld [tilespmem:s16+$0xFFFFFFE0];
	_ =	sdelay $0x4  }
0x347: {  	v1 =	vadd.f32 v2, v1  }
0x348: {  	v40 =	vld [tilespmem:s22+$0xFFFFFFE0]  }
0x349: {  	v42 =	vld [tilespmem:s22+$0xFFFFFFC0];
	v1 =	vmul.f32 $3.333333430e-01, v1  }
0x34a: {  	v3 =	vld [tilespmem:s22+$0xFFFFFFD0]  }
0x34b: {  	[tilespmem:s22+$0xFFFFFFA0] =	vst v1;
	v1 =	vld [tilespmem:s22+$0xFFFFFFB0]  }
0x34c: {  	v41 =	vld [tilespmem:s16+$0xFFFFFFF0]  }
0x34d: {  	v2 =	vld [tilespmem:s22+$0xFFFFFFF0];
	_ =	sdelay $0x1  }
0x34e: {  	v4 =	vmul.f32 $3.333333430e-01, v40  }
0x34f: {  	v3 =	vmul.f32 $3.333333430e-01, v3  }
0x350: {  	v43 =	vmul.f32 $3.333333430e-01, v42;
	[tilespmem:s22+$0xFFFFFFE0] =	vst v4;
	v1 =	vadd.f32 v41, v1  }
0x351: {  	v2 =	vmul.f32 $3.333333430e-01, v2;
	[tilespmem:s22+$0xFFFFFFD0] =	vst v3  }
0x352: {  	[tilespmem:s22+$0xFFFFFFC0] =	vst v43;
	v1 =	vmul.f32 $3.333333430e-01, v1  }
0x353: {  	[tilespmem:s22+$0xFFFFFFF0] =	vst v2  }
0x354: {  	[tilespmem:s22+$0xFFFFFFB0] =	vst v1;
	v1 =	vld [tilespmem:s22+$0x0]  }
0x355: {  	v2 =	vld [tilespmem:s28+$0x7640];
	_ =	sdelay $0x1  }
0x356: {  	v3 =	vld [tilespmem:s16+$0x0];
	_ =	sdelay $0x2  }
0x357: {  	v1 =	vadd.f32 v2, v1;
	_ =	sdelay $0x1  }
0x358: {  	v1 =	vadd.f32 v3, v1;
	_ =	sdelay $0x1  }
0x359: {  	v1 =	vmul.f32 $3.333333430e-01, v1;
	_ =	sdelay $0x1  }
0x35a: {  	[tilespmem:s22+$0x0] =	vst v1;
	v1 =	vld [tilespmem:s22+$0x10]  }
0x35b: {  	v2 =	vld [tilespmem:s28+$0x7650];
	_ =	sdelay $0x1  }
0x35c: {  	v3 =	vld [tilespmem:s16+$0x10];
	_ =	sdelay $0x2  }
0x35d: {  	v1 =	vadd.f32 v2, v1;
	_ =	sdelay $0x1  }
0x35e: {  	v1 =	vadd.f32 v3, v1;
	_ =	sdelay $0x1  }
0x35f: {  	v1 =	vmul.f32 $3.333333430e-01, v1;
	_ =	sdelay $0x1  }
0x360: {  	[tilespmem:s22+$0x10] =	vst v1;
	v1 =	vld [tilespmem:s22+$0x20]  }
0x361: {  	v2 =	vld [tilespmem:s16+$0x20];
	_ =	sdelay $0x4  }
0x362: {  	v1 =	vadd.f32 v2, v1  }
0x363: {  	v46 =	vld [tilespmem:s22+$0x70]  }
0x364: {  	v3 =	vld [tilespmem:s22+$0x50];
	v1 =	vmul.f32 $3.333333430e-01, v1  }
0x365: {  	v2 =	vld [tilespmem:s22+$0x40]  }
0x366: {  	[tilespmem:s22+$0x20] =	vst v1;
	v1 =	vld [tilespmem:s22+$0x30]  }
0x367: {  	v45 =	vld [tilespmem:s16+$0x30]  }
0x368: {  	v44 =	vld [tilespmem:s22+$0x60];
	_ =	sdelay $0x1  }
0x369: {  	v3 =	vmul.f32 $3.333333430e-01, v3  }
0x36a: {  	v2 =	vmul.f32 $3.333333430e-01, v2  }
0x36b: {  	[tilespmem:s22+$0x50] =	vst v3;
	v3 =	vmul.f32 $3.333333430e-01, v46;
	v1 =	vadd.f32 v45, v1  }
0x36c: {  	[tilespmem:s22+$0x40] =	vst v2;
	v2 =	vmul.f32 $3.333333430e-01, v44  }
0x36d: {  	[tilespmem:s22+$0x70] =	vst v3;
	v1 =	vmul.f32 $3.333333430e-01, v1  }
0x36e: {  	[tilespmem:s22+$0x60] =	vst v2  }
0x36f: {  	[tilespmem:s22+$0x30] =	vst v1;
	v1 =	vld [tilespmem:s22+$0x80]  }
0x370: {  	v2 =	vld [tilespmem:s28+$0x7660];
	_ =	sdelay $0x1  }
0x371: {  	v3 =	vld [tilespmem:s16+$0x40];
	_ =	sdelay $0x2  }
0x372: {  	v1 =	vadd.f32 v2, v1;
	_ =	sdelay $0x1  }
0x373: {  	v1 =	vadd.f32 v3, v1;
	_ =	sdelay $0x1  }
0x374: {  	v1 =	vmul.f32 $3.333333430e-01, v1;
	_ =	sdelay $0x1  }
0x375: {  	[tilespmem:s22+$0x80] =	vst v1;
	v1 =	vld [tilespmem:s22+$0x90]  }
0x376: {  	v2 =	vld [tilespmem:s28+$0x7670];
	_ =	sdelay $0x1  }
0x377: {  	v3 =	vld [tilespmem:s16+$0x50];
	_ =	sdelay $0x2  }
0x378: {  	v1 =	vadd.f32 v2, v1;
	_ =	sdelay $0x1  }
0x379: {  	v1 =	vadd.f32 v3, v1;
	_ =	sdelay $0x1  }
0x37a: {  	v1 =	vmul.f32 $3.333333430e-01, v1;
	_ =	sdelay $0x1  }
0x37b: {  	[tilespmem:s22+$0x90] =	vst v1;
	v1 =	vld [tilespmem:s22+$0xA0]  }
0x37c: {  	v2 =	vld [tilespmem:s16+$0x60];
	_ =	sdelay $0x4  }
0x37d: {  	v1 =	vadd.f32 v2, v1  }
0x37e: {  	v47 =	vld [tilespmem:s22+$0xC0]  }
0x37f: {  	v3 =	vld [tilespmem:s22+$0xE0];
	v1 =	vmul.f32 $3.333333430e-01, v1  }
0x380: {  	v2 =	vld [tilespmem:s22+$0xD0]  }
0x381: {  	[tilespmem:s22+$0xA0] =	vst v1;
	v1 =	vld [tilespmem:s22+$0xB0]  }
0x382: {  	v49 =	vld [tilespmem:s16+$0x70]  }
0x383: {  	v48 =	vld [tilespmem:s22+$0xF0];
	_ =	sdelay $0x1  }
0x384: {  	v3 =	vmul.f32 $3.333333430e-01, v3  }
0x385: {  	v2 =	vmul.f32 $3.333333430e-01, v2  }
0x386: {  	v4 =	vmul.f32 $3.333333430e-01, v47;
	[tilespmem:s22+$0xE0] =	vst v3;
	v1 =	vadd.f32 v49, v1  }
0x387: {  	[tilespmem:s22+$0xD0] =	vst v2;
	v2 =	vmul.f32 $3.333333430e-01, v48  }
0x388: {  	[tilespmem:s22+$0xC0] =	vst v4;
	v1 =	vmul.f32 $3.333333430e-01, v1  }
0x389: {  	[tilespmem:s22+$0xF0] =	vst v2  }
0x38a: {  	[tilespmem:s22+$0xB0] =	vst v1;
	s22 =	simm.s32 $0x0  }
0x38b: {  	[hbm4b:s8+s22] =	stream.linear.scatter [tilespmem:s24], [sflag:$0x3], $0x4000, $0x38;
	[tilespmem:$0xE600] =	vst v63  }
0x38c: {  	_ =	swait.ge [sflag:s19], $0x1000  }
0x38d: {  	[sflag:s19] =	ssyncset.done $0x0  }
0x38e: {  	[sflag:s19] =	ssyncadd.s32 $0xFFFFF000  }
0x38f: {  	_ =	swait.ge [sflag:s19], $0x2000  }
0x390: {  	[sflag:s19] =	ssyncset.done $0x0  }
0x391: {  	[sflag:s19] =	ssyncadd.s32 $0xFFFFE000  }
0x392: {  	_ =	swait.ge [sflag:s19], $0x4000  }
0x393: {  	[sflag:s19] =	ssyncset.done $0x0  }
0x394: {  	[sflag:s19] =	ssyncadd.s32 $0xFFFFC000  }
0x395: {  	_ =	swait.ge [sflag:s26], $0x4000  }
0x396: {  	[sflag:s26] =	ssyncset.done $0x0  }
0x397: {  	s29 =	simm.s32 $0x380;
	[sflag:s26] =	ssyncadd.s32 $0xFFFFC000  }
0x398: {  	[tilespmem:s21], [sflag:$0x2] =	stream.indirect.gather [hbm4b:s4+s13], $0x20, s29, s13, $0xb8;
	[tilespmem:$0xE600] =	vst v63  }
0x399: {  	_ = 	snop  }
0x39a: {  	[tilespmem:s23], [sflag:$0x2] =	stream.indirect.gather [hbm4b:s5+s13], $0x40, s0, s13, $0xb8;
	[tilespmem:$0xE600] =	vst v63  }
0x39b: {  	s20 =	simm.s32 $0x3700  }
0x39c: {  	[tilespmem:s24], [sflag:$0x2] =	stream.indirect.gather [hbm4b:s1+s13], $0x80, s2, s13, $0xb8;
	[tilespmem:$0xE600] =	vst v63  }
0x39d: {  	s30 =	simm.s32 $0x0;
	v1 =	vld [tilespmem:s20+$0xFFFFFF00]  }
0x39e: {  	v2 =	vld [tilespmem:s30+$0x600]  }
0x39f: {  	s16 =	simm.s32 $0x1680  }
0x3a0: {  	v3 =	vld [tilespmem:s16+$0xFFFFFF80];
	_ =	sdelay $0x2  }
0x3a1: {  	v1 =	vadd.f32 v2, v1;
	_ =	sdelay $0x1  }
0x3a2: {  	v1 =	vadd.f32 v3, v1;
	_ =	sdelay $0x1  }
0x3a3: {  	v1 =	vmul.f32 $3.333333430e-01, v1;
	_ =	sdelay $0x1  }
0x3a4: {  	[tilespmem:s20+$0xFFFFFF00] =	vst v1;
	v1 =	vld [tilespmem:s20+$0xFFFFFF10]  }
0x3a5: {  	v2 =	vld [tilespmem:s30+$0x610];
	_ =	sdelay $0x1  }
0x3a6: {  	v3 =	vld [tilespmem:s16+$0xFFFFFF90];
	_ =	sdelay $0x2  }
0x3a7: {  	v1 =	vadd.f32 v2, v1;
	_ =	sdelay $0x1  }
0x3a8: {  	v1 =	vadd.f32 v3, v1;
	_ =	sdelay $0x1  }
0x3a9: {  	v1 =	vmul.f32 $3.333333430e-01, v1;
	_ =	sdelay $0x1  }
0x3aa: {  	[tilespmem:s20+$0xFFFFFF10] =	vst v1;
	v1 =	vld [tilespmem:s20+$0xFFFFFF20]  }
0x3ab: {  	v2 =	vld [tilespmem:s16+$0xFFFFFFA0];
	_ =	sdelay $0x4  }
0x3ac: {  	v1 =	vadd.f32 v2, v1  }
0x3ad: {  	v50 =	vld [tilespmem:s20+$0xFFFFFF60]  }
0x3ae: {  	v52 =	vld [tilespmem:s20+$0xFFFFFF40];
	v1 =	vmul.f32 $3.333333430e-01, v1  }
0x3af: {  	v3 =	vld [tilespmem:s20+$0xFFFFFF70]  }
0x3b0: {  	[tilespmem:s20+$0xFFFFFF20] =	vst v1;
	v1 =	vld [tilespmem:s20+$0xFFFFFF30]  }
0x3b1: {  	v51 =	vld [tilespmem:s16+$0xFFFFFFB0]  }
0x3b2: {  	v2 =	vld [tilespmem:s20+$0xFFFFFF50];
	_ =	sdelay $0x1  }
0x3b3: {  	v4 =	vmul.f32 $3.333333430e-01, v50  }
0x3b4: {  	v3 =	vmul.f32 $3.333333430e-01, v3  }
0x3b5: {  	v53 =	vmul.f32 $3.333333430e-01, v52;
	[tilespmem:s20+$0xFFFFFF60] =	vst v4;
	v1 =	vadd.f32 v51, v1  }
0x3b6: {  	v2 =	vmul.f32 $3.333333430e-01, v2;
	[tilespmem:s20+$0xFFFFFF70] =	vst v3  }
0x3b7: {  	[tilespmem:s20+$0xFFFFFF40] =	vst v53;
	v1 =	vmul.f32 $3.333333430e-01, v1  }
0x3b8: {  	[tilespmem:s20+$0xFFFFFF50] =	vst v2  }
0x3b9: {  	[tilespmem:s20+$0xFFFFFF30] =	vst v1;
	v1 =	vld [tilespmem:s20+$0xFFFFFF80]  }
0x3ba: {  	v2 =	vld [tilespmem:s30+$0x620];
	_ =	sdelay $0x1  }
0x3bb: {  	v3 =	vld [tilespmem:s16+$0xFFFFFFC0];
	_ =	sdelay $0x2  }
0x3bc: {  	v1 =	vadd.f32 v2, v1;
	_ =	sdelay $0x1  }
0x3bd: {  	v1 =	vadd.f32 v3, v1;
	_ =	sdelay $0x1  }
0x3be: {  	v1 =	vmul.f32 $3.333333430e-01, v1;
	_ =	sdelay $0x1  }
0x3bf: {  	[tilespmem:s20+$0xFFFFFF80] =	vst v1;
	v1 =	vld [tilespmem:s20+$0xFFFFFF90]  }
0x3c0: {  	v2 =	vld [tilespmem:s30+$0x630];
	_ =	sdelay $0x1  }
0x3c1: {  	v3 =	vld [tilespmem:s16+$0xFFFFFFD0];
	_ =	sdelay $0x2  }
0x3c2: {  	v1 =	vadd.f32 v2, v1;
	_ =	sdelay $0x1  }
0x3c3: {  	v1 =	vadd.f32 v3, v1;
	_ =	sdelay $0x1  }
0x3c4: {  	v1 =	vmul.f32 $3.333333430e-01, v1;
	_ =	sdelay $0x1  }
0x3c5: {  	[tilespmem:s20+$0xFFFFFF90] =	vst v1;
	v1 =	vld [tilespmem:s20+$0xFFFFFFA0]  }
0x3c6: {  	v2 =	vld [tilespmem:s16+$0xFFFFFFE0];
	_ =	sdelay $0x4  }
0x3c7: {  	v1 =	vadd.f32 v2, v1  }
0x3c8: {  	v54 =	vld [tilespmem:s20+$0xFFFFFFE0]  }
0x3c9: {  	v56 =	vld [tilespmem:s20+$0xFFFFFFC0];
	v1 =	vmul.f32 $3.333333430e-01, v1  }
0x3ca: {  	v3 =	vld [tilespmem:s20+$0xFFFFFFD0]  }
0x3cb: {  	[tilespmem:s20+$0xFFFFFFA0] =	vst v1;
	v1 =	vld [tilespmem:s20+$0xFFFFFFB0]  }
0x3cc: {  	v55 =	vld [tilespmem:s16+$0xFFFFFFF0]  }
0x3cd: {  	v2 =	vld [tilespmem:s20+$0xFFFFFFF0];
	_ =	sdelay $0x1  }
0x3ce: {  	v4 =	vmul.f32 $3.333333430e-01, v54  }
0x3cf: {  	v3 =	vmul.f32 $3.333333430e-01, v3  }
0x3d0: {  	v57 =	vmul.f32 $3.333333430e-01, v56;
	[tilespmem:s20+$0xFFFFFFE0] =	vst v4;
	v1 =	vadd.f32 v55, v1  }
0x3d1: {  	v2 =	vmul.f32 $3.333333430e-01, v2;
	[tilespmem:s20+$0xFFFFFFD0] =	vst v3  }
0x3d2: {  	[tilespmem:s20+$0xFFFFFFC0] =	vst v57;
	v1 =	vmul.f32 $3.333333430e-01, v1  }
0x3d3: {  	[tilespmem:s20+$0xFFFFFFF0] =	vst v2  }
0x3d4: {  	[tilespmem:s20+$0xFFFFFFB0] =	vst v1;
	v1 =	vld [tilespmem:s20+$0x0]  }
0x3d5: {  	v2 =	vld [tilespmem:s30+$0x640];
	_ =	sdelay $0x1  }
0x3d6: {  	v3 =	vld [tilespmem:s16+$0x0];
	_ =	sdelay $0x2  }
0x3d7: {  	v1 =	vadd.f32 v2, v1;
	_ =	sdelay $0x1  }
0x3d8: {  	v1 =	vadd.f32 v3, v1;
	_ =	sdelay $0x1  }
0x3d9: {  	v1 =	vmul.f32 $3.333333430e-01, v1;
	_ =	sdelay $0x1  }
0x3da: {  	[tilespmem:s20+$0x0] =	vst v1;
	v1 =	vld [tilespmem:s20+$0x10]  }
0x3db: {  	v2 =	vld [tilespmem:s30+$0x650];
	_ =	sdelay $0x1  }
0x3dc: {  	v3 =	vld [tilespmem:s16+$0x10];
	_ =	sdelay $0x2  }
0x3dd: {  	v1 =	vadd.f32 v2, v1;
	_ =	sdelay $0x1  }
0x3de: {  	v1 =	vadd.f32 v3, v1;
	_ =	sdelay $0x1  }
0x3df: {  	v1 =	vmul.f32 $3.333333430e-01, v1;
	_ =	sdelay $0x1  }
0x3e0: {  	[tilespmem:s20+$0x10] =	vst v1;
	v1 =	vld [tilespmem:s20+$0x20]  }
0x3e1: {  	v2 =	vld [tilespmem:s16+$0x20];
	_ =	sdelay $0x4  }
0x3e2: {  	v1 =	vadd.f32 v2, v1  }
0x3e3: {  	v60 =	vld [tilespmem:s20+$0x70]  }
0x3e4: {  	v3 =	vld [tilespmem:s20+$0x50];
	v1 =	vmul.f32 $3.333333430e-01, v1  }
0x3e5: {  	v2 =	vld [tilespmem:s20+$0x40]  }
0x3e6: {  	[tilespmem:s20+$0x20] =	vst v1;
	v1 =	vld [tilespmem:s20+$0x30]  }
0x3e7: {  	v59 =	vld [tilespmem:s16+$0x30]  }
0x3e8: {  	v58 =	vld [tilespmem:s20+$0x60];
	_ =	sdelay $0x1  }
0x3e9: {  	v3 =	vmul.f32 $3.333333430e-01, v3  }
0x3ea: {  	v2 =	vmul.f32 $3.333333430e-01, v2  }
0x3eb: {  	[tilespmem:s20+$0x50] =	vst v3;
	v3 =	vmul.f32 $3.333333430e-01, v60;
	v1 =	vadd.f32 v59, v1  }
0x3ec: {  	[tilespmem:s20+$0x40] =	vst v2;
	v2 =	vmul.f32 $3.333333430e-01, v58  }
0x3ed: {  	[tilespmem:s20+$0x70] =	vst v3;
	v1 =	vmul.f32 $3.333333430e-01, v1  }
0x3ee: {  	[tilespmem:s20+$0x60] =	vst v2  }
0x3ef: {  	[tilespmem:s20+$0x30] =	vst v1;
	v1 =	vld [tilespmem:s20+$0x80]  }
0x3f0: {  	v2 =	vld [tilespmem:s30+$0x660];
	_ =	sdelay $0x1  }
0x3f1: {  	v3 =	vld [tilespmem:s16+$0x40];
	_ =	sdelay $0x2  }
0x3f2: {  	v1 =	vadd.f32 v2, v1;
	_ =	sdelay $0x1  }
0x3f3: {  	v1 =	vadd.f32 v3, v1;
	_ =	sdelay $0x1  }
0x3f4: {  	v1 =	vmul.f32 $3.333333430e-01, v1;
	_ =	sdelay $0x1  }
0x3f5: {  	[tilespmem:s20+$0x80] =	vst v1;
	v1 =	vld [tilespmem:s20+$0x90]  }
0x3f6: {  	v2 =	vld [tilespmem:s30+$0x670];
	_ =	sdelay $0x1  }
0x3f7: {  	v3 =	vld [tilespmem:s16+$0x50];
	_ =	sdelay $0x2  }
0x3f8: {  	v1 =	vadd.f32 v2, v1;
	_ =	sdelay $0x1  }
0x3f9: {  	v1 =	vadd.f32 v3, v1;
	_ =	sdelay $0x1  }
0x3fa: {  	v1 =	vmul.f32 $3.333333430e-01, v1;
	_ =	sdelay $0x1  }
0x3fb: {  	[tilespmem:s20+$0x90] =	vst v1;
	v1 =	vld [tilespmem:s20+$0xA0]  }
0x3fc: {  	v2 =	vld [tilespmem:s16+$0x60];
	_ =	sdelay $0x4  }
0x3fd: {  	v61 =	vld [tilespmem:s20+$0xC0];
	v1 =	vadd.f32 v2, v1  }
0x3fe: {  	v62 =	vld [tilespmem:s20+$0xF0]  }
0x3ff: {  	v3 =	vld [tilespmem:s20+$0xE0];
	v1 =	vmul.f32 $3.333333430e-01, v1  }
0x400: {  	v2 =	vld [tilespmem:s20+$0xD0]  }
0x401: {  	[tilespmem:s20+$0xA0] =	vst v1;
	v1 =	vld [tilespmem:s20+$0xB0]  }
0x402: {  	v63 =	vld [tilespmem:s16+$0x70];
	_ =	sdelay $0x1  }
0x403: {  	v3 =	vmul.f32 $3.333333430e-01, v3  }
0x404: {  	v2 =	vmul.f32 $3.333333430e-01, v2  }
0x405: {  	v4 =	vmul.f32 $3.333333430e-01, v61;
	[tilespmem:s20+$0xE0] =	vst v3  }
0x406: {  	[tilespmem:s20+$0xD0] =	vst v2;
	v2 =	vmul.f32 $3.333333430e-01, v62;
	v1 =	vadd.f32 v63, v1  }
0x407: {  	[tilespmem:s20+$0xC0] =	vst v4  }
0x408: {  	s31 =	simm.s32 $0x400;
	s28 =	simm.s32 $0x200;
	s22 =	simm.s32 $0x3900;
	[tilespmem:s20+$0xF0] =	vst v2;
	v1 =	vmul.f32 $3.333333430e-01, v1  }
.LBB2_6:
0x409: {  	s30 =	sshra.s32 s28, $0x2;
	s16 =	sadd.s32 $0x100, s16  }
0x40a: {  	v2 =	vld [tilespmem:s22+$0xFFFFFF00];
	[tilespmem:s20+$0xB0] =	vst v1;
	s28 =	smov.u32 s31;
	s29 =	sadd.s32 $0x200, s31;
	s20 =	smov.u32 s22  }
0x40b: {  	p0 =	sne.s32 s31, $0x3E00;
	v1 =	vld [tilespmem:s30+$0x600];
	_ =	sdelay $0x1  }
0x40c: {  	v3 =	vld [tilespmem:s16+$0xFFFFFF80];
	_ =	sdelay $0x2  }
0x40d: {  	v1 =	vadd.f32 v1, v2;
	_ =	sdelay $0x1  }
0x40e: {  	v1 =	vadd.f32 v3, v1;
	_ =	sdelay $0x1  }
0x40f: {  	v1 =	vmul.f32 $3.333333430e-01, v1;
	_ =	sdelay $0x1  }
0x410: {  	[tilespmem:s22+$0xFFFFFF00] =	vst v1;
	v1 =	vld [tilespmem:s22+$0xFFFFFF10]  }
0x411: {  	v2 =	vld [tilespmem:s30+$0x610];
	_ =	sdelay $0x1  }
0x412: {  	v3 =	vld [tilespmem:s16+$0xFFFFFF90];
	_ =	sdelay $0x2  }
0x413: {  	v1 =	vadd.f32 v2, v1;
	_ =	sdelay $0x1  }
0x414: {  	v1 =	vadd.f32 v3, v1;
	_ =	sdelay $0x1  }
0x415: {  	v1 =	vmul.f32 $3.333333430e-01, v1;
	_ =	sdelay $0x1  }
0x416: {  	[tilespmem:s22+$0xFFFFFF10] =	vst v1;
	v1 =	vld [tilespmem:s22+$0xFFFFFF20]  }
0x417: {  	v2 =	vld [tilespmem:s16+$0xFFFFFFA0];
	_ =	sdelay $0x4  }
0x418: {  	v1 =	vadd.f32 v2, v1  }
0x419: {  	v2 =	vld [tilespmem:s22+$0xFFFFFF50]  }
0x41a: {  	v1 =	vmul.f32 $3.333333430e-01, v1;
	v3 =	vld [tilespmem:s22+$0xFFFFFF70]  }
0x41b: {  	v4 =	vld [tilespmem:s22+$0xFFFFFF60]  }
0x41c: {  	[tilespmem:s22+$0xFFFFFF20] =	vst v1;
	v1 =	vld [tilespmem:s22+$0xFFFFFF30]  }
0x41d: {  	v5 =	vld [tilespmem:s16+$0xFFFFFFB0]  }
0x41e: {  	v6 =	vld [tilespmem:s22+$0xFFFFFF40];
	_ =	sdelay $0x1  }
0x41f: {  	v4 =	vmul.f32 $3.333333430e-01, v4  }
0x420: {  	v3 =	vmul.f32 $3.333333430e-01, v3  }
0x421: {  	v2 =	vmul.f32 $3.333333430e-01, v2;
	v1 =	vadd.f32 v5, v1;
	[tilespmem:s22+$0xFFFFFF60] =	vst v4  }
0x422: {  	v4 =	vmul.f32 $3.333333430e-01, v6;
	[tilespmem:s22+$0xFFFFFF70] =	vst v3  }
0x423: {  	v1 =	vmul.f32 $3.333333430e-01, v1;
	[tilespmem:s22+$0xFFFFFF50] =	vst v2  }
0x424: {  	[tilespmem:s22+$0xFFFFFF40] =	vst v4  }
0x425: {  	[tilespmem:s22+$0xFFFFFF30] =	vst v1;
	v1 =	vld [tilespmem:s22+$0xFFFFFF80]  }
0x426: {  	v2 =	vld [tilespmem:s30+$0x620];
	_ =	sdelay $0x1  }
0x427: {  	v3 =	vld [tilespmem:s16+$0xFFFFFFC0];
	_ =	sdelay $0x2  }
0x428: {  	v1 =	vadd.f32 v2, v1;
	_ =	sdelay $0x1  }
0x429: {  	v1 =	vadd.f32 v3, v1;
	_ =	sdelay $0x1  }
0x42a: {  	v1 =	vmul.f32 $3.333333430e-01, v1;
	_ =	sdelay $0x1  }
0x42b: {  	[tilespmem:s22+$0xFFFFFF80] =	vst v1;
	v1 =	vld [tilespmem:s22+$0xFFFFFF90]  }
0x42c: {  	v2 =	vld [tilespmem:s30+$0x630];
	_ =	sdelay $0x1  }
0x42d: {  	v3 =	vld [tilespmem:s16+$0xFFFFFFD0];
	_ =	sdelay $0x2  }
0x42e: {  	v1 =	vadd.f32 v2, v1;
	_ =	sdelay $0x1  }
0x42f: {  	v1 =	vadd.f32 v3, v1;
	_ =	sdelay $0x1  }
0x430: {  	v1 =	vmul.f32 $3.333333430e-01, v1;
	_ =	sdelay $0x1  }
0x431: {  	[tilespmem:s22+$0xFFFFFF90] =	vst v1;
	v1 =	vld [tilespmem:s22+$0xFFFFFFA0]  }
0x432: {  	v2 =	vld [tilespmem:s16+$0xFFFFFFE0];
	_ =	sdelay $0x4  }
0x433: {  	v1 =	vadd.f32 v2, v1  }
0x434: {  	v2 =	vld [tilespmem:s22+$0xFFFFFFF0]  }
0x435: {  	v1 =	vmul.f32 $3.333333430e-01, v1;
	v3 =	vld [tilespmem:s22+$0xFFFFFFD0]  }
0x436: {  	v4 =	vld [tilespmem:s22+$0xFFFFFFE0]  }
0x437: {  	[tilespmem:s22+$0xFFFFFFA0] =	vst v1;
	v1 =	vld [tilespmem:s22+$0xFFFFFFB0]  }
0x438: {  	v5 =	vld [tilespmem:s16+$0xFFFFFFF0]  }
0x439: {  	v6 =	vld [tilespmem:s22+$0xFFFFFFC0];
	_ =	sdelay $0x1  }
0x43a: {  	v4 =	vmul.f32 $3.333333430e-01, v4  }
0x43b: {  	v2 =	vmul.f32 $3.333333430e-01, v2  }
0x43c: {  	v3 =	vmul.f32 $3.333333430e-01, v3;
	v1 =	vadd.f32 v5, v1;
	[tilespmem:s22+$0xFFFFFFE0] =	vst v4  }
0x43d: {  	v4 =	vmul.f32 $3.333333430e-01, v6;
	[tilespmem:s22+$0xFFFFFFF0] =	vst v2  }
0x43e: {  	v1 =	vmul.f32 $3.333333430e-01, v1;
	[tilespmem:s22+$0xFFFFFFD0] =	vst v3  }
0x43f: {  	[tilespmem:s22+$0xFFFFFFC0] =	vst v4  }
0x440: {  	[tilespmem:s22+$0xFFFFFFB0] =	vst v1;
	v1 =	vld [tilespmem:s22+$0x0]  }
0x441: {  	v2 =	vld [tilespmem:s30+$0x640];
	_ =	sdelay $0x1  }
0x442: {  	v3 =	vld [tilespmem:s16+$0x0];
	_ =	sdelay $0x2  }
0x443: {  	v1 =	vadd.f32 v2, v1;
	_ =	sdelay $0x1  }
0x444: {  	v1 =	vadd.f32 v3, v1;
	_ =	sdelay $0x1  }
0x445: {  	v1 =	vmul.f32 $3.333333430e-01, v1;
	_ =	sdelay $0x1  }
0x446: {  	[tilespmem:s22+$0x0] =	vst v1;
	v1 =	vld [tilespmem:s22+$0x10]  }
0x447: {  	v2 =	vld [tilespmem:s30+$0x650]  }
0x448: {  	v3 =	vld [tilespmem:s16+$0x10];
	_ =	sdelay $0x3  }
0x449: {  	v1 =	vadd.f32 v2, v1;
	_ =	sdelay $0x1  }
0x44a: {  	v1 =	vadd.f32 v3, v1;
	_ =	sdelay $0x1  }
0x44b: {  	v1 =	vmul.f32 $3.333333430e-01, v1;
	_ =	sdelay $0x1  }
0x44c: {  	[tilespmem:s22+$0x10] =	vst v1;
	v1 =	vld [tilespmem:s22+$0x20]  }
0x44d: {  	v2 =	vld [tilespmem:s16+$0x20];
	_ =	sdelay $0x3  }
0x44e: {  	v3 =	vld [tilespmem:s22+$0x40]  }
0x44f: {  	v1 =	vadd.f32 v2, v1;
	v2 =	vld [tilespmem:s22+$0x50]  }
0x450: {  	v4 =	vld [tilespmem:s22+$0x60]  }
0x451: {  	v1 =	vmul.f32 $3.333333430e-01, v1;
	v5 =	vld [tilespmem:s22+$0x70];
	_ =	sdelay $0x1  }
0x452: {  	[tilespmem:s22+$0x20] =	vst v1;
	v1 =	vld [tilespmem:s22+$0x30];
	v3 =	vmul.f32 $3.333333430e-01, v3  }
0x453: {  	v6 =	vld [tilespmem:s16+$0x30];
	v2 =	vmul.f32 $3.333333430e-01, v2  }
0x454: {  	[tilespmem:s22+$0x40] =	vst v3;
	v3 =	vmul.f32 $3.333333430e-01, v4  }
0x455: {  	[tilespmem:s22+$0x50] =	vst v2;
	v2 =	vmul.f32 $3.333333430e-01, v5  }
0x456: {  	[tilespmem:s22+$0x60] =	vst v3  }
0x457: {  	[tilespmem:s22+$0x70] =	vst v2  }
0x458: {  	v1 =	vadd.f32 v6, v1;
	_ =	sdelay $0x1  }
0x459: {  	v1 =	vmul.f32 $3.333333430e-01, v1;
	_ =	sdelay $0x1  }
0x45a: {  	[tilespmem:s22+$0x30] =	vst v1;
	v1 =	vld [tilespmem:s22+$0x80]  }
0x45b: {  	v2 =	vld [tilespmem:s30+$0x660]  }
0x45c: {  	v3 =	vld [tilespmem:s16+$0x40];
	_ =	sdelay $0x3  }
0x45d: {  	v1 =	vadd.f32 v2, v1;
	_ =	sdelay $0x1  }
0x45e: {  	v1 =	vadd.f32 v3, v1;
	_ =	sdelay $0x1  }
0x45f: {  	v1 =	vmul.f32 $3.333333430e-01, v1;
	_ =	sdelay $0x1  }
0x460: {  	[tilespmem:s22+$0x80] =	vst v1;
	v1 =	vld [tilespmem:s22+$0x90]  }
0x461: {  	v2 =	vld [tilespmem:s30+$0x670]  }
0x462: {  	v3 =	vld [tilespmem:s16+$0x50];
	_ =	sdelay $0x3  }
0x463: {  	v1 =	vadd.f32 v2, v1;
	_ =	sdelay $0x1  }
0x464: {  	v1 =	vadd.f32 v3, v1;
	_ =	sdelay $0x1  }
0x465: {  	v1 =	vmul.f32 $3.333333430e-01, v1;
	_ =	sdelay $0x1  }
0x466: {  	[tilespmem:s22+$0x90] =	vst v1;
	v1 =	vld [tilespmem:s22+$0xA0]  }
0x467: {  	v2 =	vld [tilespmem:s16+$0x60];
	_ =	sdelay $0x3  }
0x468: {  	v3 =	vld [tilespmem:s22+$0xD0]  }
0x469: {  	v1 =	vadd.f32 v2, v1;
	v2 =	vld [tilespmem:s22+$0xE0]  }
0x46a: {  	v4 =	vld [tilespmem:s22+$0xF0]  }
0x46b: {  	v1 =	vmul.f32 $3.333333430e-01, v1;
	v5 =	vld [tilespmem:s22+$0xC0];
	_ =	sdelay $0x1  }
0x46c: {  	[tilespmem:s22+$0xA0] =	vst v1;
	v1 =	vld [tilespmem:s22+$0xB0];
	v3 =	vmul.f32 $3.333333430e-01, v3  }
0x46d: {  	v6 =	vld [tilespmem:s16+$0x70];
	v2 =	vmul.f32 $3.333333430e-01, v2  }
0x46e: {  	[tilespmem:s22+$0xD0] =	vst v3;
	v3 =	vmul.f32 $3.333333430e-01, v4  }
0x46f: {  	v4 =	vmul.f32 $3.333333430e-01, v5;
	[tilespmem:s22+$0xE0] =	vst v2  }
0x470: {  	[tilespmem:s22+$0xF0] =	vst v3  }
.Ltmp2:
0x471: {  	[tilespmem:s22+$0xC0] =	vst v4;
	(pc) =	sbr.rel @p0 .LBB2_6-.Ltmp2, $3  }
0x472: {  	v1 =	vadd.f32 v6, v1;
	_ =	sdelay $0x1  }
0x473: {  	v1 =	vmul.f32 $3.333333430e-01, v1  }
0x474: {  	s31 =	smov.u32 s29;
	s22 =	sadd.s32 $0x200, s22  }
0x475: {  	v2 =	vld [tilespmem:s22+$0xFFFFFF00];
	s28 =	sshra.s32 s28, $0x2;
	[tilespmem:s20+$0xB0] =	vst v1  }
0x476: {  	v1 =	vld [tilespmem:s28+$0x600]  }
0x477: {  	s16 =	sadd.s32 $0x100, s16  }
0x478: {  	v3 =	vld [tilespmem:s16+$0xFFFFFF80];
	_ =	sdelay $0x2  }
0x479: {  	v1 =	vadd.f32 v1, v2;
	_ =	sdelay $0x1  }
0x47a: {  	v1 =	vadd.f32 v3, v1;
	_ =	sdelay $0x1  }
0x47b: {  	v1 =	vmul.f32 $3.333333430e-01, v1;
	_ =	sdelay $0x1  }
0x47c: {  	[tilespmem:s22+$0xFFFFFF00] =	vst v1;
	v1 =	vld [tilespmem:s22+$0xFFFFFF10]  }
0x47d: {  	v2 =	vld [tilespmem:s28+$0x610];
	_ =	sdelay $0x1  }
0x47e: {  	v3 =	vld [tilespmem:s16+$0xFFFFFF90];
	_ =	sdelay $0x2  }
0x47f: {  	v1 =	vadd.f32 v2, v1;
	_ =	sdelay $0x1  }
0x480: {  	v1 =	vadd.f32 v3, v1;
	_ =	sdelay $0x1  }
0x481: {  	v1 =	vmul.f32 $3.333333430e-01, v1;
	_ =	sdelay $0x1  }
0x482: {  	[tilespmem:s22+$0xFFFFFF10] =	vst v1;
	v1 =	vld [tilespmem:s22+$0xFFFFFF20]  }
0x483: {  	v2 =	vld [tilespmem:s16+$0xFFFFFFA0];
	_ =	sdelay $0x4  }
0x484: {  	v1 =	vadd.f32 v2, v1  }
0x485: {  	v4 =	vld [tilespmem:s22+$0xFFFFFF60]  }
0x486: {  	v6 =	vld [tilespmem:s22+$0xFFFFFF40];
	v1 =	vmul.f32 $3.333333430e-01, v1  }
0x487: {  	v3 =	vld [tilespmem:s22+$0xFFFFFF70]  }
0x488: {  	[tilespmem:s22+$0xFFFFFF20] =	vst v1;
	v1 =	vld [tilespmem:s22+$0xFFFFFF30]  }
0x489: {  	v5 =	vld [tilespmem:s16+$0xFFFFFFB0]  }
0x48a: {  	v2 =	vld [tilespmem:s22+$0xFFFFFF50];
	_ =	sdelay $0x1  }
0x48b: {  	v4 =	vmul.f32 $3.333333430e-01, v4  }
0x48c: {  	v3 =	vmul.f32 $3.333333430e-01, v3  }
0x48d: {  	v39 =	vmul.f32 $3.333333430e-01, v6;
	[tilespmem:s22+$0xFFFFFF60] =	vst v4;
	v1 =	vadd.f32 v5, v1  }
0x48e: {  	v2 =	vmul.f32 $3.333333430e-01, v2;
	[tilespmem:s22+$0xFFFFFF70] =	vst v3  }
0x48f: {  	[tilespmem:s22+$0xFFFFFF40] =	vst v39;
	v1 =	vmul.f32 $3.333333430e-01, v1  }
0x490: {  	[tilespmem:s22+$0xFFFFFF50] =	vst v2  }
0x491: {  	[tilespmem:s22+$0xFFFFFF30] =	vst v1;
	v1 =	vld [tilespmem:s22+$0xFFFFFF80]  }
0x492: {  	v2 =	vld [tilespmem:s28+$0x620];
	_ =	sdelay $0x1  }
0x493: {  	v3 =	vld [tilespmem:s16+$0xFFFFFFC0];
	_ =	sdelay $0x2  }
0x494: {  	v1 =	vadd.f32 v2, v1;
	_ =	sdelay $0x1  }
0x495: {  	v1 =	vadd.f32 v3, v1;
	_ =	sdelay $0x1  }
0x496: {  	v1 =	vmul.f32 $3.333333430e-01, v1;
	_ =	sdelay $0x1  }
0x497: {  	[tilespmem:s22+$0xFFFFFF80] =	vst v1;
	v1 =	vld [tilespmem:s22+$0xFFFFFF90]  }
0x498: {  	v2 =	vld [tilespmem:s28+$0x630];
	_ =	sdelay $0x1  }
0x499: {  	v3 =	vld [tilespmem:s16+$0xFFFFFFD0];
	_ =	sdelay $0x2  }
0x49a: {  	v1 =	vadd.f32 v2, v1;
	_ =	sdelay $0x1  }
0x49b: {  	v1 =	vadd.f32 v3, v1;
	_ =	sdelay $0x1  }
0x49c: {  	v1 =	vmul.f32 $3.333333430e-01, v1;
	_ =	sdelay $0x1  }
0x49d: {  	[tilespmem:s22+$0xFFFFFF90] =	vst v1;
	v1 =	vld [tilespmem:s22+$0xFFFFFFA0]  }
0x49e: {  	v2 =	vld [tilespmem:s16+$0xFFFFFFE0];
	_ =	sdelay $0x4  }
0x49f: {  	v1 =	vadd.f32 v2, v1  }
0x4a0: {  	v40 =	vld [tilespmem:s22+$0xFFFFFFE0]  }
0x4a1: {  	v42 =	vld [tilespmem:s22+$0xFFFFFFC0];
	v1 =	vmul.f32 $3.333333430e-01, v1  }
0x4a2: {  	v3 =	vld [tilespmem:s22+$0xFFFFFFD0]  }
0x4a3: {  	[tilespmem:s22+$0xFFFFFFA0] =	vst v1;
	v1 =	vld [tilespmem:s22+$0xFFFFFFB0]  }
0x4a4: {  	v41 =	vld [tilespmem:s16+$0xFFFFFFF0]  }
0x4a5: {  	v2 =	vld [tilespmem:s22+$0xFFFFFFF0];
	_ =	sdelay $0x1  }
0x4a6: {  	v4 =	vmul.f32 $3.333333430e-01, v40  }
0x4a7: {  	v3 =	vmul.f32 $3.333333430e-01, v3  }
0x4a8: {  	v43 =	vmul.f32 $3.333333430e-01, v42;
	[tilespmem:s22+$0xFFFFFFE0] =	vst v4;
	v1 =	vadd.f32 v41, v1  }
0x4a9: {  	v2 =	vmul.f32 $3.333333430e-01, v2;
	[tilespmem:s22+$0xFFFFFFD0] =	vst v3  }
0x4aa: {  	[tilespmem:s22+$0xFFFFFFC0] =	vst v43;
	v1 =	vmul.f32 $3.333333430e-01, v1  }
0x4ab: {  	[tilespmem:s22+$0xFFFFFFF0] =	vst v2  }
0x4ac: {  	[tilespmem:s22+$0xFFFFFFB0] =	vst v1;
	v1 =	vld [tilespmem:s22+$0x0]  }
0x4ad: {  	v2 =	vld [tilespmem:s28+$0x640];
	_ =	sdelay $0x1  }
0x4ae: {  	v3 =	vld [tilespmem:s16+$0x0];
	_ =	sdelay $0x2  }
0x4af: {  	v1 =	vadd.f32 v2, v1;
	_ =	sdelay $0x1  }
0x4b0: {  	v1 =	vadd.f32 v3, v1;
	_ =	sdelay $0x1  }
0x4b1: {  	v1 =	vmul.f32 $3.333333430e-01, v1;
	_ =	sdelay $0x1  }
0x4b2: {  	[tilespmem:s22+$0x0] =	vst v1;
	v1 =	vld [tilespmem:s22+$0x10]  }
0x4b3: {  	v2 =	vld [tilespmem:s28+$0x650];
	_ =	sdelay $0x1  }
0x4b4: {  	v3 =	vld [tilespmem:s16+$0x10];
	_ =	sdelay $0x2  }
0x4b5: {  	v1 =	vadd.f32 v2, v1;
	_ =	sdelay $0x1  }
0x4b6: {  	v1 =	vadd.f32 v3, v1;
	_ =	sdelay $0x1  }
0x4b7: {  	v1 =	vmul.f32 $3.333333430e-01, v1;
	_ =	sdelay $0x1  }
0x4b8: {  	[tilespmem:s22+$0x10] =	vst v1;
	v1 =	vld [tilespmem:s22+$0x20]  }
0x4b9: {  	v2 =	vld [tilespmem:s16+$0x20];
	_ =	sdelay $0x4  }
0x4ba: {  	v1 =	vadd.f32 v2, v1  }
0x4bb: {  	v46 =	vld [tilespmem:s22+$0x70]  }
0x4bc: {  	v3 =	vld [tilespmem:s22+$0x50];
	v1 =	vmul.f32 $3.333333430e-01, v1  }
0x4bd: {  	v2 =	vld [tilespmem:s22+$0x40]  }
0x4be: {  	[tilespmem:s22+$0x20] =	vst v1;
	v1 =	vld [tilespmem:s22+$0x30]  }
0x4bf: {  	v45 =	vld [tilespmem:s16+$0x30]  }
0x4c0: {  	v44 =	vld [tilespmem:s22+$0x60];
	_ =	sdelay $0x1  }
0x4c1: {  	v3 =	vmul.f32 $3.333333430e-01, v3  }
0x4c2: {  	v2 =	vmul.f32 $3.333333430e-01, v2  }
0x4c3: {  	[tilespmem:s22+$0x50] =	vst v3;
	v3 =	vmul.f32 $3.333333430e-01, v46;
	v1 =	vadd.f32 v45, v1  }
0x4c4: {  	[tilespmem:s22+$0x40] =	vst v2;
	v2 =	vmul.f32 $3.333333430e-01, v44  }
0x4c5: {  	[tilespmem:s22+$0x70] =	vst v3;
	v1 =	vmul.f32 $3.333333430e-01, v1  }
0x4c6: {  	[tilespmem:s22+$0x60] =	vst v2  }
0x4c7: {  	[tilespmem:s22+$0x30] =	vst v1;
	v1 =	vld [tilespmem:s22+$0x80]  }
0x4c8: {  	v2 =	vld [tilespmem:s28+$0x660];
	_ =	sdelay $0x1  }
0x4c9: {  	v3 =	vld [tilespmem:s16+$0x40];
	_ =	sdelay $0x2  }
0x4ca: {  	v1 =	vadd.f32 v2, v1;
	_ =	sdelay $0x1  }
0x4cb: {  	v1 =	vadd.f32 v3, v1;
	_ =	sdelay $0x1  }
0x4cc: {  	v1 =	vmul.f32 $3.333333430e-01, v1;
	_ =	sdelay $0x1  }
0x4cd: {  	[tilespmem:s22+$0x80] =	vst v1;
	v1 =	vld [tilespmem:s22+$0x90]  }
0x4ce: {  	v2 =	vld [tilespmem:s28+$0x670];
	_ =	sdelay $0x1  }
0x4cf: {  	v3 =	vld [tilespmem:s16+$0x50];
	_ =	sdelay $0x2  }
0x4d0: {  	v1 =	vadd.f32 v2, v1;
	_ =	sdelay $0x1  }
0x4d1: {  	v1 =	vadd.f32 v3, v1;
	_ =	sdelay $0x1  }
0x4d2: {  	v1 =	vmul.f32 $3.333333430e-01, v1;
	_ =	sdelay $0x1  }
0x4d3: {  	[tilespmem:s22+$0x90] =	vst v1;
	v1 =	vld [tilespmem:s22+$0xA0]  }
0x4d4: {  	v2 =	vld [tilespmem:s16+$0x60];
	_ =	sdelay $0x4  }
0x4d5: {  	v1 =	vadd.f32 v2, v1  }
0x4d6: {  	v47 =	vld [tilespmem:s22+$0xC0]  }
0x4d7: {  	v3 =	vld [tilespmem:s22+$0xE0];
	v1 =	vmul.f32 $3.333333430e-01, v1  }
0x4d8: {  	v2 =	vld [tilespmem:s22+$0xD0]  }
0x4d9: {  	[tilespmem:s22+$0xA0] =	vst v1;
	v1 =	vld [tilespmem:s22+$0xB0]  }
0x4da: {  	v49 =	vld [tilespmem:s16+$0x70]  }
0x4db: {  	v48 =	vld [tilespmem:s22+$0xF0];
	_ =	sdelay $0x1  }
0x4dc: {  	v3 =	vmul.f32 $3.333333430e-01, v3  }
0x4dd: {  	v2 =	vmul.f32 $3.333333430e-01, v2  }
0x4de: {  	v4 =	vmul.f32 $3.333333430e-01, v47;
	[tilespmem:s22+$0xE0] =	vst v3;
	v1 =	vadd.f32 v49, v1  }
0x4df: {  	[tilespmem:s22+$0xD0] =	vst v2;
	v2 =	vmul.f32 $3.333333430e-01, v48  }
0x4e0: {  	[tilespmem:s22+$0xC0] =	vst v4;
	v1 =	vmul.f32 $3.333333430e-01, v1  }
0x4e1: {  	[tilespmem:s22+$0xF0] =	vst v2  }
0x4e2: {  	s29 =	simm.s32 $0x0;
	[tilespmem:s22+$0xB0] =	vst v1  }
0x4e3: {  	[hbm4b:s9+s29] =	stream.linear.scatter [tilespmem:s18], [sflag:$0x3], $0x4000, $0x38;
	[tilespmem:$0xE600] =	vst v63  }
0x4e4: {  	_ =	swait.ge [sflag:s25], $0x1000  }
0x4e5: {  	[sflag:s25] =	ssyncset.done $0x0  }
0x4e6: {  	[sflag:s25] =	ssyncadd.s32 $0xFFFFF000  }
0x4e7: {  	_ =	swait.ge [sflag:s25], $0x2000  }
0x4e8: {  	[sflag:s25] =	ssyncset.done $0x0  }
0x4e9: {  	[sflag:s25] =	ssyncadd.s32 $0xFFFFE000  }
0x4ea: {  	_ =	swait.ge [sflag:s25], $0x4000  }
0x4eb: {  	[sflag:s25] =	ssyncset.done $0x0  }
0x4ec: {  	[sflag:s25] =	ssyncadd.s32 $0xFFFFC000  }
0x4ed: {  	_ =	swait.ge [sflag:s26], $0x4000  }
0x4ee: {  	[sflag:s26] =	ssyncset.done $0x0  }
0x4ef: {  	s20 =	simm.s32 $0xA700;
	[sflag:s26] =	ssyncadd.s32 $0xFFFFC000  }
0x4f0: {  	s30 =	simm.s32 $0x0;
	v1 =	vld [tilespmem:s20+$0xFFFFFF00]  }
0x4f1: {  	v2 =	vld [tilespmem:s30+$0x7600]  }
0x4f2: {  	s16 =	simm.s32 $0x8680  }
0x4f3: {  	v3 =	vld [tilespmem:s16+$0xFFFFFF80];
	_ =	sdelay $0x2  }
0x4f4: {  	v1 =	vadd.f32 v2, v1;
	_ =	sdelay $0x1  }
0x4f5: {  	v1 =	vadd.f32 v3, v1;
	_ =	sdelay $0x1  }
0x4f6: {  	v1 =	vmul.f32 $3.333333430e-01, v1;
	_ =	sdelay $0x1  }
0x4f7: {  	[tilespmem:s20+$0xFFFFFF00] =	vst v1;
	v1 =	vld [tilespmem:s20+$0xFFFFFF10]  }
0x4f8: {  	v2 =	vld [tilespmem:s30+$0x7610];
	_ =	sdelay $0x1  }
0x4f9: {  	v3 =	vld [tilespmem:s16+$0xFFFFFF90];
	_ =	sdelay $0x2  }
0x4fa: {  	v1 =	vadd.f32 v2, v1;
	_ =	sdelay $0x1  }
0x4fb: {  	v1 =	vadd.f32 v3, v1;
	_ =	sdelay $0x1  }
0x4fc: {  	v1 =	vmul.f32 $3.333333430e-01, v1;
	_ =	sdelay $0x1  }
0x4fd: {  	[tilespmem:s20+$0xFFFFFF10] =	vst v1;
	v1 =	vld [tilespmem:s20+$0xFFFFFF20]  }
0x4fe: {  	v2 =	vld [tilespmem:s16+$0xFFFFFFA0];
	_ =	sdelay $0x4  }
0x4ff: {  	v1 =	vadd.f32 v2, v1  }
0x500: {  	v50 =	vld [tilespmem:s20+$0xFFFFFF60]  }
0x501: {  	v52 =	vld [tilespmem:s20+$0xFFFFFF40];
	v1 =	vmul.f32 $3.333333430e-01, v1  }
0x502: {  	v3 =	vld [tilespmem:s20+$0xFFFFFF70]  }
0x503: {  	[tilespmem:s20+$0xFFFFFF20] =	vst v1;
	v1 =	vld [tilespmem:s20+$0xFFFFFF30]  }
0x504: {  	v51 =	vld [tilespmem:s16+$0xFFFFFFB0]  }
0x505: {  	v2 =	vld [tilespmem:s20+$0xFFFFFF50];
	_ =	sdelay $0x1  }
0x506: {  	v4 =	vmul.f32 $3.333333430e-01, v50  }
0x507: {  	v3 =	vmul.f32 $3.333333430e-01, v3  }
0x508: {  	v53 =	vmul.f32 $3.333333430e-01, v52;
	[tilespmem:s20+$0xFFFFFF60] =	vst v4;
	v1 =	vadd.f32 v51, v1  }
0x509: {  	v2 =	vmul.f32 $3.333333430e-01, v2;
	[tilespmem:s20+$0xFFFFFF70] =	vst v3  }
0x50a: {  	[tilespmem:s20+$0xFFFFFF40] =	vst v53;
	v1 =	vmul.f32 $3.333333430e-01, v1  }
0x50b: {  	[tilespmem:s20+$0xFFFFFF50] =	vst v2  }
0x50c: {  	[tilespmem:s20+$0xFFFFFF30] =	vst v1;
	v1 =	vld [tilespmem:s20+$0xFFFFFF80]  }
0x50d: {  	v2 =	vld [tilespmem:s30+$0x7620];
	_ =	sdelay $0x1  }
0x50e: {  	v3 =	vld [tilespmem:s16+$0xFFFFFFC0];
	_ =	sdelay $0x2  }
0x50f: {  	v1 =	vadd.f32 v2, v1;
	_ =	sdelay $0x1  }
0x510: {  	v1 =	vadd.f32 v3, v1;
	_ =	sdelay $0x1  }
0x511: {  	v1 =	vmul.f32 $3.333333430e-01, v1;
	_ =	sdelay $0x1  }
0x512: {  	[tilespmem:s20+$0xFFFFFF80] =	vst v1;
	v1 =	vld [tilespmem:s20+$0xFFFFFF90]  }
0x513: {  	v2 =	vld [tilespmem:s30+$0x7630];
	_ =	sdelay $0x1  }
0x514: {  	v3 =	vld [tilespmem:s16+$0xFFFFFFD0];
	_ =	sdelay $0x2  }
0x515: {  	v1 =	vadd.f32 v2, v1;
	_ =	sdelay $0x1  }
0x516: {  	v1 =	vadd.f32 v3, v1;
	_ =	sdelay $0x1  }
0x517: {  	v1 =	vmul.f32 $3.333333430e-01, v1;
	_ =	sdelay $0x1  }
0x518: {  	[tilespmem:s20+$0xFFFFFF90] =	vst v1;
	v1 =	vld [tilespmem:s20+$0xFFFFFFA0]  }
0x519: {  	v2 =	vld [tilespmem:s16+$0xFFFFFFE0];
	_ =	sdelay $0x4  }
0x51a: {  	v1 =	vadd.f32 v2, v1  }
0x51b: {  	v54 =	vld [tilespmem:s20+$0xFFFFFFE0]  }
0x51c: {  	v56 =	vld [tilespmem:s20+$0xFFFFFFC0];
	v1 =	vmul.f32 $3.333333430e-01, v1  }
0x51d: {  	v3 =	vld [tilespmem:s20+$0xFFFFFFD0]  }
0x51e: {  	[tilespmem:s20+$0xFFFFFFA0] =	vst v1;
	v1 =	vld [tilespmem:s20+$0xFFFFFFB0]  }
0x51f: {  	v55 =	vld [tilespmem:s16+$0xFFFFFFF0]  }
0x520: {  	v2 =	vld [tilespmem:s20+$0xFFFFFFF0];
	_ =	sdelay $0x1  }
0x521: {  	v4 =	vmul.f32 $3.333333430e-01, v54  }
0x522: {  	v3 =	vmul.f32 $3.333333430e-01, v3  }
0x523: {  	v57 =	vmul.f32 $3.333333430e-01, v56;
	[tilespmem:s20+$0xFFFFFFE0] =	vst v4;
	v1 =	vadd.f32 v55, v1  }
0x524: {  	v2 =	vmul.f32 $3.333333430e-01, v2;
	[tilespmem:s20+$0xFFFFFFD0] =	vst v3  }
0x525: {  	[tilespmem:s20+$0xFFFFFFC0] =	vst v57;
	v1 =	vmul.f32 $3.333333430e-01, v1  }
0x526: {  	[tilespmem:s20+$0xFFFFFFF0] =	vst v2  }
0x527: {  	[tilespmem:s20+$0xFFFFFFB0] =	vst v1;
	v1 =	vld [tilespmem:s20+$0x0]  }
0x528: {  	v2 =	vld [tilespmem:s30+$0x7640];
	_ =	sdelay $0x1  }
0x529: {  	v3 =	vld [tilespmem:s16+$0x0];
	_ =	sdelay $0x2  }
0x52a: {  	v1 =	vadd.f32 v2, v1;
	_ =	sdelay $0x1  }
0x52b: {  	v1 =	vadd.f32 v3, v1;
	_ =	sdelay $0x1  }
0x52c: {  	v1 =	vmul.f32 $3.333333430e-01, v1;
	_ =	sdelay $0x1  }
0x52d: {  	[tilespmem:s20+$0x0] =	vst v1;
	v1 =	vld [tilespmem:s20+$0x10]  }
0x52e: {  	v2 =	vld [tilespmem:s30+$0x7650];
	_ =	sdelay $0x1  }
0x52f: {  	v3 =	vld [tilespmem:s16+$0x10];
	_ =	sdelay $0x2  }
0x530: {  	v1 =	vadd.f32 v2, v1;
	_ =	sdelay $0x1  }
0x531: {  	v1 =	vadd.f32 v3, v1;
	_ =	sdelay $0x1  }
0x532: {  	v1 =	vmul.f32 $3.333333430e-01, v1;
	_ =	sdelay $0x1  }
0x533: {  	[tilespmem:s20+$0x10] =	vst v1;
	v1 =	vld [tilespmem:s20+$0x20]  }
0x534: {  	v2 =	vld [tilespmem:s16+$0x20];
	_ =	sdelay $0x4  }
0x535: {  	v1 =	vadd.f32 v2, v1  }
0x536: {  	v60 =	vld [tilespmem:s20+$0x70]  }
0x537: {  	v3 =	vld [tilespmem:s20+$0x50];
	v1 =	vmul.f32 $3.333333430e-01, v1  }
0x538: {  	v2 =	vld [tilespmem:s20+$0x40]  }
0x539: {  	[tilespmem:s20+$0x20] =	vst v1;
	v1 =	vld [tilespmem:s20+$0x30]  }
0x53a: {  	v59 =	vld [tilespmem:s16+$0x30]  }
0x53b: {  	v58 =	vld [tilespmem:s20+$0x60];
	_ =	sdelay $0x1  }
0x53c: {  	v3 =	vmul.f32 $3.333333430e-01, v3  }
0x53d: {  	v2 =	vmul.f32 $3.333333430e-01, v2  }
0x53e: {  	[tilespmem:s20+$0x50] =	vst v3;
	v3 =	vmul.f32 $3.333333430e-01, v60;
	v1 =	vadd.f32 v59, v1  }
0x53f: {  	[tilespmem:s20+$0x40] =	vst v2;
	v2 =	vmul.f32 $3.333333430e-01, v58  }
0x540: {  	[tilespmem:s20+$0x70] =	vst v3;
	v1 =	vmul.f32 $3.333333430e-01, v1  }
0x541: {  	[tilespmem:s20+$0x60] =	vst v2  }
0x542: {  	[tilespmem:s20+$0x30] =	vst v1;
	v1 =	vld [tilespmem:s20+$0x80]  }
0x543: {  	v2 =	vld [tilespmem:s30+$0x7660];
	_ =	sdelay $0x1  }
0x544: {  	v3 =	vld [tilespmem:s16+$0x40];
	_ =	sdelay $0x2  }
0x545: {  	v1 =	vadd.f32 v2, v1;
	_ =	sdelay $0x1  }
0x546: {  	v1 =	vadd.f32 v3, v1;
	_ =	sdelay $0x1  }
0x547: {  	v1 =	vmul.f32 $3.333333430e-01, v1;
	_ =	sdelay $0x1  }
0x548: {  	[tilespmem:s20+$0x80] =	vst v1;
	v1 =	vld [tilespmem:s20+$0x90]  }
0x549: {  	v2 =	vld [tilespmem:s30+$0x7670];
	_ =	sdelay $0x1  }
0x54a: {  	v3 =	vld [tilespmem:s16+$0x50];
	_ =	sdelay $0x2  }
0x54b: {  	v1 =	vadd.f32 v2, v1;
	_ =	sdelay $0x1  }
0x54c: {  	v1 =	vadd.f32 v3, v1;
	_ =	sdelay $0x1  }
0x54d: {  	v1 =	vmul.f32 $3.333333430e-01, v1;
	_ =	sdelay $0x1  }
0x54e: {  	[tilespmem:s20+$0x90] =	vst v1;
	v1 =	vld [tilespmem:s20+$0xA0]  }
0x54f: {  	v2 =	vld [tilespmem:s16+$0x60];
	_ =	sdelay $0x4  }
0x550: {  	v61 =	vld [tilespmem:s20+$0xC0];
	v1 =	vadd.f32 v2, v1  }
0x551: {  	v62 =	vld [tilespmem:s20+$0xF0]  }
0x552: {  	v3 =	vld [tilespmem:s20+$0xE0];
	v1 =	vmul.f32 $3.333333430e-01, v1  }
0x553: {  	v2 =	vld [tilespmem:s20+$0xD0]  }
0x554: {  	[tilespmem:s20+$0xA0] =	vst v1;
	v1 =	vld [tilespmem:s20+$0xB0]  }
0x555: {  	v63 =	vld [tilespmem:s16+$0x70];
	_ =	sdelay $0x1  }
0x556: {  	v3 =	vmul.f32 $3.333333430e-01, v3  }
0x557: {  	v2 =	vmul.f32 $3.333333430e-01, v2  }
0x558: {  	v4 =	vmul.f32 $3.333333430e-01, v61;
	[tilespmem:s20+$0xE0] =	vst v3  }
0x559: {  	[tilespmem:s20+$0xD0] =	vst v2;
	v2 =	vmul.f32 $3.333333430e-01, v62;
	v1 =	vadd.f32 v63, v1  }
0x55a: {  	[tilespmem:s20+$0xC0] =	vst v4  }
0x55b: {  	s31 =	simm.s32 $0x400;
	s28 =	simm.s32 $0x200;
	s22 =	simm.s32 $0xA900;
	[tilespmem:s20+$0xF0] =	vst v2;
	v1 =	vmul.f32 $3.333333430e-01, v1  }
.LBB2_8:
0x55c: {  	s30 =	sshra.s32 s28, $0x2;
	s16 =	sadd.s32 $0x100, s16  }
0x55d: {  	v2 =	vld [tilespmem:s22+$0xFFFFFF00];
	[tilespmem:s20+$0xB0] =	vst v1;
	s28 =	smov.u32 s31;
	s29 =	sadd.s32 $0x200, s31;
	s20 =	smov.u32 s22  }
0x55e: {  	p0 =	sne.s32 s31, $0x3E00;
	v1 =	vld [tilespmem:s30+$0x7600];
	_ =	sdelay $0x1  }
0x55f: {  	v3 =	vld [tilespmem:s16+$0xFFFFFF80];
	_ =	sdelay $0x2  }
0x560: {  	v1 =	vadd.f32 v1, v2;
	_ =	sdelay $0x1  }
0x561: {  	v1 =	vadd.f32 v3, v1;
	_ =	sdelay $0x1  }
0x562: {  	v1 =	vmul.f32 $3.333333430e-01, v1;
	_ =	sdelay $0x1  }
0x563: {  	[tilespmem:s22+$0xFFFFFF00] =	vst v1;
	v1 =	vld [tilespmem:s22+$0xFFFFFF10]  }
0x564: {  	v2 =	vld [tilespmem:s30+$0x7610];
	_ =	sdelay $0x1  }
0x565: {  	v3 =	vld [tilespmem:s16+$0xFFFFFF90];
	_ =	sdelay $0x2  }
0x566: {  	v1 =	vadd.f32 v2, v1;
	_ =	sdelay $0x1  }
0x567: {  	v1 =	vadd.f32 v3, v1;
	_ =	sdelay $0x1  }
0x568: {  	v1 =	vmul.f32 $3.333333430e-01, v1;
	_ =	sdelay $0x1  }
0x569: {  	[tilespmem:s22+$0xFFFFFF10] =	vst v1;
	v1 =	vld [tilespmem:s22+$0xFFFFFF20]  }
0x56a: {  	v2 =	vld [tilespmem:s16+$0xFFFFFFA0];
	_ =	sdelay $0x4  }
0x56b: {  	v1 =	vadd.f32 v2, v1  }
0x56c: {  	v2 =	vld [tilespmem:s22+$0xFFFFFF50]  }
0x56d: {  	v1 =	vmul.f32 $3.333333430e-01, v1;
	v3 =	vld [tilespmem:s22+$0xFFFFFF70]  }
0x56e: {  	v4 =	vld [tilespmem:s22+$0xFFFFFF60]  }
0x56f: {  	[tilespmem:s22+$0xFFFFFF20] =	vst v1;
	v1 =	vld [tilespmem:s22+$0xFFFFFF30]  }
0x570: {  	v5 =	vld [tilespmem:s16+$0xFFFFFFB0]  }
0x571: {  	v6 =	vld [tilespmem:s22+$0xFFFFFF40];
	_ =	sdelay $0x1  }
0x572: {  	v4 =	vmul.f32 $3.333333430e-01, v4  }
0x573: {  	v3 =	vmul.f32 $3.333333430e-01, v3  }
0x574: {  	v2 =	vmul.f32 $3.333333430e-01, v2;
	v1 =	vadd.f32 v5, v1;
	[tilespmem:s22+$0xFFFFFF60] =	vst v4  }
0x575: {  	v4 =	vmul.f32 $3.333333430e-01, v6;
	[tilespmem:s22+$0xFFFFFF70] =	vst v3  }
0x576: {  	v1 =	vmul.f32 $3.333333430e-01, v1;
	[tilespmem:s22+$0xFFFFFF50] =	vst v2  }
0x577: {  	[tilespmem:s22+$0xFFFFFF40] =	vst v4  }
0x578: {  	[tilespmem:s22+$0xFFFFFF30] =	vst v1;
	v1 =	vld [tilespmem:s22+$0xFFFFFF80]  }
0x579: {  	v2 =	vld [tilespmem:s30+$0x7620];
	_ =	sdelay $0x1  }
0x57a: {  	v3 =	vld [tilespmem:s16+$0xFFFFFFC0];
	_ =	sdelay $0x2  }
0x57b: {  	v1 =	vadd.f32 v2, v1;
	_ =	sdelay $0x1  }
0x57c: {  	v1 =	vadd.f32 v3, v1;
	_ =	sdelay $0x1  }
0x57d: {  	v1 =	vmul.f32 $3.333333430e-01, v1;
	_ =	sdelay $0x1  }
0x57e: {  	[tilespmem:s22+$0xFFFFFF80] =	vst v1;
	v1 =	vld [tilespmem:s22+$0xFFFFFF90]  }
0x57f: {  	v2 =	vld [tilespmem:s30+$0x7630];
	_ =	sdelay $0x1  }
0x580: {  	v3 =	vld [tilespmem:s16+$0xFFFFFFD0];
	_ =	sdelay $0x2  }
0x581: {  	v1 =	vadd.f32 v2, v1;
	_ =	sdelay $0x1  }
0x582: {  	v1 =	vadd.f32 v3, v1;
	_ =	sdelay $0x1  }
0x583: {  	v1 =	vmul.f32 $3.333333430e-01, v1;
	_ =	sdelay $0x1  }
0x584: {  	[tilespmem:s22+$0xFFFFFF90] =	vst v1;
	v1 =	vld [tilespmem:s22+$0xFFFFFFA0]  }
0x585: {  	v2 =	vld [tilespmem:s16+$0xFFFFFFE0];
	_ =	sdelay $0x4  }
0x586: {  	v1 =	vadd.f32 v2, v1  }
0x587: {  	v2 =	vld [tilespmem:s22+$0xFFFFFFF0]  }
0x588: {  	v1 =	vmul.f32 $3.333333430e-01, v1;
	v3 =	vld [tilespmem:s22+$0xFFFFFFD0]  }
0x589: {  	v4 =	vld [tilespmem:s22+$0xFFFFFFE0]  }
0x58a: {  	[tilespmem:s22+$0xFFFFFFA0] =	vst v1;
	v1 =	vld [tilespmem:s22+$0xFFFFFFB0]  }
0x58b: {  	v5 =	vld [tilespmem:s16+$0xFFFFFFF0]  }
0x58c: {  	v6 =	vld [tilespmem:s22+$0xFFFFFFC0];
	_ =	sdelay $0x1  }
0x58d: {  	v4 =	vmul.f32 $3.333333430e-01, v4  }
0x58e: {  	v2 =	vmul.f32 $3.333333430e-01, v2  }
0x58f: {  	v3 =	vmul.f32 $3.333333430e-01, v3;
	v1 =	vadd.f32 v5, v1;
	[tilespmem:s22+$0xFFFFFFE0] =	vst v4  }
0x590: {  	v4 =	vmul.f32 $3.333333430e-01, v6;
	[tilespmem:s22+$0xFFFFFFF0] =	vst v2  }
0x591: {  	v1 =	vmul.f32 $3.333333430e-01, v1;
	[tilespmem:s22+$0xFFFFFFD0] =	vst v3  }
0x592: {  	[tilespmem:s22+$0xFFFFFFC0] =	vst v4  }
0x593: {  	[tilespmem:s22+$0xFFFFFFB0] =	vst v1;
	v1 =	vld [tilespmem:s22+$0x0]  }
0x594: {  	v2 =	vld [tilespmem:s30+$0x7640];
	_ =	sdelay $0x1  }
0x595: {  	v3 =	vld [tilespmem:s16+$0x0];
	_ =	sdelay $0x2  }
0x596: {  	v1 =	vadd.f32 v2, v1;
	_ =	sdelay $0x1  }
0x597: {  	v1 =	vadd.f32 v3, v1;
	_ =	sdelay $0x1  }
0x598: {  	v1 =	vmul.f32 $3.333333430e-01, v1;
	_ =	sdelay $0x1  }
0x599: {  	[tilespmem:s22+$0x0] =	vst v1;
	v1 =	vld [tilespmem:s22+$0x10]  }
0x59a: {  	v2 =	vld [tilespmem:s30+$0x7650]  }
0x59b: {  	v3 =	vld [tilespmem:s16+$0x10];
	_ =	sdelay $0x3  }
0x59c: {  	v1 =	vadd.f32 v2, v1;
	_ =	sdelay $0x1  }
0x59d: {  	v1 =	vadd.f32 v3, v1;
	_ =	sdelay $0x1  }
0x59e: {  	v1 =	vmul.f32 $3.333333430e-01, v1;
	_ =	sdelay $0x1  }
0x59f: {  	[tilespmem:s22+$0x10] =	vst v1;
	v1 =	vld [tilespmem:s22+$0x20]  }
0x5a0: {  	v2 =	vld [tilespmem:s16+$0x20];
	_ =	sdelay $0x3  }
0x5a1: {  	v3 =	vld [tilespmem:s22+$0x40]  }
0x5a2: {  	v1 =	vadd.f32 v2, v1;
	v2 =	vld [tilespmem:s22+$0x50]  }
0x5a3: {  	v4 =	vld [tilespmem:s22+$0x60]  }
0x5a4: {  	v1 =	vmul.f32 $3.333333430e-01, v1;
	v5 =	vld [tilespmem:s22+$0x70];
	_ =	sdelay $0x1  }
0x5a5: {  	[tilespmem:s22+$0x20] =	vst v1;
	v1 =	vld [tilespmem:s22+$0x30];
	v3 =	vmul.f32 $3.333333430e-01, v3  }
0x5a6: {  	v6 =	vld [tilespmem:s16+$0x30];
	v2 =	vmul.f32 $3.333333430e-01, v2  }
0x5a7: {  	[tilespmem:s22+$0x40] =	vst v3;
	v3 =	vmul.f32 $3.333333430e-01, v4  }
0x5a8: {  	[tilespmem:s22+$0x50] =	vst v2;
	v2 =	vmul.f32 $3.333333430e-01, v5  }
0x5a9: {  	[tilespmem:s22+$0x60] =	vst v3  }
0x5aa: {  	[tilespmem:s22+$0x70] =	vst v2  }
0x5ab: {  	v1 =	vadd.f32 v6, v1;
	_ =	sdelay $0x1  }
0x5ac: {  	v1 =	vmul.f32 $3.333333430e-01, v1;
	_ =	sdelay $0x1  }
0x5ad: {  	[tilespmem:s22+$0x30] =	vst v1;
	v1 =	vld [tilespmem:s22+$0x80]  }
0x5ae: {  	v2 =	vld [tilespmem:s30+$0x7660]  }
0x5af: {  	v3 =	vld [tilespmem:s16+$0x40];
	_ =	sdelay $0x3  }
0x5b0: {  	v1 =	vadd.f32 v2, v1;
	_ =	sdelay $0x1  }
0x5b1: {  	v1 =	vadd.f32 v3, v1;
	_ =	sdelay $0x1  }
0x5b2: {  	v1 =	vmul.f32 $3.333333430e-01, v1;
	_ =	sdelay $0x1  }
0x5b3: {  	[tilespmem:s22+$0x80] =	vst v1;
	v1 =	vld [tilespmem:s22+$0x90]  }
0x5b4: {  	v2 =	vld [tilespmem:s30+$0x7670]  }
0x5b5: {  	v3 =	vld [tilespmem:s16+$0x50];
	_ =	sdelay $0x3  }
0x5b6: {  	v1 =	vadd.f32 v2, v1;
	_ =	sdelay $0x1  }
0x5b7: {  	v1 =	vadd.f32 v3, v1;
	_ =	sdelay $0x1  }
0x5b8: {  	v1 =	vmul.f32 $3.333333430e-01, v1;
	_ =	sdelay $0x1  }
0x5b9: {  	[tilespmem:s22+$0x90] =	vst v1;
	v1 =	vld [tilespmem:s22+$0xA0]  }
0x5ba: {  	v2 =	vld [tilespmem:s16+$0x60];
	_ =	sdelay $0x3  }
0x5bb: {  	v3 =	vld [tilespmem:s22+$0xD0]  }
0x5bc: {  	v1 =	vadd.f32 v2, v1;
	v2 =	vld [tilespmem:s22+$0xE0]  }
0x5bd: {  	v4 =	vld [tilespmem:s22+$0xF0]  }
0x5be: {  	v1 =	vmul.f32 $3.333333430e-01, v1;
	v5 =	vld [tilespmem:s22+$0xC0];
	_ =	sdelay $0x1  }
0x5bf: {  	[tilespmem:s22+$0xA0] =	vst v1;
	v1 =	vld [tilespmem:s22+$0xB0];
	v3 =	vmul.f32 $3.333333430e-01, v3  }
0x5c0: {  	v6 =	vld [tilespmem:s16+$0x70];
	v2 =	vmul.f32 $3.333333430e-01, v2  }
0x5c1: {  	[tilespmem:s22+$0xD0] =	vst v3;
	v3 =	vmul.f32 $3.333333430e-01, v4  }
0x5c2: {  	v4 =	vmul.f32 $3.333333430e-01, v5;
	[tilespmem:s22+$0xE0] =	vst v2  }
0x5c3: {  	[tilespmem:s22+$0xF0] =	vst v3  }
.Ltmp3:
0x5c4: {  	[tilespmem:s22+$0xC0] =	vst v4;
	(pc) =	sbr.rel @p0 .LBB2_8-.Ltmp3, $3  }
0x5c5: {  	v1 =	vadd.f32 v6, v1;
	_ =	sdelay $0x1  }
0x5c6: {  	v1 =	vmul.f32 $3.333333430e-01, v1  }
0x5c7: {  	s31 =	smov.u32 s29;
	s22 =	sadd.s32 $0x200, s22  }
0x5c8: {  	v2 =	vld [tilespmem:s22+$0xFFFFFF00];
	s28 =	sshra.s32 s28, $0x2;
	[tilespmem:s20+$0xB0] =	vst v1  }
0x5c9: {  	v1 =	vld [tilespmem:s28+$0x7600]  }
0x5ca: {  	s16 =	sadd.s32 $0x100, s16  }
0x5cb: {  	v3 =	vld [tilespmem:s16+$0xFFFFFF80];
	_ =	sdelay $0x2  }
0x5cc: {  	v1 =	vadd.f32 v1, v2;
	_ =	sdelay $0x1  }
0x5cd: {  	v1 =	vadd.f32 v3, v1;
	_ =	sdelay $0x1  }
0x5ce: {  	v1 =	vmul.f32 $3.333333430e-01, v1;
	_ =	sdelay $0x1  }
0x5cf: {  	[tilespmem:s22+$0xFFFFFF00] =	vst v1;
	v1 =	vld [tilespmem:s22+$0xFFFFFF10]  }
0x5d0: {  	v2 =	vld [tilespmem:s28+$0x7610];
	_ =	sdelay $0x1  }
0x5d1: {  	v3 =	vld [tilespmem:s16+$0xFFFFFF90];
	_ =	sdelay $0x2  }
0x5d2: {  	v1 =	vadd.f32 v2, v1;
	_ =	sdelay $0x1  }
0x5d3: {  	v1 =	vadd.f32 v3, v1;
	_ =	sdelay $0x1  }
0x5d4: {  	v1 =	vmul.f32 $3.333333430e-01, v1;
	_ =	sdelay $0x1  }
0x5d5: {  	[tilespmem:s22+$0xFFFFFF10] =	vst v1;
	v1 =	vld [tilespmem:s22+$0xFFFFFF20]  }
0x5d6: {  	v2 =	vld [tilespmem:s16+$0xFFFFFFA0];
	_ =	sdelay $0x4  }
0x5d7: {  	v1 =	vadd.f32 v2, v1  }
0x5d8: {  	v4 =	vld [tilespmem:s22+$0xFFFFFF60]  }
0x5d9: {  	v6 =	vld [tilespmem:s22+$0xFFFFFF40];
	v1 =	vmul.f32 $3.333333430e-01, v1  }
0x5da: {  	v3 =	vld [tilespmem:s22+$0xFFFFFF70]  }
0x5db: {  	[tilespmem:s22+$0xFFFFFF20] =	vst v1;
	v1 =	vld [tilespmem:s22+$0xFFFFFF30]  }
0x5dc: {  	v5 =	vld [tilespmem:s16+$0xFFFFFFB0]  }
0x5dd: {  	v2 =	vld [tilespmem:s22+$0xFFFFFF50];
	_ =	sdelay $0x1  }
0x5de: {  	v4 =	vmul.f32 $3.333333430e-01, v4  }
0x5df: {  	v3 =	vmul.f32 $3.333333430e-01, v3  }
0x5e0: {  	v53 =	vmul.f32 $3.333333430e-01, v6;
	[tilespmem:s22+$0xFFFFFF60] =	vst v4;
	v1 =	vadd.f32 v5, v1  }
0x5e1: {  	v2 =	vmul.f32 $3.333333430e-01, v2;
	[tilespmem:s22+$0xFFFFFF70] =	vst v3  }
0x5e2: {  	[tilespmem:s22+$0xFFFFFF40] =	vst v53;
	v1 =	vmul.f32 $3.333333430e-01, v1  }
0x5e3: {  	[tilespmem:s22+$0xFFFFFF50] =	vst v2  }
0x5e4: {  	[tilespmem:s22+$0xFFFFFF30] =	vst v1;
	v1 =	vld [tilespmem:s22+$0xFFFFFF80]  }
0x5e5: {  	v2 =	vld [tilespmem:s28+$0x7620];
	_ =	sdelay $0x1  }
0x5e6: {  	v3 =	vld [tilespmem:s16+$0xFFFFFFC0];
	_ =	sdelay $0x2  }
0x5e7: {  	v1 =	vadd.f32 v2, v1;
	_ =	sdelay $0x1  }
0x5e8: {  	v1 =	vadd.f32 v3, v1;
	_ =	sdelay $0x1  }
0x5e9: {  	v1 =	vmul.f32 $3.333333430e-01, v1;
	_ =	sdelay $0x1  }
0x5ea: {  	[tilespmem:s22+$0xFFFFFF80] =	vst v1;
	v1 =	vld [tilespmem:s22+$0xFFFFFF90]  }
0x5eb: {  	v2 =	vld [tilespmem:s28+$0x7630];
	_ =	sdelay $0x1  }
0x5ec: {  	v3 =	vld [tilespmem:s16+$0xFFFFFFD0];
	_ =	sdelay $0x2  }
0x5ed: {  	v1 =	vadd.f32 v2, v1;
	_ =	sdelay $0x1  }
0x5ee: {  	v1 =	vadd.f32 v3, v1;
	_ =	sdelay $0x1  }
0x5ef: {  	v1 =	vmul.f32 $3.333333430e-01, v1;
	_ =	sdelay $0x1  }
0x5f0: {  	[tilespmem:s22+$0xFFFFFF90] =	vst v1;
	v1 =	vld [tilespmem:s22+$0xFFFFFFA0]  }
0x5f1: {  	v2 =	vld [tilespmem:s16+$0xFFFFFFE0];
	_ =	sdelay $0x4  }
0x5f2: {  	v1 =	vadd.f32 v2, v1  }
0x5f3: {  	v54 =	vld [tilespmem:s22+$0xFFFFFFE0]  }
0x5f4: {  	v56 =	vld [tilespmem:s22+$0xFFFFFFC0];
	v1 =	vmul.f32 $3.333333430e-01, v1  }
0x5f5: {  	v3 =	vld [tilespmem:s22+$0xFFFFFFD0]  }
0x5f6: {  	[tilespmem:s22+$0xFFFFFFA0] =	vst v1;
	v1 =	vld [tilespmem:s22+$0xFFFFFFB0]  }
0x5f7: {  	v55 =	vld [tilespmem:s16+$0xFFFFFFF0]  }
0x5f8: {  	v2 =	vld [tilespmem:s22+$0xFFFFFFF0];
	_ =	sdelay $0x1  }
0x5f9: {  	v4 =	vmul.f32 $3.333333430e-01, v54  }
0x5fa: {  	v3 =	vmul.f32 $3.333333430e-01, v3  }
0x5fb: {  	v57 =	vmul.f32 $3.333333430e-01, v56;
	[tilespmem:s22+$0xFFFFFFE0] =	vst v4;
	v1 =	vadd.f32 v55, v1  }
0x5fc: {  	v2 =	vmul.f32 $3.333333430e-01, v2;
	[tilespmem:s22+$0xFFFFFFD0] =	vst v3  }
0x5fd: {  	[tilespmem:s22+$0xFFFFFFC0] =	vst v57;
	v1 =	vmul.f32 $3.333333430e-01, v1  }
0x5fe: {  	[tilespmem:s22+$0xFFFFFFF0] =	vst v2  }
0x5ff: {  	[tilespmem:s22+$0xFFFFFFB0] =	vst v1;
	v1 =	vld [tilespmem:s22+$0x0]  }
0x600: {  	v2 =	vld [tilespmem:s28+$0x7640];
	_ =	sdelay $0x1  }
0x601: {  	v3 =	vld [tilespmem:s16+$0x0];
	_ =	sdelay $0x2  }
0x602: {  	v1 =	vadd.f32 v2, v1;
	_ =	sdelay $0x1  }
0x603: {  	v1 =	vadd.f32 v3, v1;
	_ =	sdelay $0x1  }
0x604: {  	v1 =	vmul.f32 $3.333333430e-01, v1;
	_ =	sdelay $0x1  }
0x605: {  	[tilespmem:s22+$0x0] =	vst v1;
	v1 =	vld [tilespmem:s22+$0x10]  }
0x606: {  	v2 =	vld [tilespmem:s28+$0x7650];
	_ =	sdelay $0x1  }
0x607: {  	v3 =	vld [tilespmem:s16+$0x10];
	_ =	sdelay $0x2  }
0x608: {  	v1 =	vadd.f32 v2, v1;
	_ =	sdelay $0x1  }
0x609: {  	v1 =	vadd.f32 v3, v1;
	_ =	sdelay $0x1  }
0x60a: {  	v1 =	vmul.f32 $3.333333430e-01, v1;
	_ =	sdelay $0x1  }
0x60b: {  	[tilespmem:s22+$0x10] =	vst v1;
	v1 =	vld [tilespmem:s22+$0x20]  }
0x60c: {  	v2 =	vld [tilespmem:s16+$0x20];
	_ =	sdelay $0x4  }
0x60d: {  	v1 =	vadd.f32 v2, v1  }
0x60e: {  	v60 =	vld [tilespmem:s22+$0x70]  }
0x60f: {  	v3 =	vld [tilespmem:s22+$0x50];
	v1 =	vmul.f32 $3.333333430e-01, v1  }
0x610: {  	v2 =	vld [tilespmem:s22+$0x40]  }
0x611: {  	[tilespmem:s22+$0x20] =	vst v1;
	v1 =	vld [tilespmem:s22+$0x30]  }
0x612: {  	v59 =	vld [tilespmem:s16+$0x30]  }
0x613: {  	v58 =	vld [tilespmem:s22+$0x60];
	_ =	sdelay $0x1  }
0x614: {  	v3 =	vmul.f32 $3.333333430e-01, v3  }
0x615: {  	v2 =	vmul.f32 $3.333333430e-01, v2  }
0x616: {  	[tilespmem:s22+$0x50] =	vst v3;
	v3 =	vmul.f32 $3.333333430e-01, v60;
	v1 =	vadd.f32 v59, v1  }
0x617: {  	[tilespmem:s22+$0x40] =	vst v2;
	v2 =	vmul.f32 $3.333333430e-01, v58  }
0x618: {  	[tilespmem:s22+$0x70] =	vst v3;
	v1 =	vmul.f32 $3.333333430e-01, v1  }
0x619: {  	[tilespmem:s22+$0x60] =	vst v2  }
0x61a: {  	[tilespmem:s22+$0x30] =	vst v1;
	v1 =	vld [tilespmem:s22+$0x80]  }
0x61b: {  	v2 =	vld [tilespmem:s28+$0x7660];
	_ =	sdelay $0x1  }
0x61c: {  	v3 =	vld [tilespmem:s16+$0x40];
	_ =	sdelay $0x2  }
0x61d: {  	v1 =	vadd.f32 v2, v1;
	_ =	sdelay $0x1  }
0x61e: {  	v1 =	vadd.f32 v3, v1;
	_ =	sdelay $0x1  }
0x61f: {  	v1 =	vmul.f32 $3.333333430e-01, v1;
	_ =	sdelay $0x1  }
0x620: {  	[tilespmem:s22+$0x80] =	vst v1;
	v1 =	vld [tilespmem:s22+$0x90]  }
0x621: {  	v2 =	vld [tilespmem:s28+$0x7670];
	_ =	sdelay $0x1  }
0x622: {  	v3 =	vld [tilespmem:s16+$0x50];
	_ =	sdelay $0x2  }
0x623: {  	v1 =	vadd.f32 v2, v1;
	_ =	sdelay $0x1  }
0x624: {  	v1 =	vadd.f32 v3, v1;
	_ =	sdelay $0x1  }
0x625: {  	v1 =	vmul.f32 $3.333333430e-01, v1;
	_ =	sdelay $0x1  }
0x626: {  	[tilespmem:s22+$0x90] =	vst v1;
	v1 =	vld [tilespmem:s22+$0xA0]  }
0x627: {  	v2 =	vld [tilespmem:s16+$0x60];
	_ =	sdelay $0x4  }
0x628: {  	v1 =	vadd.f32 v2, v1  }
0x629: {  	v61 =	vld [tilespmem:s22+$0xC0]  }
0x62a: {  	v3 =	vld [tilespmem:s22+$0xE0];
	v1 =	vmul.f32 $3.333333430e-01, v1  }
0x62b: {  	v2 =	vld [tilespmem:s22+$0xD0]  }
0x62c: {  	[tilespmem:s22+$0xA0] =	vst v1;
	v1 =	vld [tilespmem:s22+$0xB0]  }
0x62d: {  	v63 =	vld [tilespmem:s16+$0x70]  }
0x62e: {  	v62 =	vld [tilespmem:s22+$0xF0];
	_ =	sdelay $0x1  }
0x62f: {  	v3 =	vmul.f32 $3.333333430e-01, v3  }
0x630: {  	v2 =	vmul.f32 $3.333333430e-01, v2  }
0x631: {  	v4 =	vmul.f32 $3.333333430e-01, v61;
	[tilespmem:s22+$0xE0] =	vst v3;
	v1 =	vadd.f32 v63, v1  }
0x632: {  	[tilespmem:s22+$0xD0] =	vst v2;
	v2 =	vmul.f32 $3.333333430e-01, v62  }
0x633: {  	s14 =	sadd.s32 $0x1, s14;
	[tilespmem:s22+$0xC0] =	vst v4;
	v1 =	vmul.f32 $3.333333430e-01, v1  }
0x634: {  	p0 =	sne.s32 s14, s11;
	[tilespmem:s22+$0xF0] =	vst v2  }
.Ltmp4:
0x635: {  	[tilespmem:s22+$0xB0] =	vst v1;
	(pc) =	sbr.rel @p0 .LBB2_1-.Ltmp4, $4  }
0x636: {  	[hbm4b:s10+s3] =	stream.linear.scatter [tilespmem:s24], [sflag:$0x3], $0x4000, $0x38;
	[tilespmem:$0xE600] =	vst v63  }
0x637: {  	_ =	swait.ge [sflag:s26], $0x4000  }
0x638: {  	[sflag:s26] =	ssyncset.done $0x0  }
0x639: {  	[sflag:s26] =	ssyncadd.s32 $0xFFFFC000  }
0x63a: {  	_ =	sfence.sel $0x180000  }
0x63b: {  	[bflag:$0x0] =	sbarrier.arrive $0xFFFF  }
0x63c: {  	_ =	strace $0x90000047  }
0x63d: {  	s0 =	stileid.u32;
	[bflag:$0x2] =	sbarrier.arrive $0xFFFF  }
0x63e: {  	p0 =	sne.s32 s0, $0x0;
	s0 =	rddreg [dreg:$0x4]  }
0x63f: {  	s0 =	sadd.s32 @!p0 $0x100000, s0  }
0x640: {  	[sflag:s0] =	ssyncadd.tile.s32 @!p0 $0x1;
	_ =	shalt  }
.Lfunc_end2:
_tile_overlayer_lowered:
.L_overlay_start_2:
0x641: {  	(tag) =	ssettag $0x2  }
0x642: {  	s0 =	rddreg [dreg:$0x0];
	s2 =	stileid.u32  }
0x643: {  	s1 =	rddreg [dreg:$0x1];
	p0 =	sne.s32 s2, $0x0  }
0x644: {  	s3 =	rddreg [dreg:$0x2];
	[bflag:$0x3] =	sbarrier.arrive $0xFFFF;
	s2 =	simm.s32 @!p0 $0x1C04  }
0x645: {  	[timem:s3], [sflag:s2] =	dma.local @!p0 [hbm:s0], s1  }
0x646: {  	s0 =	simm.s32 @!p0 $0x4  }
0x647: {  	_ =	swait.ge @!p0 [sflag:s0], s1  }
0x648: {  	s1 =	ssub.s32 @!p0 $0x0, s1;
	[sflag:s0] =	ssyncset.done @!p0 $0x0  }
0x649: {  	[sflag:s0] =	ssyncadd.s32 @!p0 s1  }
0x64a: {  	[bflag:$0x3] =	sbarrier.arrive $0xFFFF  }
0x64b: {  	_ =	shalt  }

</sc_bundles>
